<compile_context>
chip_gen: v7x
topology: tpu7x:2x2x1
jax: 0.10.2.dev20260603
libtpu: 0.0.44.dev20260713+nightly
codegen_flags: <defaults>
</compile_context>

<pallas_src>
import functools

import jax
import jax.numpy as jnp
from jax import lax
from jax.experimental import pallas as pl
from jax.experimental.pallas import tpu as pltpu
from jax.experimental.pallas import tpu_sc as plsc

NC = 2
NS = 16
CHUNK = 64


def _matmul(X, W):
    n, d_in = X.shape
    d_out = W.shape[1]
    bm = 2000 if n % 2000 == 0 else n
    grid = (n // bm,)

    def mm_body(x_ref, w_ref, o_ref):
        o_ref[...] = jnp.dot(x_ref[...], w_ref[...],
                             preferred_element_type=jnp.float32)

    return pl.pallas_call(
        mm_body,
        grid=grid,
        in_specs=[
            pl.BlockSpec((bm, d_in), lambda i: (i, 0)),
            pl.BlockSpec((d_in, d_out), lambda i: (0, 0)),
        ],
        out_specs=pl.BlockSpec((bm, d_out), lambda i: (i, 0)),
        out_shape=jax.ShapeDtypeStruct((n, d_out), jnp.float32),
    )(X, W)


def _add(p, n_out):
    d = p.shape[2]
    bm = 2000 if n_out % 2000 == 0 else n_out
    grid = (n_out // bm,)

    def add_body(a_ref, b_ref, o_ref):
        o_ref[...] = a_ref[0] + b_ref[0]

    return pl.pallas_call(
        add_body,
        grid=grid,
        in_specs=[
            pl.BlockSpec((1, bm, d), lambda i: (0, i, 0)),
            pl.BlockSpec((1, bm, d), lambda i: (1, i, 0)),
        ],
        out_specs=pl.BlockSpec((bm, d), lambda i: (i, 0)),
        out_shape=jax.ShapeDtypeStruct((n_out, d), jnp.float32),
    )(p, p)


NBUF = 4
GC = 16


def _make_sc_scatter(n_acc, d, cpw):
    mesh = plsc.VectorSubcoreMesh(core_axis_name="c", subcore_axis_name="s",
                                  num_cores=NC, num_subcores=NS)
    zr = 64
    zpt = n_acc // (NS * zr)
    groups = cpw // GC

    nch = NC * NS * cpw

    @functools.partial(
        pl.kernel,
        out_type=jax.ShapeDtypeStruct((NC * n_acc, d), jnp.float32),
        mesh=mesh,
        scratch_types=[
            [pltpu.VMEM((GC, CHUNK), jnp.int32) for _ in range(2)],
            [pltpu.VMEM((GC, CHUNK), jnp.int32) for _ in range(2)],
            [pltpu.VMEM((CHUNK, d), jnp.float32) for _ in range(NBUF)],
            pltpu.VMEM((zr, d), jnp.float32),
            pltpu.VMEM_SHARED((n_acc, d), jnp.float32),
            [pltpu.SemaphoreType.DMA for _ in range(NBUF)],
            [pltpu.SemaphoreType.DMA for _ in range(NBUF)],
            [pltpu.SemaphoreType.DMA for _ in range(2)],
        ],
    )
    def sc_kernel(comb_hbm, ei_hbm, out_hbm,
                  icol, irow, bufs, zbuf, acc_sh, gsems, ssems, isems):
        c = lax.axis_index("c")
        s = lax.axis_index("s")
        wid = c * NS + s

        sc_zero = jax.named_scope("sc_zero")
        sc_zero.__enter__()

        def zrow(i, carry):
            for j in range(d // 16):
                zbuf[i, pl.ds(j * 16, 16)] = jnp.zeros((16,), jnp.float32)
            return carry
        lax.fori_loop(0, zr, zrow, 0)

        pltpu.async_copy(ei_hbm.at[pl.ds(nch + wid * cpw, GC)], icol[0],
                         isems[0])
        pltpu.async_copy(ei_hbm.at[pl.ds(wid * cpw, GC)], irow[0], isems[0])

        def zcopy(j, carry):
            base = (s * zpt + j) * zr
            pltpu.sync_copy(zbuf, acc_sh.at[pl.ds(base, zr)])
            return carry
        lax.fori_loop(0, zpt, zcopy, 0)
        plsc.subcore_barrier()
        sc_zero.__exit__(None, None, None)

        sc_edges = jax.named_scope("sc_edges")
        sc_edges.__enter__()
        for g in range(groups):
            ib = g % 2
            ic, ir = icol[ib], irow[ib]
            pltpu.make_async_copy(ei_hbm.at[pl.ds(0, GC)], ic,
                                  isems[ib]).wait()
            pltpu.make_async_copy(ei_hbm.at[pl.ds(0, GC)], ir,
                                  isems[ib]).wait()
            if g + 1 < groups:
                nb = (g + 1) % 2
                base = wid * cpw + (g + 1) * GC
                pltpu.async_copy(ei_hbm.at[pl.ds(nch + base, GC)], icol[nb],
                                 isems[nb])
                pltpu.async_copy(ei_hbm.at[pl.ds(base, GC)], irow[nb],
                                 isems[nb])

            for b in range(NBUF):
                pltpu.async_copy(comb_hbm.at[ic.at[b]], bufs[b], gsems[b])

            def ring(r, carry):
                k = r * NBUF
                for b in range(NBUF):
                    pltpu.make_async_copy(comb_hbm.at[ic.at[k + b]],
                                          bufs[b], gsems[b]).wait()
                    pltpu.async_copy(bufs[b], acc_sh.at[ir.at[k + b]],
                                     ssems[b], add=True)
                for b in range(NBUF):
                    pltpu.make_async_copy(bufs[b], acc_sh.at[ir.at[k + b]],
                                          ssems[b]).wait()
                    pltpu.async_copy(comb_hbm.at[ic.at[k + NBUF + b]],
                                     bufs[b], gsems[b])
                return carry
            lax.fori_loop(0, GC // NBUF - 1, ring, 0)
            kl = GC - NBUF
            for b in range(NBUF):
                pltpu.make_async_copy(comb_hbm.at[ic.at[kl + b]],
                                      bufs[b], gsems[b]).wait()
                pltpu.async_copy(bufs[b], acc_sh.at[ir.at[kl + b]],
                                 ssems[b], add=True)
            for b in range(NBUF):
                pltpu.make_async_copy(bufs[b], acc_sh.at[ir.at[kl + b]],
                                      ssems[b]).wait()
        plsc.subcore_barrier()
        sc_edges.__exit__(None, None, None)

        with jax.named_scope("sc_wout"):
            def wout(j, carry):
                base = (s * zpt + j) * zr
                pltpu.sync_copy(acc_sh.at[pl.ds(base, zr)],
                                out_hbm.at[pl.ds(c * n_acc + base, zr)])
                return carry
            lax.fori_loop(0, zpt, wout, 0)

    return sc_kernel


@jax.jit
def kernel(X, edge_index, W):
    n, _ = X.shape
    d = W.shape[1]
    e = edge_index.shape[1]

    nw = NC * NS
    cpw = -(-e // (CHUNK * nw))
    cpw = -(-cpw // GC) * GC
    e_pad = cpw * nw * CHUNK
    n_acc = -(-(n + 1) // (NS * 64)) * (NS * 64)

    pad = e_pad - e
    ei = edge_index
    if pad:
        spread = jnp.arange(pad, dtype=jnp.int32)
        ei = jnp.concatenate(
            [ei, jnp.stack([n + spread % (n_acc - n), spread % n])], axis=1)
    ei = ei.reshape(2 * nw * cpw, CHUNK)

    comb = _matmul(X, W)
    partials = _make_sc_scatter(n_acc, d, cpw)(comb, ei)
    return _add(partials.reshape(NC, n_acc, d), n)

# --- scband reference (transcript-rebuilt; emitter-appended) ---
"""Pipeline reference for scband-gcnconv-3023656976832 (READ-ONLY COPY).

The authoritative reference and input builder live on the scoring server;
editing this copy changes nothing except your own understanding.
"""

import jax, jax.numpy as jnp
import numpy as np

N = 10000
E = 320000
D_IN = 128
D_OUT = 128

def setup_inputs(seed: int = 0):
    key = jax.random.key(seed)
    k1, k2, k3 = jax.random.split(key, 3)
    X = jax.random.normal(k1, (N, D_IN), dtype=jnp.float32)
    edge_index = jax.random.randint(k2, (2, E), 0, N, dtype=jnp.int32)
    stdv = 1.0 / np.sqrt(D_OUT)
    W = jax.random.uniform(k3, (D_IN, D_OUT), dtype=jnp.float32, minval=-stdv, maxval=stdv)
    return {"X": X, "edge_index": edge_index, "W": W}

def reference(X, edge_index, W):
    # comb = X @ W  (dense feature transform, matches cublas_gemm / torch.matmul)
    comb = jnp.matmul(X, W)
    # agg = A @ comb (SpMM over CSR adjacency, matches cusparse_spmm_row):
    # gather source-node features along edges, scatter-add into destination rows
    row = edge_index[0]
    col = edge_index[1]
    gathered = jnp.take(comb, col, axis=0)
    agg = jax.ops.segment_sum(gathered, row, num_segments=N)
    return agg

if __name__ == "__main__":
    import jax
    _d = setup_inputs()
    print(jax.jit(kernel)(*tuple(_d.values())))

</pallas_src>

<mosaic_0001>
#map = affine_map<(d0, d1) -> (0, 0)>
module attributes {stable_mosaic.version = 14 : i64} {
  func.func @sc_kernel(%arg0: i32, %arg1: i32, %arg2: memref<10000x128xf32, #tpu.memory_space<hbm>>, %arg3: memref<10240x64xi32, #tpu.memory_space<hbm>>, %arg4: memref<20480x128xf32, #tpu.memory_space<hbm>>, %arg5: memref<16x64xi32, #tpu.memory_space<vmem>>, %arg6: memref<16x64xi32, #tpu.memory_space<vmem>>, %arg7: memref<16x64xi32, #tpu.memory_space<vmem>>, %arg8: memref<16x64xi32, #tpu.memory_space<vmem>>, %arg9: memref<64x128xf32, #tpu.memory_space<vmem>>, %arg10: memref<64x128xf32, #tpu.memory_space<vmem>>, %arg11: memref<64x128xf32, #tpu.memory_space<vmem>>, %arg12: memref<64x128xf32, #tpu.memory_space<vmem>>, %arg13: memref<64x128xf32, #tpu.memory_space<vmem>>, %arg14: memref<10240x128xf32, #tpu.memory_space<vmem_shared>>, %arg15: memref<!tpu.dma_semaphore, #tpu.memory_space<semaphore_mem>>, %arg16: memref<!tpu.dma_semaphore, #tpu.memory_space<semaphore_mem>>, %arg17: memref<!tpu.dma_semaphore, #tpu.memory_space<semaphore_mem>>, %arg18: memref<!tpu.dma_semaphore, #tpu.memory_space<semaphore_mem>>, %arg19: memref<!tpu.dma_semaphore, #tpu.memory_space<semaphore_mem>>, %arg20: memref<!tpu.dma_semaphore, #tpu.memory_space<semaphore_mem>>, %arg21: memref<!tpu.dma_semaphore, #tpu.memory_space<semaphore_mem>>, %arg22: memref<!tpu.dma_semaphore, #tpu.memory_space<semaphore_mem>>, %arg23: memref<!tpu.dma_semaphore, #tpu.memory_space<semaphore_mem>>, %arg24: memref<!tpu.dma_semaphore, #tpu.memory_space<semaphore_mem>>) attributes {dimension_semantics = [#tpu.dimension_semantics<core_parallel>, #tpu.dimension_semantics<subcore_parallel>], iteration_bounds = array<i64: 2, 16>, scalar_prefetch = 0 : i64, scratch_operands = 20 : i64, tpu.core_type = #tpu.core_type<sc_vector_subcore>, window_params = [{transform_indices = #map}, {transform_indices = #map}, {transform_indices = #map}]} {
    %mul3A = arith.constant 16 : i32
    %mul3A_0 = arith.muli %arg0, %mul3A : i32
    %add3A = arith.addi %mul3A_0, %arg1 : i32
    "tpu.trace_start"() <{level = 10 : i32, message = "sc_zero"}> : () -> ()
    %scan3A = arith.constant 0 : i32
    %scan3A_1 = arith.constant 0 : i32
    %scan3A_2 = arith.constant 64 : i32
    %scan3A_3 = arith.addi %scan3A_1, %scan3A_2 : i32
    %scan3A_4 = arith.constant 1 : i32
    scf.for %scan3A_1457 = %scan3A_1 to %scan3A_3 step %scan3A_4  : i32 {
      %broadcast_in_dim3A = arith.constant 0.000000e+00 : f32
      %broadcast_in_dim3A_1458 = vector.broadcast %broadcast_in_dim3A : f32 to vector<16xf32>
      %swap3A = arith.index_cast %scan3A_1457 : i32 to index
      %swap3A_1459 = arith.constant 0 : index
      %swap3A_1460 = tpu.vector_load %arg13[%swap3A, %swap3A_1459] {strides = array<i32>} : memref<64x128xf32, #tpu.memory_space<vmem>>, vector<1x16xf32>,
      %swap3A_1461 = vector.shape_cast %swap3A_1460 : vector<1x16xf32> to vector<16xf32>
      %swap3A_1462 = vector.shape_cast %broadcast_in_dim3A_1458 : vector<16xf32> to vector<1x16xf32>
      tpu.vector_store %arg13[%swap3A, %swap3A_1459], %swap3A_1462 {strides = array<i32>} : memref<64x128xf32, #tpu.memory_space<vmem>>, vector<1x16xf32>,
      %broadcast_in_dim3A_1463 = arith.constant 0.000000e+00 : f32
      %broadcast_in_dim3A_1464 = vector.broadcast %broadcast_in_dim3A_1463 : f32 to vector<16xf32>
      %swap3A_1465 = arith.index_cast %scan3A_1457 : i32 to index
      %swap3A_1466 = arith.constant 16 : index
      %swap3A_1467 = tpu.vector_load %arg13[%swap3A_1465, %swap3A_1466] {strides = array<i32>} : memref<64x128xf32, #tpu.memory_space<vmem>>, vector<1x16xf32>,
      %swap3A_1468 = vector.shape_cast %swap3A_1467 : vector<1x16xf32> to vector<16xf32>
      %swap3A_1469 = vector.shape_cast %broadcast_in_dim3A_1464 : vector<16xf32> to vector<1x16xf32>
      tpu.vector_store %arg13[%swap3A_1465, %swap3A_1466], %swap3A_1469 {strides = array<i32>} : memref<64x128xf32, #tpu.memory_space<vmem>>, vector<1x16xf32>,
      %broadcast_in_dim3A_1470 = arith.constant 0.000000e+00 : f32
      %broadcast_in_dim3A_1471 = vector.broadcast %broadcast_in_dim3A_1470 : f32 to vector<16xf32>
      %swap3A_1472 = arith.index_cast %scan3A_1457 : i32 to index
      %swap3A_1473 = arith.constant 32 : index
      %swap3A_1474 = tpu.vector_load %arg13[%swap3A_1472, %swap3A_1473] {strides = array<i32>} : memref<64x128xf32, #tpu.memory_space<vmem>>, vector<1x16xf32>,
      %swap3A_1475 = vector.shape_cast %swap3A_1474 : vector<1x16xf32> to vector<16xf32>
      %swap3A_1476 = vector.shape_cast %broadcast_in_dim3A_1471 : vector<16xf32> to vector<1x16xf32>
      tpu.vector_store %arg13[%swap3A_1472, %swap3A_1473], %swap3A_1476 {strides = array<i32>} : memref<64x128xf32, #tpu.memory_space<vmem>>, vector<1x16xf32>,
      %broadcast_in_dim3A_1477 = arith.constant 0.000000e+00 : f32
      %broadcast_in_dim3A_1478 = vector.broadcast %broadcast_in_dim3A_1477 : f32 to vector<16xf32>
      %swap3A_1479 = arith.index_cast %scan3A_1457 : i32 to index
      %swap3A_1480 = arith.constant 48 : index
      %swap3A_1481 = tpu.vector_load %arg13[%swap3A_1479, %swap3A_1480] {strides = array<i32>} : memref<64x128xf32, #tpu.memory_space<vmem>>, vector<1x16xf32>,
      %swap3A_1482 = vector.shape_cast %swap3A_1481 : vector<1x16xf32> to vector<16xf32>
      %swap3A_1483 = vector.shape_cast %broadcast_in_dim3A_1478 : vector<16xf32> to vector<1x16xf32>
      tpu.vector_store %arg13[%swap3A_1479, %swap3A_1480], %swap3A_1483 {strides = array<i32>} : memref<64x128xf32, #tpu.memory_space<vmem>>, vector<1x16xf32>,
      %broadcast_in_dim3A_1484 = arith.constant 0.000000e+00 : f32
      %broadcast_in_dim3A_1485 = vector.broadcast %broadcast_in_dim3A_1484 : f32 to vector<16xf32>
      %swap3A_1486 = arith.index_cast %scan3A_1457 : i32 to index
      %swap3A_1487 = arith.constant 64 : index
      %swap3A_1488 = tpu.vector_load %arg13[%swap3A_1486, %swap3A_1487] {strides = array<i32>} : memref<64x128xf32, #tpu.memory_space<vmem>>, vector<1x16xf32>,
      %swap3A_1489 = vector.shape_cast %swap3A_1488 : vector<1x16xf32> to vector<16xf32>
      %swap3A_1490 = vector.shape_cast %broadcast_in_dim3A_1485 : vector<16xf32> to vector<1x16xf32>
      tpu.vector_store %arg13[%swap3A_1486, %swap3A_1487], %swap3A_1490 {strides = array<i32>} : memref<64x128xf32, #tpu.memory_space<vmem>>, vector<1x16xf32>,
      %broadcast_in_dim3A_1491 = arith.constant 0.000000e+00 : f32
      %broadcast_in_dim3A_1492 = vector.broadcast %broadcast_in_dim3A_1491 : f32 to vector<16xf32>
      %swap3A_1493 = arith.index_cast %scan3A_1457 : i32 to index
      %swap3A_1494 = arith.constant 80 : index
      %swap3A_1495 = tpu.vector_load %arg13[%swap3A_1493, %swap3A_1494] {strides = array<i32>} : memref<64x128xf32, #tpu.memory_space<vmem>>, vector<1x16xf32>,
      %swap3A_1496 = vector.shape_cast %swap3A_1495 : vector<1x16xf32> to vector<16xf32>
      %swap3A_1497 = vector.shape_cast %broadcast_in_dim3A_1492 : vector<16xf32> to vector<1x16xf32>
      tpu.vector_store %arg13[%swap3A_1493, %swap3A_1494], %swap3A_1497 {strides = array<i32>} : memref<64x128xf32, #tpu.memory_space<vmem>>, vector<1x16xf32>,
      %broadcast_in_dim3A_1498 = arith.constant 0.000000e+00 : f32
      %broadcast_in_dim3A_1499 = vector.broadcast %broadcast_in_dim3A_1498 : f32 to vector<16xf32>
      %swap3A_1500 = arith.index_cast %scan3A_1457 : i32 to index
      %swap3A_1501 = arith.constant 96 : index
      %swap3A_1502 = tpu.vector_load %arg13[%swap3A_1500, %swap3A_1501] {strides = array<i32>} : memref<64x128xf32, #tpu.memory_space<vmem>>, vector<1x16xf32>,
      %swap3A_1503 = vector.shape_cast %swap3A_1502 : vector<1x16xf32> to vector<16xf32>
      %swap3A_1504 = vector.shape_cast %broadcast_in_dim3A_1499 : vector<16xf32> to vector<1x16xf32>
      tpu.vector_store %arg13[%swap3A_1500, %swap3A_1501], %swap3A_1504 {strides = array<i32>} : memref<64x128xf32, #tpu.memory_space<vmem>>, vector<1x16xf32>,
      %broadcast_in_dim3A_1505 = arith.constant 0.000000e+00 : f32
      %broadcast_in_dim3A_1506 = vector.broadcast %broadcast_in_dim3A_1505 : f32 to vector<16xf32>
      %swap3A_1507 = arith.index_cast %scan3A_1457 : i32 to index
      %swap3A_1508 = arith.constant 112 : index
      %swap3A_1509 = tpu.vector_load %arg13[%swap3A_1507, %swap3A_1508] {strides = array<i32>} : memref<64x128xf32, #tpu.memory_space<vmem>>, vector<1x16xf32>,
      %swap3A_1510 = vector.shape_cast %swap3A_1509 : vector<1x16xf32> to vector<16xf32>
      %swap3A_1511 = vector.shape_cast %broadcast_in_dim3A_1506 : vector<16xf32> to vector<1x16xf32>
      tpu.vector_store %arg13[%swap3A_1507, %swap3A_1508], %swap3A_1511 {strides = array<i32>} : memref<64x128xf32, #tpu.memory_space<vmem>>, vector<1x16xf32>,
    }
    %scan3A_5 = arith.constant 64 : i32
    %mul3A_6 = arith.constant 160 : i32
    %mul3A_7 = arith.muli %add3A, %mul3A_6 : i32
    %add3A_8 = arith.constant 5120 : i32
    %add3A_9 = arith.addi %add3A_8, %mul3A_7 : i32
    %dma_start3A = arith.constant 0 : i32
    %dma_start3A_10 = tpu.memref_slice %arg3[%add3A_9, %dma_start3A] : memref<10240x64xi32, #tpu.memory_space<hbm>> -> memref<16x64xi32, #tpu.memory_space<hbm>>
    %dma_start3A_11 = arith.constant 0 : i32
    %dma_start3A_12 = tpu.memref_slice %arg3[%add3A_9, %dma_start3A_11] : memref<10240x64xi32, #tpu.memory_space<hbm>> -> memref<16x64xi32, #tpu.memory_space<hbm>>
    tpu.enqueue_dma source(%dma_start3A_12 : memref<16x64xi32, #tpu.memory_space<hbm>>) target(%arg5 : memref<16x64xi32, #tpu.memory_space<vmem>>) target_semaphore(%arg23 : memref<!tpu.dma_semaphore, #tpu.memory_space<semaphore_mem>>)
    %mul3A_13 = arith.constant 160 : i32
    %mul3A_14 = arith.muli %add3A, %mul3A_13 : i32
    %dma_start3A_15 = arith.constant 0 : i32
    %dma_start3A_16 = tpu.memref_slice %arg3[%mul3A_14, %dma_start3A_15] : memref<10240x64xi32, #tpu.memory_space<hbm>> -> memref<16x64xi32, #tpu.memory_space<hbm>>
    %dma_start3A_17 = arith.constant 0 : i32
    %dma_start3A_18 = tpu.memref_slice %arg3[%mul3A_14, %dma_start3A_17] : memref<10240x64xi32, #tpu.memory_space<hbm>> -> memref<16x64xi32, #tpu.memory_space<hbm>>
    tpu.enqueue_dma source(%dma_start3A_18 : memref<16x64xi32, #tpu.memory_space<hbm>>) target(%arg7 : memref<16x64xi32, #tpu.memory_space<vmem>>) target_semaphore(%arg23 : memref<!tpu.dma_semaphore, #tpu.memory_space<semaphore_mem>>)
    %scan3A_19 = arith.constant 0 : i32
    %scan3A_20 = arith.constant 0 : i32
    %scan3A_21 = arith.constant 10 : i32
    %scan3A_22 = arith.addi %scan3A_20, %scan3A_21 : i32
    %scan3A_23 = arith.constant 1 : i32
    scf.for %scan3A_1457 = %scan3A_20 to %scan3A_22 step %scan3A_23  : i32 {
      %mul3A_1458 = arith.constant 10 : i32
      %mul3A_1459 = arith.muli %arg1, %mul3A_1458 : i32
      %add3A_1460 = arith.addi %mul3A_1459, %scan3A_1457 : i32
      %mul3A_1461 = arith.constant 64 : i32
      %mul3A_1462 = arith.muli %add3A_1460, %mul3A_1461 : i32
      "tpu.region"() ({
        %run_scoped3A = tpu.sem_alloc : memref<!tpu.dma_semaphore, #tpu.memory_space<semaphore_mem>>
        %dma_start3A_1463 = arith.constant 0 : i32
        %dma_start3A_1464 = tpu.memref_slice %arg14[%mul3A_1462, %dma_start3A_1463] : memref<10240x128xf32, #tpu.memory_space<vmem_shared>> -> memref<64x128xf32, #tpu.memory_space<vmem_shared>>
        %dma_start3A_1465 = arith.constant 0 : i32
        %dma_start3A_1466 = tpu.memref_slice %arg14[%mul3A_1462, %dma_start3A_1465] : memref<10240x128xf32, #tpu.memory_space<vmem_shared>> -> memref<64x128xf32, #tpu.memory_space<vmem_shared>>
        tpu.enqueue_dma source(%arg13 : memref<64x128xf32, #tpu.memory_space<vmem>>) target(%dma_start3A_1466 : memref<64x128xf32, #tpu.memory_space<vmem_shared>>) target_semaphore(%run_scoped3A : memref<!tpu.dma_semaphore, #tpu.memory_space<semaphore_mem>>)
        %dma_wait3A_1467 = arith.constant 0 : i32
        %dma_wait3A_1468 = tpu.memref_slice %arg14[%mul3A_1462, %dma_wait3A_1467] : memref<10240x128xf32, #tpu.memory_space<vmem_shared>> -> memref<64x128xf32, #tpu.memory_space<vmem_shared>>
        %dma_wait3A_1469 = arith.constant 0 : i32
        %dma_wait3A_1470 = tpu.memref_slice %arg14[%mul3A_1462, %dma_wait3A_1469] : memref<10240x128xf32, #tpu.memory_space<vmem_shared>> -> memref<64x128xf32, #tpu.memory_space<vmem_shared>>
        tpu.wait_dma2 semaphore(%run_scoped3A : memref<!tpu.dma_semaphore, #tpu.memory_space<semaphore_mem>>) src(%arg13 : memref<64x128xf32, #tpu.memory_space<vmem>>) dst(%dma_wait3A_1470 : memref<64x128xf32, #tpu.memory_space<vmem_shared>>)
        tpu.yield
      }) : () -> ()
    }
    %scan3A_24 = arith.constant 10 : i32
    %barrier3A = arith.constant 0 : index
    tpu.barrier barrier_id(%barrier3A)
    "tpu.trace_stop"() : () -> ()
    "tpu.trace_start"() <{level = 10 : i32, message = "sc_edges"}> : () -> ()
    %dma_wait3A = arith.constant 0 : i32
    %dma_wait3A_25 = arith.constant 0 : i32
    %dma_wait3A_26 = tpu.memref_slice %arg3[%dma_wait3A, %dma_wait3A_25] : memref<10240x64xi32, #tpu.memory_space<hbm>> -> memref<16x64xi32, #tpu.memory_space<hbm>>
    %dma_wait3A_27 = arith.constant 0 : i32
    %dma_wait3A_28 = arith.constant 0 : i32
    %dma_wait3A_29 = tpu.memref_slice %arg3[%dma_wait3A_27, %dma_wait3A_28] : memref<10240x64xi32, #tpu.memory_space<hbm>> -> memref<16x64xi32, #tpu.memory_space<hbm>>
    tpu.wait_dma2 semaphore(%arg23 : memref<!tpu.dma_semaphore, #tpu.memory_space<semaphore_mem>>) src(%dma_wait3A_29 : memref<16x64xi32, #tpu.memory_space<hbm>>) dst(%arg5 : memref<16x64xi32, #tpu.memory_space<vmem>>)
    %dma_wait3A_30 = arith.constant 0 : i32
    %dma_wait3A_31 = arith.constant 0 : i32
    %dma_wait3A_32 = tpu.memref_slice %arg3[%dma_wait3A_30, %dma_wait3A_31] : memref<10240x64xi32, #tpu.memory_space<hbm>> -> memref<16x64xi32, #tpu.memory_space<hbm>>
    %dma_wait3A_33 = arith.constant 0 : i32
    %dma_wait3A_34 = arith.constant 0 : i32
    %dma_wait3A_35 = tpu.memref_slice %arg3[%dma_wait3A_33, %dma_wait3A_34] : memref<10240x64xi32, #tpu.memory_space<hbm>> -> memref<16x64xi32, #tpu.memory_space<hbm>>
    tpu.wait_dma2 semaphore(%arg23 : memref<!tpu.dma_semaphore, #tpu.memory_space<semaphore_mem>>) src(%dma_wait3A_35 : memref<16x64xi32, #tpu.memory_space<hbm>>) dst(%arg7 : memref<16x64xi32, #tpu.memory_space<vmem>>)
    %mul3A_36 = arith.constant 160 : i32
    %mul3A_37 = arith.muli %add3A, %mul3A_36 : i32
    %add3A_38 = arith.constant 16 : i32
    %add3A_39 = arith.addi %mul3A_37, %add3A_38 : i32
    %add3A_40 = arith.constant 5120 : i32
    %add3A_41 = arith.addi %add3A_40, %add3A_39 : i32
    %dma_start3A_42 = arith.constant 0 : i32
    %dma_start3A_43 = tpu.memref_slice %arg3[%add3A_41, %dma_start3A_42] : memref<10240x64xi32, #tpu.memory_space<hbm>> -> memref<16x64xi32, #tpu.memory_space<hbm>>
    %dma_start3A_44 = arith.constant 0 : i32
    %dma_start3A_45 = tpu.memref_slice %arg3[%add3A_41, %dma_start3A_44] : memref<10240x64xi32, #tpu.memory_space<hbm>> -> memref<16x64xi32, #tpu.memory_space<hbm>>
    tpu.enqueue_dma source(%dma_start3A_45 : memref<16x64xi32, #tpu.memory_space<hbm>>) target(%arg6 : memref<16x64xi32, #tpu.memory_space<vmem>>) target_semaphore(%arg24 : memref<!tpu.dma_semaphore, #tpu.memory_space<semaphore_mem>>)
    %dma_start3A_46 = arith.constant 0 : i32
    %dma_start3A_47 = tpu.memref_slice %arg3[%add3A_39, %dma_start3A_46] : memref<10240x64xi32, #tpu.memory_space<hbm>> -> memref<16x64xi32, #tpu.memory_space<hbm>>
    %dma_start3A_48 = arith.constant 0 : i32
    %dma_start3A_49 = tpu.memref_slice %arg3[%add3A_39, %dma_start3A_48] : memref<10240x64xi32, #tpu.memory_space<hbm>> -> memref<16x64xi32, #tpu.memory_space<hbm>>
    tpu.enqueue_dma source(%dma_start3A_49 : memref<16x64xi32, #tpu.memory_space<hbm>>) target(%arg8 : memref<16x64xi32, #tpu.memory_space<vmem>>) target_semaphore(%arg24 : memref<!tpu.dma_semaphore, #tpu.memory_space<semaphore_mem>>)
    %dma_start3A_50 = arith.constant 0 : i32
    %dma_start3A_51 = arith.constant 0 : i32
    %dma_start3A_52 = tpu.memref_slice %arg5[%dma_start3A_50, %dma_start3A_51] : memref<16x64xi32, #tpu.memory_space<vmem>> -> memref<1x64xi32, #tpu.memory_space<vmem>>
    %dma_start3A_53 = tpu.memref_squeeze %dma_start3A_52 : memref<1x64xi32, #tpu.memory_space<vmem>> -> memref<64xi32, #tpu.memory_space<vmem>>
    %dma_start3A_54 = arith.constant 0 : i32
    %dma_start3A_55 = arith.constant 0 : i32
    %dma_start3A_56 = tpu.memref_slice %arg2[%dma_start3A_54, %dma_start3A_55] : memref<10000x128xf32, #tpu.memory_space<hbm>> -> memref<10000x128xf32, #tpu.memory_space<hbm>>
    tpu.enqueue_indirect_dma source(%dma_start3A_56 : memref<10000x128xf32, #tpu.memory_space<hbm>>) target(%arg9 : memref<64x128xf32, #tpu.memory_space<vmem>>) offsets(%dma_start3A_53 : memref<64xi32, #tpu.memory_space<vmem>>) semaphore(%arg15 : memref<!tpu.dma_semaphore, #tpu.memory_space<semaphore_mem>>)
    %dma_start3A_57 = arith.constant 1 : i32
    %dma_start3A_58 = arith.constant 0 : i32
    %dma_start3A_59 = tpu.memref_slice %arg5[%dma_start3A_57, %dma_start3A_58] : memref<16x64xi32, #tpu.memory_space<vmem>> -> memref<1x64xi32, #tpu.memory_space<vmem>>
    %dma_start3A_60 = tpu.memref_squeeze %dma_start3A_59 : memref<1x64xi32, #tpu.memory_space<vmem>> -> memref<64xi32, #tpu.memory_space<vmem>>
    %dma_start3A_61 = arith.constant 0 : i32
    %dma_start3A_62 = arith.constant 0 : i32
    %dma_start3A_63 = tpu.memref_slice %arg2[%dma_start3A_61, %dma_start3A_62] : memref<10000x128xf32, #tpu.memory_space<hbm>> -> memref<10000x128xf32, #tpu.memory_space<hbm>>
    tpu.enqueue_indirect_dma source(%dma_start3A_63 : memref<10000x128xf32, #tpu.memory_space<hbm>>) target(%arg10 : memref<64x128xf32, #tpu.memory_space<vmem>>) offsets(%dma_start3A_60 : memref<64xi32, #tpu.memory_space<vmem>>) semaphore(%arg16 : memref<!tpu.dma_semaphore, #tpu.memory_space<semaphore_mem>>)
    %dma_start3A_64 = arith.constant 2 : i32
    %dma_start3A_65 = arith.constant 0 : i32
    %dma_start3A_66 = tpu.memref_slice %arg5[%dma_start3A_64, %dma_start3A_65] : memref<16x64xi32, #tpu.memory_space<vmem>> -> memref<1x64xi32, #tpu.memory_space<vmem>>
    %dma_start3A_67 = tpu.memref_squeeze %dma_start3A_66 : memref<1x64xi32, #tpu.memory_space<vmem>> -> memref<64xi32, #tpu.memory_space<vmem>>
    %dma_start3A_68 = arith.constant 0 : i32
    %dma_start3A_69 = arith.constant 0 : i32
    %dma_start3A_70 = tpu.memref_slice %arg2[%dma_start3A_68, %dma_start3A_69] : memref<10000x128xf32, #tpu.memory_space<hbm>> -> memref<10000x128xf32, #tpu.memory_space<hbm>>
    tpu.enqueue_indirect_dma source(%dma_start3A_70 : memref<10000x128xf32, #tpu.memory_space<hbm>>) target(%arg11 : memref<64x128xf32, #tpu.memory_space<vmem>>) offsets(%dma_start3A_67 : memref<64xi32, #tpu.memory_space<vmem>>) semaphore(%arg17 : memref<!tpu.dma_semaphore, #tpu.memory_space<semaphore_mem>>)
    %dma_start3A_71 = arith.constant 3 : i32
    %dma_start3A_72 = arith.constant 0 : i32
    %dma_start3A_73 = tpu.memref_slice %arg5[%dma_start3A_71, %dma_start3A_72] : memref<16x64xi32, #tpu.memory_space<vmem>> -> memref<1x64xi32, #tpu.memory_space<vmem>>
    %dma_start3A_74 = tpu.memref_squeeze %dma_start3A_73 : memref<1x64xi32, #tpu.memory_space<vmem>> -> memref<64xi32, #tpu.memory_space<vmem>>
    %dma_start3A_75 = arith.constant 0 : i32
    %dma_start3A_76 = arith.constant 0 : i32
    %dma_start3A_77 = tpu.memref_slice %arg2[%dma_start3A_75, %dma_start3A_76] : memref<10000x128xf32, #tpu.memory_space<hbm>> -> memref<10000x128xf32, #tpu.memory_space<hbm>>
    tpu.enqueue_indirect_dma source(%dma_start3A_77 : memref<10000x128xf32, #tpu.memory_space<hbm>>) target(%arg12 : memref<64x128xf32, #tpu.memory_space<vmem>>) offsets(%dma_start3A_74 : memref<64xi32, #tpu.memory_space<vmem>>) semaphore(%arg18 : memref<!tpu.dma_semaphore, #tpu.memory_space<semaphore_mem>>)
    %scan3A_78 = arith.constant 0 : i32
    %scan3A_79 = arith.constant 0 : i32
    %scan3A_80 = arith.constant 3 : i32
    %scan3A_81 = arith.addi %scan3A_79, %scan3A_80 : i32
    %scan3A_82 = arith.constant 1 : i32
    scf.for %scan3A_1457 = %scan3A_79 to %scan3A_81 step %scan3A_82  : i32 {
      %mul3A_1458 = arith.constant 4 : i32
      %mul3A_1459 = arith.muli %scan3A_1457, %mul3A_1458 : i32
      %add3A_1460 = arith.constant 0 : i32
      %add3A_1461 = arith.addi %mul3A_1459, %add3A_1460 : i32
      %dma_wait3A_1462 = arith.constant 0 : i32
      %dma_wait3A_1463 = tpu.memref_slice %arg5[%add3A_1461, %dma_wait3A_1462] : memref<16x64xi32, #tpu.memory_space<vmem>> -> memref<1x64xi32, #tpu.memory_space<vmem>>
      %dma_wait3A_1464 = tpu.memref_squeeze %dma_wait3A_1463 : memref<1x64xi32, #tpu.memory_space<vmem>> -> memref<64xi32, #tpu.memory_space<vmem>>
      %dma_wait3A_1465 = arith.constant 0 : i32
      %dma_wait3A_1466 = arith.constant 0 : i32
      %dma_wait3A_1467 = tpu.memref_slice %arg2[%dma_wait3A_1465, %dma_wait3A_1466] : memref<10000x128xf32, #tpu.memory_space<hbm>> -> memref<10000x128xf32, #tpu.memory_space<hbm>>
      tpu.wait_indirect_dma semaphore(%arg15 : memref<!tpu.dma_semaphore, #tpu.memory_space<semaphore_mem>>) src(%dma_wait3A_1467 : memref<10000x128xf32, #tpu.memory_space<hbm>>) dst(%arg9 : memref<64x128xf32, #tpu.memory_space<vmem>>)
      %add3A_1468 = arith.constant 0 : i32
      %add3A_1469 = arith.addi %mul3A_1459, %add3A_1468 : i32
      %dma_start3A_1470 = arith.constant 0 : i32
      %dma_start3A_1471 = tpu.memref_slice %arg7[%add3A_1469, %dma_start3A_1470] : memref<16x64xi32, #tpu.memory_space<vmem>> -> memref<1x64xi32, #tpu.memory_space<vmem>>
      %dma_start3A_1472 = tpu.memref_squeeze %dma_start3A_1471 : memref<1x64xi32, #tpu.memory_space<vmem>> -> memref<64xi32, #tpu.memory_space<vmem>>
      %dma_start3A_1473 = arith.constant 0 : i32
      %dma_start3A_1474 = arith.constant 0 : i32
      %dma_start3A_1475 = tpu.memref_slice %arg14[%dma_start3A_1473, %dma_start3A_1474] : memref<10240x128xf32, #tpu.memory_space<vmem_shared>> -> memref<10240x128xf32, #tpu.memory_space<vmem_shared>>
      tpu.enqueue_indirect_dma source(%arg9 : memref<64x128xf32, #tpu.memory_space<vmem>>) target(%dma_start3A_1475 : memref<10240x128xf32, #tpu.memory_space<vmem_shared>>) offsets(%dma_start3A_1472 : memref<64xi32, #tpu.memory_space<vmem>>) semaphore(%arg19 : memref<!tpu.dma_semaphore, #tpu.memory_space<semaphore_mem>>) {add = true}
      %add3A_1476 = arith.constant 1 : i32
      %add3A_1477 = arith.addi %mul3A_1459, %add3A_1476 : i32
      %dma_wait3A_1478 = arith.constant 0 : i32
      %dma_wait3A_1479 = tpu.memref_slice %arg5[%add3A_1477, %dma_wait3A_1478] : memref<16x64xi32, #tpu.memory_space<vmem>> -> memref<1x64xi32, #tpu.memory_space<vmem>>
      %dma_wait3A_1480 = tpu.memref_squeeze %dma_wait3A_1479 : memref<1x64xi32, #tpu.memory_space<vmem>> -> memref<64xi32, #tpu.memory_space<vmem>>
      %dma_wait3A_1481 = arith.constant 0 : i32
      %dma_wait3A_1482 = arith.constant 0 : i32
      %dma_wait3A_1483 = tpu.memref_slice %arg2[%dma_wait3A_1481, %dma_wait3A_1482] : memref<10000x128xf32, #tpu.memory_space<hbm>> -> memref<10000x128xf32, #tpu.memory_space<hbm>>
      tpu.wait_indirect_dma semaphore(%arg16 : memref<!tpu.dma_semaphore, #tpu.memory_space<semaphore_mem>>) src(%dma_wait3A_1483 : memref<10000x128xf32, #tpu.memory_space<hbm>>) dst(%arg10 : memref<64x128xf32, #tpu.memory_space<vmem>>)
      %add3A_1484 = arith.constant 1 : i32
      %add3A_1485 = arith.addi %mul3A_1459, %add3A_1484 : i32
      %dma_start3A_1486 = arith.constant 0 : i32
      %dma_start3A_1487 = tpu.memref_slice %arg7[%add3A_1485, %dma_start3A_1486] : memref<16x64xi32, #tpu.memory_space<vmem>> -> memref<1x64xi32, #tpu.memory_space<vmem>>
      %dma_start3A_1488 = tpu.memref_squeeze %dma_start3A_1487 : memref<1x64xi32, #tpu.memory_space<vmem>> -> memref<64xi32, #tpu.memory_space<vmem>>
      %dma_start3A_1489 = arith.constant 0 : i32
      %dma_start3A_1490 = arith.constant 0 : i32
      %dma_start3A_1491 = tpu.memref_slice %arg14[%dma_start3A_1489, %dma_start3A_1490] : memref<10240x128xf32, #tpu.memory_space<vmem_shared>> -> memref<10240x128xf32, #tpu.memory_space<vmem_shared>>
      tpu.enqueue_indirect_dma source(%arg10 : memref<64x128xf32, #tpu.memory_space<vmem>>) target(%dma_start3A_1491 : memref<10240x128xf32, #tpu.memory_space<vmem_shared>>) offsets(%dma_start3A_1488 : memref<64xi32, #tpu.memory_space<vmem>>) semaphore(%arg20 : memref<!tpu.dma_semaphore, #tpu.memory_space<semaphore_mem>>) {add = true}
      %add3A_1492 = arith.constant 2 : i32
      %add3A_1493 = arith.addi %mul3A_1459, %add3A_1492 : i32
      %dma_wait3A_1494 = arith.constant 0 : i32
      %dma_wait3A_1495 = tpu.memref_slice %arg5[%add3A_1493, %dma_wait3A_1494] : memref<16x64xi32, #tpu.memory_space<vmem>> -> memref<1x64xi32, #tpu.memory_space<vmem>>
      %dma_wait3A_1496 = tpu.memref_squeeze %dma_wait3A_1495 : memref<1x64xi32, #tpu.memory_space<vmem>> -> memref<64xi32, #tpu.memory_space<vmem>>
      %dma_wait3A_1497 = arith.constant 0 : i32
      %dma_wait3A_1498 = arith.constant 0 : i32
      %dma_wait3A_1499 = tpu.memref_slice %arg2[%dma_wait3A_1497, %dma_wait3A_1498] : memref<10000x128xf32, #tpu.memory_space<hbm>> -> memref<10000x128xf32, #tpu.memory_space<hbm>>
      tpu.wait_indirect_dma semaphore(%arg17 : memref<!tpu.dma_semaphore, #tpu.memory_space<semaphore_mem>>) src(%dma_wait3A_1499 : memref<10000x128xf32, #tpu.memory_space<hbm>>) dst(%arg11 : memref<64x128xf32, #tpu.memory_space<vmem>>)
      %add3A_1500 = arith.constant 2 : i32
      %add3A_1501 = arith.addi %mul3A_1459, %add3A_1500 : i32
      %dma_start3A_1502 = arith.constant 0 : i32
      %dma_start3A_1503 = tpu.memref_slice %arg7[%add3A_1501, %dma_start3A_1502] : memref<16x64xi32, #tpu.memory_space<vmem>> -> memref<1x64xi32, #tpu.memory_space<vmem>>
      %dma_start3A_1504 = tpu.memref_squeeze %dma_start3A_1503 : memref<1x64xi32, #tpu.memory_space<vmem>> -> memref<64xi32, #tpu.memory_space<vmem>>
      %dma_start3A_1505 = arith.constant 0 : i32
      %dma_start3A_1506 = arith.constant 0 : i32
      %dma_start3A_1507 = tpu.memref_slice %arg14[%dma_start3A_1505, %dma_start3A_1506] : memref<10240x128xf32, #tpu.memory_space<vmem_shared>> -> memref<10240x128xf32, #tpu.memory_space<vmem_shared>>
      tpu.enqueue_indirect_dma source(%arg11 : memref<64x128xf32, #tpu.memory_space<vmem>>) target(%dma_start3A_1507 : memref<10240x128xf32, #tpu.memory_space<vmem_shared>>) offsets(%dma_start3A_1504 : memref<64xi32, #tpu.memory_space<vmem>>) semaphore(%arg21 : memref<!tpu.dma_semaphore, #tpu.memory_space<semaphore_mem>>) {add = true}
      %add3A_1508 = arith.constant 3 : i32
      %add3A_1509 = arith.addi %mul3A_1459, %add3A_1508 : i32
      %dma_wait3A_1510 = arith.constant 0 : i32
      %dma_wait3A_1511 = tpu.memref_slice %arg5[%add3A_1509, %dma_wait3A_1510] : memref<16x64xi32, #tpu.memory_space<vmem>> -> memref<1x64xi32, #tpu.memory_space<vmem>>
      %dma_wait3A_1512 = tpu.memref_squeeze %dma_wait3A_1511 : memref<1x64xi32, #tpu.memory_space<vmem>> -> memref<64xi32, #tpu.memory_space<vmem>>
      %dma_wait3A_1513 = arith.constant 0 : i32
      %dma_wait3A_1514 = arith.constant 0 : i32
      %dma_wait3A_1515 = tpu.memref_slice %arg2[%dma_wait3A_1513, %dma_wait3A_1514] : memref<10000x128xf32, #tpu.memory_space<hbm>> -> memref<10000x128xf32, #tpu.memory_space<hbm>>
      tpu.wait_indirect_dma semaphore(%arg18 : memref<!tpu.dma_semaphore, #tpu.memory_space<semaphore_mem>>) src(%dma_wait3A_1515 : memref<10000x128xf32, #tpu.memory_space<hbm>>) dst(%arg12 : memref<64x128xf32, #tpu.memory_space<vmem>>)
      %add3A_1516 = arith.constant 3 : i32
      %add3A_1517 = arith.addi %mul3A_1459, %add3A_1516 : i32
      %dma_start3A_1518 = arith.constant 0 : i32
      %dma_start3A_1519 = tpu.memref_slice %arg7[%add3A_1517, %dma_start3A_1518] : memref<16x64xi32, #tpu.memory_space<vmem>> -> memref<1x64xi32, #tpu.memory_space<vmem>>
      %dma_start3A_1520 = tpu.memref_squeeze %dma_start3A_1519 : memref<1x64xi32, #tpu.memory_space<vmem>> -> memref<64xi32, #tpu.memory_space<vmem>>
      %dma_start3A_1521 = arith.constant 0 : i32
      %dma_start3A_1522 = arith.constant 0 : i32
      %dma_start3A_1523 = tpu.memref_slice %arg14[%dma_start3A_1521, %dma_start3A_1522] : memref<10240x128xf32, #tpu.memory_space<vmem_shared>> -> memref<10240x128xf32, #tpu.memory_space<vmem_shared>>
      tpu.enqueue_indirect_dma source(%arg12 : memref<64x128xf32, #tpu.memory_space<vmem>>) target(%dma_start3A_1523 : memref<10240x128xf32, #tpu.memory_space<vmem_shared>>) offsets(%dma_start3A_1520 : memref<64xi32, #tpu.memory_space<vmem>>) semaphore(%arg22 : memref<!tpu.dma_semaphore, #tpu.memory_space<semaphore_mem>>) {add = true}
      %add3A_1524 = arith.constant 0 : i32
      %add3A_1525 = arith.addi %mul3A_1459, %add3A_1524 : i32
      %dma_wait3A_1526 = arith.constant 0 : i32
      %dma_wait3A_1527 = tpu.memref_slice %arg7[%add3A_1525, %dma_wait3A_1526] : memref<16x64xi32, #tpu.memory_space<vmem>> -> memref<1x64xi32, #tpu.memory_space<vmem>>
      %dma_wait3A_1528 = tpu.memref_squeeze %dma_wait3A_1527 : memref<1x64xi32, #tpu.memory_space<vmem>> -> memref<64xi32, #tpu.memory_space<vmem>>
      %dma_wait3A_1529 = arith.constant 0 : i32
      %dma_wait3A_1530 = arith.constant 0 : i32
      %dma_wait3A_1531 = tpu.memref_slice %arg14[%dma_wait3A_1529, %dma_wait3A_1530] : memref<10240x128xf32, #tpu.memory_space<vmem_shared>> -> memref<10240x128xf32, #tpu.memory_space<vmem_shared>>
      tpu.wait_indirect_dma semaphore(%arg19 : memref<!tpu.dma_semaphore, #tpu.memory_space<semaphore_mem>>) src(%arg9 : memref<64x128xf32, #tpu.memory_space<vmem>>) dst(%dma_wait3A_1531 : memref<10240x128xf32, #tpu.memory_space<vmem_shared>>)
      %add3A_1532 = arith.constant 4 : i32
      %add3A_1533 = arith.addi %mul3A_1459, %add3A_1532 : i32
      %add3A_1534 = arith.constant 0 : i32
      %add3A_1535 = arith.addi %add3A_1533, %add3A_1534 : i32
      %dma_start3A_1536 = arith.constant 0 : i32
      %dma_start3A_1537 = tpu.memref_slice %arg5[%add3A_1535, %dma_start3A_1536] : memref<16x64xi32, #tpu.memory_space<vmem>> -> memref<1x64xi32, #tpu.memory_space<vmem>>
      %dma_start3A_1538 = tpu.memref_squeeze %dma_start3A_1537 : memref<1x64xi32, #tpu.memory_space<vmem>> -> memref<64xi32, #tpu.memory_space<vmem>>
      %dma_start3A_1539 = arith.constant 0 : i32
      %dma_start3A_1540 = arith.constant 0 : i32
      %dma_start3A_1541 = tpu.memref_slice %arg2[%dma_start3A_1539, %dma_start3A_1540] : memref<10000x128xf32, #tpu.memory_space<hbm>> -> memref<10000x128xf32, #tpu.memory_space<hbm>>
      tpu.enqueue_indirect_dma source(%dma_start3A_1541 : memref<10000x128xf32, #tpu.memory_space<hbm>>) target(%arg9 : memref<64x128xf32, #tpu.memory_space<vmem>>) offsets(%dma_start3A_1538 : memref<64xi32, #tpu.memory_space<vmem>>) semaphore(%arg15 : memref<!tpu.dma_semaphore, #tpu.memory_space<semaphore_mem>>)
      %add3A_1542 = arith.constant 1 : i32
      %add3A_1543 = arith.addi %mul3A_1459, %add3A_1542 : i32
      %dma_wait3A_1544 = arith.constant 0 : i32
      %dma_wait3A_1545 = tpu.memref_slice %arg7[%add3A_1543, %dma_wait3A_1544] : memref<16x64xi32, #tpu.memory_space<vmem>> -> memref<1x64xi32, #tpu.memory_space<vmem>>
      %dma_wait3A_1546 = tpu.memref_squeeze %dma_wait3A_1545 : memref<1x64xi32, #tpu.memory_space<vmem>> -> memref<64xi32, #tpu.memory_space<vmem>>
      %dma_wait3A_1547 = arith.constant 0 : i32
      %dma_wait3A_1548 = arith.constant 0 : i32
      %dma_wait3A_1549 = tpu.memref_slice %arg14[%dma_wait3A_1547, %dma_wait3A_1548] : memref<10240x128xf32, #tpu.memory_space<vmem_shared>> -> memref<10240x128xf32, #tpu.memory_space<vmem_shared>>
      tpu.wait_indirect_dma semaphore(%arg20 : memref<!tpu.dma_semaphore, #tpu.memory_space<semaphore_mem>>) src(%arg10 : memref<64x128xf32, #tpu.memory_space<vmem>>) dst(%dma_wait3A_1549 : memref<10240x128xf32, #tpu.memory_space<vmem_shared>>)
      %add3A_1550 = arith.constant 4 : i32
      %add3A_1551 = arith.addi %mul3A_1459, %add3A_1550 : i32
      %add3A_1552 = arith.constant 1 : i32
      %add3A_1553 = arith.addi %add3A_1551, %add3A_1552 : i32
      %dma_start3A_1554 = arith.constant 0 : i32
      %dma_start3A_1555 = tpu.memref_slice %arg5[%add3A_1553, %dma_start3A_1554] : memref<16x64xi32, #tpu.memory_space<vmem>> -> memref<1x64xi32, #tpu.memory_space<vmem>>
      %dma_start3A_1556 = tpu.memref_squeeze %dma_start3A_1555 : memref<1x64xi32, #tpu.memory_space<vmem>> -> memref<64xi32, #tpu.memory_space<vmem>>
      %dma_start3A_1557 = arith.constant 0 : i32
      %dma_start3A_1558 = arith.constant 0 : i32
      %dma_start3A_1559 = tpu.memref_slice %arg2[%dma_start3A_1557, %dma_start3A_1558] : memref<10000x128xf32, #tpu.memory_space<hbm>> -> memref<10000x128xf32, #tpu.memory_space<hbm>>
      tpu.enqueue_indirect_dma source(%dma_start3A_1559 : memref<10000x128xf32, #tpu.memory_space<hbm>>) target(%arg10 : memref<64x128xf32, #tpu.memory_space<vmem>>) offsets(%dma_start3A_1556 : memref<64xi32, #tpu.memory_space<vmem>>) semaphore(%arg16 : memref<!tpu.dma_semaphore, #tpu.memory_space<semaphore_mem>>)
      %add3A_1560 = arith.constant 2 : i32
      %add3A_1561 = arith.addi %mul3A_1459, %add3A_1560 : i32
      %dma_wait3A_1562 = arith.constant 0 : i32
      %dma_wait3A_1563 = tpu.memref_slice %arg7[%add3A_1561, %dma_wait3A_1562] : memref<16x64xi32, #tpu.memory_space<vmem>> -> memref<1x64xi32, #tpu.memory_space<vmem>>
      %dma_wait3A_1564 = tpu.memref_squeeze %dma_wait3A_1563 : memref<1x64xi32, #tpu.memory_space<vmem>> -> memref<64xi32, #tpu.memory_space<vmem>>
      %dma_wait3A_1565 = arith.constant 0 : i32
      %dma_wait3A_1566 = arith.constant 0 : i32
      %dma_wait3A_1567 = tpu.memref_slice %arg14[%dma_wait3A_1565, %dma_wait3A_1566] : memref<10240x128xf32, #tpu.memory_space<vmem_shared>> -> memref<10240x128xf32, #tpu.memory_space<vmem_shared>>
      tpu.wait_indirect_dma semaphore(%arg21 : memref<!tpu.dma_semaphore, #tpu.memory_space<semaphore_mem>>) src(%arg11 : memref<64x128xf32, #tpu.memory_space<vmem>>) dst(%dma_wait3A_1567 : memref<10240x128xf32, #tpu.memory_space<vmem_shared>>)
      %add3A_1568 = arith.constant 4 : i32
      %add3A_1569 = arith.addi %mul3A_1459, %add3A_1568 : i32
      %add3A_1570 = arith.constant 2 : i32
      %add3A_1571 = arith.addi %add3A_1569, %add3A_1570 : i32
      %dma_start3A_1572 = arith.constant 0 : i32
      %dma_start3A_1573 = tpu.memref_slice %arg5[%add3A_1571, %dma_start3A_1572] : memref<16x64xi32, #tpu.memory_space<vmem>> -> memref<1x64xi32, #tpu.memory_space<vmem>>
      %dma_start3A_1574 = tpu.memref_squeeze %dma_start3A_1573 : memref<1x64xi32, #tpu.memory_space<vmem>> -> memref<64xi32, #tpu.memory_space<vmem>>
      %dma_start3A_1575 = arith.constant 0 : i32
      %dma_start3A_1576 = arith.constant 0 : i32
      %dma_start3A_1577 = tpu.memref_slice %arg2[%dma_start3A_1575, %dma_start3A_1576] : memref<10000x128xf32, #tpu.memory_space<hbm>> -> memref<10000x128xf32, #tpu.memory_space<hbm>>
      tpu.enqueue_indirect_dma source(%dma_start3A_1577 : memref<10000x128xf32, #tpu.memory_space<hbm>>) target(%arg11 : memref<64x128xf32, #tpu.memory_space<vmem>>) offsets(%dma_start3A_1574 : memref<64xi32, #tpu.memory_space<vmem>>) semaphore(%arg17 : memref<!tpu.dma_semaphore, #tpu.memory_space<semaphore_mem>>)
      %add3A_1578 = arith.constant 3 : i32
      %add3A_1579 = arith.addi %mul3A_1459, %add3A_1578 : i32
      %dma_wait3A_1580 = arith.constant 0 : i32
      %dma_wait3A_1581 = tpu.memref_slice %arg7[%add3A_1579, %dma_wait3A_1580] : memref<16x64xi32, #tpu.memory_space<vmem>> -> memref<1x64xi32, #tpu.memory_space<vmem>>
      %dma_wait3A_1582 = tpu.memref_squeeze %dma_wait3A_1581 : memref<1x64xi32, #tpu.memory_space<vmem>> -> memref<64xi32, #tpu.memory_space<vmem>>
      %dma_wait3A_1583 = arith.constant 0 : i32
      %dma_wait3A_1584 = arith.constant 0 : i32
      %dma_wait3A_1585 = tpu.memref_slice %arg14[%dma_wait3A_1583, %dma_wait3A_1584] : memref<10240x128xf32, #tpu.memory_space<vmem_shared>> -> memref<10240x128xf32, #tpu.memory_space<vmem_shared>>
      tpu.wait_indirect_dma semaphore(%arg22 : memref<!tpu.dma_semaphore, #tpu.memory_space<semaphore_mem>>) src(%arg12 : memref<64x128xf32, #tpu.memory_space<vmem>>) dst(%dma_wait3A_1585 : memref<10240x128xf32, #tpu.memory_space<vmem_shared>>)
      %add3A_1586 = arith.constant 4 : i32
      %add3A_1587 = arith.addi %mul3A_1459, %add3A_1586 : i32
      %add3A_1588 = arith.constant 3 : i32
      %add3A_1589 = arith.addi %add3A_1587, %add3A_1588 : i32
      %dma_start3A_1590 = arith.constant 0 : i32
      %dma_start3A_1591 = tpu.memref_slice %arg5[%add3A_1589, %dma_start3A_1590] : memref<16x64xi32, #tpu.memory_space<vmem>> -> memref<1x64xi32, #tpu.memory_space<vmem>>
      %dma_start3A_1592 = tpu.memref_squeeze %dma_start3A_1591 : memref<1x64xi32, #tpu.memory_space<vmem>> -> memref<64xi32, #tpu.memory_space<vmem>>
      %dma_start3A_1593 = arith.constant 0 : i32
      %dma_start3A_1594 = arith.constant 0 : i32
      %dma_start3A_1595 = tpu.memref_slice %arg2[%dma_start3A_1593, %dma_start3A_1594] : memref<10000x128xf32, #tpu.memory_space<hbm>> -> memref<10000x128xf32, #tpu.memory_space<hbm>>
      tpu.enqueue_indirect_dma source(%dma_start3A_1595 : memref<10000x128xf32, #tpu.memory_space<hbm>>) target(%arg12 : memref<64x128xf32, #tpu.memory_space<vmem>>) offsets(%dma_start3A_1592 : memref<64xi32, #tpu.memory_space<vmem>>) semaphore(%arg18 : memref<!tpu.dma_semaphore, #tpu.memory_space<semaphore_mem>>)
    }
    %scan3A_83 = arith.constant 3 : i32
    %dma_wait3A_84 = arith.constant 12 : i32
    %dma_wait3A_85 = arith.constant 0 : i32
    %dma_wait3A_86 = tpu.memref_slice %arg5[%dma_wait3A_84, %dma_wait3A_85] : memref<16x64xi32, #tpu.memory_space<vmem>> -> memref<1x64xi32, #tpu.memory_space<vmem>>
    %dma_wait3A_87 = tpu.memref_squeeze %dma_wait3A_86 : memref<1x64xi32, #tpu.memory_space<vmem>> -> memref<64xi32, #tpu.memory_space<vmem>>
    %dma_wait3A_88 = arith.constant 0 : i32
    %dma_wait3A_89 = arith.constant 0 : i32
    %dma_wait3A_90 = tpu.memref_slice %arg2[%dma_wait3A_88, %dma_wait3A_89] : memref<10000x128xf32, #tpu.memory_space<hbm>> -> memref<10000x128xf32, #tpu.memory_space<hbm>>
    tpu.wait_indirect_dma semaphore(%arg15 : memref<!tpu.dma_semaphore, #tpu.memory_space<semaphore_mem>>) src(%dma_wait3A_90 : memref<10000x128xf32, #tpu.memory_space<hbm>>) dst(%arg9 : memref<64x128xf32, #tpu.memory_space<vmem>>)
    %dma_start3A_91 = arith.constant 12 : i32
    %dma_start3A_92 = arith.constant 0 : i32
    %dma_start3A_93 = tpu.memref_slice %arg7[%dma_start3A_91, %dma_start3A_92] : memref<16x64xi32, #tpu.memory_space<vmem>> -> memref<1x64xi32, #tpu.memory_space<vmem>>
    %dma_start3A_94 = tpu.memref_squeeze %dma_start3A_93 : memref<1x64xi32, #tpu.memory_space<vmem>> -> memref<64xi32, #tpu.memory_space<vmem>>
    %dma_start3A_95 = arith.constant 0 : i32
    %dma_start3A_96 = arith.constant 0 : i32
    %dma_start3A_97 = tpu.memref_slice %arg14[%dma_start3A_95, %dma_start3A_96] : memref<10240x128xf32, #tpu.memory_space<vmem_shared>> -> memref<10240x128xf32, #tpu.memory_space<vmem_shared>>
    tpu.enqueue_indirect_dma source(%arg9 : memref<64x128xf32, #tpu.memory_space<vmem>>) target(%dma_start3A_97 : memref<10240x128xf32, #tpu.memory_space<vmem_shared>>) offsets(%dma_start3A_94 : memref<64xi32, #tpu.memory_space<vmem>>) semaphore(%arg19 : memref<!tpu.dma_semaphore, #tpu.memory_space<semaphore_mem>>) {add = true}
    %dma_wait3A_98 = arith.constant 13 : i32
    %dma_wait3A_99 = arith.constant 0 : i32
    %dma_wait3A_100 = tpu.memref_slice %arg5[%dma_wait3A_98, %dma_wait3A_99] : memref<16x64xi32, #tpu.memory_space<vmem>> -> memref<1x64xi32, #tpu.memory_space<vmem>>
    %dma_wait3A_101 = tpu.memref_squeeze %dma_wait3A_100 : memref<1x64xi32, #tpu.memory_space<vmem>> -> memref<64xi32, #tpu.memory_space<vmem>>
    %dma_wait3A_102 = arith.constant 0 : i32
    %dma_wait3A_103 = arith.constant 0 : i32
    %dma_wait3A_104 = tpu.memref_slice %arg2[%dma_wait3A_102, %dma_wait3A_103] : memref<10000x128xf32, #tpu.memory_space<hbm>> -> memref<10000x128xf32, #tpu.memory_space<hbm>>
    tpu.wait_indirect_dma semaphore(%arg16 : memref<!tpu.dma_semaphore, #tpu.memory_space<semaphore_mem>>) src(%dma_wait3A_104 : memref<10000x128xf32, #tpu.memory_space<hbm>>) dst(%arg10 : memref<64x128xf32, #tpu.memory_space<vmem>>)
    %dma_start3A_105 = arith.constant 13 : i32
    %dma_start3A_106 = arith.constant 0 : i32
    %dma_start3A_107 = tpu.memref_slice %arg7[%dma_start3A_105, %dma_start3A_106] : memref<16x64xi32, #tpu.memory_space<vmem>> -> memref<1x64xi32, #tpu.memory_space<vmem>>
    %dma_start3A_108 = tpu.memref_squeeze %dma_start3A_107 : memref<1x64xi32, #tpu.memory_space<vmem>> -> memref<64xi32, #tpu.memory_space<vmem>>
    %dma_start3A_109 = arith.constant 0 : i32
    %dma_start3A_110 = arith.constant 0 : i32
    %dma_start3A_111 = tpu.memref_slice %arg14[%dma_start3A_109, %dma_start3A_110] : memref<10240x128xf32, #tpu.memory_space<vmem_shared>> -> memref<10240x128xf32, #tpu.memory_space<vmem_shared>>
    tpu.enqueue_indirect_dma source(%arg10 : memref<64x128xf32, #tpu.memory_space<vmem>>) target(%dma_start3A_111 : memref<10240x128xf32, #tpu.memory_space<vmem_shared>>) offsets(%dma_start3A_108 : memref<64xi32, #tpu.memory_space<vmem>>) semaphore(%arg20 : memref<!tpu.dma_semaphore, #tpu.memory_space<semaphore_mem>>) {add = true}
    %dma_wait3A_112 = arith.constant 14 : i32
    %dma_wait3A_113 = arith.constant 0 : i32
    %dma_wait3A_114 = tpu.memref_slice %arg5[%dma_wait3A_112, %dma_wait3A_113] : memref<16x64xi32, #tpu.memory_space<vmem>> -> memref<1x64xi32, #tpu.memory_space<vmem>>
    %dma_wait3A_115 = tpu.memref_squeeze %dma_wait3A_114 : memref<1x64xi32, #tpu.memory_space<vmem>> -> memref<64xi32, #tpu.memory_space<vmem>>
    %dma_wait3A_116 = arith.constant 0 : i32
    %dma_wait3A_117 = arith.constant 0 : i32
    %dma_wait3A_118 = tpu.memref_slice %arg2[%dma_wait3A_116, %dma_wait3A_117] : memref<10000x128xf32, #tpu.memory_space<hbm>> -> memref<10000x128xf32, #tpu.memory_space<hbm>>
    tpu.wait_indirect_dma semaphore(%arg17 : memref<!tpu.dma_semaphore, #tpu.memory_space<semaphore_mem>>) src(%dma_wait3A_118 : memref<10000x128xf32, #tpu.memory_space<hbm>>) dst(%arg11 : memref<64x128xf32, #tpu.memory_space<vmem>>)
    %dma_start3A_119 = arith.constant 14 : i32
    %dma_start3A_120 = arith.constant 0 : i32
    %dma_start3A_121 = tpu.memref_slice %arg7[%dma_start3A_119, %dma_start3A_120] : memref<16x64xi32, #tpu.memory_space<vmem>> -> memref<1x64xi32, #tpu.memory_space<vmem>>
    %dma_start3A_122 = tpu.memref_squeeze %dma_start3A_121 : memref<1x64xi32, #tpu.memory_space<vmem>> -> memref<64xi32, #tpu.memory_space<vmem>>
    %dma_start3A_123 = arith.constant 0 : i32
    %dma_start3A_124 = arith.constant 0 : i32
    %dma_start3A_125 = tpu.memref_slice %arg14[%dma_start3A_123, %dma_start3A_124] : memref<10240x128xf32, #tpu.memory_space<vmem_shared>> -> memref<10240x128xf32, #tpu.memory_space<vmem_shared>>
    tpu.enqueue_indirect_dma source(%arg11 : memref<64x128xf32, #tpu.memory_space<vmem>>) target(%dma_start3A_125 : memref<10240x128xf32, #tpu.memory_space<vmem_shared>>) offsets(%dma_start3A_122 : memref<64xi32, #tpu.memory_space<vmem>>) semaphore(%arg21 : memref<!tpu.dma_semaphore, #tpu.memory_space<semaphore_mem>>) {add = true}
    %dma_wait3A_126 = arith.constant 15 : i32
    %dma_wait3A_127 = arith.constant 0 : i32
    %dma_wait3A_128 = tpu.memref_slice %arg5[%dma_wait3A_126, %dma_wait3A_127] : memref<16x64xi32, #tpu.memory_space<vmem>> -> memref<1x64xi32, #tpu.memory_space<vmem>>
    %dma_wait3A_129 = tpu.memref_squeeze %dma_wait3A_128 : memref<1x64xi32, #tpu.memory_space<vmem>> -> memref<64xi32, #tpu.memory_space<vmem>>
    %dma_wait3A_130 = arith.constant 0 : i32
    %dma_wait3A_131 = arith.constant 0 : i32
    %dma_wait3A_132 = tpu.memref_slice %arg2[%dma_wait3A_130, %dma_wait3A_131] : memref<10000x128xf32, #tpu.memory_space<hbm>> -> memref<10000x128xf32, #tpu.memory_space<hbm>>
    tpu.wait_indirect_dma semaphore(%arg18 : memref<!tpu.dma_semaphore, #tpu.memory_space<semaphore_mem>>) src(%dma_wait3A_132 : memref<10000x128xf32, #tpu.memory_space<hbm>>) dst(%arg12 : memref<64x128xf32, #tpu.memory_space<vmem>>)
    %dma_start3A_133 = arith.constant 15 : i32
    %dma_start3A_134 = arith.constant 0 : i32
    %dma_start3A_135 = tpu.memref_slice %arg7[%dma_start3A_133, %dma_start3A_134] : memref<16x64xi32, #tpu.memory_space<vmem>> -> memref<1x64xi32, #tpu.memory_space<vmem>>
    %dma_start3A_136 = tpu.memref_squeeze %dma_start3A_135 : memref<1x64xi32, #tpu.memory_space<vmem>> -> memref<64xi32, #tpu.memory_space<vmem>>
    %dma_start3A_137 = arith.constant 0 : i32
    %dma_start3A_138 = arith.constant 0 : i32
    %dma_start3A_139 = tpu.memref_slice %arg14[%dma_start3A_137, %dma_start3A_138] : memref<10240x128xf32, #tpu.memory_space<vmem_shared>> -> memref<10240x128xf32, #tpu.memory_space<vmem_shared>>
    tpu.enqueue_indirect_dma source(%arg12 : memref<64x128xf32, #tpu.memory_space<vmem>>) target(%dma_start3A_139 : memref<10240x128xf32, #tpu.memory_space<vmem_shared>>) offsets(%dma_start3A_136 : memref<64xi32, #tpu.memory_space<vmem>>) semaphore(%arg22 : memref<!tpu.dma_semaphore, #tpu.memory_space<semaphore_mem>>) {add = true}
    %dma_wait3A_140 = arith.constant 12 : i32
    %dma_wait3A_141 = arith.constant 0 : i32
    %dma_wait3A_142 = tpu.memref_slice %arg7[%dma_wait3A_140, %dma_wait3A_141] : memref<16x64xi32, #tpu.memory_space<vmem>> -> memref<1x64xi32, #tpu.memory_space<vmem>>
    %dma_wait3A_143 = tpu.memref_squeeze %dma_wait3A_142 : memref<1x64xi32, #tpu.memory_space<vmem>> -> memref<64xi32, #tpu.memory_space<vmem>>
    %dma_wait3A_144 = arith.constant 0 : i32
    %dma_wait3A_145 = arith.constant 0 : i32
    %dma_wait3A_146 = tpu.memref_slice %arg14[%dma_wait3A_144, %dma_wait3A_145] : memref<10240x128xf32, #tpu.memory_space<vmem_shared>> -> memref<10240x128xf32, #tpu.memory_space<vmem_shared>>
    tpu.wait_indirect_dma semaphore(%arg19 : memref<!tpu.dma_semaphore, #tpu.memory_space<semaphore_mem>>) src(%arg9 : memref<64x128xf32, #tpu.memory_space<vmem>>) dst(%dma_wait3A_146 : memref<10240x128xf32, #tpu.memory_space<vmem_shared>>)
    %dma_wait3A_147 = arith.constant 13 : i32
    %dma_wait3A_148 = arith.constant 0 : i32
    %dma_wait3A_149 = tpu.memref_slice %arg7[%dma_wait3A_147, %dma_wait3A_148] : memref<16x64xi32, #tpu.memory_space<vmem>> -> memref<1x64xi32, #tpu.memory_space<vmem>>
    %dma_wait3A_150 = tpu.memref_squeeze %dma_wait3A_149 : memref<1x64xi32, #tpu.memory_space<vmem>> -> memref<64xi32, #tpu.memory_space<vmem>>
    %dma_wait3A_151 = arith.constant 0 : i32
    %dma_wait3A_152 = arith.constant 0 : i32
    %dma_wait3A_153 = tpu.memref_slice %arg14[%dma_wait3A_151, %dma_wait3A_152] : memref<10240x128xf32, #tpu.memory_space<vmem_shared>> -> memref<10240x128xf32, #tpu.memory_space<vmem_shared>>
    tpu.wait_indirect_dma semaphore(%arg20 : memref<!tpu.dma_semaphore, #tpu.memory_space<semaphore_mem>>) src(%arg10 : memref<64x128xf32, #tpu.memory_space<vmem>>) dst(%dma_wait3A_153 : memref<10240x128xf32, #tpu.memory_space<vmem_shared>>)
    %dma_wait3A_154 = arith.constant 14 : i32
    %dma_wait3A_155 = arith.constant 0 : i32
    %dma_wait3A_156 = tpu.memref_slice %arg7[%dma_wait3A_154, %dma_wait3A_155] : memref<16x64xi32, #tpu.memory_space<vmem>> -> memref<1x64xi32, #tpu.memory_space<vmem>>
    %dma_wait3A_157 = tpu.memref_squeeze %dma_wait3A_156 : memref<1x64xi32, #tpu.memory_space<vmem>> -> memref<64xi32, #tpu.memory_space<vmem>>
    %dma_wait3A_158 = arith.constant 0 : i32
    %dma_wait3A_159 = arith.constant 0 : i32
    %dma_wait3A_160 = tpu.memref_slice %arg14[%dma_wait3A_158, %dma_wait3A_159] : memref<10240x128xf32, #tpu.memory_space<vmem_shared>> -> memref<10240x128xf32, #tpu.memory_space<vmem_shared>>
    tpu.wait_indirect_dma semaphore(%arg21 : memref<!tpu.dma_semaphore, #tpu.memory_space<semaphore_mem>>) src(%arg11 : memref<64x128xf32, #tpu.memory_space<vmem>>) dst(%dma_wait3A_160 : memref<10240x128xf32, #tpu.memory_space<vmem_shared>>)
    %dma_wait3A_161 = arith.constant 15 : i32
    %dma_wait3A_162 = arith.constant 0 : i32
    %dma_wait3A_163 = tpu.memref_slice %arg7[%dma_wait3A_161, %dma_wait3A_162] : memref<16x64xi32, #tpu.memory_space<vmem>> -> memref<1x64xi32, #tpu.memory_space<vmem>>
    %dma_wait3A_164 = tpu.memref_squeeze %dma_wait3A_163 : memref<1x64xi32, #tpu.memory_space<vmem>> -> memref<64xi32, #tpu.memory_space<vmem>>
    %dma_wait3A_165 = arith.constant 0 : i32
    %dma_wait3A_166 = arith.constant 0 : i32
    %dma_wait3A_167 = tpu.memref_slice %arg14[%dma_wait3A_165, %dma_wait3A_166] : memref<10240x128xf32, #tpu.memory_space<vmem_shared>> -> memref<10240x128xf32, #tpu.memory_space<vmem_shared>>
    tpu.wait_indirect_dma semaphore(%arg22 : memref<!tpu.dma_semaphore, #tpu.memory_space<semaphore_mem>>) src(%arg12 : memref<64x128xf32, #tpu.memory_space<vmem>>) dst(%dma_wait3A_167 : memref<10240x128xf32, #tpu.memory_space<vmem_shared>>)
    %dma_wait3A_168 = arith.constant 0 : i32
    %dma_wait3A_169 = arith.constant 0 : i32
    %dma_wait3A_170 = tpu.memref_slice %arg3[%dma_wait3A_168, %dma_wait3A_169] : memref<10240x64xi32, #tpu.memory_space<hbm>> -> memref<16x64xi32, #tpu.memory_space<hbm>>
    %dma_wait3A_171 = arith.constant 0 : i32
    %dma_wait3A_172 = arith.constant 0 : i32
    %dma_wait3A_173 = tpu.memref_slice %arg3[%dma_wait3A_171, %dma_wait3A_172] : memref<10240x64xi32, #tpu.memory_space<hbm>> -> memref<16x64xi32, #tpu.memory_space<hbm>>
    tpu.wait_dma2 semaphore(%arg24 : memref<!tpu.dma_semaphore, #tpu.memory_space<semaphore_mem>>) src(%dma_wait3A_173 : memref<16x64xi32, #tpu.memory_space<hbm>>) dst(%arg6 : memref<16x64xi32, #tpu.memory_space<vmem>>)
    %dma_wait3A_174 = arith.constant 0 : i32
    %dma_wait3A_175 = arith.constant 0 : i32
    %dma_wait3A_176 = tpu.memref_slice %arg3[%dma_wait3A_174, %dma_wait3A_175] : memref<10240x64xi32, #tpu.memory_space<hbm>> -> memref<16x64xi32, #tpu.memory_space<hbm>>
    %dma_wait3A_177 = arith.constant 0 : i32
    %dma_wait3A_178 = arith.constant 0 : i32
    %dma_wait3A_179 = tpu.memref_slice %arg3[%dma_wait3A_177, %dma_wait3A_178] : memref<10240x64xi32, #tpu.memory_space<hbm>> -> memref<16x64xi32, #tpu.memory_space<hbm>>
    tpu.wait_dma2 semaphore(%arg24 : memref<!tpu.dma_semaphore, #tpu.memory_space<semaphore_mem>>) src(%dma_wait3A_179 : memref<16x64xi32, #tpu.memory_space<hbm>>) dst(%arg8 : memref<16x64xi32, #tpu.memory_space<vmem>>)
    %mul3A_180 = arith.constant 160 : i32
    %mul3A_181 = arith.muli %add3A, %mul3A_180 : i32
    %add3A_182 = arith.constant 32 : i32
    %add3A_183 = arith.addi %mul3A_181, %add3A_182 : i32
    %add3A_184 = arith.constant 5120 : i32
    %add3A_185 = arith.addi %add3A_184, %add3A_183 : i32
    %dma_start3A_186 = arith.constant 0 : i32
    %dma_start3A_187 = tpu.memref_slice %arg3[%add3A_185, %dma_start3A_186] : memref<10240x64xi32, #tpu.memory_space<hbm>> -> memref<16x64xi32, #tpu.memory_space<hbm>>
    %dma_start3A_188 = arith.constant 0 : i32
    %dma_start3A_189 = tpu.memref_slice %arg3[%add3A_185, %dma_start3A_188] : memref<10240x64xi32, #tpu.memory_space<hbm>> -> memref<16x64xi32, #tpu.memory_space<hbm>>
    tpu.enqueue_dma source(%dma_start3A_189 : memref<16x64xi32, #tpu.memory_space<hbm>>) target(%arg5 : memref<16x64xi32, #tpu.memory_space<vmem>>) target_semaphore(%arg23 : memref<!tpu.dma_semaphore, #tpu.memory_space<semaphore_mem>>)
    %dma_start3A_190 = arith.constant 0 : i32
    %dma_start3A_191 = tpu.memref_slice %arg3[%add3A_183, %dma_start3A_190] : memref<10240x64xi32, #tpu.memory_space<hbm>> -> memref<16x64xi32, #tpu.memory_space<hbm>>
    %dma_start3A_192 = arith.constant 0 : i32
    %dma_start3A_193 = tpu.memref_slice %arg3[%add3A_183, %dma_start3A_192] : memref<10240x64xi32, #tpu.memory_space<hbm>> -> memref<16x64xi32, #tpu.memory_space<hbm>>
    tpu.enqueue_dma source(%dma_start3A_193 : memref<16x64xi32, #tpu.memory_space<hbm>>) target(%arg7 : memref<16x64xi32, #tpu.memory_space<vmem>>) target_semaphore(%arg23 : memref<!tpu.dma_semaphore, #tpu.memory_space<semaphore_mem>>)
    %dma_start3A_194 = arith.constant 0 : i32
    %dma_start3A_195 = arith.constant 0 : i32
    %dma_start3A_196 = tpu.memref_slice %arg6[%dma_start3A_194, %dma_start3A_195] : memref<16x64xi32, #tpu.memory_space<vmem>> -> memref<1x64xi32, #tpu.memory_space<vmem>>
    %dma_start3A_197 = tpu.memref_squeeze %dma_start3A_196 : memref<1x64xi32, #tpu.memory_space<vmem>> -> memref<64xi32, #tpu.memory_space<vmem>>
    %dma_start3A_198 = arith.constant 0 : i32
    %dma_start3A_199 = arith.constant 0 : i32
    %dma_start3A_200 = tpu.memref_slice %arg2[%dma_start3A_198, %dma_start3A_199] : memref<10000x128xf32, #tpu.memory_space<hbm>> -> memref<10000x128xf32, #tpu.memory_space<hbm>>
    tpu.enqueue_indirect_dma source(%dma_start3A_200 : memref<10000x128xf32, #tpu.memory_space<hbm>>) target(%arg9 : memref<64x128xf32, #tpu.memory_space<vmem>>) offsets(%dma_start3A_197 : memref<64xi32, #tpu.memory_space<vmem>>) semaphore(%arg15 : memref<!tpu.dma_semaphore, #tpu.memory_space<semaphore_mem>>)
    %dma_start3A_201 = arith.constant 1 : i32
    %dma_start3A_202 = arith.constant 0 : i32
    %dma_start3A_203 = tpu.memref_slice %arg6[%dma_start3A_201, %dma_start3A_202] : memref<16x64xi32, #tpu.memory_space<vmem>> -> memref<1x64xi32, #tpu.memory_space<vmem>>
    %dma_start3A_204 = tpu.memref_squeeze %dma_start3A_203 : memref<1x64xi32, #tpu.memory_space<vmem>> -> memref<64xi32, #tpu.memory_space<vmem>>
    %dma_start3A_205 = arith.constant 0 : i32
    %dma_start3A_206 = arith.constant 0 : i32
    %dma_start3A_207 = tpu.memref_slice %arg2[%dma_start3A_205, %dma_start3A_206] : memref<10000x128xf32, #tpu.memory_space<hbm>> -> memref<10000x128xf32, #tpu.memory_space<hbm>>
    tpu.enqueue_indirect_dma source(%dma_start3A_207 : memref<10000x128xf32, #tpu.memory_space<hbm>>) target(%arg10 : memref<64x128xf32, #tpu.memory_space<vmem>>) offsets(%dma_start3A_204 : memref<64xi32, #tpu.memory_space<vmem>>) semaphore(%arg16 : memref<!tpu.dma_semaphore, #tpu.memory_space<semaphore_mem>>)
    %dma_start3A_208 = arith.constant 2 : i32
    %dma_start3A_209 = arith.constant 0 : i32
    %dma_start3A_210 = tpu.memref_slice %arg6[%dma_start3A_208, %dma_start3A_209] : memref<16x64xi32, #tpu.memory_space<vmem>> -> memref<1x64xi32, #tpu.memory_space<vmem>>
    %dma_start3A_211 = tpu.memref_squeeze %dma_start3A_210 : memref<1x64xi32, #tpu.memory_space<vmem>> -> memref<64xi32, #tpu.memory_space<vmem>>
    %dma_start3A_212 = arith.constant 0 : i32
    %dma_start3A_213 = arith.constant 0 : i32
    %dma_start3A_214 = tpu.memref_slice %arg2[%dma_start3A_212, %dma_start3A_213] : memref<10000x128xf32, #tpu.memory_space<hbm>> -> memref<10000x128xf32, #tpu.memory_space<hbm>>
    tpu.enqueue_indirect_dma source(%dma_start3A_214 : memref<10000x128xf32, #tpu.memory_space<hbm>>) target(%arg11 : memref<64x128xf32, #tpu.memory_space<vmem>>) offsets(%dma_start3A_211 : memref<64xi32, #tpu.memory_space<vmem>>) semaphore(%arg17 : memref<!tpu.dma_semaphore, #tpu.memory_space<semaphore_mem>>)
    %dma_start3A_215 = arith.constant 3 : i32
    %dma_start3A_216 = arith.constant 0 : i32
    %dma_start3A_217 = tpu.memref_slice %arg6[%dma_start3A_215, %dma_start3A_216] : memref<16x64xi32, #tpu.memory_space<vmem>> -> memref<1x64xi32, #tpu.memory_space<vmem>>
    %dma_start3A_218 = tpu.memref_squeeze %dma_start3A_217 : memref<1x64xi32, #tpu.memory_space<vmem>> -> memref<64xi32, #tpu.memory_space<vmem>>
    %dma_start3A_219 = arith.constant 0 : i32
    %dma_start3A_220 = arith.constant 0 : i32
    %dma_start3A_221 = tpu.memref_slice %arg2[%dma_start3A_219, %dma_start3A_220] : memref<10000x128xf32, #tpu.memory_space<hbm>> -> memref<10000x128xf32, #tpu.memory_space<hbm>>
    tpu.enqueue_indirect_dma source(%dma_start3A_221 : memref<10000x128xf32, #tpu.memory_space<hbm>>) target(%arg12 : memref<64x128xf32, #tpu.memory_space<vmem>>) offsets(%dma_start3A_218 : memref<64xi32, #tpu.memory_space<vmem>>) semaphore(%arg18 : memref<!tpu.dma_semaphore, #tpu.memory_space<semaphore_mem>>)
    %scan3A_222 = arith.constant 0 : i32
    %scan3A_223 = arith.constant 0 : i32
    %scan3A_224 = arith.constant 3 : i32
    %scan3A_225 = arith.addi %scan3A_223, %scan3A_224 : i32
    %scan3A_226 = arith.constant 1 : i32
    scf.for %scan3A_1457 = %scan3A_223 to %scan3A_225 step %scan3A_226  : i32 {
      %mul3A_1458 = arith.constant 4 : i32
      %mul3A_1459 = arith.muli %scan3A_1457, %mul3A_1458 : i32
      %add3A_1460 = arith.constant 0 : i32
      %add3A_1461 = arith.addi %mul3A_1459, %add3A_1460 : i32
      %dma_wait3A_1462 = arith.constant 0 : i32
      %dma_wait3A_1463 = tpu.memref_slice %arg6[%add3A_1461, %dma_wait3A_1462] : memref<16x64xi32, #tpu.memory_space<vmem>> -> memref<1x64xi32, #tpu.memory_space<vmem>>
      %dma_wait3A_1464 = tpu.memref_squeeze %dma_wait3A_1463 : memref<1x64xi32, #tpu.memory_space<vmem>> -> memref<64xi32, #tpu.memory_space<vmem>>
      %dma_wait3A_1465 = arith.constant 0 : i32
      %dma_wait3A_1466 = arith.constant 0 : i32
      %dma_wait3A_1467 = tpu.memref_slice %arg2[%dma_wait3A_1465, %dma_wait3A_1466] : memref<10000x128xf32, #tpu.memory_space<hbm>> -> memref<10000x128xf32, #tpu.memory_space<hbm>>
      tpu.wait_indirect_dma semaphore(%arg15 : memref<!tpu.dma_semaphore, #tpu.memory_space<semaphore_mem>>) src(%dma_wait3A_1467 : memref<10000x128xf32, #tpu.memory_space<hbm>>) dst(%arg9 : memref<64x128xf32, #tpu.memory_space<vmem>>)
      %add3A_1468 = arith.constant 0 : i32
      %add3A_1469 = arith.addi %mul3A_1459, %add3A_1468 : i32
      %dma_start3A_1470 = arith.constant 0 : i32
      %dma_start3A_1471 = tpu.memref_slice %arg8[%add3A_1469, %dma_start3A_1470] : memref<16x64xi32, #tpu.memory_space<vmem>> -> memref<1x64xi32, #tpu.memory_space<vmem>>
      %dma_start3A_1472 = tpu.memref_squeeze %dma_start3A_1471 : memref<1x64xi32, #tpu.memory_space<vmem>> -> memref<64xi32, #tpu.memory_space<vmem>>
      %dma_start3A_1473 = arith.constant 0 : i32
      %dma_start3A_1474 = arith.constant 0 : i32
      %dma_start3A_1475 = tpu.memref_slice %arg14[%dma_start3A_1473, %dma_start3A_1474] : memref<10240x128xf32, #tpu.memory_space<vmem_shared>> -> memref<10240x128xf32, #tpu.memory_space<vmem_shared>>
      tpu.enqueue_indirect_dma source(%arg9 : memref<64x128xf32, #tpu.memory_space<vmem>>) target(%dma_start3A_1475 : memref<10240x128xf32, #tpu.memory_space<vmem_shared>>) offsets(%dma_start3A_1472 : memref<64xi32, #tpu.memory_space<vmem>>) semaphore(%arg19 : memref<!tpu.dma_semaphore, #tpu.memory_space<semaphore_mem>>) {add = true}
      %add3A_1476 = arith.constant 1 : i32
      %add3A_1477 = arith.addi %mul3A_1459, %add3A_1476 : i32
      %dma_wait3A_1478 = arith.constant 0 : i32
      %dma_wait3A_1479 = tpu.memref_slice %arg6[%add3A_1477, %dma_wait3A_1478] : memref<16x64xi32, #tpu.memory_space<vmem>> -> memref<1x64xi32, #tpu.memory_space<vmem>>
      %dma_wait3A_1480 = tpu.memref_squeeze %dma_wait3A_1479 : memref<1x64xi32, #tpu.memory_space<vmem>> -> memref<64xi32, #tpu.memory_space<vmem>>
      %dma_wait3A_1481 = arith.constant 0 : i32
      %dma_wait3A_1482 = arith.constant 0 : i32
      %dma_wait3A_1483 = tpu.memref_slice %arg2[%dma_wait3A_1481, %dma_wait3A_1482] : memref<10000x128xf32, #tpu.memory_space<hbm>> -> memref<10000x128xf32, #tpu.memory_space<hbm>>
      tpu.wait_indirect_dma semaphore(%arg16 : memref<!tpu.dma_semaphore, #tpu.memory_space<semaphore_mem>>) src(%dma_wait3A_1483 : memref<10000x128xf32, #tpu.memory_space<hbm>>) dst(%arg10 : memref<64x128xf32, #tpu.memory_space<vmem>>)
      %add3A_1484 = arith.constant 1 : i32
      %add3A_1485 = arith.addi %mul3A_1459, %add3A_1484 : i32
      %dma_start3A_1486 = arith.constant 0 : i32
      %dma_start3A_1487 = tpu.memref_slice %arg8[%add3A_1485, %dma_start3A_1486] : memref<16x64xi32, #tpu.memory_space<vmem>> -> memref<1x64xi32, #tpu.memory_space<vmem>>
      %dma_start3A_1488 = tpu.memref_squeeze %dma_start3A_1487 : memref<1x64xi32, #tpu.memory_space<vmem>> -> memref<64xi32, #tpu.memory_space<vmem>>
      %dma_start3A_1489 = arith.constant 0 : i32
      %dma_start3A_1490 = arith.constant 0 : i32
      %dma_start3A_1491 = tpu.memref_slice %arg14[%dma_start3A_1489, %dma_start3A_1490] : memref<10240x128xf32, #tpu.memory_space<vmem_shared>> -> memref<10240x128xf32, #tpu.memory_space<vmem_shared>>
      tpu.enqueue_indirect_dma source(%arg10 : memref<64x128xf32, #tpu.memory_space<vmem>>) target(%dma_start3A_1491 : memref<10240x128xf32, #tpu.memory_space<vmem_shared>>) offsets(%dma_start3A_1488 : memref<64xi32, #tpu.memory_space<vmem>>) semaphore(%arg20 : memref<!tpu.dma_semaphore, #tpu.memory_space<semaphore_mem>>) {add = true}
      %add3A_1492 = arith.constant 2 : i32
      %add3A_1493 = arith.addi %mul3A_1459, %add3A_1492 : i32
      %dma_wait3A_1494 = arith.constant 0 : i32
      %dma_wait3A_1495 = tpu.memref_slice %arg6[%add3A_1493, %dma_wait3A_1494] : memref<16x64xi32, #tpu.memory_space<vmem>> -> memref<1x64xi32, #tpu.memory_space<vmem>>
      %dma_wait3A_1496 = tpu.memref_squeeze %dma_wait3A_1495 : memref<1x64xi32, #tpu.memory_space<vmem>> -> memref<64xi32, #tpu.memory_space<vmem>>
      %dma_wait3A_1497 = arith.constant 0 : i32
      %dma_wait3A_1498 = arith.constant 0 : i32
      %dma_wait3A_1499 = tpu.memref_slice %arg2[%dma_wait3A_1497, %dma_wait3A_1498] : memref<10000x128xf32, #tpu.memory_space<hbm>> -> memref<10000x128xf32, #tpu.memory_space<hbm>>
      tpu.wait_indirect_dma semaphore(%arg17 : memref<!tpu.dma_semaphore, #tpu.memory_space<semaphore_mem>>) src(%dma_wait3A_1499 : memref<10000x128xf32, #tpu.memory_space<hbm>>) dst(%arg11 : memref<64x128xf32, #tpu.memory_space<vmem>>)
      %add3A_1500 = arith.constant 2 : i32
      %add3A_1501 = arith.addi %mul3A_1459, %add3A_1500 : i32
      %dma_start3A_1502 = arith.constant 0 : i32
      %dma_start3A_1503 = tpu.memref_slice %arg8[%add3A_1501, %dma_start3A_1502] : memref<16x64xi32, #tpu.memory_space<vmem>> -> memref<1x64xi32, #tpu.memory_space<vmem>>
      %dma_start3A_1504 = tpu.memref_squeeze %dma_start3A_1503 : memref<1x64xi32, #tpu.memory_space<vmem>> -> memref<64xi32, #tpu.memory_space<vmem>>
      %dma_start3A_1505 = arith.constant 0 : i32
      %dma_start3A_1506 = arith.constant 0 : i32
      %dma_start3A_1507 = tpu.memref_slice %arg14[%dma_start3A_1505, %dma_start3A_1506] : memref<10240x128xf32, #tpu.memory_space<vmem_shared>> -> memref<10240x128xf32, #tpu.memory_space<vmem_shared>>
      tpu.enqueue_indirect_dma source(%arg11 : memref<64x128xf32, #tpu.memory_space<vmem>>) target(%dma_start3A_1507 : memref<10240x128xf32, #tpu.memory_space<vmem_shared>>) offsets(%dma_start3A_1504 : memref<64xi32, #tpu.memory_space<vmem>>) semaphore(%arg21 : memref<!tpu.dma_semaphore, #tpu.memory_space<semaphore_mem>>) {add = true}
      %add3A_1508 = arith.constant 3 : i32
      %add3A_1509 = arith.addi %mul3A_1459, %add3A_1508 : i32
      %dma_wait3A_1510 = arith.constant 0 : i32
      %dma_wait3A_1511 = tpu.memref_slice %arg6[%add3A_1509, %dma_wait3A_1510] : memref<16x64xi32, #tpu.memory_space<vmem>> -> memref<1x64xi32, #tpu.memory_space<vmem>>
      %dma_wait3A_1512 = tpu.memref_squeeze %dma_wait3A_1511 : memref<1x64xi32, #tpu.memory_space<vmem>> -> memref<64xi32, #tpu.memory_space<vmem>>
      %dma_wait3A_1513 = arith.constant 0 : i32
      %dma_wait3A_1514 = arith.constant 0 : i32
      %dma_wait3A_1515 = tpu.memref_slice %arg2[%dma_wait3A_1513, %dma_wait3A_1514] : memref<10000x128xf32, #tpu.memory_space<hbm>> -> memref<10000x128xf32, #tpu.memory_space<hbm>>
      tpu.wait_indirect_dma semaphore(%arg18 : memref<!tpu.dma_semaphore, #tpu.memory_space<semaphore_mem>>) src(%dma_wait3A_1515 : memref<10000x128xf32, #tpu.memory_space<hbm>>) dst(%arg12 : memref<64x128xf32, #tpu.memory_space<vmem>>)
      %add3A_1516 = arith.constant 3 : i32
      %add3A_1517 = arith.addi %mul3A_1459, %add3A_1516 : i32
      %dma_start3A_1518 = arith.constant 0 : i32
      %dma_start3A_1519 = tpu.memref_slice %arg8[%add3A_1517, %dma_start3A_1518] : memref<16x64xi32, #tpu.memory_space<vmem>> -> memref<1x64xi32, #tpu.memory_space<vmem>>
      %dma_start3A_1520 = tpu.memref_squeeze %dma_start3A_1519 : memref<1x64xi32, #tpu.memory_space<vmem>> -> memref<64xi32, #tpu.memory_space<vmem>>
      %dma_start3A_1521 = arith.constant 0 : i32
      %dma_start3A_1522 = arith.constant 0 : i32
      %dma_start3A_1523 = tpu.memref_slice %arg14[%dma_start3A_1521, %dma_start3A_1522] : memref<10240x128xf32, #tpu.memory_space<vmem_shared>> -> memref<10240x128xf32, #tpu.memory_space<vmem_shared>>
      tpu.enqueue_indirect_dma source(%arg12 : memref<64x128xf32, #tpu.memory_space<vmem>>) target(%dma_start3A_1523 : memref<10240x128xf32, #tpu.memory_space<vmem_shared>>) offsets(%dma_start3A_1520 : memref<64xi32, #tpu.memory_space<vmem>>) semaphore(%arg22 : memref<!tpu.dma_semaphore, #tpu.memory_space<semaphore_mem>>) {add = true}
      %add3A_1524 = arith.constant 0 : i32
      %add3A_1525 = arith.addi %mul3A_1459, %add3A_1524 : i32
      %dma_wait3A_1526 = arith.constant 0 : i32
      %dma_wait3A_1527 = tpu.memref_slice %arg8[%add3A_1525, %dma_wait3A_1526] : memref<16x64xi32, #tpu.memory_space<vmem>> -> memref<1x64xi32, #tpu.memory_space<vmem>>
      %dma_wait3A_1528 = tpu.memref_squeeze %dma_wait3A_1527 : memref<1x64xi32, #tpu.memory_space<vmem>> -> memref<64xi32, #tpu.memory_space<vmem>>
      %dma_wait3A_1529 = arith.constant 0 : i32
      %dma_wait3A_1530 = arith.constant 0 : i32
      %dma_wait3A_1531 = tpu.memref_slice %arg14[%dma_wait3A_1529, %dma_wait3A_1530] : memref<10240x128xf32, #tpu.memory_space<vmem_shared>> -> memref<10240x128xf32, #tpu.memory_space<vmem_shared>>
      tpu.wait_indirect_dma semaphore(%arg19 : memref<!tpu.dma_semaphore, #tpu.memory_space<semaphore_mem>>) src(%arg9 : memref<64x128xf32, #tpu.memory_space<vmem>>) dst(%dma_wait3A_1531 : memref<10240x128xf32, #tpu.memory_space<vmem_shared>>)
      %add3A_1532 = arith.constant 4 : i32
      %add3A_1533 = arith.addi %mul3A_1459, %add3A_1532 : i32
      %add3A_1534 = arith.constant 0 : i32
      %add3A_1535 = arith.addi %add3A_1533, %add3A_1534 : i32
      %dma_start3A_1536 = arith.constant 0 : i32
      %dma_start3A_1537 = tpu.memref_slice %arg6[%add3A_1535, %dma_start3A_1536] : memref<16x64xi32, #tpu.memory_space<vmem>> -> memref<1x64xi32, #tpu.memory_space<vmem>>
      %dma_start3A_1538 = tpu.memref_squeeze %dma_start3A_1537 : memref<1x64xi32, #tpu.memory_space<vmem>> -> memref<64xi32, #tpu.memory_space<vmem>>
      %dma_start3A_1539 = arith.constant 0 : i32
      %dma_start3A_1540 = arith.constant 0 : i32
      %dma_start3A_1541 = tpu.memref_slice %arg2[%dma_start3A_1539, %dma_start3A_1540] : memref<10000x128xf32, #tpu.memory_space<hbm>> -> memref<10000x128xf32, #tpu.memory_space<hbm>>
      tpu.enqueue_indirect_dma source(%dma_start3A_1541 : memref<10000x128xf32, #tpu.memory_space<hbm>>) target(%arg9 : memref<64x128xf32, #tpu.memory_space<vmem>>) offsets(%dma_start3A_1538 : memref<64xi32, #tpu.memory_space<vmem>>) semaphore(%arg15 : memref<!tpu.dma_semaphore, #tpu.memory_space<semaphore_mem>>)
      %add3A_1542 = arith.constant 1 : i32
      %add3A_1543 = arith.addi %mul3A_1459, %add3A_1542 : i32
      %dma_wait3A_1544 = arith.constant 0 : i32
      %dma_wait3A_1545 = tpu.memref_slice %arg8[%add3A_1543, %dma_wait3A_1544] : memref<16x64xi32, #tpu.memory_space<vmem>> -> memref<1x64xi32, #tpu.memory_space<vmem>>
      %dma_wait3A_1546 = tpu.memref_squeeze %dma_wait3A_1545 : memref<1x64xi32, #tpu.memory_space<vmem>> -> memref<64xi32, #tpu.memory_space<vmem>>
      %dma_wait3A_1547 = arith.constant 0 : i32
      %dma_wait3A_1548 = arith.constant 0 : i32
      %dma_wait3A_1549 = tpu.memref_slice %arg14[%dma_wait3A_1547, %dma_wait3A_1548] : memref<10240x128xf32, #tpu.memory_space<vmem_shared>> -> memref<10240x128xf32, #tpu.memory_space<vmem_shared>>
      tpu.wait_indirect_dma semaphore(%arg20 : memref<!tpu.dma_semaphore, #tpu.memory_space<semaphore_mem>>) src(%arg10 : memref<64x128xf32, #tpu.memory_space<vmem>>) dst(%dma_wait3A_1549 : memref<10240x128xf32, #tpu.memory_space<vmem_shared>>)
      %add3A_1550 = arith.constant 4 : i32
      %add3A_1551 = arith.addi %mul3A_1459, %add3A_1550 : i32
      %add3A_1552 = arith.constant 1 : i32
      %add3A_1553 = arith.addi %add3A_1551, %add3A_1552 : i32
      %dma_start3A_1554 = arith.constant 0 : i32
      %dma_start3A_1555 = tpu.memref_slice %arg6[%add3A_1553, %dma_start3A_1554] : memref<16x64xi32, #tpu.memory_space<vmem>> -> memref<1x64xi32, #tpu.memory_space<vmem>>
      %dma_start3A_1556 = tpu.memref_squeeze %dma_start3A_1555 : memref<1x64xi32, #tpu.memory_space<vmem>> -> memref<64xi32, #tpu.memory_space<vmem>>
      %dma_start3A_1557 = arith.constant 0 : i32
      %dma_start3A_1558 = arith.constant 0 : i32
      %dma_start3A_1559 = tpu.memref_slice %arg2[%dma_start3A_1557, %dma_start3A_1558] : memref<10000x128xf32, #tpu.memory_space<hbm>> -> memref<10000x128xf32, #tpu.memory_space<hbm>>
      tpu.enqueue_indirect_dma source(%dma_start3A_1559 : memref<10000x128xf32, #tpu.memory_space<hbm>>) target(%arg10 : memref<64x128xf32, #tpu.memory_space<vmem>>) offsets(%dma_start3A_1556 : memref<64xi32, #tpu.memory_space<vmem>>) semaphore(%arg16 : memref<!tpu.dma_semaphore, #tpu.memory_space<semaphore_mem>>)
      %add3A_1560 = arith.constant 2 : i32
      %add3A_1561 = arith.addi %mul3A_1459, %add3A_1560 : i32
      %dma_wait3A_1562 = arith.constant 0 : i32
      %dma_wait3A_1563 = tpu.memref_slice %arg8[%add3A_1561, %dma_wait3A_1562] : memref<16x64xi32, #tpu.memory_space<vmem>> -> memref<1x64xi32, #tpu.memory_space<vmem>>
      %dma_wait3A_1564 = tpu.memref_squeeze %dma_wait3A_1563 : memref<1x64xi32, #tpu.memory_space<vmem>> -> memref<64xi32, #tpu.memory_space<vmem>>
      %dma_wait3A_1565 = arith.constant 0 : i32
      %dma_wait3A_1566 = arith.constant 0 : i32
      %dma_wait3A_1567 = tpu.memref_slice %arg14[%dma_wait3A_1565, %dma_wait3A_1566] : memref<10240x128xf32, #tpu.memory_space<vmem_shared>> -> memref<10240x128xf32, #tpu.memory_space<vmem_shared>>
      tpu.wait_indirect_dma semaphore(%arg21 : memref<!tpu.dma_semaphore, #tpu.memory_space<semaphore_mem>>) src(%arg11 : memref<64x128xf32, #tpu.memory_space<vmem>>) dst(%dma_wait3A_1567 : memref<10240x128xf32, #tpu.memory_space<vmem_shared>>)
      %add3A_1568 = arith.constant 4 : i32
      %add3A_1569 = arith.addi %mul3A_1459, %add3A_1568 : i32
      %add3A_1570 = arith.constant 2 : i32
      %add3A_1571 = arith.addi %add3A_1569, %add3A_1570 : i32
      %dma_start3A_1572 = arith.constant 0 : i32
      %dma_start3A_1573 = tpu.memref_slice %arg6[%add3A_1571, %dma_start3A_1572] : memref<16x64xi32, #tpu.memory_space<vmem>> -> memref<1x64xi32, #tpu.memory_space<vmem>>
      %dma_start3A_1574 = tpu.memref_squeeze %dma_start3A_1573 : memref<1x64xi32, #tpu.memory_space<vmem>> -> memref<64xi32, #tpu.memory_space<vmem>>
      %dma_start3A_1575 = arith.constant 0 : i32
      %dma_start3A_1576 = arith.constant 0 : i32
      %dma_start3A_1577 = tpu.memref_slice %arg2[%dma_start3A_1575, %dma_start3A_1576] : memref<10000x128xf32, #tpu.memory_space<hbm>> -> memref<10000x128xf32, #tpu.memory_space<hbm>>
      tpu.enqueue_indirect_dma source(%dma_start3A_1577 : memref<10000x128xf32, #tpu.memory_space<hbm>>) target(%arg11 : memref<64x128xf32, #tpu.memory_space<vmem>>) offsets(%dma_start3A_1574 : memref<64xi32, #tpu.memory_space<vmem>>) semaphore(%arg17 : memref<!tpu.dma_semaphore, #tpu.memory_space<semaphore_mem>>)
      %add3A_1578 = arith.constant 3 : i32
      %add3A_1579 = arith.addi %mul3A_1459, %add3A_1578 : i32
      %dma_wait3A_1580 = arith.constant 0 : i32
      %dma_wait3A_1581 = tpu.memref_slice %arg8[%add3A_1579, %dma_wait3A_1580] : memref<16x64xi32, #tpu.memory_space<vmem>> -> memref<1x64xi32, #tpu.memory_space<vmem>>
      %dma_wait3A_1582 = tpu.memref_squeeze %dma_wait3A_1581 : memref<1x64xi32, #tpu.memory_space<vmem>> -> memref<64xi32, #tpu.memory_space<vmem>>
      %dma_wait3A_1583 = arith.constant 0 : i32
      %dma_wait3A_1584 = arith.constant 0 : i32
      %dma_wait3A_1585 = tpu.memref_slice %arg14[%dma_wait3A_1583, %dma_wait3A_1584] : memref<10240x128xf32, #tpu.memory_space<vmem_shared>> -> memref<10240x128xf32, #tpu.memory_space<vmem_shared>>
      tpu.wait_indirect_dma semaphore(%arg22 : memref<!tpu.dma_semaphore, #tpu.memory_space<semaphore_mem>>) src(%arg12 : memref<64x128xf32, #tpu.memory_space<vmem>>) dst(%dma_wait3A_1585 : memref<10240x128xf32, #tpu.memory_space<vmem_shared>>)
      %add3A_1586 = arith.constant 4 : i32
      %add3A_1587 = arith.addi %mul3A_1459, %add3A_1586 : i32
      %add3A_1588 = arith.constant 3 : i32
      %add3A_1589 = arith.addi %add3A_1587, %add3A_1588 : i32
      %dma_start3A_1590 = arith.constant 0 : i32
      %dma_start3A_1591 = tpu.memref_slice %arg6[%add3A_1589, %dma_start3A_1590] : memref<16x64xi32, #tpu.memory_space<vmem>> -> memref<1x64xi32, #tpu.memory_space<vmem>>
      %dma_start3A_1592 = tpu.memref_squeeze %dma_start3A_1591 : memref<1x64xi32, #tpu.memory_space<vmem>> -> memref<64xi32, #tpu.memory_space<vmem>>
      %dma_start3A_1593 = arith.constant 0 : i32
      %dma_start3A_1594 = arith.constant 0 : i32
      %dma_start3A_1595 = tpu.memref_slice %arg2[%dma_start3A_1593, %dma_start3A_1594] : memref<10000x128xf32, #tpu.memory_space<hbm>> -> memref<10000x128xf32, #tpu.memory_space<hbm>>
      tpu.enqueue_indirect_dma source(%dma_start3A_1595 : memref<10000x128xf32, #tpu.memory_space<hbm>>) target(%arg12 : memref<64x128xf32, #tpu.memory_space<vmem>>) offsets(%dma_start3A_1592 : memref<64xi32, #tpu.memory_space<vmem>>) semaphore(%arg18 : memref<!tpu.dma_semaphore, #tpu.memory_space<semaphore_mem>>)
    }
    %scan3A_227 = arith.constant 3 : i32
    %dma_wait3A_228 = arith.constant 12 : i32
    %dma_wait3A_229 = arith.constant 0 : i32
    %dma_wait3A_230 = tpu.memref_slice %arg6[%dma_wait3A_228, %dma_wait3A_229] : memref<16x64xi32, #tpu.memory_space<vmem>> -> memref<1x64xi32, #tpu.memory_space<vmem>>
    %dma_wait3A_231 = tpu.memref_squeeze %dma_wait3A_230 : memref<1x64xi32, #tpu.memory_space<vmem>> -> memref<64xi32, #tpu.memory_space<vmem>>
    %dma_wait3A_232 = arith.constant 0 : i32
    %dma_wait3A_233 = arith.constant 0 : i32
    %dma_wait3A_234 = tpu.memref_slice %arg2[%dma_wait3A_232, %dma_wait3A_233] : memref<10000x128xf32, #tpu.memory_space<hbm>> -> memref<10000x128xf32, #tpu.memory_space<hbm>>
    tpu.wait_indirect_dma semaphore(%arg15 : memref<!tpu.dma_semaphore, #tpu.memory_space<semaphore_mem>>) src(%dma_wait3A_234 : memref<10000x128xf32, #tpu.memory_space<hbm>>) dst(%arg9 : memref<64x128xf32, #tpu.memory_space<vmem>>)
    %dma_start3A_235 = arith.constant 12 : i32
    %dma_start3A_236 = arith.constant 0 : i32
    %dma_start3A_237 = tpu.memref_slice %arg8[%dma_start3A_235, %dma_start3A_236] : memref<16x64xi32, #tpu.memory_space<vmem>> -> memref<1x64xi32, #tpu.memory_space<vmem>>
    %dma_start3A_238 = tpu.memref_squeeze %dma_start3A_237 : memref<1x64xi32, #tpu.memory_space<vmem>> -> memref<64xi32, #tpu.memory_space<vmem>>
    %dma_start3A_239 = arith.constant 0 : i32
    %dma_start3A_240 = arith.constant 0 : i32
    %dma_start3A_241 = tpu.memref_slice %arg14[%dma_start3A_239, %dma_start3A_240] : memref<10240x128xf32, #tpu.memory_space<vmem_shared>> -> memref<10240x128xf32, #tpu.memory_space<vmem_shared>>
    tpu.enqueue_indirect_dma source(%arg9 : memref<64x128xf32, #tpu.memory_space<vmem>>) target(%dma_start3A_241 : memref<10240x128xf32, #tpu.memory_space<vmem_shared>>) offsets(%dma_start3A_238 : memref<64xi32, #tpu.memory_space<vmem>>) semaphore(%arg19 : memref<!tpu.dma_semaphore, #tpu.memory_space<semaphore_mem>>) {add = true}
    %dma_wait3A_242 = arith.constant 13 : i32
    %dma_wait3A_243 = arith.constant 0 : i32
    %dma_wait3A_244 = tpu.memref_slice %arg6[%dma_wait3A_242, %dma_wait3A_243] : memref<16x64xi32, #tpu.memory_space<vmem>> -> memref<1x64xi32, #tpu.memory_space<vmem>>
    %dma_wait3A_245 = tpu.memref_squeeze %dma_wait3A_244 : memref<1x64xi32, #tpu.memory_space<vmem>> -> memref<64xi32, #tpu.memory_space<vmem>>
    %dma_wait3A_246 = arith.constant 0 : i32
    %dma_wait3A_247 = arith.constant 0 : i32
    %dma_wait3A_248 = tpu.memref_slice %arg2[%dma_wait3A_246, %dma_wait3A_247] : memref<10000x128xf32, #tpu.memory_space<hbm>> -> memref<10000x128xf32, #tpu.memory_space<hbm>>
    tpu.wait_indirect_dma semaphore(%arg16 : memref<!tpu.dma_semaphore, #tpu.memory_space<semaphore_mem>>) src(%dma_wait3A_248 : memref<10000x128xf32, #tpu.memory_space<hbm>>) dst(%arg10 : memref<64x128xf32, #tpu.memory_space<vmem>>)
    %dma_start3A_249 = arith.constant 13 : i32
    %dma_start3A_250 = arith.constant 0 : i32
    %dma_start3A_251 = tpu.memref_slice %arg8[%dma_start3A_249, %dma_start3A_250] : memref<16x64xi32, #tpu.memory_space<vmem>> -> memref<1x64xi32, #tpu.memory_space<vmem>>
    %dma_start3A_252 = tpu.memref_squeeze %dma_start3A_251 : memref<1x64xi32, #tpu.memory_space<vmem>> -> memref<64xi32, #tpu.memory_space<vmem>>
    %dma_start3A_253 = arith.constant 0 : i32
    %dma_start3A_254 = arith.constant 0 : i32
    %dma_start3A_255 = tpu.memref_slice %arg14[%dma_start3A_253, %dma_start3A_254] : memref<10240x128xf32, #tpu.memory_space<vmem_shared>> -> memref<10240x128xf32, #tpu.memory_space<vmem_shared>>
    tpu.enqueue_indirect_dma source(%arg10 : memref<64x128xf32, #tpu.memory_space<vmem>>) target(%dma_start3A_255 : memref<10240x128xf32, #tpu.memory_space<vmem_shared>>) offsets(%dma_start3A_252 : memref<64xi32, #tpu.memory_space<vmem>>) semaphore(%arg20 : memref<!tpu.dma_semaphore, #tpu.memory_space<semaphore_mem>>) {add = true}
    %dma_wait3A_256 = arith.constant 14 : i32
    %dma_wait3A_257 = arith.constant 0 : i32
    %dma_wait3A_258 = tpu.memref_slice %arg6[%dma_wait3A_256, %dma_wait3A_257] : memref<16x64xi32, #tpu.memory_space<vmem>> -> memref<1x64xi32, #tpu.memory_space<vmem>>
    %dma_wait3A_259 = tpu.memref_squeeze %dma_wait3A_258 : memref<1x64xi32, #tpu.memory_space<vmem>> -> memref<64xi32, #tpu.memory_space<vmem>>
    %dma_wait3A_260 = arith.constant 0 : i32
    %dma_wait3A_261 = arith.constant 0 : i32
    %dma_wait3A_262 = tpu.memref_slice %arg2[%dma_wait3A_260, %dma_wait3A_261] : memref<10000x128xf32, #tpu.memory_space<hbm>> -> memref<10000x128xf32, #tpu.memory_space<hbm>>
    tpu.wait_indirect_dma semaphore(%arg17 : memref<!tpu.dma_semaphore, #tpu.memory_space<semaphore_mem>>) src(%dma_wait3A_262 : memref<10000x128xf32, #tpu.memory_space<hbm>>) dst(%arg11 : memref<64x128xf32, #tpu.memory_space<vmem>>)
    %dma_start3A_263 = arith.constant 14 : i32
    %dma_start3A_264 = arith.constant 0 : i32
    %dma_start3A_265 = tpu.memref_slice %arg8[%dma_start3A_263, %dma_start3A_264] : memref<16x64xi32, #tpu.memory_space<vmem>> -> memref<1x64xi32, #tpu.memory_space<vmem>>
    %dma_start3A_266 = tpu.memref_squeeze %dma_start3A_265 : memref<1x64xi32, #tpu.memory_space<vmem>> -> memref<64xi32, #tpu.memory_space<vmem>>
    %dma_start3A_267 = arith.constant 0 : i32
    %dma_start3A_268 = arith.constant 0 : i32
    %dma_start3A_269 = tpu.memref_slice %arg14[%dma_start3A_267, %dma_start3A_268] : memref<10240x128xf32, #tpu.memory_space<vmem_shared>> -> memref<10240x128xf32, #tpu.memory_space<vmem_shared>>
    tpu.enqueue_indirect_dma source(%arg11 : memref<64x128xf32, #tpu.memory_space<vmem>>) target(%dma_start3A_269 : memref<10240x128xf32, #tpu.memory_space<vmem_shared>>) offsets(%dma_start3A_266 : memref<64xi32, #tpu.memory_space<vmem>>) semaphore(%arg21 : memref<!tpu.dma_semaphore, #tpu.memory_space<semaphore_mem>>) {add = true}
    %dma_wait3A_270 = arith.constant 15 : i32
    %dma_wait3A_271 = arith.constant 0 : i32
    %dma_wait3A_272 = tpu.memref_slice %arg6[%dma_wait3A_270, %dma_wait3A_271] : memref<16x64xi32, #tpu.memory_space<vmem>> -> memref<1x64xi32, #tpu.memory_space<vmem>>
    %dma_wait3A_273 = tpu.memref_squeeze %dma_wait3A_272 : memref<1x64xi32, #tpu.memory_space<vmem>> -> memref<64xi32, #tpu.memory_space<vmem>>
    %dma_wait3A_274 = arith.constant 0 : i32
    %dma_wait3A_275 = arith.constant 0 : i32
    %dma_wait3A_276 = tpu.memref_slice %arg2[%dma_wait3A_274, %dma_wait3A_275] : memref<10000x128xf32, #tpu.memory_space<hbm>> -> memref<10000x128xf32, #tpu.memory_space<hbm>>
    tpu.wait_indirect_dma semaphore(%arg18 : memref<!tpu.dma_semaphore, #tpu.memory_space<semaphore_mem>>) src(%dma_wait3A_276 : memref<10000x128xf32, #tpu.memory_space<hbm>>) dst(%arg12 : memref<64x128xf32, #tpu.memory_space<vmem>>)
    %dma_start3A_277 = arith.constant 15 : i32
    %dma_start3A_278 = arith.constant 0 : i32
    %dma_start3A_279 = tpu.memref_slice %arg8[%dma_start3A_277, %dma_start3A_278] : memref<16x64xi32, #tpu.memory_space<vmem>> -> memref<1x64xi32, #tpu.memory_space<vmem>>
    %dma_start3A_280 = tpu.memref_squeeze %dma_start3A_279 : memref<1x64xi32, #tpu.memory_space<vmem>> -> memref<64xi32, #tpu.memory_space<vmem>>
    %dma_start3A_281 = arith.constant 0 : i32
    %dma_start3A_282 = arith.constant 0 : i32
    %dma_start3A_283 = tpu.memref_slice %arg14[%dma_start3A_281, %dma_start3A_282] : memref<10240x128xf32, #tpu.memory_space<vmem_shared>> -> memref<10240x128xf32, #tpu.memory_space<vmem_shared>>
    tpu.enqueue_indirect_dma source(%arg12 : memref<64x128xf32, #tpu.memory_space<vmem>>) target(%dma_start3A_283 : memref<10240x128xf32, #tpu.memory_space<vmem_shared>>) offsets(%dma_start3A_280 : memref<64xi32, #tpu.memory_space<vmem>>) semaphore(%arg22 : memref<!tpu.dma_semaphore, #tpu.memory_space<semaphore_mem>>) {add = true}
    %dma_wait3A_284 = arith.constant 12 : i32
    %dma_wait3A_285 = arith.constant 0 : i32
    %dma_wait3A_286 = tpu.memref_slice %arg8[%dma_wait3A_284, %dma_wait3A_285] : memref<16x64xi32, #tpu.memory_space<vmem>> -> memref<1x64xi32, #tpu.memory_space<vmem>>
    %dma_wait3A_287 = tpu.memref_squeeze %dma_wait3A_286 : memref<1x64xi32, #tpu.memory_space<vmem>> -> memref<64xi32, #tpu.memory_space<vmem>>
    %dma_wait3A_288 = arith.constant 0 : i32
    %dma_wait3A_289 = arith.constant 0 : i32
    %dma_wait3A_290 = tpu.memref_slice %arg14[%dma_wait3A_288, %dma_wait3A_289] : memref<10240x128xf32, #tpu.memory_space<vmem_shared>> -> memref<10240x128xf32, #tpu.memory_space<vmem_shared>>
    tpu.wait_indirect_dma semaphore(%arg19 : memref<!tpu.dma_semaphore, #tpu.memory_space<semaphore_mem>>) src(%arg9 : memref<64x128xf32, #tpu.memory_space<vmem>>) dst(%dma_wait3A_290 : memref<10240x128xf32, #tpu.memory_space<vmem_shared>>)
    %dma_wait3A_291 = arith.constant 13 : i32
    %dma_wait3A_292 = arith.constant 0 : i32
    %dma_wait3A_293 = tpu.memref_slice %arg8[%dma_wait3A_291, %dma_wait3A_292] : memref<16x64xi32, #tpu.memory_space<vmem>> -> memref<1x64xi32, #tpu.memory_space<vmem>>
    %dma_wait3A_294 = tpu.memref_squeeze %dma_wait3A_293 : memref<1x64xi32, #tpu.memory_space<vmem>> -> memref<64xi32, #tpu.memory_space<vmem>>
    %dma_wait3A_295 = arith.constant 0 : i32
    %dma_wait3A_296 = arith.constant 0 : i32
    %dma_wait3A_297 = tpu.memref_slice %arg14[%dma_wait3A_295, %dma_wait3A_296] : memref<10240x128xf32, #tpu.memory_space<vmem_shared>> -> memref<10240x128xf32, #tpu.memory_space<vmem_shared>>
    tpu.wait_indirect_dma semaphore(%arg20 : memref<!tpu.dma_semaphore, #tpu.memory_space<semaphore_mem>>) src(%arg10 : memref<64x128xf32, #tpu.memory_space<vmem>>) dst(%dma_wait3A_297 : memref<10240x128xf32, #tpu.memory_space<vmem_shared>>)
    %dma_wait3A_298 = arith.constant 14 : i32
    %dma_wait3A_299 = arith.constant 0 : i32
    %dma_wait3A_300 = tpu.memref_slice %arg8[%dma_wait3A_298, %dma_wait3A_299] : memref<16x64xi32, #tpu.memory_space<vmem>> -> memref<1x64xi32, #tpu.memory_space<vmem>>
    %dma_wait3A_301 = tpu.memref_squeeze %dma_wait3A_300 : memref<1x64xi32, #tpu.memory_space<vmem>> -> memref<64xi32, #tpu.memory_space<vmem>>
    %dma_wait3A_302 = arith.constant 0 : i32
    %dma_wait3A_303 = arith.constant 0 : i32
    %dma_wait3A_304 = tpu.memref_slice %arg14[%dma_wait3A_302, %dma_wait3A_303] : memref<10240x128xf32, #tpu.memory_space<vmem_shared>> -> memref<10240x128xf32, #tpu.memory_space<vmem_shared>>
    tpu.wait_indirect_dma semaphore(%arg21 : memref<!tpu.dma_semaphore, #tpu.memory_space<semaphore_mem>>) src(%arg11 : memref<64x128xf32, #tpu.memory_space<vmem>>) dst(%dma_wait3A_304 : memref<10240x128xf32, #tpu.memory_space<vmem_shared>>)
    %dma_wait3A_305 = arith.constant 15 : i32
    %dma_wait3A_306 = arith.constant 0 : i32
    %dma_wait3A_307 = tpu.memref_slice %arg8[%dma_wait3A_305, %dma_wait3A_306] : memref<16x64xi32, #tpu.memory_space<vmem>> -> memref<1x64xi32, #tpu.memory_space<vmem>>
    %dma_wait3A_308 = tpu.memref_squeeze %dma_wait3A_307 : memref<1x64xi32, #tpu.memory_space<vmem>> -> memref<64xi32, #tpu.memory_space<vmem>>
    %dma_wait3A_309 = arith.constant 0 : i32
    %dma_wait3A_310 = arith.constant 0 : i32
    %dma_wait3A_311 = tpu.memref_slice %arg14[%dma_wait3A_309, %dma_wait3A_310] : memref<10240x128xf32, #tpu.memory_space<vmem_shared>> -> memref<10240x128xf32, #tpu.memory_space<vmem_shared>>
    tpu.wait_indirect_dma semaphore(%arg22 : memref<!tpu.dma_semaphore, #tpu.memory_space<semaphore_mem>>) src(%arg12 : memref<64x128xf32, #tpu.memory_space<vmem>>) dst(%dma_wait3A_311 : memref<10240x128xf32, #tpu.memory_space<vmem_shared>>)
    %dma_wait3A_312 = arith.constant 0 : i32
    %dma_wait3A_313 = arith.constant 0 : i32
    %dma_wait3A_314 = tpu.memref_slice %arg3[%dma_wait3A_312, %dma_wait3A_313] : memref<10240x64xi32, #tpu.memory_space<hbm>> -> memref<16x64xi32, #tpu.memory_space<hbm>>
    %dma_wait3A_315 = arith.constant 0 : i32
    %dma_wait3A_316 = arith.constant 0 : i32
    %dma_wait3A_317 = tpu.memref_slice %arg3[%dma_wait3A_315, %dma_wait3A_316] : memref<10240x64xi32, #tpu.memory_space<hbm>> -> memref<16x64xi32, #tpu.memory_space<hbm>>
    tpu.wait_dma2 semaphore(%arg23 : memref<!tpu.dma_semaphore, #tpu.memory_space<semaphore_mem>>) src(%dma_wait3A_317 : memref<16x64xi32, #tpu.memory_space<hbm>>) dst(%arg5 : memref<16x64xi32, #tpu.memory_space<vmem>>)
    %dma_wait3A_318 = arith.constant 0 : i32
    %dma_wait3A_319 = arith.constant 0 : i32
    %dma_wait3A_320 = tpu.memref_slice %arg3[%dma_wait3A_318, %dma_wait3A_319] : memref<10240x64xi32, #tpu.memory_space<hbm>> -> memref<16x64xi32, #tpu.memory_space<hbm>>
    %dma_wait3A_321 = arith.constant 0 : i32
    %dma_wait3A_322 = arith.constant 0 : i32
    %dma_wait3A_323 = tpu.memref_slice %arg3[%dma_wait3A_321, %dma_wait3A_322] : memref<10240x64xi32, #tpu.memory_space<hbm>> -> memref<16x64xi32, #tpu.memory_space<hbm>>
    tpu.wait_dma2 semaphore(%arg23 : memref<!tpu.dma_semaphore, #tpu.memory_space<semaphore_mem>>) src(%dma_wait3A_323 : memref<16x64xi32, #tpu.memory_space<hbm>>) dst(%arg7 : memref<16x64xi32, #tpu.memory_space<vmem>>)
    %mul3A_324 = arith.constant 160 : i32
    %mul3A_325 = arith.muli %add3A, %mul3A_324 : i32
    %add3A_326 = arith.constant 48 : i32
    %add3A_327 = arith.addi %mul3A_325, %add3A_326 : i32
    %add3A_328 = arith.constant 5120 : i32
    %add3A_329 = arith.addi %add3A_328, %add3A_327 : i32
    %dma_start3A_330 = arith.constant 0 : i32
    %dma_start3A_331 = tpu.memref_slice %arg3[%add3A_329, %dma_start3A_330] : memref<10240x64xi32, #tpu.memory_space<hbm>> -> memref<16x64xi32, #tpu.memory_space<hbm>>
    %dma_start3A_332 = arith.constant 0 : i32
    %dma_start3A_333 = tpu.memref_slice %arg3[%add3A_329, %dma_start3A_332] : memref<10240x64xi32, #tpu.memory_space<hbm>> -> memref<16x64xi32, #tpu.memory_space<hbm>>
    tpu.enqueue_dma source(%dma_start3A_333 : memref<16x64xi32, #tpu.memory_space<hbm>>) target(%arg6 : memref<16x64xi32, #tpu.memory_space<vmem>>) target_semaphore(%arg24 : memref<!tpu.dma_semaphore, #tpu.memory_space<semaphore_mem>>)
    %dma_start3A_334 = arith.constant 0 : i32
    %dma_start3A_335 = tpu.memref_slice %arg3[%add3A_327, %dma_start3A_334] : memref<10240x64xi32, #tpu.memory_space<hbm>> -> memref<16x64xi32, #tpu.memory_space<hbm>>
    %dma_start3A_336 = arith.constant 0 : i32
    %dma_start3A_337 = tpu.memref_slice %arg3[%add3A_327, %dma_start3A_336] : memref<10240x64xi32, #tpu.memory_space<hbm>> -> memref<16x64xi32, #tpu.memory_space<hbm>>
    tpu.enqueue_dma source(%dma_start3A_337 : memref<16x64xi32, #tpu.memory_space<hbm>>) target(%arg8 : memref<16x64xi32, #tpu.memory_space<vmem>>) target_semaphore(%arg24 : memref<!tpu.dma_semaphore, #tpu.memory_space<semaphore_mem>>)
    %dma_start3A_338 = arith.constant 0 : i32
    %dma_start3A_339 = arith.constant 0 : i32
    %dma_start3A_340 = tpu.memref_slice %arg5[%dma_start3A_338, %dma_start3A_339] : memref<16x64xi32, #tpu.memory_space<vmem>> -> memref<1x64xi32, #tpu.memory_space<vmem>>
    %dma_start3A_341 = tpu.memref_squeeze %dma_start3A_340 : memref<1x64xi32, #tpu.memory_space<vmem>> -> memref<64xi32, #tpu.memory_space<vmem>>
    %dma_start3A_342 = arith.constant 0 : i32
    %dma_start3A_343 = arith.constant 0 : i32
    %dma_start3A_344 = tpu.memref_slice %arg2[%dma_start3A_342, %dma_start3A_343] : memref<10000x128xf32, #tpu.memory_space<hbm>> -> memref<10000x128xf32, #tpu.memory_space<hbm>>
    tpu.enqueue_indirect_dma source(%dma_start3A_344 : memref<10000x128xf32, #tpu.memory_space<hbm>>) target(%arg9 : memref<64x128xf32, #tpu.memory_space<vmem>>) offsets(%dma_start3A_341 : memref<64xi32, #tpu.memory_space<vmem>>) semaphore(%arg15 : memref<!tpu.dma_semaphore, #tpu.memory_space<semaphore_mem>>)
    %dma_start3A_345 = arith.constant 1 : i32
    %dma_start3A_346 = arith.constant 0 : i32
    %dma_start3A_347 = tpu.memref_slice %arg5[%dma_start3A_345, %dma_start3A_346] : memref<16x64xi32, #tpu.memory_space<vmem>> -> memref<1x64xi32, #tpu.memory_space<vmem>>
    %dma_start3A_348 = tpu.memref_squeeze %dma_start3A_347 : memref<1x64xi32, #tpu.memory_space<vmem>> -> memref<64xi32, #tpu.memory_space<vmem>>
    %dma_start3A_349 = arith.constant 0 : i32
    %dma_start3A_350 = arith.constant 0 : i32
    %dma_start3A_351 = tpu.memref_slice %arg2[%dma_start3A_349, %dma_start3A_350] : memref<10000x128xf32, #tpu.memory_space<hbm>> -> memref<10000x128xf32, #tpu.memory_space<hbm>>
    tpu.enqueue_indirect_dma source(%dma_start3A_351 : memref<10000x128xf32, #tpu.memory_space<hbm>>) target(%arg10 : memref<64x128xf32, #tpu.memory_space<vmem>>) offsets(%dma_start3A_348 : memref<64xi32, #tpu.memory_space<vmem>>) semaphore(%arg16 : memref<!tpu.dma_semaphore, #tpu.memory_space<semaphore_mem>>)
    %dma_start3A_352 = arith.constant 2 : i32
    %dma_start3A_353 = arith.constant 0 : i32
    %dma_start3A_354 = tpu.memref_slice %arg5[%dma_start3A_352, %dma_start3A_353] : memref<16x64xi32, #tpu.memory_space<vmem>> -> memref<1x64xi32, #tpu.memory_space<vmem>>
    %dma_start3A_355 = tpu.memref_squeeze %dma_start3A_354 : memref<1x64xi32, #tpu.memory_space<vmem>> -> memref<64xi32, #tpu.memory_space<vmem>>
    %dma_start3A_356 = arith.constant 0 : i32
    %dma_start3A_357 = arith.constant 0 : i32
    %dma_start3A_358 = tpu.memref_slice %arg2[%dma_start3A_356, %dma_start3A_357] : memref<10000x128xf32, #tpu.memory_space<hbm>> -> memref<10000x128xf32, #tpu.memory_space<hbm>>
    tpu.enqueue_indirect_dma source(%dma_start3A_358 : memref<10000x128xf32, #tpu.memory_space<hbm>>) target(%arg11 : memref<64x128xf32, #tpu.memory_space<vmem>>) offsets(%dma_start3A_355 : memref<64xi32, #tpu.memory_space<vmem>>) semaphore(%arg17 : memref<!tpu.dma_semaphore, #tpu.memory_space<semaphore_mem>>)
    %dma_start3A_359 = arith.constant 3 : i32
    %dma_start3A_360 = arith.constant 0 : i32
    %dma_start3A_361 = tpu.memref_slice %arg5[%dma_start3A_359, %dma_start3A_360] : memref<16x64xi32, #tpu.memory_space<vmem>> -> memref<1x64xi32, #tpu.memory_space<vmem>>
    %dma_start3A_362 = tpu.memref_squeeze %dma_start3A_361 : memref<1x64xi32, #tpu.memory_space<vmem>> -> memref<64xi32, #tpu.memory_space<vmem>>
    %dma_start3A_363 = arith.constant 0 : i32
    %dma_start3A_364 = arith.constant 0 : i32
    %dma_start3A_365 = tpu.memref_slice %arg2[%dma_start3A_363, %dma_start3A_364] : memref<10000x128xf32, #tpu.memory_space<hbm>> -> memref<10000x128xf32, #tpu.memory_space<hbm>>
    tpu.enqueue_indirect_dma source(%dma_start3A_365 : memref<10000x128xf32, #tpu.memory_space<hbm>>) target(%arg12 : memref<64x128xf32, #tpu.memory_space<vmem>>) offsets(%dma_start3A_362 : memref<64xi32, #tpu.memory_space<vmem>>) semaphore(%arg18 : memref<!tpu.dma_semaphore, #tpu.memory_space<semaphore_mem>>)
    %scan3A_366 = arith.constant 0 : i32
    %scan3A_367 = arith.constant 0 : i32
    %scan3A_368 = arith.constant 3 : i32
    %scan3A_369 = arith.addi %scan3A_367, %scan3A_368 : i32
    %scan3A_370 = arith.constant 1 : i32
    scf.for %scan3A_1457 = %scan3A_367 to %scan3A_369 step %scan3A_370  : i32 {
      %mul3A_1458 = arith.constant 4 : i32
      %mul3A_1459 = arith.muli %scan3A_1457, %mul3A_1458 : i32
      %add3A_1460 = arith.constant 0 : i32
      %add3A_1461 = arith.addi %mul3A_1459, %add3A_1460 : i32
      %dma_wait3A_1462 = arith.constant 0 : i32
      %dma_wait3A_1463 = tpu.memref_slice %arg5[%add3A_1461, %dma_wait3A_1462] : memref<16x64xi32, #tpu.memory_space<vmem>> -> memref<1x64xi32, #tpu.memory_space<vmem>>
      %dma_wait3A_1464 = tpu.memref_squeeze %dma_wait3A_1463 : memref<1x64xi32, #tpu.memory_space<vmem>> -> memref<64xi32, #tpu.memory_space<vmem>>
      %dma_wait3A_1465 = arith.constant 0 : i32
      %dma_wait3A_1466 = arith.constant 0 : i32
      %dma_wait3A_1467 = tpu.memref_slice %arg2[%dma_wait3A_1465, %dma_wait3A_1466] : memref<10000x128xf32, #tpu.memory_space<hbm>> -> memref<10000x128xf32, #tpu.memory_space<hbm>>
      tpu.wait_indirect_dma semaphore(%arg15 : memref<!tpu.dma_semaphore, #tpu.memory_space<semaphore_mem>>) src(%dma_wait3A_1467 : memref<10000x128xf32, #tpu.memory_space<hbm>>) dst(%arg9 : memref<64x128xf32, #tpu.memory_space<vmem>>)
      %add3A_1468 = arith.constant 0 : i32
      %add3A_1469 = arith.addi %mul3A_1459, %add3A_1468 : i32
      %dma_start3A_1470 = arith.constant 0 : i32
      %dma_start3A_1471 = tpu.memref_slice %arg7[%add3A_1469, %dma_start3A_1470] : memref<16x64xi32, #tpu.memory_space<vmem>> -> memref<1x64xi32, #tpu.memory_space<vmem>>
      %dma_start3A_1472 = tpu.memref_squeeze %dma_start3A_1471 : memref<1x64xi32, #tpu.memory_space<vmem>> -> memref<64xi32, #tpu.memory_space<vmem>>
      %dma_start3A_1473 = arith.constant 0 : i32
      %dma_start3A_1474 = arith.constant 0 : i32
      %dma_start3A_1475 = tpu.memref_slice %arg14[%dma_start3A_1473, %dma_start3A_1474] : memref<10240x128xf32, #tpu.memory_space<vmem_shared>> -> memref<10240x128xf32, #tpu.memory_space<vmem_shared>>
      tpu.enqueue_indirect_dma source(%arg9 : memref<64x128xf32, #tpu.memory_space<vmem>>) target(%dma_start3A_1475 : memref<10240x128xf32, #tpu.memory_space<vmem_shared>>) offsets(%dma_start3A_1472 : memref<64xi32, #tpu.memory_space<vmem>>) semaphore(%arg19 : memref<!tpu.dma_semaphore, #tpu.memory_space<semaphore_mem>>) {add = true}
      %add3A_1476 = arith.constant 1 : i32
      %add3A_1477 = arith.addi %mul3A_1459, %add3A_1476 : i32
      %dma_wait3A_1478 = arith.constant 0 : i32
      %dma_wait3A_1479 = tpu.memref_slice %arg5[%add3A_1477, %dma_wait3A_1478] : memref<16x64xi32, #tpu.memory_space<vmem>> -> memref<1x64xi32, #tpu.memory_space<vmem>>
      %dma_wait3A_1480 = tpu.memref_squeeze %dma_wait3A_1479 : memref<1x64xi32, #tpu.memory_space<vmem>> -> memref<64xi32, #tpu.memory_space<vmem>>
      %dma_wait3A_1481 = arith.constant 0 : i32
      %dma_wait3A_1482 = arith.constant 0 : i32
      %dma_wait3A_1483 = tpu.memref_slice %arg2[%dma_wait3A_1481, %dma_wait3A_1482] : memref<10000x128xf32, #tpu.memory_space<hbm>> -> memref<10000x128xf32, #tpu.memory_space<hbm>>
      tpu.wait_indirect_dma semaphore(%arg16 : memref<!tpu.dma_semaphore, #tpu.memory_space<semaphore_mem>>) src(%dma_wait3A_1483 : memref<10000x128xf32, #tpu.memory_space<hbm>>) dst(%arg10 : memref<64x128xf32, #tpu.memory_space<vmem>>)
      %add3A_1484 = arith.constant 1 : i32
      %add3A_1485 = arith.addi %mul3A_1459, %add3A_1484 : i32
      %dma_start3A_1486 = arith.constant 0 : i32
      %dma_start3A_1487 = tpu.memref_slice %arg7[%add3A_1485, %dma_start3A_1486] : memref<16x64xi32, #tpu.memory_space<vmem>> -> memref<1x64xi32, #tpu.memory_space<vmem>>
      %dma_start3A_1488 = tpu.memref_squeeze %dma_start3A_1487 : memref<1x64xi32, #tpu.memory_space<vmem>> -> memref<64xi32, #tpu.memory_space<vmem>>
      %dma_start3A_1489 = arith.constant 0 : i32
      %dma_start3A_1490 = arith.constant 0 : i32
      %dma_start3A_1491 = tpu.memref_slice %arg14[%dma_start3A_1489, %dma_start3A_1490] : memref<10240x128xf32, #tpu.memory_space<vmem_shared>> -> memref<10240x128xf32, #tpu.memory_space<vmem_shared>>
      tpu.enqueue_indirect_dma source(%arg10 : memref<64x128xf32, #tpu.memory_space<vmem>>) target(%dma_start3A_1491 : memref<10240x128xf32, #tpu.memory_space<vmem_shared>>) offsets(%dma_start3A_1488 : memref<64xi32, #tpu.memory_space<vmem>>) semaphore(%arg20 : memref<!tpu.dma_semaphore, #tpu.memory_space<semaphore_mem>>) {add = true}
      %add3A_1492 = arith.constant 2 : i32
      %add3A_1493 = arith.addi %mul3A_1459, %add3A_1492 : i32
      %dma_wait3A_1494 = arith.constant 0 : i32
      %dma_wait3A_1495 = tpu.memref_slice %arg5[%add3A_1493, %dma_wait3A_1494] : memref<16x64xi32, #tpu.memory_space<vmem>> -> memref<1x64xi32, #tpu.memory_space<vmem>>
      %dma_wait3A_1496 = tpu.memref_squeeze %dma_wait3A_1495 : memref<1x64xi32, #tpu.memory_space<vmem>> -> memref<64xi32, #tpu.memory_space<vmem>>
      %dma_wait3A_1497 = arith.constant 0 : i32
      %dma_wait3A_1498 = arith.constant 0 : i32
      %dma_wait3A_1499 = tpu.memref_slice %arg2[%dma_wait3A_1497, %dma_wait3A_1498] : memref<10000x128xf32, #tpu.memory_space<hbm>> -> memref<10000x128xf32, #tpu.memory_space<hbm>>
      tpu.wait_indirect_dma semaphore(%arg17 : memref<!tpu.dma_semaphore, #tpu.memory_space<semaphore_mem>>) src(%dma_wait3A_1499 : memref<10000x128xf32, #tpu.memory_space<hbm>>) dst(%arg11 : memref<64x128xf32, #tpu.memory_space<vmem>>)
      %add3A_1500 = arith.constant 2 : i32
      %add3A_1501 = arith.addi %mul3A_1459, %add3A_1500 : i32
      %dma_start3A_1502 = arith.constant 0 : i32
      %dma_start3A_1503 = tpu.memref_slice %arg7[%add3A_1501, %dma_start3A_1502] : memref<16x64xi32, #tpu.memory_space<vmem>> -> memref<1x64xi32, #tpu.memory_space<vmem>>
      %dma_start3A_1504 = tpu.memref_squeeze %dma_start3A_1503 : memref<1x64xi32, #tpu.memory_space<vmem>> -> memref<64xi32, #tpu.memory_space<vmem>>
      %dma_start3A_1505 = arith.constant 0 : i32
      %dma_start3A_1506 = arith.constant 0 : i32
      %dma_start3A_1507 = tpu.memref_slice %arg14[%dma_start3A_1505, %dma_start3A_1506] : memref<10240x128xf32, #tpu.memory_space<vmem_shared>> -> memref<10240x128xf32, #tpu.memory_space<vmem_shared>>
      tpu.enqueue_indirect_dma source(%arg11 : memref<64x128xf32, #tpu.memory_space<vmem>>) target(%dma_start3A_1507 : memref<10240x128xf32, #tpu.memory_space<vmem_shared>>) offsets(%dma_start3A_1504 : memref<64xi32, #tpu.memory_space<vmem>>) semaphore(%arg21 : memref<!tpu.dma_semaphore, #tpu.memory_space<semaphore_mem>>) {add = true}
      %add3A_1508 = arith.constant 3 : i32
      %add3A_1509 = arith.addi %mul3A_1459, %add3A_1508 : i32
      %dma_wait3A_1510 = arith.constant 0 : i32
      %dma_wait3A_1511 = tpu.memref_slice %arg5[%add3A_1509, %dma_wait3A_1510] : memref<16x64xi32, #tpu.memory_space<vmem>> -> memref<1x64xi32, #tpu.memory_space<vmem>>
      %dma_wait3A_1512 = tpu.memref_squeeze %dma_wait3A_1511 : memref<1x64xi32, #tpu.memory_space<vmem>> -> memref<64xi32, #tpu.memory_space<vmem>>
      %dma_wait3A_1513 = arith.constant 0 : i32
      %dma_wait3A_1514 = arith.constant 0 : i32
      %dma_wait3A_1515 = tpu.memref_slice %arg2[%dma_wait3A_1513, %dma_wait3A_1514] : memref<10000x128xf32, #tpu.memory_space<hbm>> -> memref<10000x128xf32, #tpu.memory_space<hbm>>
      tpu.wait_indirect_dma semaphore(%arg18 : memref<!tpu.dma_semaphore, #tpu.memory_space<semaphore_mem>>) src(%dma_wait3A_1515 : memref<10000x128xf32, #tpu.memory_space<hbm>>) dst(%arg12 : memref<64x128xf32, #tpu.memory_space<vmem>>)
      %add3A_1516 = arith.constant 3 : i32
      %add3A_1517 = arith.addi %mul3A_1459, %add3A_1516 : i32
      %dma_start3A_1518 = arith.constant 0 : i32
      %dma_start3A_1519 = tpu.memref_slice %arg7[%add3A_1517, %dma_start3A_1518] : memref<16x64xi32, #tpu.memory_space<vmem>> -> memref<1x64xi32, #tpu.memory_space<vmem>>
      %dma_start3A_1520 = tpu.memref_squeeze %dma_start3A_1519 : memref<1x64xi32, #tpu.memory_space<vmem>> -> memref<64xi32, #tpu.memory_space<vmem>>
      %dma_start3A_1521 = arith.constant 0 : i32
      %dma_start3A_1522 = arith.constant 0 : i32
      %dma_start3A_1523 = tpu.memref_slice %arg14[%dma_start3A_1521, %dma_start3A_1522] : memref<10240x128xf32, #tpu.memory_space<vmem_shared>> -> memref<10240x128xf32, #tpu.memory_space<vmem_shared>>
      tpu.enqueue_indirect_dma source(%arg12 : memref<64x128xf32, #tpu.memory_space<vmem>>) target(%dma_start3A_1523 : memref<10240x128xf32, #tpu.memory_space<vmem_shared>>) offsets(%dma_start3A_1520 : memref<64xi32, #tpu.memory_space<vmem>>) semaphore(%arg22 : memref<!tpu.dma_semaphore, #tpu.memory_space<semaphore_mem>>) {add = true}
      %add3A_1524 = arith.constant 0 : i32
      %add3A_1525 = arith.addi %mul3A_1459, %add3A_1524 : i32
      %dma_wait3A_1526 = arith.constant 0 : i32
      %dma_wait3A_1527 = tpu.memref_slice %arg7[%add3A_1525, %dma_wait3A_1526] : memref<16x64xi32, #tpu.memory_space<vmem>> -> memref<1x64xi32, #tpu.memory_space<vmem>>
      %dma_wait3A_1528 = tpu.memref_squeeze %dma_wait3A_1527 : memref<1x64xi32, #tpu.memory_space<vmem>> -> memref<64xi32, #tpu.memory_space<vmem>>
      %dma_wait3A_1529 = arith.constant 0 : i32
      %dma_wait3A_1530 = arith.constant 0 : i32
      %dma_wait3A_1531 = tpu.memref_slice %arg14[%dma_wait3A_1529, %dma_wait3A_1530] : memref<10240x128xf32, #tpu.memory_space<vmem_shared>> -> memref<10240x128xf32, #tpu.memory_space<vmem_shared>>
      tpu.wait_indirect_dma semaphore(%arg19 : memref<!tpu.dma_semaphore, #tpu.memory_space<semaphore_mem>>) src(%arg9 : memref<64x128xf32, #tpu.memory_space<vmem>>) dst(%dma_wait3A_1531 : memref<10240x128xf32, #tpu.memory_space<vmem_shared>>)
      %add3A_1532 = arith.constant 4 : i32
      %add3A_1533 = arith.addi %mul3A_1459, %add3A_1532 : i32
      %add3A_1534 = arith.constant 0 : i32
      %add3A_1535 = arith.addi %add3A_1533, %add3A_1534 : i32
      %dma_start3A_1536 = arith.constant 0 : i32
      %dma_start3A_1537 = tpu.memref_slice %arg5[%add3A_1535, %dma_start3A_1536] : memref<16x64xi32, #tpu.memory_space<vmem>> -> memref<1x64xi32, #tpu.memory_space<vmem>>
      %dma_start3A_1538 = tpu.memref_squeeze %dma_start3A_1537 : memref<1x64xi32, #tpu.memory_space<vmem>> -> memref<64xi32, #tpu.memory_space<vmem>>
      %dma_start3A_1539 = arith.constant 0 : i32
      %dma_start3A_1540 = arith.constant 0 : i32
      %dma_start3A_1541 = tpu.memref_slice %arg2[%dma_start3A_1539, %dma_start3A_1540] : memref<10000x128xf32, #tpu.memory_space<hbm>> -> memref<10000x128xf32, #tpu.memory_space<hbm>>
      tpu.enqueue_indirect_dma source(%dma_start3A_1541 : memref<10000x128xf32, #tpu.memory_space<hbm>>) target(%arg9 : memref<64x128xf32, #tpu.memory_space<vmem>>) offsets(%dma_start3A_1538 : memref<64xi32, #tpu.memory_space<vmem>>) semaphore(%arg15 : memref<!tpu.dma_semaphore, #tpu.memory_space<semaphore_mem>>)
      %add3A_1542 = arith.constant 1 : i32
      %add3A_1543 = arith.addi %mul3A_1459, %add3A_1542 : i32
      %dma_wait3A_1544 = arith.constant 0 : i32
      %dma_wait3A_1545 = tpu.memref_slice %arg7[%add3A_1543, %dma_wait3A_1544] : memref<16x64xi32, #tpu.memory_space<vmem>> -> memref<1x64xi32, #tpu.memory_space<vmem>>
      %dma_wait3A_1546 = tpu.memref_squeeze %dma_wait3A_1545 : memref<1x64xi32, #tpu.memory_space<vmem>> -> memref<64xi32, #tpu.memory_space<vmem>>
      %dma_wait3A_1547 = arith.constant 0 : i32
      %dma_wait3A_1548 = arith.constant 0 : i32
      %dma_wait3A_1549 = tpu.memref_slice %arg14[%dma_wait3A_1547, %dma_wait3A_1548] : memref<10240x128xf32, #tpu.memory_space<vmem_shared>> -> memref<10240x128xf32, #tpu.memory_space<vmem_shared>>
      tpu.wait_indirect_dma semaphore(%arg20 : memref<!tpu.dma_semaphore, #tpu.memory_space<semaphore_mem>>) src(%arg10 : memref<64x128xf32, #tpu.memory_space<vmem>>) dst(%dma_wait3A_1549 : memref<10240x128xf32, #tpu.memory_space<vmem_shared>>)
      %add3A_1550 = arith.constant 4 : i32
      %add3A_1551 = arith.addi %mul3A_1459, %add3A_1550 : i32
      %add3A_1552 = arith.constant 1 : i32
      %add3A_1553 = arith.addi %add3A_1551, %add3A_1552 : i32
      %dma_start3A_1554 = arith.constant 0 : i32
      %dma_start3A_1555 = tpu.memref_slice %arg5[%add3A_1553, %dma_start3A_1554] : memref<16x64xi32, #tpu.memory_space<vmem>> -> memref<1x64xi32, #tpu.memory_space<vmem>>
      %dma_start3A_1556 = tpu.memref_squeeze %dma_start3A_1555 : memref<1x64xi32, #tpu.memory_space<vmem>> -> memref<64xi32, #tpu.memory_space<vmem>>
      %dma_start3A_1557 = arith.constant 0 : i32
      %dma_start3A_1558 = arith.constant 0 : i32
      %dma_start3A_1559 = tpu.memref_slice %arg2[%dma_start3A_1557, %dma_start3A_1558] : memref<10000x128xf32, #tpu.memory_space<hbm>> -> memref<10000x128xf32, #tpu.memory_space<hbm>>
      tpu.enqueue_indirect_dma source(%dma_start3A_1559 : memref<10000x128xf32, #tpu.memory_space<hbm>>) target(%arg10 : memref<64x128xf32, #tpu.memory_space<vmem>>) offsets(%dma_start3A_1556 : memref<64xi32, #tpu.memory_space<vmem>>) semaphore(%arg16 : memref<!tpu.dma_semaphore, #tpu.memory_space<semaphore_mem>>)
      %add3A_1560 = arith.constant 2 : i32
      %add3A_1561 = arith.addi %mul3A_1459, %add3A_1560 : i32
      %dma_wait3A_1562 = arith.constant 0 : i32
      %dma_wait3A_1563 = tpu.memref_slice %arg7[%add3A_1561, %dma_wait3A_1562] : memref<16x64xi32, #tpu.memory_space<vmem>> -> memref<1x64xi32, #tpu.memory_space<vmem>>
      %dma_wait3A_1564 = tpu.memref_squeeze %dma_wait3A_1563 : memref<1x64xi32, #tpu.memory_space<vmem>> -> memref<64xi32, #tpu.memory_space<vmem>>
      %dma_wait3A_1565 = arith.constant 0 : i32
      %dma_wait3A_1566 = arith.constant 0 : i32
      %dma_wait3A_1567 = tpu.memref_slice %arg14[%dma_wait3A_1565, %dma_wait3A_1566] : memref<10240x128xf32, #tpu.memory_space<vmem_shared>> -> memref<10240x128xf32, #tpu.memory_space<vmem_shared>>
      tpu.wait_indirect_dma semaphore(%arg21 : memref<!tpu.dma_semaphore, #tpu.memory_space<semaphore_mem>>) src(%arg11 : memref<64x128xf32, #tpu.memory_space<vmem>>) dst(%dma_wait3A_1567 : memref<10240x128xf32, #tpu.memory_space<vmem_shared>>)
      %add3A_1568 = arith.constant 4 : i32
      %add3A_1569 = arith.addi %mul3A_1459, %add3A_1568 : i32
      %add3A_1570 = arith.constant 2 : i32
      %add3A_1571 = arith.addi %add3A_1569, %add3A_1570 : i32
      %dma_start3A_1572 = arith.constant 0 : i32
      %dma_start3A_1573 = tpu.memref_slice %arg5[%add3A_1571, %dma_start3A_1572] : memref<16x64xi32, #tpu.memory_space<vmem>> -> memref<1x64xi32, #tpu.memory_space<vmem>>
      %dma_start3A_1574 = tpu.memref_squeeze %dma_start3A_1573 : memref<1x64xi32, #tpu.memory_space<vmem>> -> memref<64xi32, #tpu.memory_space<vmem>>
      %dma_start3A_1575 = arith.constant 0 : i32
      %dma_start3A_1576 = arith.constant 0 : i32
      %dma_start3A_1577 = tpu.memref_slice %arg2[%dma_start3A_1575, %dma_start3A_1576] : memref<10000x128xf32, #tpu.memory_space<hbm>> -> memref<10000x128xf32, #tpu.memory_space<hbm>>
      tpu.enqueue_indirect_dma source(%dma_start3A_1577 : memref<10000x128xf32, #tpu.memory_space<hbm>>) target(%arg11 : memref<64x128xf32, #tpu.memory_space<vmem>>) offsets(%dma_start3A_1574 : memref<64xi32, #tpu.memory_space<vmem>>) semaphore(%arg17 : memref<!tpu.dma_semaphore, #tpu.memory_space<semaphore_mem>>)
      %add3A_1578 = arith.constant 3 : i32
      %add3A_1579 = arith.addi %mul3A_1459, %add3A_1578 : i32
      %dma_wait3A_1580 = arith.constant 0 : i32
      %dma_wait3A_1581 = tpu.memref_slice %arg7[%add3A_1579, %dma_wait3A_1580] : memref<16x64xi32, #tpu.memory_space<vmem>> -> memref<1x64xi32, #tpu.memory_space<vmem>>
      %dma_wait3A_1582 = tpu.memref_squeeze %dma_wait3A_1581 : memref<1x64xi32, #tpu.memory_space<vmem>> -> memref<64xi32, #tpu.memory_space<vmem>>
      %dma_wait3A_1583 = arith.constant 0 : i32
      %dma_wait3A_1584 = arith.constant 0 : i32
      %dma_wait3A_1585 = tpu.memref_slice %arg14[%dma_wait3A_1583, %dma_wait3A_1584] : memref<10240x128xf32, #tpu.memory_space<vmem_shared>> -> memref<10240x128xf32, #tpu.memory_space<vmem_shared>>
      tpu.wait_indirect_dma semaphore(%arg22 : memref<!tpu.dma_semaphore, #tpu.memory_space<semaphore_mem>>) src(%arg12 : memref<64x128xf32, #tpu.memory_space<vmem>>) dst(%dma_wait3A_1585 : memref<10240x128xf32, #tpu.memory_space<vmem_shared>>)
      %add3A_1586 = arith.constant 4 : i32
      %add3A_1587 = arith.addi %mul3A_1459, %add3A_1586 : i32
      %add3A_1588 = arith.constant 3 : i32
      %add3A_1589 = arith.addi %add3A_1587, %add3A_1588 : i32
      %dma_start3A_1590 = arith.constant 0 : i32
      %dma_start3A_1591 = tpu.memref_slice %arg5[%add3A_1589, %dma_start3A_1590] : memref<16x64xi32, #tpu.memory_space<vmem>> -> memref<1x64xi32, #tpu.memory_space<vmem>>
      %dma_start3A_1592 = tpu.memref_squeeze %dma_start3A_1591 : memref<1x64xi32, #tpu.memory_space<vmem>> -> memref<64xi32, #tpu.memory_space<vmem>>
      %dma_start3A_1593 = arith.constant 0 : i32
      %dma_start3A_1594 = arith.constant 0 : i32
      %dma_start3A_1595 = tpu.memref_slice %arg2[%dma_start3A_1593, %dma_start3A_1594] : memref<10000x128xf32, #tpu.memory_space<hbm>> -> memref<10000x128xf32, #tpu.memory_space<hbm>>
      tpu.enqueue_indirect_dma source(%dma_start3A_1595 : memref<10000x128xf32, #tpu.memory_space<hbm>>) target(%arg12 : memref<64x128xf32, #tpu.memory_space<vmem>>) offsets(%dma_start3A_1592 : memref<64xi32, #tpu.memory_space<vmem>>) semaphore(%arg18 : memref<!tpu.dma_semaphore, #tpu.memory_space<semaphore_mem>>)
    }
    %scan3A_371 = arith.constant 3 : i32
    %dma_wait3A_372 = arith.constant 12 : i32
    %dma_wait3A_373 = arith.constant 0 : i32
    %dma_wait3A_374 = tpu.memref_slice %arg5[%dma_wait3A_372, %dma_wait3A_373] : memref<16x64xi32, #tpu.memory_space<vmem>> -> memref<1x64xi32, #tpu.memory_space<vmem>>
    %dma_wait3A_375 = tpu.memref_squeeze %dma_wait3A_374 : memref<1x64xi32, #tpu.memory_space<vmem>> -> memref<64xi32, #tpu.memory_space<vmem>>
    %dma_wait3A_376 = arith.constant 0 : i32
    %dma_wait3A_377 = arith.constant 0 : i32
    %dma_wait3A_378 = tpu.memref_slice %arg2[%dma_wait3A_376, %dma_wait3A_377] : memref<10000x128xf32, #tpu.memory_space<hbm>> -> memref<10000x128xf32, #tpu.memory_space<hbm>>
    tpu.wait_indirect_dma semaphore(%arg15 : memref<!tpu.dma_semaphore, #tpu.memory_space<semaphore_mem>>) src(%dma_wait3A_378 : memref<10000x128xf32, #tpu.memory_space<hbm>>) dst(%arg9 : memref<64x128xf32, #tpu.memory_space<vmem>>)
    %dma_start3A_379 = arith.constant 12 : i32
    %dma_start3A_380 = arith.constant 0 : i32
    %dma_start3A_381 = tpu.memref_slice %arg7[%dma_start3A_379, %dma_start3A_380] : memref<16x64xi32, #tpu.memory_space<vmem>> -> memref<1x64xi32, #tpu.memory_space<vmem>>
    %dma_start3A_382 = tpu.memref_squeeze %dma_start3A_381 : memref<1x64xi32, #tpu.memory_space<vmem>> -> memref<64xi32, #tpu.memory_space<vmem>>
    %dma_start3A_383 = arith.constant 0 : i32
    %dma_start3A_384 = arith.constant 0 : i32
    %dma_start3A_385 = tpu.memref_slice %arg14[%dma_start3A_383, %dma_start3A_384] : memref<10240x128xf32, #tpu.memory_space<vmem_shared>> -> memref<10240x128xf32, #tpu.memory_space<vmem_shared>>
    tpu.enqueue_indirect_dma source(%arg9 : memref<64x128xf32, #tpu.memory_space<vmem>>) target(%dma_start3A_385 : memref<10240x128xf32, #tpu.memory_space<vmem_shared>>) offsets(%dma_start3A_382 : memref<64xi32, #tpu.memory_space<vmem>>) semaphore(%arg19 : memref<!tpu.dma_semaphore, #tpu.memory_space<semaphore_mem>>) {add = true}
    %dma_wait3A_386 = arith.constant 13 : i32
    %dma_wait3A_387 = arith.constant 0 : i32
    %dma_wait3A_388 = tpu.memref_slice %arg5[%dma_wait3A_386, %dma_wait3A_387] : memref<16x64xi32, #tpu.memory_space<vmem>> -> memref<1x64xi32, #tpu.memory_space<vmem>>
    %dma_wait3A_389 = tpu.memref_squeeze %dma_wait3A_388 : memref<1x64xi32, #tpu.memory_space<vmem>> -> memref<64xi32, #tpu.memory_space<vmem>>
    %dma_wait3A_390 = arith.constant 0 : i32
    %dma_wait3A_391 = arith.constant 0 : i32
    %dma_wait3A_392 = tpu.memref_slice %arg2[%dma_wait3A_390, %dma_wait3A_391] : memref<10000x128xf32, #tpu.memory_space<hbm>> -> memref<10000x128xf32, #tpu.memory_space<hbm>>
    tpu.wait_indirect_dma semaphore(%arg16 : memref<!tpu.dma_semaphore, #tpu.memory_space<semaphore_mem>>) src(%dma_wait3A_392 : memref<10000x128xf32, #tpu.memory_space<hbm>>) dst(%arg10 : memref<64x128xf32, #tpu.memory_space<vmem>>)
    %dma_start3A_393 = arith.constant 13 : i32
    %dma_start3A_394 = arith.constant 0 : i32
    %dma_start3A_395 = tpu.memref_slice %arg7[%dma_start3A_393, %dma_start3A_394] : memref<16x64xi32, #tpu.memory_space<vmem>> -> memref<1x64xi32, #tpu.memory_space<vmem>>
    %dma_start3A_396 = tpu.memref_squeeze %dma_start3A_395 : memref<1x64xi32, #tpu.memory_space<vmem>> -> memref<64xi32, #tpu.memory_space<vmem>>
    %dma_start3A_397 = arith.constant 0 : i32
    %dma_start3A_398 = arith.constant 0 : i32
    %dma_start3A_399 = tpu.memref_slice %arg14[%dma_start3A_397, %dma_start3A_398] : memref<10240x128xf32, #tpu.memory_space<vmem_shared>> -> memref<10240x128xf32, #tpu.memory_space<vmem_shared>>
    tpu.enqueue_indirect_dma source(%arg10 : memref<64x128xf32, #tpu.memory_space<vmem>>) target(%dma_start3A_399 : memref<10240x128xf32, #tpu.memory_space<vmem_shared>>) offsets(%dma_start3A_396 : memref<64xi32, #tpu.memory_space<vmem>>) semaphore(%arg20 : memref<!tpu.dma_semaphore, #tpu.memory_space<semaphore_mem>>) {add = true}
    %dma_wait3A_400 = arith.constant 14 : i32
    %dma_wait3A_401 = arith.constant 0 : i32
    %dma_wait3A_402 = tpu.memref_slice %arg5[%dma_wait3A_400, %dma_wait3A_401] : memref<16x64xi32, #tpu.memory_space<vmem>> -> memref<1x64xi32, #tpu.memory_space<vmem>>
    %dma_wait3A_403 = tpu.memref_squeeze %dma_wait3A_402 : memref<1x64xi32, #tpu.memory_space<vmem>> -> memref<64xi32, #tpu.memory_space<vmem>>
    %dma_wait3A_404 = arith.constant 0 : i32
    %dma_wait3A_405 = arith.constant 0 : i32
    %dma_wait3A_406 = tpu.memref_slice %arg2[%dma_wait3A_404, %dma_wait3A_405] : memref<10000x128xf32, #tpu.memory_space<hbm>> -> memref<10000x128xf32, #tpu.memory_space<hbm>>
    tpu.wait_indirect_dma semaphore(%arg17 : memref<!tpu.dma_semaphore, #tpu.memory_space<semaphore_mem>>) src(%dma_wait3A_406 : memref<10000x128xf32, #tpu.memory_space<hbm>>) dst(%arg11 : memref<64x128xf32, #tpu.memory_space<vmem>>)
    %dma_start3A_407 = arith.constant 14 : i32
    %dma_start3A_408 = arith.constant 0 : i32
    %dma_start3A_409 = tpu.memref_slice %arg7[%dma_start3A_407, %dma_start3A_408] : memref<16x64xi32, #tpu.memory_space<vmem>> -> memref<1x64xi32, #tpu.memory_space<vmem>>
    %dma_start3A_410 = tpu.memref_squeeze %dma_start3A_409 : memref<1x64xi32, #tpu.memory_space<vmem>> -> memref<64xi32, #tpu.memory_space<vmem>>
    %dma_start3A_411 = arith.constant 0 : i32
    %dma_start3A_412 = arith.constant 0 : i32
    %dma_start3A_413 = tpu.memref_slice %arg14[%dma_start3A_411, %dma_start3A_412] : memref<10240x128xf32, #tpu.memory_space<vmem_shared>> -> memref<10240x128xf32, #tpu.memory_space<vmem_shared>>
    tpu.enqueue_indirect_dma source(%arg11 : memref<64x128xf32, #tpu.memory_space<vmem>>) target(%dma_start3A_413 : memref<10240x128xf32, #tpu.memory_space<vmem_shared>>) offsets(%dma_start3A_410 : memref<64xi32, #tpu.memory_space<vmem>>) semaphore(%arg21 : memref<!tpu.dma_semaphore, #tpu.memory_space<semaphore_mem>>) {add = true}
    %dma_wait3A_414 = arith.constant 15 : i32
    %dma_wait3A_415 = arith.constant 0 : i32
    %dma_wait3A_416 = tpu.memref_slice %arg5[%dma_wait3A_414, %dma_wait3A_415] : memref<16x64xi32, #tpu.memory_space<vmem>> -> memref<1x64xi32, #tpu.memory_space<vmem>>
    %dma_wait3A_417 = tpu.memref_squeeze %dma_wait3A_416 : memref<1x64xi32, #tpu.memory_space<vmem>> -> memref<64xi32, #tpu.memory_space<vmem>>
    %dma_wait3A_418 = arith.constant 0 : i32
    %dma_wait3A_419 = arith.constant 0 : i32
    %dma_wait3A_420 = tpu.memref_slice %arg2[%dma_wait3A_418, %dma_wait3A_419] : memref<10000x128xf32, #tpu.memory_space<hbm>> -> memref<10000x128xf32, #tpu.memory_space<hbm>>
    tpu.wait_indirect_dma semaphore(%arg18 : memref<!tpu.dma_semaphore, #tpu.memory_space<semaphore_mem>>) src(%dma_wait3A_420 : memref<10000x128xf32, #tpu.memory_space<hbm>>) dst(%arg12 : memref<64x128xf32, #tpu.memory_space<vmem>>)
    %dma_start3A_421 = arith.constant 15 : i32
    %dma_start3A_422 = arith.constant 0 : i32
    %dma_start3A_423 = tpu.memref_slice %arg7[%dma_start3A_421, %dma_start3A_422] : memref<16x64xi32, #tpu.memory_space<vmem>> -> memref<1x64xi32, #tpu.memory_space<vmem>>
    %dma_start3A_424 = tpu.memref_squeeze %dma_start3A_423 : memref<1x64xi32, #tpu.memory_space<vmem>> -> memref<64xi32, #tpu.memory_space<vmem>>
    %dma_start3A_425 = arith.constant 0 : i32
    %dma_start3A_426 = arith.constant 0 : i32
    %dma_start3A_427 = tpu.memref_slice %arg14[%dma_start3A_425, %dma_start3A_426] : memref<10240x128xf32, #tpu.memory_space<vmem_shared>> -> memref<10240x128xf32, #tpu.memory_space<vmem_shared>>
    tpu.enqueue_indirect_dma source(%arg12 : memref<64x128xf32, #tpu.memory_space<vmem>>) target(%dma_start3A_427 : memref<10240x128xf32, #tpu.memory_space<vmem_shared>>) offsets(%dma_start3A_424 : memref<64xi32, #tpu.memory_space<vmem>>) semaphore(%arg22 : memref<!tpu.dma_semaphore, #tpu.memory_space<semaphore_mem>>) {add = true}
    %dma_wait3A_428 = arith.constant 12 : i32
    %dma_wait3A_429 = arith.constant 0 : i32
    %dma_wait3A_430 = tpu.memref_slice %arg7[%dma_wait3A_428, %dma_wait3A_429] : memref<16x64xi32, #tpu.memory_space<vmem>> -> memref<1x64xi32, #tpu.memory_space<vmem>>
    %dma_wait3A_431 = tpu.memref_squeeze %dma_wait3A_430 : memref<1x64xi32, #tpu.memory_space<vmem>> -> memref<64xi32, #tpu.memory_space<vmem>>
    %dma_wait3A_432 = arith.constant 0 : i32
    %dma_wait3A_433 = arith.constant 0 : i32
    %dma_wait3A_434 = tpu.memref_slice %arg14[%dma_wait3A_432, %dma_wait3A_433] : memref<10240x128xf32, #tpu.memory_space<vmem_shared>> -> memref<10240x128xf32, #tpu.memory_space<vmem_shared>>
    tpu.wait_indirect_dma semaphore(%arg19 : memref<!tpu.dma_semaphore, #tpu.memory_space<semaphore_mem>>) src(%arg9 : memref<64x128xf32, #tpu.memory_space<vmem>>) dst(%dma_wait3A_434 : memref<10240x128xf32, #tpu.memory_space<vmem_shared>>)
    %dma_wait3A_435 = arith.constant 13 : i32
    %dma_wait3A_436 = arith.constant 0 : i32
    %dma_wait3A_437 = tpu.memref_slice %arg7[%dma_wait3A_435, %dma_wait3A_436] : memref<16x64xi32, #tpu.memory_space<vmem>> -> memref<1x64xi32, #tpu.memory_space<vmem>>
    %dma_wait3A_438 = tpu.memref_squeeze %dma_wait3A_437 : memref<1x64xi32, #tpu.memory_space<vmem>> -> memref<64xi32, #tpu.memory_space<vmem>>
    %dma_wait3A_439 = arith.constant 0 : i32
    %dma_wait3A_440 = arith.constant 0 : i32
    %dma_wait3A_441 = tpu.memref_slice %arg14[%dma_wait3A_439, %dma_wait3A_440] : memref<10240x128xf32, #tpu.memory_space<vmem_shared>> -> memref<10240x128xf32, #tpu.memory_space<vmem_shared>>
    tpu.wait_indirect_dma semaphore(%arg20 : memref<!tpu.dma_semaphore, #tpu.memory_space<semaphore_mem>>) src(%arg10 : memref<64x128xf32, #tpu.memory_space<vmem>>) dst(%dma_wait3A_441 : memref<10240x128xf32, #tpu.memory_space<vmem_shared>>)
    %dma_wait3A_442 = arith.constant 14 : i32
    %dma_wait3A_443 = arith.constant 0 : i32
    %dma_wait3A_444 = tpu.memref_slice %arg7[%dma_wait3A_442, %dma_wait3A_443] : memref<16x64xi32, #tpu.memory_space<vmem>> -> memref<1x64xi32, #tpu.memory_space<vmem>>
    %dma_wait3A_445 = tpu.memref_squeeze %dma_wait3A_444 : memref<1x64xi32, #tpu.memory_space<vmem>> -> memref<64xi32, #tpu.memory_space<vmem>>
    %dma_wait3A_446 = arith.constant 0 : i32
    %dma_wait3A_447 = arith.constant 0 : i32
    %dma_wait3A_448 = tpu.memref_slice %arg14[%dma_wait3A_446, %dma_wait3A_447] : memref<10240x128xf32, #tpu.memory_space<vmem_shared>> -> memref<10240x128xf32, #tpu.memory_space<vmem_shared>>
    tpu.wait_indirect_dma semaphore(%arg21 : memref<!tpu.dma_semaphore, #tpu.memory_space<semaphore_mem>>) src(%arg11 : memref<64x128xf32, #tpu.memory_space<vmem>>) dst(%dma_wait3A_448 : memref<10240x128xf32, #tpu.memory_space<vmem_shared>>)
    %dma_wait3A_449 = arith.constant 15 : i32
    %dma_wait3A_450 = arith.constant 0 : i32
    %dma_wait3A_451 = tpu.memref_slice %arg7[%dma_wait3A_449, %dma_wait3A_450] : memref<16x64xi32, #tpu.memory_space<vmem>> -> memref<1x64xi32, #tpu.memory_space<vmem>>
    %dma_wait3A_452 = tpu.memref_squeeze %dma_wait3A_451 : memref<1x64xi32, #tpu.memory_space<vmem>> -> memref<64xi32, #tpu.memory_space<vmem>>
    %dma_wait3A_453 = arith.constant 0 : i32
    %dma_wait3A_454 = arith.constant 0 : i32
    %dma_wait3A_455 = tpu.memref_slice %arg14[%dma_wait3A_453, %dma_wait3A_454] : memref<10240x128xf32, #tpu.memory_space<vmem_shared>> -> memref<10240x128xf32, #tpu.memory_space<vmem_shared>>
    tpu.wait_indirect_dma semaphore(%arg22 : memref<!tpu.dma_semaphore, #tpu.memory_space<semaphore_mem>>) src(%arg12 : memref<64x128xf32, #tpu.memory_space<vmem>>) dst(%dma_wait3A_455 : memref<10240x128xf32, #tpu.memory_space<vmem_shared>>)
    %dma_wait3A_456 = arith.constant 0 : i32
    %dma_wait3A_457 = arith.constant 0 : i32
    %dma_wait3A_458 = tpu.memref_slice %arg3[%dma_wait3A_456, %dma_wait3A_457] : memref<10240x64xi32, #tpu.memory_space<hbm>> -> memref<16x64xi32, #tpu.memory_space<hbm>>
    %dma_wait3A_459 = arith.constant 0 : i32
    %dma_wait3A_460 = arith.constant 0 : i32
    %dma_wait3A_461 = tpu.memref_slice %arg3[%dma_wait3A_459, %dma_wait3A_460] : memref<10240x64xi32, #tpu.memory_space<hbm>> -> memref<16x64xi32, #tpu.memory_space<hbm>>
    tpu.wait_dma2 semaphore(%arg24 : memref<!tpu.dma_semaphore, #tpu.memory_space<semaphore_mem>>) src(%dma_wait3A_461 : memref<16x64xi32, #tpu.memory_space<hbm>>) dst(%arg6 : memref<16x64xi32, #tpu.memory_space<vmem>>)
    %dma_wait3A_462 = arith.constant 0 : i32
    %dma_wait3A_463 = arith.constant 0 : i32
    %dma_wait3A_464 = tpu.memref_slice %arg3[%dma_wait3A_462, %dma_wait3A_463] : memref<10240x64xi32, #tpu.memory_space<hbm>> -> memref<16x64xi32, #tpu.memory_space<hbm>>
    %dma_wait3A_465 = arith.constant 0 : i32
    %dma_wait3A_466 = arith.constant 0 : i32
    %dma_wait3A_467 = tpu.memref_slice %arg3[%dma_wait3A_465, %dma_wait3A_466] : memref<10240x64xi32, #tpu.memory_space<hbm>> -> memref<16x64xi32, #tpu.memory_space<hbm>>
    tpu.wait_dma2 semaphore(%arg24 : memref<!tpu.dma_semaphore, #tpu.memory_space<semaphore_mem>>) src(%dma_wait3A_467 : memref<16x64xi32, #tpu.memory_space<hbm>>) dst(%arg8 : memref<16x64xi32, #tpu.memory_space<vmem>>)
    %mul3A_468 = arith.constant 160 : i32
    %mul3A_469 = arith.muli %add3A, %mul3A_468 : i32
    %add3A_470 = arith.constant 64 : i32
    %add3A_471 = arith.addi %mul3A_469, %add3A_470 : i32
    %add3A_472 = arith.constant 5120 : i32
    %add3A_473 = arith.addi %add3A_472, %add3A_471 : i32
    %dma_start3A_474 = arith.constant 0 : i32
    %dma_start3A_475 = tpu.memref_slice %arg3[%add3A_473, %dma_start3A_474] : memref<10240x64xi32, #tpu.memory_space<hbm>> -> memref<16x64xi32, #tpu.memory_space<hbm>>
    %dma_start3A_476 = arith.constant 0 : i32
    %dma_start3A_477 = tpu.memref_slice %arg3[%add3A_473, %dma_start3A_476] : memref<10240x64xi32, #tpu.memory_space<hbm>> -> memref<16x64xi32, #tpu.memory_space<hbm>>
    tpu.enqueue_dma source(%dma_start3A_477 : memref<16x64xi32, #tpu.memory_space<hbm>>) target(%arg5 : memref<16x64xi32, #tpu.memory_space<vmem>>) target_semaphore(%arg23 : memref<!tpu.dma_semaphore, #tpu.memory_space<semaphore_mem>>)
    %dma_start3A_478 = arith.constant 0 : i32
    %dma_start3A_479 = tpu.memref_slice %arg3[%add3A_471, %dma_start3A_478] : memref<10240x64xi32, #tpu.memory_space<hbm>> -> memref<16x64xi32, #tpu.memory_space<hbm>>
    %dma_start3A_480 = arith.constant 0 : i32
    %dma_start3A_481 = tpu.memref_slice %arg3[%add3A_471, %dma_start3A_480] : memref<10240x64xi32, #tpu.memory_space<hbm>> -> memref<16x64xi32, #tpu.memory_space<hbm>>
    tpu.enqueue_dma source(%dma_start3A_481 : memref<16x64xi32, #tpu.memory_space<hbm>>) target(%arg7 : memref<16x64xi32, #tpu.memory_space<vmem>>) target_semaphore(%arg23 : memref<!tpu.dma_semaphore, #tpu.memory_space<semaphore_mem>>)
    %dma_start3A_482 = arith.constant 0 : i32
    %dma_start3A_483 = arith.constant 0 : i32
    %dma_start3A_484 = tpu.memref_slice %arg6[%dma_start3A_482, %dma_start3A_483] : memref<16x64xi32, #tpu.memory_space<vmem>> -> memref<1x64xi32, #tpu.memory_space<vmem>>
    %dma_start3A_485 = tpu.memref_squeeze %dma_start3A_484 : memref<1x64xi32, #tpu.memory_space<vmem>> -> memref<64xi32, #tpu.memory_space<vmem>>
    %dma_start3A_486 = arith.constant 0 : i32
    %dma_start3A_487 = arith.constant 0 : i32
    %dma_start3A_488 = tpu.memref_slice %arg2[%dma_start3A_486, %dma_start3A_487] : memref<10000x128xf32, #tpu.memory_space<hbm>> -> memref<10000x128xf32, #tpu.memory_space<hbm>>
    tpu.enqueue_indirect_dma source(%dma_start3A_488 : memref<10000x128xf32, #tpu.memory_space<hbm>>) target(%arg9 : memref<64x128xf32, #tpu.memory_space<vmem>>) offsets(%dma_start3A_485 : memref<64xi32, #tpu.memory_space<vmem>>) semaphore(%arg15 : memref<!tpu.dma_semaphore, #tpu.memory_space<semaphore_mem>>)
    %dma_start3A_489 = arith.constant 1 : i32
    %dma_start3A_490 = arith.constant 0 : i32
    %dma_start3A_491 = tpu.memref_slice %arg6[%dma_start3A_489, %dma_start3A_490] : memref<16x64xi32, #tpu.memory_space<vmem>> -> memref<1x64xi32, #tpu.memory_space<vmem>>
    %dma_start3A_492 = tpu.memref_squeeze %dma_start3A_491 : memref<1x64xi32, #tpu.memory_space<vmem>> -> memref<64xi32, #tpu.memory_space<vmem>>
    %dma_start3A_493 = arith.constant 0 : i32
    %dma_start3A_494 = arith.constant 0 : i32
    %dma_start3A_495 = tpu.memref_slice %arg2[%dma_start3A_493, %dma_start3A_494] : memref<10000x128xf32, #tpu.memory_space<hbm>> -> memref<10000x128xf32, #tpu.memory_space<hbm>>
    tpu.enqueue_indirect_dma source(%dma_start3A_495 : memref<10000x128xf32, #tpu.memory_space<hbm>>) target(%arg10 : memref<64x128xf32, #tpu.memory_space<vmem>>) offsets(%dma_start3A_492 : memref<64xi32, #tpu.memory_space<vmem>>) semaphore(%arg16 : memref<!tpu.dma_semaphore, #tpu.memory_space<semaphore_mem>>)
    %dma_start3A_496 = arith.constant 2 : i32
    %dma_start3A_497 = arith.constant 0 : i32
    %dma_start3A_498 = tpu.memref_slice %arg6[%dma_start3A_496, %dma_start3A_497] : memref<16x64xi32, #tpu.memory_space<vmem>> -> memref<1x64xi32, #tpu.memory_space<vmem>>
    %dma_start3A_499 = tpu.memref_squeeze %dma_start3A_498 : memref<1x64xi32, #tpu.memory_space<vmem>> -> memref<64xi32, #tpu.memory_space<vmem>>
    %dma_start3A_500 = arith.constant 0 : i32
    %dma_start3A_501 = arith.constant 0 : i32
    %dma_start3A_502 = tpu.memref_slice %arg2[%dma_start3A_500, %dma_start3A_501] : memref<10000x128xf32, #tpu.memory_space<hbm>> -> memref<10000x128xf32, #tpu.memory_space<hbm>>
    tpu.enqueue_indirect_dma source(%dma_start3A_502 : memref<10000x128xf32, #tpu.memory_space<hbm>>) target(%arg11 : memref<64x128xf32, #tpu.memory_space<vmem>>) offsets(%dma_start3A_499 : memref<64xi32, #tpu.memory_space<vmem>>) semaphore(%arg17 : memref<!tpu.dma_semaphore, #tpu.memory_space<semaphore_mem>>)
    %dma_start3A_503 = arith.constant 3 : i32
    %dma_start3A_504 = arith.constant 0 : i32
    %dma_start3A_505 = tpu.memref_slice %arg6[%dma_start3A_503, %dma_start3A_504] : memref<16x64xi32, #tpu.memory_space<vmem>> -> memref<1x64xi32, #tpu.memory_space<vmem>>
    %dma_start3A_506 = tpu.memref_squeeze %dma_start3A_505 : memref<1x64xi32, #tpu.memory_space<vmem>> -> memref<64xi32, #tpu.memory_space<vmem>>
    %dma_start3A_507 = arith.constant 0 : i32
    %dma_start3A_508 = arith.constant 0 : i32
    %dma_start3A_509 = tpu.memref_slice %arg2[%dma_start3A_507, %dma_start3A_508] : memref<10000x128xf32, #tpu.memory_space<hbm>> -> memref<10000x128xf32, #tpu.memory_space<hbm>>
    tpu.enqueue_indirect_dma source(%dma_start3A_509 : memref<10000x128xf32, #tpu.memory_space<hbm>>) target(%arg12 : memref<64x128xf32, #tpu.memory_space<vmem>>) offsets(%dma_start3A_506 : memref<64xi32, #tpu.memory_space<vmem>>) semaphore(%arg18 : memref<!tpu.dma_semaphore, #tpu.memory_space<semaphore_mem>>)
    %scan3A_510 = arith.constant 0 : i32
    %scan3A_511 = arith.constant 0 : i32
    %scan3A_512 = arith.constant 3 : i32
    %scan3A_513 = arith.addi %scan3A_511, %scan3A_512 : i32
    %scan3A_514 = arith.constant 1 : i32
    scf.for %scan3A_1457 = %scan3A_511 to %scan3A_513 step %scan3A_514  : i32 {
      %mul3A_1458 = arith.constant 4 : i32
      %mul3A_1459 = arith.muli %scan3A_1457, %mul3A_1458 : i32
      %add3A_1460 = arith.constant 0 : i32
      %add3A_1461 = arith.addi %mul3A_1459, %add3A_1460 : i32
      %dma_wait3A_1462 = arith.constant 0 : i32
      %dma_wait3A_1463 = tpu.memref_slice %arg6[%add3A_1461, %dma_wait3A_1462] : memref<16x64xi32, #tpu.memory_space<vmem>> -> memref<1x64xi32, #tpu.memory_space<vmem>>
      %dma_wait3A_1464 = tpu.memref_squeeze %dma_wait3A_1463 : memref<1x64xi32, #tpu.memory_space<vmem>> -> memref<64xi32, #tpu.memory_space<vmem>>
      %dma_wait3A_1465 = arith.constant 0 : i32
      %dma_wait3A_1466 = arith.constant 0 : i32
      %dma_wait3A_1467 = tpu.memref_slice %arg2[%dma_wait3A_1465, %dma_wait3A_1466] : memref<10000x128xf32, #tpu.memory_space<hbm>> -> memref<10000x128xf32, #tpu.memory_space<hbm>>
      tpu.wait_indirect_dma semaphore(%arg15 : memref<!tpu.dma_semaphore, #tpu.memory_space<semaphore_mem>>) src(%dma_wait3A_1467 : memref<10000x128xf32, #tpu.memory_space<hbm>>) dst(%arg9 : memref<64x128xf32, #tpu.memory_space<vmem>>)
      %add3A_1468 = arith.constant 0 : i32
      %add3A_1469 = arith.addi %mul3A_1459, %add3A_1468 : i32
      %dma_start3A_1470 = arith.constant 0 : i32
      %dma_start3A_1471 = tpu.memref_slice %arg8[%add3A_1469, %dma_start3A_1470] : memref<16x64xi32, #tpu.memory_space<vmem>> -> memref<1x64xi32, #tpu.memory_space<vmem>>
      %dma_start3A_1472 = tpu.memref_squeeze %dma_start3A_1471 : memref<1x64xi32, #tpu.memory_space<vmem>> -> memref<64xi32, #tpu.memory_space<vmem>>
      %dma_start3A_1473 = arith.constant 0 : i32
      %dma_start3A_1474 = arith.constant 0 : i32
      %dma_start3A_1475 = tpu.memref_slice %arg14[%dma_start3A_1473, %dma_start3A_1474] : memref<10240x128xf32, #tpu.memory_space<vmem_shared>> -> memref<10240x128xf32, #tpu.memory_space<vmem_shared>>
      tpu.enqueue_indirect_dma source(%arg9 : memref<64x128xf32, #tpu.memory_space<vmem>>) target(%dma_start3A_1475 : memref<10240x128xf32, #tpu.memory_space<vmem_shared>>) offsets(%dma_start3A_1472 : memref<64xi32, #tpu.memory_space<vmem>>) semaphore(%arg19 : memref<!tpu.dma_semaphore, #tpu.memory_space<semaphore_mem>>) {add = true}
      %add3A_1476 = arith.constant 1 : i32
      %add3A_1477 = arith.addi %mul3A_1459, %add3A_1476 : i32
      %dma_wait3A_1478 = arith.constant 0 : i32
      %dma_wait3A_1479 = tpu.memref_slice %arg6[%add3A_1477, %dma_wait3A_1478] : memref<16x64xi32, #tpu.memory_space<vmem>> -> memref<1x64xi32, #tpu.memory_space<vmem>>
      %dma_wait3A_1480 = tpu.memref_squeeze %dma_wait3A_1479 : memref<1x64xi32, #tpu.memory_space<vmem>> -> memref<64xi32, #tpu.memory_space<vmem>>
      %dma_wait3A_1481 = arith.constant 0 : i32
      %dma_wait3A_1482 = arith.constant 0 : i32
      %dma_wait3A_1483 = tpu.memref_slice %arg2[%dma_wait3A_1481, %dma_wait3A_1482] : memref<10000x128xf32, #tpu.memory_space<hbm>> -> memref<10000x128xf32, #tpu.memory_space<hbm>>
      tpu.wait_indirect_dma semaphore(%arg16 : memref<!tpu.dma_semaphore, #tpu.memory_space<semaphore_mem>>) src(%dma_wait3A_1483 : memref<10000x128xf32, #tpu.memory_space<hbm>>) dst(%arg10 : memref<64x128xf32, #tpu.memory_space<vmem>>)
      %add3A_1484 = arith.constant 1 : i32
      %add3A_1485 = arith.addi %mul3A_1459, %add3A_1484 : i32
      %dma_start3A_1486 = arith.constant 0 : i32
      %dma_start3A_1487 = tpu.memref_slice %arg8[%add3A_1485, %dma_start3A_1486] : memref<16x64xi32, #tpu.memory_space<vmem>> -> memref<1x64xi32, #tpu.memory_space<vmem>>
      %dma_start3A_1488 = tpu.memref_squeeze %dma_start3A_1487 : memref<1x64xi32, #tpu.memory_space<vmem>> -> memref<64xi32, #tpu.memory_space<vmem>>
      %dma_start3A_1489 = arith.constant 0 : i32
      %dma_start3A_1490 = arith.constant 0 : i32
      %dma_start3A_1491 = tpu.memref_slice %arg14[%dma_start3A_1489, %dma_start3A_1490] : memref<10240x128xf32, #tpu.memory_space<vmem_shared>> -> memref<10240x128xf32, #tpu.memory_space<vmem_shared>>
      tpu.enqueue_indirect_dma source(%arg10 : memref<64x128xf32, #tpu.memory_space<vmem>>) target(%dma_start3A_1491 : memref<10240x128xf32, #tpu.memory_space<vmem_shared>>) offsets(%dma_start3A_1488 : memref<64xi32, #tpu.memory_space<vmem>>) semaphore(%arg20 : memref<!tpu.dma_semaphore, #tpu.memory_space<semaphore_mem>>) {add = true}
      %add3A_1492 = arith.constant 2 : i32
      %add3A_1493 = arith.addi %mul3A_1459, %add3A_1492 : i32
      %dma_wait3A_1494 = arith.constant 0 : i32
      %dma_wait3A_1495 = tpu.memref_slice %arg6[%add3A_1493, %dma_wait3A_1494] : memref<16x64xi32, #tpu.memory_space<vmem>> -> memref<1x64xi32, #tpu.memory_space<vmem>>
      %dma_wait3A_1496 = tpu.memref_squeeze %dma_wait3A_1495 : memref<1x64xi32, #tpu.memory_space<vmem>> -> memref<64xi32, #tpu.memory_space<vmem>>
      %dma_wait3A_1497 = arith.constant 0 : i32
      %dma_wait3A_1498 = arith.constant 0 : i32
      %dma_wait3A_1499 = tpu.memref_slice %arg2[%dma_wait3A_1497, %dma_wait3A_1498] : memref<10000x128xf32, #tpu.memory_space<hbm>> -> memref<10000x128xf32, #tpu.memory_space<hbm>>
      tpu.wait_indirect_dma semaphore(%arg17 : memref<!tpu.dma_semaphore, #tpu.memory_space<semaphore_mem>>) src(%dma_wait3A_1499 : memref<10000x128xf32, #tpu.memory_space<hbm>>) dst(%arg11 : memref<64x128xf32, #tpu.memory_space<vmem>>)
      %add3A_1500 = arith.constant 2 : i32
      %add3A_1501 = arith.addi %mul3A_1459, %add3A_1500 : i32
      %dma_start3A_1502 = arith.constant 0 : i32
      %dma_start3A_1503 = tpu.memref_slice %arg8[%add3A_1501, %dma_start3A_1502] : memref<16x64xi32, #tpu.memory_space<vmem>> -> memref<1x64xi32, #tpu.memory_space<vmem>>
      %dma_start3A_1504 = tpu.memref_squeeze %dma_start3A_1503 : memref<1x64xi32, #tpu.memory_space<vmem>> -> memref<64xi32, #tpu.memory_space<vmem>>
      %dma_start3A_1505 = arith.constant 0 : i32
      %dma_start3A_1506 = arith.constant 0 : i32
      %dma_start3A_1507 = tpu.memref_slice %arg14[%dma_start3A_1505, %dma_start3A_1506] : memref<10240x128xf32, #tpu.memory_space<vmem_shared>> -> memref<10240x128xf32, #tpu.memory_space<vmem_shared>>
      tpu.enqueue_indirect_dma source(%arg11 : memref<64x128xf32, #tpu.memory_space<vmem>>) target(%dma_start3A_1507 : memref<10240x128xf32, #tpu.memory_space<vmem_shared>>) offsets(%dma_start3A_1504 : memref<64xi32, #tpu.memory_space<vmem>>) semaphore(%arg21 : memref<!tpu.dma_semaphore, #tpu.memory_space<semaphore_mem>>) {add = true}
      %add3A_1508 = arith.constant 3 : i32
      %add3A_1509 = arith.addi %mul3A_1459, %add3A_1508 : i32
      %dma_wait3A_1510 = arith.constant 0 : i32
      %dma_wait3A_1511 = tpu.memref_slice %arg6[%add3A_1509, %dma_wait3A_1510] : memref<16x64xi32, #tpu.memory_space<vmem>> -> memref<1x64xi32, #tpu.memory_space<vmem>>
      %dma_wait3A_1512 = tpu.memref_squeeze %dma_wait3A_1511 : memref<1x64xi32, #tpu.memory_space<vmem>> -> memref<64xi32, #tpu.memory_space<vmem>>
      %dma_wait3A_1513 = arith.constant 0 : i32
      %dma_wait3A_1514 = arith.constant 0 : i32
      %dma_wait3A_1515 = tpu.memref_slice %arg2[%dma_wait3A_1513, %dma_wait3A_1514] : memref<10000x128xf32, #tpu.memory_space<hbm>> -> memref<10000x128xf32, #tpu.memory_space<hbm>>
      tpu.wait_indirect_dma semaphore(%arg18 : memref<!tpu.dma_semaphore, #tpu.memory_space<semaphore_mem>>) src(%dma_wait3A_1515 : memref<10000x128xf32, #tpu.memory_space<hbm>>) dst(%arg12 : memref<64x128xf32, #tpu.memory_space<vmem>>)
      %add3A_1516 = arith.constant 3 : i32
      %add3A_1517 = arith.addi %mul3A_1459, %add3A_1516 : i32
      %dma_start3A_1518 = arith.constant 0 : i32
      %dma_start3A_1519 = tpu.memref_slice %arg8[%add3A_1517, %dma_start3A_1518] : memref<16x64xi32, #tpu.memory_space<vmem>> -> memref<1x64xi32, #tpu.memory_space<vmem>>
      %dma_start3A_1520 = tpu.memref_squeeze %dma_start3A_1519 : memref<1x64xi32, #tpu.memory_space<vmem>> -> memref<64xi32, #tpu.memory_space<vmem>>
      %dma_start3A_1521 = arith.constant 0 : i32
      %dma_start3A_1522 = arith.constant 0 : i32
      %dma_start3A_1523 = tpu.memref_slice %arg14[%dma_start3A_1521, %dma_start3A_1522] : memref<10240x128xf32, #tpu.memory_space<vmem_shared>> -> memref<10240x128xf32, #tpu.memory_space<vmem_shared>>
      tpu.enqueue_indirect_dma source(%arg12 : memref<64x128xf32, #tpu.memory_space<vmem>>) target(%dma_start3A_1523 : memref<10240x128xf32, #tpu.memory_space<vmem_shared>>) offsets(%dma_start3A_1520 : memref<64xi32, #tpu.memory_space<vmem>>) semaphore(%arg22 : memref<!tpu.dma_semaphore, #tpu.memory_space<semaphore_mem>>) {add = true}
      %add3A_1524 = arith.constant 0 : i32
      %add3A_1525 = arith.addi %mul3A_1459, %add3A_1524 : i32
      %dma_wait3A_1526 = arith.constant 0 : i32
      %dma_wait3A_1527 = tpu.memref_slice %arg8[%add3A_1525, %dma_wait3A_1526] : memref<16x64xi32, #tpu.memory_space<vmem>> -> memref<1x64xi32, #tpu.memory_space<vmem>>
      %dma_wait3A_1528 = tpu.memref_squeeze %dma_wait3A_1527 : memref<1x64xi32, #tpu.memory_space<vmem>> -> memref<64xi32, #tpu.memory_space<vmem>>
      %dma_wait3A_1529 = arith.constant 0 : i32
      %dma_wait3A_1530 = arith.constant 0 : i32
      %dma_wait3A_1531 = tpu.memref_slice %arg14[%dma_wait3A_1529, %dma_wait3A_1530] : memref<10240x128xf32, #tpu.memory_space<vmem_shared>> -> memref<10240x128xf32, #tpu.memory_space<vmem_shared>>
      tpu.wait_indirect_dma semaphore(%arg19 : memref<!tpu.dma_semaphore, #tpu.memory_space<semaphore_mem>>) src(%arg9 : memref<64x128xf32, #tpu.memory_space<vmem>>) dst(%dma_wait3A_1531 : memref<10240x128xf32, #tpu.memory_space<vmem_shared>>)
      %add3A_1532 = arith.constant 4 : i32
      %add3A_1533 = arith.addi %mul3A_1459, %add3A_1532 : i32
      %add3A_1534 = arith.constant 0 : i32
      %add3A_1535 = arith.addi %add3A_1533, %add3A_1534 : i32
      %dma_start3A_1536 = arith.constant 0 : i32
      %dma_start3A_1537 = tpu.memref_slice %arg6[%add3A_1535, %dma_start3A_1536] : memref<16x64xi32, #tpu.memory_space<vmem>> -> memref<1x64xi32, #tpu.memory_space<vmem>>
      %dma_start3A_1538 = tpu.memref_squeeze %dma_start3A_1537 : memref<1x64xi32, #tpu.memory_space<vmem>> -> memref<64xi32, #tpu.memory_space<vmem>>
      %dma_start3A_1539 = arith.constant 0 : i32
      %dma_start3A_1540 = arith.constant 0 : i32
      %dma_start3A_1541 = tpu.memref_slice %arg2[%dma_start3A_1539, %dma_start3A_1540] : memref<10000x128xf32, #tpu.memory_space<hbm>> -> memref<10000x128xf32, #tpu.memory_space<hbm>>
      tpu.enqueue_indirect_dma source(%dma_start3A_1541 : memref<10000x128xf32, #tpu.memory_space<hbm>>) target(%arg9 : memref<64x128xf32, #tpu.memory_space<vmem>>) offsets(%dma_start3A_1538 : memref<64xi32, #tpu.memory_space<vmem>>) semaphore(%arg15 : memref<!tpu.dma_semaphore, #tpu.memory_space<semaphore_mem>>)
      %add3A_1542 = arith.constant 1 : i32
      %add3A_1543 = arith.addi %mul3A_1459, %add3A_1542 : i32
      %dma_wait3A_1544 = arith.constant 0 : i32
      %dma_wait3A_1545 = tpu.memref_slice %arg8[%add3A_1543, %dma_wait3A_1544] : memref<16x64xi32, #tpu.memory_space<vmem>> -> memref<1x64xi32, #tpu.memory_space<vmem>>
      %dma_wait3A_1546 = tpu.memref_squeeze %dma_wait3A_1545 : memref<1x64xi32, #tpu.memory_space<vmem>> -> memref<64xi32, #tpu.memory_space<vmem>>
      %dma_wait3A_1547 = arith.constant 0 : i32
      %dma_wait3A_1548 = arith.constant 0 : i32
      %dma_wait3A_1549 = tpu.memref_slice %arg14[%dma_wait3A_1547, %dma_wait3A_1548] : memref<10240x128xf32, #tpu.memory_space<vmem_shared>> -> memref<10240x128xf32, #tpu.memory_space<vmem_shared>>
      tpu.wait_indirect_dma semaphore(%arg20 : memref<!tpu.dma_semaphore, #tpu.memory_space<semaphore_mem>>) src(%arg10 : memref<64x128xf32, #tpu.memory_space<vmem>>) dst(%dma_wait3A_1549 : memref<10240x128xf32, #tpu.memory_space<vmem_shared>>)
      %add3A_1550 = arith.constant 4 : i32
      %add3A_1551 = arith.addi %mul3A_1459, %add3A_1550 : i32
      %add3A_1552 = arith.constant 1 : i32
      %add3A_1553 = arith.addi %add3A_1551, %add3A_1552 : i32
      %dma_start3A_1554 = arith.constant 0 : i32
      %dma_start3A_1555 = tpu.memref_slice %arg6[%add3A_1553, %dma_start3A_1554] : memref<16x64xi32, #tpu.memory_space<vmem>> -> memref<1x64xi32, #tpu.memory_space<vmem>>
      %dma_start3A_1556 = tpu.memref_squeeze %dma_start3A_1555 : memref<1x64xi32, #tpu.memory_space<vmem>> -> memref<64xi32, #tpu.memory_space<vmem>>
      %dma_start3A_1557 = arith.constant 0 : i32
      %dma_start3A_1558 = arith.constant 0 : i32
      %dma_start3A_1559 = tpu.memref_slice %arg2[%dma_start3A_1557, %dma_start3A_1558] : memref<10000x128xf32, #tpu.memory_space<hbm>> -> memref<10000x128xf32, #tpu.memory_space<hbm>>
      tpu.enqueue_indirect_dma source(%dma_start3A_1559 : memref<10000x128xf32, #tpu.memory_space<hbm>>) target(%arg10 : memref<64x128xf32, #tpu.memory_space<vmem>>) offsets(%dma_start3A_1556 : memref<64xi32, #tpu.memory_space<vmem>>) semaphore(%arg16 : memref<!tpu.dma_semaphore, #tpu.memory_space<semaphore_mem>>)
      %add3A_1560 = arith.constant 2 : i32
      %add3A_1561 = arith.addi %mul3A_1459, %add3A_1560 : i32
      %dma_wait3A_1562 = arith.constant 0 : i32
      %dma_wait3A_1563 = tpu.memref_slice %arg8[%add3A_1561, %dma_wait3A_1562] : memref<16x64xi32, #tpu.memory_space<vmem>> -> memref<1x64xi32, #tpu.memory_space<vmem>>
      %dma_wait3A_1564 = tpu.memref_squeeze %dma_wait3A_1563 : memref<1x64xi32, #tpu.memory_space<vmem>> -> memref<64xi32, #tpu.memory_space<vmem>>
      %dma_wait3A_1565 = arith.constant 0 : i32
      %dma_wait3A_1566 = arith.constant 0 : i32
      %dma_wait3A_1567 = tpu.memref_slice %arg14[%dma_wait3A_1565, %dma_wait3A_1566] : memref<10240x128xf32, #tpu.memory_space<vmem_shared>> -> memref<10240x128xf32, #tpu.memory_space<vmem_shared>>
      tpu.wait_indirect_dma semaphore(%arg21 : memref<!tpu.dma_semaphore, #tpu.memory_space<semaphore_mem>>) src(%arg11 : memref<64x128xf32, #tpu.memory_space<vmem>>) dst(%dma_wait3A_1567 : memref<10240x128xf32, #tpu.memory_space<vmem_shared>>)
      %add3A_1568 = arith.constant 4 : i32
      %add3A_1569 = arith.addi %mul3A_1459, %add3A_1568 : i32
      %add3A_1570 = arith.constant 2 : i32
      %add3A_1571 = arith.addi %add3A_1569, %add3A_1570 : i32
      %dma_start3A_1572 = arith.constant 0 : i32
      %dma_start3A_1573 = tpu.memref_slice %arg6[%add3A_1571, %dma_start3A_1572] : memref<16x64xi32, #tpu.memory_space<vmem>> -> memref<1x64xi32, #tpu.memory_space<vmem>>
      %dma_start3A_1574 = tpu.memref_squeeze %dma_start3A_1573 : memref<1x64xi32, #tpu.memory_space<vmem>> -> memref<64xi32, #tpu.memory_space<vmem>>
      %dma_start3A_1575 = arith.constant 0 : i32
      %dma_start3A_1576 = arith.constant 0 : i32
      %dma_start3A_1577 = tpu.memref_slice %arg2[%dma_start3A_1575, %dma_start3A_1576] : memref<10000x128xf32, #tpu.memory_space<hbm>> -> memref<10000x128xf32, #tpu.memory_space<hbm>>
      tpu.enqueue_indirect_dma source(%dma_start3A_1577 : memref<10000x128xf32, #tpu.memory_space<hbm>>) target(%arg11 : memref<64x128xf32, #tpu.memory_space<vmem>>) offsets(%dma_start3A_1574 : memref<64xi32, #tpu.memory_space<vmem>>) semaphore(%arg17 : memref<!tpu.dma_semaphore, #tpu.memory_space<semaphore_mem>>)
      %add3A_1578 = arith.constant 3 : i32
      %add3A_1579 = arith.addi %mul3A_1459, %add3A_1578 : i32
      %dma_wait3A_1580 = arith.constant 0 : i32
      %dma_wait3A_1581 = tpu.memref_slice %arg8[%add3A_1579, %dma_wait3A_1580] : memref<16x64xi32, #tpu.memory_space<vmem>> -> memref<1x64xi32, #tpu.memory_space<vmem>>
      %dma_wait3A_1582 = tpu.memref_squeeze %dma_wait3A_1581 : memref<1x64xi32, #tpu.memory_space<vmem>> -> memref<64xi32, #tpu.memory_space<vmem>>
      %dma_wait3A_1583 = arith.constant 0 : i32
      %dma_wait3A_1584 = arith.constant 0 : i32
      %dma_wait3A_1585 = tpu.memref_slice %arg14[%dma_wait3A_1583, %dma_wait3A_1584] : memref<10240x128xf32, #tpu.memory_space<vmem_shared>> -> memref<10240x128xf32, #tpu.memory_space<vmem_shared>>
      tpu.wait_indirect_dma semaphore(%arg22 : memref<!tpu.dma_semaphore, #tpu.memory_space<semaphore_mem>>) src(%arg12 : memref<64x128xf32, #tpu.memory_space<vmem>>) dst(%dma_wait3A_1585 : memref<10240x128xf32, #tpu.memory_space<vmem_shared>>)
      %add3A_1586 = arith.constant 4 : i32
      %add3A_1587 = arith.addi %mul3A_1459, %add3A_1586 : i32
      %add3A_1588 = arith.constant 3 : i32
      %add3A_1589 = arith.addi %add3A_1587, %add3A_1588 : i32
      %dma_start3A_1590 = arith.constant 0 : i32
      %dma_start3A_1591 = tpu.memref_slice %arg6[%add3A_1589, %dma_start3A_1590] : memref<16x64xi32, #tpu.memory_space<vmem>> -> memref<1x64xi32, #tpu.memory_space<vmem>>
      %dma_start3A_1592 = tpu.memref_squeeze %dma_start3A_1591 : memref<1x64xi32, #tpu.memory_space<vmem>> -> memref<64xi32, #tpu.memory_space<vmem>>
      %dma_start3A_1593 = arith.constant 0 : i32
      %dma_start3A_1594 = arith.constant 0 : i32
      %dma_start3A_1595 = tpu.memref_slice %arg2[%dma_start3A_1593, %dma_start3A_1594] : memref<10000x128xf32, #tpu.memory_space<hbm>> -> memref<10000x128xf32, #tpu.memory_space<hbm>>
      tpu.enqueue_indirect_dma source(%dma_start3A_1595 : memref<10000x128xf32, #tpu.memory_space<hbm>>) target(%arg12 : memref<64x128xf32, #tpu.memory_space<vmem>>) offsets(%dma_start3A_1592 : memref<64xi32, #tpu.memory_space<vmem>>) semaphore(%arg18 : memref<!tpu.dma_semaphore, #tpu.memory_space<semaphore_mem>>)
    }
    %scan3A_515 = arith.constant 3 : i32
    %dma_wait3A_516 = arith.constant 12 : i32
    %dma_wait3A_517 = arith.constant 0 : i32
    %dma_wait3A_518 = tpu.memref_slice %arg6[%dma_wait3A_516, %dma_wait3A_517] : memref<16x64xi32, #tpu.memory_space<vmem>> -> memref<1x64xi32, #tpu.memory_space<vmem>>
    %dma_wait3A_519 = tpu.memref_squeeze %dma_wait3A_518 : memref<1x64xi32, #tpu.memory_space<vmem>> -> memref<64xi32, #tpu.memory_space<vmem>>
    %dma_wait3A_520 = arith.constant 0 : i32
    %dma_wait3A_521 = arith.constant 0 : i32
    %dma_wait3A_522 = tpu.memref_slice %arg2[%dma_wait3A_520, %dma_wait3A_521] : memref<10000x128xf32, #tpu.memory_space<hbm>> -> memref<10000x128xf32, #tpu.memory_space<hbm>>
    tpu.wait_indirect_dma semaphore(%arg15 : memref<!tpu.dma_semaphore, #tpu.memory_space<semaphore_mem>>) src(%dma_wait3A_522 : memref<10000x128xf32, #tpu.memory_space<hbm>>) dst(%arg9 : memref<64x128xf32, #tpu.memory_space<vmem>>)
    %dma_start3A_523 = arith.constant 12 : i32
    %dma_start3A_524 = arith.constant 0 : i32
    %dma_start3A_525 = tpu.memref_slice %arg8[%dma_start3A_523, %dma_start3A_524] : memref<16x64xi32, #tpu.memory_space<vmem>> -> memref<1x64xi32, #tpu.memory_space<vmem>>
    %dma_start3A_526 = tpu.memref_squeeze %dma_start3A_525 : memref<1x64xi32, #tpu.memory_space<vmem>> -> memref<64xi32, #tpu.memory_space<vmem>>
    %dma_start3A_527 = arith.constant 0 : i32
    %dma_start3A_528 = arith.constant 0 : i32
    %dma_start3A_529 = tpu.memref_slice %arg14[%dma_start3A_527, %dma_start3A_528] : memref<10240x128xf32, #tpu.memory_space<vmem_shared>> -> memref<10240x128xf32, #tpu.memory_space<vmem_shared>>
    tpu.enqueue_indirect_dma source(%arg9 : memref<64x128xf32, #tpu.memory_space<vmem>>) target(%dma_start3A_529 : memref<10240x128xf32, #tpu.memory_space<vmem_shared>>) offsets(%dma_start3A_526 : memref<64xi32, #tpu.memory_space<vmem>>) semaphore(%arg19 : memref<!tpu.dma_semaphore, #tpu.memory_space<semaphore_mem>>) {add = true}
    %dma_wait3A_530 = arith.constant 13 : i32
    %dma_wait3A_531 = arith.constant 0 : i32
    %dma_wait3A_532 = tpu.memref_slice %arg6[%dma_wait3A_530, %dma_wait3A_531] : memref<16x64xi32, #tpu.memory_space<vmem>> -> memref<1x64xi32, #tpu.memory_space<vmem>>
    %dma_wait3A_533 = tpu.memref_squeeze %dma_wait3A_532 : memref<1x64xi32, #tpu.memory_space<vmem>> -> memref<64xi32, #tpu.memory_space<vmem>>
    %dma_wait3A_534 = arith.constant 0 : i32
    %dma_wait3A_535 = arith.constant 0 : i32
    %dma_wait3A_536 = tpu.memref_slice %arg2[%dma_wait3A_534, %dma_wait3A_535] : memref<10000x128xf32, #tpu.memory_space<hbm>> -> memref<10000x128xf32, #tpu.memory_space<hbm>>
    tpu.wait_indirect_dma semaphore(%arg16 : memref<!tpu.dma_semaphore, #tpu.memory_space<semaphore_mem>>) src(%dma_wait3A_536 : memref<10000x128xf32, #tpu.memory_space<hbm>>) dst(%arg10 : memref<64x128xf32, #tpu.memory_space<vmem>>)
    %dma_start3A_537 = arith.constant 13 : i32
    %dma_start3A_538 = arith.constant 0 : i32
    %dma_start3A_539 = tpu.memref_slice %arg8[%dma_start3A_537, %dma_start3A_538] : memref<16x64xi32, #tpu.memory_space<vmem>> -> memref<1x64xi32, #tpu.memory_space<vmem>>
    %dma_start3A_540 = tpu.memref_squeeze %dma_start3A_539 : memref<1x64xi32, #tpu.memory_space<vmem>> -> memref<64xi32, #tpu.memory_space<vmem>>
    %dma_start3A_541 = arith.constant 0 : i32
    %dma_start3A_542 = arith.constant 0 : i32
    %dma_start3A_543 = tpu.memref_slice %arg14[%dma_start3A_541, %dma_start3A_542] : memref<10240x128xf32, #tpu.memory_space<vmem_shared>> -> memref<10240x128xf32, #tpu.memory_space<vmem_shared>>
    tpu.enqueue_indirect_dma source(%arg10 : memref<64x128xf32, #tpu.memory_space<vmem>>) target(%dma_start3A_543 : memref<10240x128xf32, #tpu.memory_space<vmem_shared>>) offsets(%dma_start3A_540 : memref<64xi32, #tpu.memory_space<vmem>>) semaphore(%arg20 : memref<!tpu.dma_semaphore, #tpu.memory_space<semaphore_mem>>) {add = true}
    %dma_wait3A_544 = arith.constant 14 : i32
    %dma_wait3A_545 = arith.constant 0 : i32
    %dma_wait3A_546 = tpu.memref_slice %arg6[%dma_wait3A_544, %dma_wait3A_545] : memref<16x64xi32, #tpu.memory_space<vmem>> -> memref<1x64xi32, #tpu.memory_space<vmem>>
    %dma_wait3A_547 = tpu.memref_squeeze %dma_wait3A_546 : memref<1x64xi32, #tpu.memory_space<vmem>> -> memref<64xi32, #tpu.memory_space<vmem>>
    %dma_wait3A_548 = arith.constant 0 : i32
    %dma_wait3A_549 = arith.constant 0 : i32
    %dma_wait3A_550 = tpu.memref_slice %arg2[%dma_wait3A_548, %dma_wait3A_549] : memref<10000x128xf32, #tpu.memory_space<hbm>> -> memref<10000x128xf32, #tpu.memory_space<hbm>>
    tpu.wait_indirect_dma semaphore(%arg17 : memref<!tpu.dma_semaphore, #tpu.memory_space<semaphore_mem>>) src(%dma_wait3A_550 : memref<10000x128xf32, #tpu.memory_space<hbm>>) dst(%arg11 : memref<64x128xf32, #tpu.memory_space<vmem>>)
    %dma_start3A_551 = arith.constant 14 : i32
    %dma_start3A_552 = arith.constant 0 : i32
    %dma_start3A_553 = tpu.memref_slice %arg8[%dma_start3A_551, %dma_start3A_552] : memref<16x64xi32, #tpu.memory_space<vmem>> -> memref<1x64xi32, #tpu.memory_space<vmem>>
    %dma_start3A_554 = tpu.memref_squeeze %dma_start3A_553 : memref<1x64xi32, #tpu.memory_space<vmem>> -> memref<64xi32, #tpu.memory_space<vmem>>
    %dma_start3A_555 = arith.constant 0 : i32
    %dma_start3A_556 = arith.constant 0 : i32
    %dma_start3A_557 = tpu.memref_slice %arg14[%dma_start3A_555, %dma_start3A_556] : memref<10240x128xf32, #tpu.memory_space<vmem_shared>> -> memref<10240x128xf32, #tpu.memory_space<vmem_shared>>
    tpu.enqueue_indirect_dma source(%arg11 : memref<64x128xf32, #tpu.memory_space<vmem>>) target(%dma_start3A_557 : memref<10240x128xf32, #tpu.memory_space<vmem_shared>>) offsets(%dma_start3A_554 : memref<64xi32, #tpu.memory_space<vmem>>) semaphore(%arg21 : memref<!tpu.dma_semaphore, #tpu.memory_space<semaphore_mem>>) {add = true}
    %dma_wait3A_558 = arith.constant 15 : i32
    %dma_wait3A_559 = arith.constant 0 : i32
    %dma_wait3A_560 = tpu.memref_slice %arg6[%dma_wait3A_558, %dma_wait3A_559] : memref<16x64xi32, #tpu.memory_space<vmem>> -> memref<1x64xi32, #tpu.memory_space<vmem>>
    %dma_wait3A_561 = tpu.memref_squeeze %dma_wait3A_560 : memref<1x64xi32, #tpu.memory_space<vmem>> -> memref<64xi32, #tpu.memory_space<vmem>>
    %dma_wait3A_562 = arith.constant 0 : i32
    %dma_wait3A_563 = arith.constant 0 : i32
    %dma_wait3A_564 = tpu.memref_slice %arg2[%dma_wait3A_562, %dma_wait3A_563] : memref<10000x128xf32, #tpu.memory_space<hbm>> -> memref<10000x128xf32, #tpu.memory_space<hbm>>
    tpu.wait_indirect_dma semaphore(%arg18 : memref<!tpu.dma_semaphore, #tpu.memory_space<semaphore_mem>>) src(%dma_wait3A_564 : memref<10000x128xf32, #tpu.memory_space<hbm>>) dst(%arg12 : memref<64x128xf32, #tpu.memory_space<vmem>>)
    %dma_start3A_565 = arith.constant 15 : i32
    %dma_start3A_566 = arith.constant 0 : i32
    %dma_start3A_567 = tpu.memref_slice %arg8[%dma_start3A_565, %dma_start3A_566] : memref<16x64xi32, #tpu.memory_space<vmem>> -> memref<1x64xi32, #tpu.memory_space<vmem>>
    %dma_start3A_568 = tpu.memref_squeeze %dma_start3A_567 : memref<1x64xi32, #tpu.memory_space<vmem>> -> memref<64xi32, #tpu.memory_space<vmem>>
    %dma_start3A_569 = arith.constant 0 : i32
    %dma_start3A_570 = arith.constant 0 : i32
    %dma_start3A_571 = tpu.memref_slice %arg14[%dma_start3A_569, %dma_start3A_570] : memref<10240x128xf32, #tpu.memory_space<vmem_shared>> -> memref<10240x128xf32, #tpu.memory_space<vmem_shared>>
    tpu.enqueue_indirect_dma source(%arg12 : memref<64x128xf32, #tpu.memory_space<vmem>>) target(%dma_start3A_571 : memref<10240x128xf32, #tpu.memory_space<vmem_shared>>) offsets(%dma_start3A_568 : memref<64xi32, #tpu.memory_space<vmem>>) semaphore(%arg22 : memref<!tpu.dma_semaphore, #tpu.memory_space<semaphore_mem>>) {add = true}
    %dma_wait3A_572 = arith.constant 12 : i32
    %dma_wait3A_573 = arith.constant 0 : i32
    %dma_wait3A_574 = tpu.memref_slice %arg8[%dma_wait3A_572, %dma_wait3A_573] : memref<16x64xi32, #tpu.memory_space<vmem>> -> memref<1x64xi32, #tpu.memory_space<vmem>>
    %dma_wait3A_575 = tpu.memref_squeeze %dma_wait3A_574 : memref<1x64xi32, #tpu.memory_space<vmem>> -> memref<64xi32, #tpu.memory_space<vmem>>
    %dma_wait3A_576 = arith.constant 0 : i32
    %dma_wait3A_577 = arith.constant 0 : i32
    %dma_wait3A_578 = tpu.memref_slice %arg14[%dma_wait3A_576, %dma_wait3A_577] : memref<10240x128xf32, #tpu.memory_space<vmem_shared>> -> memref<10240x128xf32, #tpu.memory_space<vmem_shared>>
    tpu.wait_indirect_dma semaphore(%arg19 : memref<!tpu.dma_semaphore, #tpu.memory_space<semaphore_mem>>) src(%arg9 : memref<64x128xf32, #tpu.memory_space<vmem>>) dst(%dma_wait3A_578 : memref<10240x128xf32, #tpu.memory_space<vmem_shared>>)
    %dma_wait3A_579 = arith.constant 13 : i32
    %dma_wait3A_580 = arith.constant 0 : i32
    %dma_wait3A_581 = tpu.memref_slice %arg8[%dma_wait3A_579, %dma_wait3A_580] : memref<16x64xi32, #tpu.memory_space<vmem>> -> memref<1x64xi32, #tpu.memory_space<vmem>>
    %dma_wait3A_582 = tpu.memref_squeeze %dma_wait3A_581 : memref<1x64xi32, #tpu.memory_space<vmem>> -> memref<64xi32, #tpu.memory_space<vmem>>
    %dma_wait3A_583 = arith.constant 0 : i32
    %dma_wait3A_584 = arith.constant 0 : i32
    %dma_wait3A_585 = tpu.memref_slice %arg14[%dma_wait3A_583, %dma_wait3A_584] : memref<10240x128xf32, #tpu.memory_space<vmem_shared>> -> memref<10240x128xf32, #tpu.memory_space<vmem_shared>>
    tpu.wait_indirect_dma semaphore(%arg20 : memref<!tpu.dma_semaphore, #tpu.memory_space<semaphore_mem>>) src(%arg10 : memref<64x128xf32, #tpu.memory_space<vmem>>) dst(%dma_wait3A_585 : memref<10240x128xf32, #tpu.memory_space<vmem_shared>>)
    %dma_wait3A_586 = arith.constant 14 : i32
    %dma_wait3A_587 = arith.constant 0 : i32
    %dma_wait3A_588 = tpu.memref_slice %arg8[%dma_wait3A_586, %dma_wait3A_587] : memref<16x64xi32, #tpu.memory_space<vmem>> -> memref<1x64xi32, #tpu.memory_space<vmem>>
    %dma_wait3A_589 = tpu.memref_squeeze %dma_wait3A_588 : memref<1x64xi32, #tpu.memory_space<vmem>> -> memref<64xi32, #tpu.memory_space<vmem>>
    %dma_wait3A_590 = arith.constant 0 : i32
    %dma_wait3A_591 = arith.constant 0 : i32
    %dma_wait3A_592 = tpu.memref_slice %arg14[%dma_wait3A_590, %dma_wait3A_591] : memref<10240x128xf32, #tpu.memory_space<vmem_shared>> -> memref<10240x128xf32, #tpu.memory_space<vmem_shared>>
    tpu.wait_indirect_dma semaphore(%arg21 : memref<!tpu.dma_semaphore, #tpu.memory_space<semaphore_mem>>) src(%arg11 : memref<64x128xf32, #tpu.memory_space<vmem>>) dst(%dma_wait3A_592 : memref<10240x128xf32, #tpu.memory_space<vmem_shared>>)
    %dma_wait3A_593 = arith.constant 15 : i32
    %dma_wait3A_594 = arith.constant 0 : i32
    %dma_wait3A_595 = tpu.memref_slice %arg8[%dma_wait3A_593, %dma_wait3A_594] : memref<16x64xi32, #tpu.memory_space<vmem>> -> memref<1x64xi32, #tpu.memory_space<vmem>>
    %dma_wait3A_596 = tpu.memref_squeeze %dma_wait3A_595 : memref<1x64xi32, #tpu.memory_space<vmem>> -> memref<64xi32, #tpu.memory_space<vmem>>
    %dma_wait3A_597 = arith.constant 0 : i32
    %dma_wait3A_598 = arith.constant 0 : i32
    %dma_wait3A_599 = tpu.memref_slice %arg14[%dma_wait3A_597, %dma_wait3A_598] : memref<10240x128xf32, #tpu.memory_space<vmem_shared>> -> memref<10240x128xf32, #tpu.memory_space<vmem_shared>>
    tpu.wait_indirect_dma semaphore(%arg22 : memref<!tpu.dma_semaphore, #tpu.memory_space<semaphore_mem>>) src(%arg12 : memref<64x128xf32, #tpu.memory_space<vmem>>) dst(%dma_wait3A_599 : memref<10240x128xf32, #tpu.memory_space<vmem_shared>>)
    %dma_wait3A_600 = arith.constant 0 : i32
    %dma_wait3A_601 = arith.constant 0 : i32
    %dma_wait3A_602 = tpu.memref_slice %arg3[%dma_wait3A_600, %dma_wait3A_601] : memref<10240x64xi32, #tpu.memory_space<hbm>> -> memref<16x64xi32, #tpu.memory_space<hbm>>
    %dma_wait3A_603 = arith.constant 0 : i32
    %dma_wait3A_604 = arith.constant 0 : i32
    %dma_wait3A_605 = tpu.memref_slice %arg3[%dma_wait3A_603, %dma_wait3A_604] : memref<10240x64xi32, #tpu.memory_space<hbm>> -> memref<16x64xi32, #tpu.memory_space<hbm>>
    tpu.wait_dma2 semaphore(%arg23 : memref<!tpu.dma_semaphore, #tpu.memory_space<semaphore_mem>>) src(%dma_wait3A_605 : memref<16x64xi32, #tpu.memory_space<hbm>>) dst(%arg5 : memref<16x64xi32, #tpu.memory_space<vmem>>)
    %dma_wait3A_606 = arith.constant 0 : i32
    %dma_wait3A_607 = arith.constant 0 : i32
    %dma_wait3A_608 = tpu.memref_slice %arg3[%dma_wait3A_606, %dma_wait3A_607] : memref<10240x64xi32, #tpu.memory_space<hbm>> -> memref<16x64xi32, #tpu.memory_space<hbm>>
    %dma_wait3A_609 = arith.constant 0 : i32
    %dma_wait3A_610 = arith.constant 0 : i32
    %dma_wait3A_611 = tpu.memref_slice %arg3[%dma_wait3A_609, %dma_wait3A_610] : memref<10240x64xi32, #tpu.memory_space<hbm>> -> memref<16x64xi32, #tpu.memory_space<hbm>>
    tpu.wait_dma2 semaphore(%arg23 : memref<!tpu.dma_semaphore, #tpu.memory_space<semaphore_mem>>) src(%dma_wait3A_611 : memref<16x64xi32, #tpu.memory_space<hbm>>) dst(%arg7 : memref<16x64xi32, #tpu.memory_space<vmem>>)
    %mul3A_612 = arith.constant 160 : i32
    %mul3A_613 = arith.muli %add3A, %mul3A_612 : i32
    %add3A_614 = arith.constant 80 : i32
    %add3A_615 = arith.addi %mul3A_613, %add3A_614 : i32
    %add3A_616 = arith.constant 5120 : i32
    %add3A_617 = arith.addi %add3A_616, %add3A_615 : i32
    %dma_start3A_618 = arith.constant 0 : i32
    %dma_start3A_619 = tpu.memref_slice %arg3[%add3A_617, %dma_start3A_618] : memref<10240x64xi32, #tpu.memory_space<hbm>> -> memref<16x64xi32, #tpu.memory_space<hbm>>
    %dma_start3A_620 = arith.constant 0 : i32
    %dma_start3A_621 = tpu.memref_slice %arg3[%add3A_617, %dma_start3A_620] : memref<10240x64xi32, #tpu.memory_space<hbm>> -> memref<16x64xi32, #tpu.memory_space<hbm>>
    tpu.enqueue_dma source(%dma_start3A_621 : memref<16x64xi32, #tpu.memory_space<hbm>>) target(%arg6 : memref<16x64xi32, #tpu.memory_space<vmem>>) target_semaphore(%arg24 : memref<!tpu.dma_semaphore, #tpu.memory_space<semaphore_mem>>)
    %dma_start3A_622 = arith.constant 0 : i32
    %dma_start3A_623 = tpu.memref_slice %arg3[%add3A_615, %dma_start3A_622] : memref<10240x64xi32, #tpu.memory_space<hbm>> -> memref<16x64xi32, #tpu.memory_space<hbm>>
    %dma_start3A_624 = arith.constant 0 : i32
    %dma_start3A_625 = tpu.memref_slice %arg3[%add3A_615, %dma_start3A_624] : memref<10240x64xi32, #tpu.memory_space<hbm>> -> memref<16x64xi32, #tpu.memory_space<hbm>>
    tpu.enqueue_dma source(%dma_start3A_625 : memref<16x64xi32, #tpu.memory_space<hbm>>) target(%arg8 : memref<16x64xi32, #tpu.memory_space<vmem>>) target_semaphore(%arg24 : memref<!tpu.dma_semaphore, #tpu.memory_space<semaphore_mem>>)
    %dma_start3A_626 = arith.constant 0 : i32
    %dma_start3A_627 = arith.constant 0 : i32
    %dma_start3A_628 = tpu.memref_slice %arg5[%dma_start3A_626, %dma_start3A_627] : memref<16x64xi32, #tpu.memory_space<vmem>> -> memref<1x64xi32, #tpu.memory_space<vmem>>
    %dma_start3A_629 = tpu.memref_squeeze %dma_start3A_628 : memref<1x64xi32, #tpu.memory_space<vmem>> -> memref<64xi32, #tpu.memory_space<vmem>>
    %dma_start3A_630 = arith.constant 0 : i32
    %dma_start3A_631 = arith.constant 0 : i32
    %dma_start3A_632 = tpu.memref_slice %arg2[%dma_start3A_630, %dma_start3A_631] : memref<10000x128xf32, #tpu.memory_space<hbm>> -> memref<10000x128xf32, #tpu.memory_space<hbm>>
    tpu.enqueue_indirect_dma source(%dma_start3A_632 : memref<10000x128xf32, #tpu.memory_space<hbm>>) target(%arg9 : memref<64x128xf32, #tpu.memory_space<vmem>>) offsets(%dma_start3A_629 : memref<64xi32, #tpu.memory_space<vmem>>) semaphore(%arg15 : memref<!tpu.dma_semaphore, #tpu.memory_space<semaphore_mem>>)
    %dma_start3A_633 = arith.constant 1 : i32
    %dma_start3A_634 = arith.constant 0 : i32
    %dma_start3A_635 = tpu.memref_slice %arg5[%dma_start3A_633, %dma_start3A_634] : memref<16x64xi32, #tpu.memory_space<vmem>> -> memref<1x64xi32, #tpu.memory_space<vmem>>
    %dma_start3A_636 = tpu.memref_squeeze %dma_start3A_635 : memref<1x64xi32, #tpu.memory_space<vmem>> -> memref<64xi32, #tpu.memory_space<vmem>>
    %dma_start3A_637 = arith.constant 0 : i32
    %dma_start3A_638 = arith.constant 0 : i32
    %dma_start3A_639 = tpu.memref_slice %arg2[%dma_start3A_637, %dma_start3A_638] : memref<10000x128xf32, #tpu.memory_space<hbm>> -> memref<10000x128xf32, #tpu.memory_space<hbm>>
    tpu.enqueue_indirect_dma source(%dma_start3A_639 : memref<10000x128xf32, #tpu.memory_space<hbm>>) target(%arg10 : memref<64x128xf32, #tpu.memory_space<vmem>>) offsets(%dma_start3A_636 : memref<64xi32, #tpu.memory_space<vmem>>) semaphore(%arg16 : memref<!tpu.dma_semaphore, #tpu.memory_space<semaphore_mem>>)
    %dma_start3A_640 = arith.constant 2 : i32
    %dma_start3A_641 = arith.constant 0 : i32
    %dma_start3A_642 = tpu.memref_slice %arg5[%dma_start3A_640, %dma_start3A_641] : memref<16x64xi32, #tpu.memory_space<vmem>> -> memref<1x64xi32, #tpu.memory_space<vmem>>
    %dma_start3A_643 = tpu.memref_squeeze %dma_start3A_642 : memref<1x64xi32, #tpu.memory_space<vmem>> -> memref<64xi32, #tpu.memory_space<vmem>>
    %dma_start3A_644 = arith.constant 0 : i32
    %dma_start3A_645 = arith.constant 0 : i32
    %dma_start3A_646 = tpu.memref_slice %arg2[%dma_start3A_644, %dma_start3A_645] : memref<10000x128xf32, #tpu.memory_space<hbm>> -> memref<10000x128xf32, #tpu.memory_space<hbm>>
    tpu.enqueue_indirect_dma source(%dma_start3A_646 : memref<10000x128xf32, #tpu.memory_space<hbm>>) target(%arg11 : memref<64x128xf32, #tpu.memory_space<vmem>>) offsets(%dma_start3A_643 : memref<64xi32, #tpu.memory_space<vmem>>) semaphore(%arg17 : memref<!tpu.dma_semaphore, #tpu.memory_space<semaphore_mem>>)
    %dma_start3A_647 = arith.constant 3 : i32
    %dma_start3A_648 = arith.constant 0 : i32
    %dma_start3A_649 = tpu.memref_slice %arg5[%dma_start3A_647, %dma_start3A_648] : memref<16x64xi32, #tpu.memory_space<vmem>> -> memref<1x64xi32, #tpu.memory_space<vmem>>
    %dma_start3A_650 = tpu.memref_squeeze %dma_start3A_649 : memref<1x64xi32, #tpu.memory_space<vmem>> -> memref<64xi32, #tpu.memory_space<vmem>>
    %dma_start3A_651 = arith.constant 0 : i32
    %dma_start3A_652 = arith.constant 0 : i32
    %dma_start3A_653 = tpu.memref_slice %arg2[%dma_start3A_651, %dma_start3A_652] : memref<10000x128xf32, #tpu.memory_space<hbm>> -> memref<10000x128xf32, #tpu.memory_space<hbm>>
    tpu.enqueue_indirect_dma source(%dma_start3A_653 : memref<10000x128xf32, #tpu.memory_space<hbm>>) target(%arg12 : memref<64x128xf32, #tpu.memory_space<vmem>>) offsets(%dma_start3A_650 : memref<64xi32, #tpu.memory_space<vmem>>) semaphore(%arg18 : memref<!tpu.dma_semaphore, #tpu.memory_space<semaphore_mem>>)
    %scan3A_654 = arith.constant 0 : i32
    %scan3A_655 = arith.constant 0 : i32
    %scan3A_656 = arith.constant 3 : i32
    %scan3A_657 = arith.addi %scan3A_655, %scan3A_656 : i32
    %scan3A_658 = arith.constant 1 : i32
    scf.for %scan3A_1457 = %scan3A_655 to %scan3A_657 step %scan3A_658  : i32 {
      %mul3A_1458 = arith.constant 4 : i32
      %mul3A_1459 = arith.muli %scan3A_1457, %mul3A_1458 : i32
      %add3A_1460 = arith.constant 0 : i32
      %add3A_1461 = arith.addi %mul3A_1459, %add3A_1460 : i32
      %dma_wait3A_1462 = arith.constant 0 : i32
      %dma_wait3A_1463 = tpu.memref_slice %arg5[%add3A_1461, %dma_wait3A_1462] : memref<16x64xi32, #tpu.memory_space<vmem>> -> memref<1x64xi32, #tpu.memory_space<vmem>>
      %dma_wait3A_1464 = tpu.memref_squeeze %dma_wait3A_1463 : memref<1x64xi32, #tpu.memory_space<vmem>> -> memref<64xi32, #tpu.memory_space<vmem>>
      %dma_wait3A_1465 = arith.constant 0 : i32
      %dma_wait3A_1466 = arith.constant 0 : i32
      %dma_wait3A_1467 = tpu.memref_slice %arg2[%dma_wait3A_1465, %dma_wait3A_1466] : memref<10000x128xf32, #tpu.memory_space<hbm>> -> memref<10000x128xf32, #tpu.memory_space<hbm>>
      tpu.wait_indirect_dma semaphore(%arg15 : memref<!tpu.dma_semaphore, #tpu.memory_space<semaphore_mem>>) src(%dma_wait3A_1467 : memref<10000x128xf32, #tpu.memory_space<hbm>>) dst(%arg9 : memref<64x128xf32, #tpu.memory_space<vmem>>)
      %add3A_1468 = arith.constant 0 : i32
      %add3A_1469 = arith.addi %mul3A_1459, %add3A_1468 : i32
      %dma_start3A_1470 = arith.constant 0 : i32
      %dma_start3A_1471 = tpu.memref_slice %arg7[%add3A_1469, %dma_start3A_1470] : memref<16x64xi32, #tpu.memory_space<vmem>> -> memref<1x64xi32, #tpu.memory_space<vmem>>
      %dma_start3A_1472 = tpu.memref_squeeze %dma_start3A_1471 : memref<1x64xi32, #tpu.memory_space<vmem>> -> memref<64xi32, #tpu.memory_space<vmem>>
      %dma_start3A_1473 = arith.constant 0 : i32
      %dma_start3A_1474 = arith.constant 0 : i32
      %dma_start3A_1475 = tpu.memref_slice %arg14[%dma_start3A_1473, %dma_start3A_1474] : memref<10240x128xf32, #tpu.memory_space<vmem_shared>> -> memref<10240x128xf32, #tpu.memory_space<vmem_shared>>
      tpu.enqueue_indirect_dma source(%arg9 : memref<64x128xf32, #tpu.memory_space<vmem>>) target(%dma_start3A_1475 : memref<10240x128xf32, #tpu.memory_space<vmem_shared>>) offsets(%dma_start3A_1472 : memref<64xi32, #tpu.memory_space<vmem>>) semaphore(%arg19 : memref<!tpu.dma_semaphore, #tpu.memory_space<semaphore_mem>>) {add = true}
      %add3A_1476 = arith.constant 1 : i32
      %add3A_1477 = arith.addi %mul3A_1459, %add3A_1476 : i32
      %dma_wait3A_1478 = arith.constant 0 : i32
      %dma_wait3A_1479 = tpu.memref_slice %arg5[%add3A_1477, %dma_wait3A_1478] : memref<16x64xi32, #tpu.memory_space<vmem>> -> memref<1x64xi32, #tpu.memory_space<vmem>>
      %dma_wait3A_1480 = tpu.memref_squeeze %dma_wait3A_1479 : memref<1x64xi32, #tpu.memory_space<vmem>> -> memref<64xi32, #tpu.memory_space<vmem>>
      %dma_wait3A_1481 = arith.constant 0 : i32
      %dma_wait3A_1482 = arith.constant 0 : i32
      %dma_wait3A_1483 = tpu.memref_slice %arg2[%dma_wait3A_1481, %dma_wait3A_1482] : memref<10000x128xf32, #tpu.memory_space<hbm>> -> memref<10000x128xf32, #tpu.memory_space<hbm>>
      tpu.wait_indirect_dma semaphore(%arg16 : memref<!tpu.dma_semaphore, #tpu.memory_space<semaphore_mem>>) src(%dma_wait3A_1483 : memref<10000x128xf32, #tpu.memory_space<hbm>>) dst(%arg10 : memref<64x128xf32, #tpu.memory_space<vmem>>)
      %add3A_1484 = arith.constant 1 : i32
      %add3A_1485 = arith.addi %mul3A_1459, %add3A_1484 : i32
      %dma_start3A_1486 = arith.constant 0 : i32
      %dma_start3A_1487 = tpu.memref_slice %arg7[%add3A_1485, %dma_start3A_1486] : memref<16x64xi32, #tpu.memory_space<vmem>> -> memref<1x64xi32, #tpu.memory_space<vmem>>
      %dma_start3A_1488 = tpu.memref_squeeze %dma_start3A_1487 : memref<1x64xi32, #tpu.memory_space<vmem>> -> memref<64xi32, #tpu.memory_space<vmem>>
      %dma_start3A_1489 = arith.constant 0 : i32
      %dma_start3A_1490 = arith.constant 0 : i32
      %dma_start3A_1491 = tpu.memref_slice %arg14[%dma_start3A_1489, %dma_start3A_1490] : memref<10240x128xf32, #tpu.memory_space<vmem_shared>> -> memref<10240x128xf32, #tpu.memory_space<vmem_shared>>
      tpu.enqueue_indirect_dma source(%arg10 : memref<64x128xf32, #tpu.memory_space<vmem>>) target(%dma_start3A_1491 : memref<10240x128xf32, #tpu.memory_space<vmem_shared>>) offsets(%dma_start3A_1488 : memref<64xi32, #tpu.memory_space<vmem>>) semaphore(%arg20 : memref<!tpu.dma_semaphore, #tpu.memory_space<semaphore_mem>>) {add = true}
      %add3A_1492 = arith.constant 2 : i32
      %add3A_1493 = arith.addi %mul3A_1459, %add3A_1492 : i32
      %dma_wait3A_1494 = arith.constant 0 : i32
      %dma_wait3A_1495 = tpu.memref_slice %arg5[%add3A_1493, %dma_wait3A_1494] : memref<16x64xi32, #tpu.memory_space<vmem>> -> memref<1x64xi32, #tpu.memory_space<vmem>>
      %dma_wait3A_1496 = tpu.memref_squeeze %dma_wait3A_1495 : memref<1x64xi32, #tpu.memory_space<vmem>> -> memref<64xi32, #tpu.memory_space<vmem>>
      %dma_wait3A_1497 = arith.constant 0 : i32
      %dma_wait3A_1498 = arith.constant 0 : i32
      %dma_wait3A_1499 = tpu.memref_slice %arg2[%dma_wait3A_1497, %dma_wait3A_1498] : memref<10000x128xf32, #tpu.memory_space<hbm>> -> memref<10000x128xf32, #tpu.memory_space<hbm>>
      tpu.wait_indirect_dma semaphore(%arg17 : memref<!tpu.dma_semaphore, #tpu.memory_space<semaphore_mem>>) src(%dma_wait3A_1499 : memref<10000x128xf32, #tpu.memory_space<hbm>>) dst(%arg11 : memref<64x128xf32, #tpu.memory_space<vmem>>)
      %add3A_1500 = arith.constant 2 : i32
      %add3A_1501 = arith.addi %mul3A_1459, %add3A_1500 : i32
      %dma_start3A_1502 = arith.constant 0 : i32
      %dma_start3A_1503 = tpu.memref_slice %arg7[%add3A_1501, %dma_start3A_1502] : memref<16x64xi32, #tpu.memory_space<vmem>> -> memref<1x64xi32, #tpu.memory_space<vmem>>
      %dma_start3A_1504 = tpu.memref_squeeze %dma_start3A_1503 : memref<1x64xi32, #tpu.memory_space<vmem>> -> memref<64xi32, #tpu.memory_space<vmem>>
      %dma_start3A_1505 = arith.constant 0 : i32
      %dma_start3A_1506 = arith.constant 0 : i32
      %dma_start3A_1507 = tpu.memref_slice %arg14[%dma_start3A_1505, %dma_start3A_1506] : memref<10240x128xf32, #tpu.memory_space<vmem_shared>> -> memref<10240x128xf32, #tpu.memory_space<vmem_shared>>
      tpu.enqueue_indirect_dma source(%arg11 : memref<64x128xf32, #tpu.memory_space<vmem>>) target(%dma_start3A_1507 : memref<10240x128xf32, #tpu.memory_space<vmem_shared>>) offsets(%dma_start3A_1504 : memref<64xi32, #tpu.memory_space<vmem>>) semaphore(%arg21 : memref<!tpu.dma_semaphore, #tpu.memory_space<semaphore_mem>>) {add = true}
      %add3A_1508 = arith.constant 3 : i32
      %add3A_1509 = arith.addi %mul3A_1459, %add3A_1508 : i32
      %dma_wait3A_1510 = arith.constant 0 : i32
      %dma_wait3A_1511 = tpu.memref_slice %arg5[%add3A_1509, %dma_wait3A_1510] : memref<16x64xi32, #tpu.memory_space<vmem>> -> memref<1x64xi32, #tpu.memory_space<vmem>>
      %dma_wait3A_1512 = tpu.memref_squeeze %dma_wait3A_1511 : memref<1x64xi32, #tpu.memory_space<vmem>> -> memref<64xi32, #tpu.memory_space<vmem>>
      %dma_wait3A_1513 = arith.constant 0 : i32
      %dma_wait3A_1514 = arith.constant 0 : i32
      %dma_wait3A_1515 = tpu.memref_slice %arg2[%dma_wait3A_1513, %dma_wait3A_1514] : memref<10000x128xf32, #tpu.memory_space<hbm>> -> memref<10000x128xf32, #tpu.memory_space<hbm>>
      tpu.wait_indirect_dma semaphore(%arg18 : memref<!tpu.dma_semaphore, #tpu.memory_space<semaphore_mem>>) src(%dma_wait3A_1515 : memref<10000x128xf32, #tpu.memory_space<hbm>>) dst(%arg12 : memref<64x128xf32, #tpu.memory_space<vmem>>)
      %add3A_1516 = arith.constant 3 : i32
      %add3A_1517 = arith.addi %mul3A_1459, %add3A_1516 : i32
      %dma_start3A_1518 = arith.constant 0 : i32
      %dma_start3A_1519 = tpu.memref_slice %arg7[%add3A_1517, %dma_start3A_1518] : memref<16x64xi32, #tpu.memory_space<vmem>> -> memref<1x64xi32, #tpu.memory_space<vmem>>
      %dma_start3A_1520 = tpu.memref_squeeze %dma_start3A_1519 : memref<1x64xi32, #tpu.memory_space<vmem>> -> memref<64xi32, #tpu.memory_space<vmem>>
      %dma_start3A_1521 = arith.constant 0 : i32
      %dma_start3A_1522 = arith.constant 0 : i32
      %dma_start3A_1523 = tpu.memref_slice %arg14[%dma_start3A_1521, %dma_start3A_1522] : memref<10240x128xf32, #tpu.memory_space<vmem_shared>> -> memref<10240x128xf32, #tpu.memory_space<vmem_shared>>
      tpu.enqueue_indirect_dma source(%arg12 : memref<64x128xf32, #tpu.memory_space<vmem>>) target(%dma_start3A_1523 : memref<10240x128xf32, #tpu.memory_space<vmem_shared>>) offsets(%dma_start3A_1520 : memref<64xi32, #tpu.memory_space<vmem>>) semaphore(%arg22 : memref<!tpu.dma_semaphore, #tpu.memory_space<semaphore_mem>>) {add = true}
      %add3A_1524 = arith.constant 0 : i32
      %add3A_1525 = arith.addi %mul3A_1459, %add3A_1524 : i32
      %dma_wait3A_1526 = arith.constant 0 : i32
      %dma_wait3A_1527 = tpu.memref_slice %arg7[%add3A_1525, %dma_wait3A_1526] : memref<16x64xi32, #tpu.memory_space<vmem>> -> memref<1x64xi32, #tpu.memory_space<vmem>>
      %dma_wait3A_1528 = tpu.memref_squeeze %dma_wait3A_1527 : memref<1x64xi32, #tpu.memory_space<vmem>> -> memref<64xi32, #tpu.memory_space<vmem>>
      %dma_wait3A_1529 = arith.constant 0 : i32
      %dma_wait3A_1530 = arith.constant 0 : i32
      %dma_wait3A_1531 = tpu.memref_slice %arg14[%dma_wait3A_1529, %dma_wait3A_1530] : memref<10240x128xf32, #tpu.memory_space<vmem_shared>> -> memref<10240x128xf32, #tpu.memory_space<vmem_shared>>
      tpu.wait_indirect_dma semaphore(%arg19 : memref<!tpu.dma_semaphore, #tpu.memory_space<semaphore_mem>>) src(%arg9 : memref<64x128xf32, #tpu.memory_space<vmem>>) dst(%dma_wait3A_1531 : memref<10240x128xf32, #tpu.memory_space<vmem_shared>>)
      %add3A_1532 = arith.constant 4 : i32
      %add3A_1533 = arith.addi %mul3A_1459, %add3A_1532 : i32
      %add3A_1534 = arith.constant 0 : i32
      %add3A_1535 = arith.addi %add3A_1533, %add3A_1534 : i32
      %dma_start3A_1536 = arith.constant 0 : i32
      %dma_start3A_1537 = tpu.memref_slice %arg5[%add3A_1535, %dma_start3A_1536] : memref<16x64xi32, #tpu.memory_space<vmem>> -> memref<1x64xi32, #tpu.memory_space<vmem>>
      %dma_start3A_1538 = tpu.memref_squeeze %dma_start3A_1537 : memref<1x64xi32, #tpu.memory_space<vmem>> -> memref<64xi32, #tpu.memory_space<vmem>>
      %dma_start3A_1539 = arith.constant 0 : i32
      %dma_start3A_1540 = arith.constant 0 : i32
      %dma_start3A_1541 = tpu.memref_slice %arg2[%dma_start3A_1539, %dma_start3A_1540] : memref<10000x128xf32, #tpu.memory_space<hbm>> -> memref<10000x128xf32, #tpu.memory_space<hbm>>
      tpu.enqueue_indirect_dma source(%dma_start3A_1541 : memref<10000x128xf32, #tpu.memory_space<hbm>>) target(%arg9 : memref<64x128xf32, #tpu.memory_space<vmem>>) offsets(%dma_start3A_1538 : memref<64xi32, #tpu.memory_space<vmem>>) semaphore(%arg15 : memref<!tpu.dma_semaphore, #tpu.memory_space<semaphore_mem>>)
      %add3A_1542 = arith.constant 1 : i32
      %add3A_1543 = arith.addi %mul3A_1459, %add3A_1542 : i32
      %dma_wait3A_1544 = arith.constant 0 : i32
      %dma_wait3A_1545 = tpu.memref_slice %arg7[%add3A_1543, %dma_wait3A_1544] : memref<16x64xi32, #tpu.memory_space<vmem>> -> memref<1x64xi32, #tpu.memory_space<vmem>>
      %dma_wait3A_1546 = tpu.memref_squeeze %dma_wait3A_1545 : memref<1x64xi32, #tpu.memory_space<vmem>> -> memref<64xi32, #tpu.memory_space<vmem>>
      %dma_wait3A_1547 = arith.constant 0 : i32
      %dma_wait3A_1548 = arith.constant 0 : i32
      %dma_wait3A_1549 = tpu.memref_slice %arg14[%dma_wait3A_1547, %dma_wait3A_1548] : memref<10240x128xf32, #tpu.memory_space<vmem_shared>> -> memref<10240x128xf32, #tpu.memory_space<vmem_shared>>
      tpu.wait_indirect_dma semaphore(%arg20 : memref<!tpu.dma_semaphore, #tpu.memory_space<semaphore_mem>>) src(%arg10 : memref<64x128xf32, #tpu.memory_space<vmem>>) dst(%dma_wait3A_1549 : memref<10240x128xf32, #tpu.memory_space<vmem_shared>>)
      %add3A_1550 = arith.constant 4 : i32
      %add3A_1551 = arith.addi %mul3A_1459, %add3A_1550 : i32
      %add3A_1552 = arith.constant 1 : i32
      %add3A_1553 = arith.addi %add3A_1551, %add3A_1552 : i32
      %dma_start3A_1554 = arith.constant 0 : i32
      %dma_start3A_1555 = tpu.memref_slice %arg5[%add3A_1553, %dma_start3A_1554] : memref<16x64xi32, #tpu.memory_space<vmem>> -> memref<1x64xi32, #tpu.memory_space<vmem>>
      %dma_start3A_1556 = tpu.memref_squeeze %dma_start3A_1555 : memref<1x64xi32, #tpu.memory_space<vmem>> -> memref<64xi32, #tpu.memory_space<vmem>>
      %dma_start3A_1557 = arith.constant 0 : i32
      %dma_start3A_1558 = arith.constant 0 : i32
      %dma_start3A_1559 = tpu.memref_slice %arg2[%dma_start3A_1557, %dma_start3A_1558] : memref<10000x128xf32, #tpu.memory_space<hbm>> -> memref<10000x128xf32, #tpu.memory_space<hbm>>
      tpu.enqueue_indirect_dma source(%dma_start3A_1559 : memref<10000x128xf32, #tpu.memory_space<hbm>>) target(%arg10 : memref<64x128xf32, #tpu.memory_space<vmem>>) offsets(%dma_start3A_1556 : memref<64xi32, #tpu.memory_space<vmem>>) semaphore(%arg16 : memref<!tpu.dma_semaphore, #tpu.memory_space<semaphore_mem>>)
      %add3A_1560 = arith.constant 2 : i32
      %add3A_1561 = arith.addi %mul3A_1459, %add3A_1560 : i32
      %dma_wait3A_1562 = arith.constant 0 : i32
      %dma_wait3A_1563 = tpu.memref_slice %arg7[%add3A_1561, %dma_wait3A_1562] : memref<16x64xi32, #tpu.memory_space<vmem>> -> memref<1x64xi32, #tpu.memory_space<vmem>>
      %dma_wait3A_1564 = tpu.memref_squeeze %dma_wait3A_1563 : memref<1x64xi32, #tpu.memory_space<vmem>> -> memref<64xi32, #tpu.memory_space<vmem>>
      %dma_wait3A_1565 = arith.constant 0 : i32
      %dma_wait3A_1566 = arith.constant 0 : i32
      %dma_wait3A_1567 = tpu.memref_slice %arg14[%dma_wait3A_1565, %dma_wait3A_1566] : memref<10240x128xf32, #tpu.memory_space<vmem_shared>> -> memref<10240x128xf32, #tpu.memory_space<vmem_shared>>
      tpu.wait_indirect_dma semaphore(%arg21 : memref<!tpu.dma_semaphore, #tpu.memory_space<semaphore_mem>>) src(%arg11 : memref<64x128xf32, #tpu.memory_space<vmem>>) dst(%dma_wait3A_1567 : memref<10240x128xf32, #tpu.memory_space<vmem_shared>>)
      %add3A_1568 = arith.constant 4 : i32
      %add3A_1569 = arith.addi %mul3A_1459, %add3A_1568 : i32
      %add3A_1570 = arith.constant 2 : i32
      %add3A_1571 = arith.addi %add3A_1569, %add3A_1570 : i32
      %dma_start3A_1572 = arith.constant 0 : i32
      %dma_start3A_1573 = tpu.memref_slice %arg5[%add3A_1571, %dma_start3A_1572] : memref<16x64xi32, #tpu.memory_space<vmem>> -> memref<1x64xi32, #tpu.memory_space<vmem>>
      %dma_start3A_1574 = tpu.memref_squeeze %dma_start3A_1573 : memref<1x64xi32, #tpu.memory_space<vmem>> -> memref<64xi32, #tpu.memory_space<vmem>>
      %dma_start3A_1575 = arith.constant 0 : i32
      %dma_start3A_1576 = arith.constant 0 : i32
      %dma_start3A_1577 = tpu.memref_slice %arg2[%dma_start3A_1575, %dma_start3A_1576] : memref<10000x128xf32, #tpu.memory_space<hbm>> -> memref<10000x128xf32, #tpu.memory_space<hbm>>
      tpu.enqueue_indirect_dma source(%dma_start3A_1577 : memref<10000x128xf32, #tpu.memory_space<hbm>>) target(%arg11 : memref<64x128xf32, #tpu.memory_space<vmem>>) offsets(%dma_start3A_1574 : memref<64xi32, #tpu.memory_space<vmem>>) semaphore(%arg17 : memref<!tpu.dma_semaphore, #tpu.memory_space<semaphore_mem>>)
      %add3A_1578 = arith.constant 3 : i32
      %add3A_1579 = arith.addi %mul3A_1459, %add3A_1578 : i32
      %dma_wait3A_1580 = arith.constant 0 : i32
      %dma_wait3A_1581 = tpu.memref_slice %arg7[%add3A_1579, %dma_wait3A_1580] : memref<16x64xi32, #tpu.memory_space<vmem>> -> memref<1x64xi32, #tpu.memory_space<vmem>>
      %dma_wait3A_1582 = tpu.memref_squeeze %dma_wait3A_1581 : memref<1x64xi32, #tpu.memory_space<vmem>> -> memref<64xi32, #tpu.memory_space<vmem>>
      %dma_wait3A_1583 = arith.constant 0 : i32
      %dma_wait3A_1584 = arith.constant 0 : i32
      %dma_wait3A_1585 = tpu.memref_slice %arg14[%dma_wait3A_1583, %dma_wait3A_1584] : memref<10240x128xf32, #tpu.memory_space<vmem_shared>> -> memref<10240x128xf32, #tpu.memory_space<vmem_shared>>
      tpu.wait_indirect_dma semaphore(%arg22 : memref<!tpu.dma_semaphore, #tpu.memory_space<semaphore_mem>>) src(%arg12 : memref<64x128xf32, #tpu.memory_space<vmem>>) dst(%dma_wait3A_1585 : memref<10240x128xf32, #tpu.memory_space<vmem_shared>>)
      %add3A_1586 = arith.constant 4 : i32
      %add3A_1587 = arith.addi %mul3A_1459, %add3A_1586 : i32
      %add3A_1588 = arith.constant 3 : i32
      %add3A_1589 = arith.addi %add3A_1587, %add3A_1588 : i32
      %dma_start3A_1590 = arith.constant 0 : i32
      %dma_start3A_1591 = tpu.memref_slice %arg5[%add3A_1589, %dma_start3A_1590] : memref<16x64xi32, #tpu.memory_space<vmem>> -> memref<1x64xi32, #tpu.memory_space<vmem>>
      %dma_start3A_1592 = tpu.memref_squeeze %dma_start3A_1591 : memref<1x64xi32, #tpu.memory_space<vmem>> -> memref<64xi32, #tpu.memory_space<vmem>>
      %dma_start3A_1593 = arith.constant 0 : i32
      %dma_start3A_1594 = arith.constant 0 : i32
      %dma_start3A_1595 = tpu.memref_slice %arg2[%dma_start3A_1593, %dma_start3A_1594] : memref<10000x128xf32, #tpu.memory_space<hbm>> -> memref<10000x128xf32, #tpu.memory_space<hbm>>
      tpu.enqueue_indirect_dma source(%dma_start3A_1595 : memref<10000x128xf32, #tpu.memory_space<hbm>>) target(%arg12 : memref<64x128xf32, #tpu.memory_space<vmem>>) offsets(%dma_start3A_1592 : memref<64xi32, #tpu.memory_space<vmem>>) semaphore(%arg18 : memref<!tpu.dma_semaphore, #tpu.memory_space<semaphore_mem>>)
    }
    %scan3A_659 = arith.constant 3 : i32
    %dma_wait3A_660 = arith.constant 12 : i32
    %dma_wait3A_661 = arith.constant 0 : i32
    %dma_wait3A_662 = tpu.memref_slice %arg5[%dma_wait3A_660, %dma_wait3A_661] : memref<16x64xi32, #tpu.memory_space<vmem>> -> memref<1x64xi32, #tpu.memory_space<vmem>>
    %dma_wait3A_663 = tpu.memref_squeeze %dma_wait3A_662 : memref<1x64xi32, #tpu.memory_space<vmem>> -> memref<64xi32, #tpu.memory_space<vmem>>
    %dma_wait3A_664 = arith.constant 0 : i32
    %dma_wait3A_665 = arith.constant 0 : i32
    %dma_wait3A_666 = tpu.memref_slice %arg2[%dma_wait3A_664, %dma_wait3A_665] : memref<10000x128xf32, #tpu.memory_space<hbm>> -> memref<10000x128xf32, #tpu.memory_space<hbm>>
    tpu.wait_indirect_dma semaphore(%arg15 : memref<!tpu.dma_semaphore, #tpu.memory_space<semaphore_mem>>) src(%dma_wait3A_666 : memref<10000x128xf32, #tpu.memory_space<hbm>>) dst(%arg9 : memref<64x128xf32, #tpu.memory_space<vmem>>)
    %dma_start3A_667 = arith.constant 12 : i32
    %dma_start3A_668 = arith.constant 0 : i32
    %dma_start3A_669 = tpu.memref_slice %arg7[%dma_start3A_667, %dma_start3A_668] : memref<16x64xi32, #tpu.memory_space<vmem>> -> memref<1x64xi32, #tpu.memory_space<vmem>>
    %dma_start3A_670 = tpu.memref_squeeze %dma_start3A_669 : memref<1x64xi32, #tpu.memory_space<vmem>> -> memref<64xi32, #tpu.memory_space<vmem>>
    %dma_start3A_671 = arith.constant 0 : i32
    %dma_start3A_672 = arith.constant 0 : i32
    %dma_start3A_673 = tpu.memref_slice %arg14[%dma_start3A_671, %dma_start3A_672] : memref<10240x128xf32, #tpu.memory_space<vmem_shared>> -> memref<10240x128xf32, #tpu.memory_space<vmem_shared>>
    tpu.enqueue_indirect_dma source(%arg9 : memref<64x128xf32, #tpu.memory_space<vmem>>) target(%dma_start3A_673 : memref<10240x128xf32, #tpu.memory_space<vmem_shared>>) offsets(%dma_start3A_670 : memref<64xi32, #tpu.memory_space<vmem>>) semaphore(%arg19 : memref<!tpu.dma_semaphore, #tpu.memory_space<semaphore_mem>>) {add = true}
    %dma_wait3A_674 = arith.constant 13 : i32
    %dma_wait3A_675 = arith.constant 0 : i32
    %dma_wait3A_676 = tpu.memref_slice %arg5[%dma_wait3A_674, %dma_wait3A_675] : memref<16x64xi32, #tpu.memory_space<vmem>> -> memref<1x64xi32, #tpu.memory_space<vmem>>
    %dma_wait3A_677 = tpu.memref_squeeze %dma_wait3A_676 : memref<1x64xi32, #tpu.memory_space<vmem>> -> memref<64xi32, #tpu.memory_space<vmem>>
    %dma_wait3A_678 = arith.constant 0 : i32
    %dma_wait3A_679 = arith.constant 0 : i32
    %dma_wait3A_680 = tpu.memref_slice %arg2[%dma_wait3A_678, %dma_wait3A_679] : memref<10000x128xf32, #tpu.memory_space<hbm>> -> memref<10000x128xf32, #tpu.memory_space<hbm>>
    tpu.wait_indirect_dma semaphore(%arg16 : memref<!tpu.dma_semaphore, #tpu.memory_space<semaphore_mem>>) src(%dma_wait3A_680 : memref<10000x128xf32, #tpu.memory_space<hbm>>) dst(%arg10 : memref<64x128xf32, #tpu.memory_space<vmem>>)
    %dma_start3A_681 = arith.constant 13 : i32
    %dma_start3A_682 = arith.constant 0 : i32
    %dma_start3A_683 = tpu.memref_slice %arg7[%dma_start3A_681, %dma_start3A_682] : memref<16x64xi32, #tpu.memory_space<vmem>> -> memref<1x64xi32, #tpu.memory_space<vmem>>
    %dma_start3A_684 = tpu.memref_squeeze %dma_start3A_683 : memref<1x64xi32, #tpu.memory_space<vmem>> -> memref<64xi32, #tpu.memory_space<vmem>>
    %dma_start3A_685 = arith.constant 0 : i32
    %dma_start3A_686 = arith.constant 0 : i32
    %dma_start3A_687 = tpu.memref_slice %arg14[%dma_start3A_685, %dma_start3A_686] : memref<10240x128xf32, #tpu.memory_space<vmem_shared>> -> memref<10240x128xf32, #tpu.memory_space<vmem_shared>>
    tpu.enqueue_indirect_dma source(%arg10 : memref<64x128xf32, #tpu.memory_space<vmem>>) target(%dma_start3A_687 : memref<10240x128xf32, #tpu.memory_space<vmem_shared>>) offsets(%dma_start3A_684 : memref<64xi32, #tpu.memory_space<vmem>>) semaphore(%arg20 : memref<!tpu.dma_semaphore, #tpu.memory_space<semaphore_mem>>) {add = true}
    %dma_wait3A_688 = arith.constant 14 : i32
    %dma_wait3A_689 = arith.constant 0 : i32
    %dma_wait3A_690 = tpu.memref_slice %arg5[%dma_wait3A_688, %dma_wait3A_689] : memref<16x64xi32, #tpu.memory_space<vmem>> -> memref<1x64xi32, #tpu.memory_space<vmem>>
    %dma_wait3A_691 = tpu.memref_squeeze %dma_wait3A_690 : memref<1x64xi32, #tpu.memory_space<vmem>> -> memref<64xi32, #tpu.memory_space<vmem>>
    %dma_wait3A_692 = arith.constant 0 : i32
    %dma_wait3A_693 = arith.constant 0 : i32
    %dma_wait3A_694 = tpu.memref_slice %arg2[%dma_wait3A_692, %dma_wait3A_693] : memref<10000x128xf32, #tpu.memory_space<hbm>> -> memref<10000x128xf32, #tpu.memory_space<hbm>>
    tpu.wait_indirect_dma semaphore(%arg17 : memref<!tpu.dma_semaphore, #tpu.memory_space<semaphore_mem>>) src(%dma_wait3A_694 : memref<10000x128xf32, #tpu.memory_space<hbm>>) dst(%arg11 : memref<64x128xf32, #tpu.memory_space<vmem>>)
    %dma_start3A_695 = arith.constant 14 : i32
    %dma_start3A_696 = arith.constant 0 : i32
    %dma_start3A_697 = tpu.memref_slice %arg7[%dma_start3A_695, %dma_start3A_696] : memref<16x64xi32, #tpu.memory_space<vmem>> -> memref<1x64xi32, #tpu.memory_space<vmem>>
    %dma_start3A_698 = tpu.memref_squeeze %dma_start3A_697 : memref<1x64xi32, #tpu.memory_space<vmem>> -> memref<64xi32, #tpu.memory_space<vmem>>
    %dma_start3A_699 = arith.constant 0 : i32
    %dma_start3A_700 = arith.constant 0 : i32
    %dma_start3A_701 = tpu.memref_slice %arg14[%dma_start3A_699, %dma_start3A_700] : memref<10240x128xf32, #tpu.memory_space<vmem_shared>> -> memref<10240x128xf32, #tpu.memory_space<vmem_shared>>
    tpu.enqueue_indirect_dma source(%arg11 : memref<64x128xf32, #tpu.memory_space<vmem>>) target(%dma_start3A_701 : memref<10240x128xf32, #tpu.memory_space<vmem_shared>>) offsets(%dma_start3A_698 : memref<64xi32, #tpu.memory_space<vmem>>) semaphore(%arg21 : memref<!tpu.dma_semaphore, #tpu.memory_space<semaphore_mem>>) {add = true}
    %dma_wait3A_702 = arith.constant 15 : i32
    %dma_wait3A_703 = arith.constant 0 : i32
    %dma_wait3A_704 = tpu.memref_slice %arg5[%dma_wait3A_702, %dma_wait3A_703] : memref<16x64xi32, #tpu.memory_space<vmem>> -> memref<1x64xi32, #tpu.memory_space<vmem>>
    %dma_wait3A_705 = tpu.memref_squeeze %dma_wait3A_704 : memref<1x64xi32, #tpu.memory_space<vmem>> -> memref<64xi32, #tpu.memory_space<vmem>>
    %dma_wait3A_706 = arith.constant 0 : i32
    %dma_wait3A_707 = arith.constant 0 : i32
    %dma_wait3A_708 = tpu.memref_slice %arg2[%dma_wait3A_706, %dma_wait3A_707] : memref<10000x128xf32, #tpu.memory_space<hbm>> -> memref<10000x128xf32, #tpu.memory_space<hbm>>
    tpu.wait_indirect_dma semaphore(%arg18 : memref<!tpu.dma_semaphore, #tpu.memory_space<semaphore_mem>>) src(%dma_wait3A_708 : memref<10000x128xf32, #tpu.memory_space<hbm>>) dst(%arg12 : memref<64x128xf32, #tpu.memory_space<vmem>>)
    %dma_start3A_709 = arith.constant 15 : i32
    %dma_start3A_710 = arith.constant 0 : i32
    %dma_start3A_711 = tpu.memref_slice %arg7[%dma_start3A_709, %dma_start3A_710] : memref<16x64xi32, #tpu.memory_space<vmem>> -> memref<1x64xi32, #tpu.memory_space<vmem>>
    %dma_start3A_712 = tpu.memref_squeeze %dma_start3A_711 : memref<1x64xi32, #tpu.memory_space<vmem>> -> memref<64xi32, #tpu.memory_space<vmem>>
    %dma_start3A_713 = arith.constant 0 : i32
    %dma_start3A_714 = arith.constant 0 : i32
    %dma_start3A_715 = tpu.memref_slice %arg14[%dma_start3A_713, %dma_start3A_714] : memref<10240x128xf32, #tpu.memory_space<vmem_shared>> -> memref<10240x128xf32, #tpu.memory_space<vmem_shared>>
    tpu.enqueue_indirect_dma source(%arg12 : memref<64x128xf32, #tpu.memory_space<vmem>>) target(%dma_start3A_715 : memref<10240x128xf32, #tpu.memory_space<vmem_shared>>) offsets(%dma_start3A_712 : memref<64xi32, #tpu.memory_space<vmem>>) semaphore(%arg22 : memref<!tpu.dma_semaphore, #tpu.memory_space<semaphore_mem>>) {add = true}
    %dma_wait3A_716 = arith.constant 12 : i32
    %dma_wait3A_717 = arith.constant 0 : i32
    %dma_wait3A_718 = tpu.memref_slice %arg7[%dma_wait3A_716, %dma_wait3A_717] : memref<16x64xi32, #tpu.memory_space<vmem>> -> memref<1x64xi32, #tpu.memory_space<vmem>>
    %dma_wait3A_719 = tpu.memref_squeeze %dma_wait3A_718 : memref<1x64xi32, #tpu.memory_space<vmem>> -> memref<64xi32, #tpu.memory_space<vmem>>
    %dma_wait3A_720 = arith.constant 0 : i32
    %dma_wait3A_721 = arith.constant 0 : i32
    %dma_wait3A_722 = tpu.memref_slice %arg14[%dma_wait3A_720, %dma_wait3A_721] : memref<10240x128xf32, #tpu.memory_space<vmem_shared>> -> memref<10240x128xf32, #tpu.memory_space<vmem_shared>>
    tpu.wait_indirect_dma semaphore(%arg19 : memref<!tpu.dma_semaphore, #tpu.memory_space<semaphore_mem>>) src(%arg9 : memref<64x128xf32, #tpu.memory_space<vmem>>) dst(%dma_wait3A_722 : memref<10240x128xf32, #tpu.memory_space<vmem_shared>>)
    %dma_wait3A_723 = arith.constant 13 : i32
    %dma_wait3A_724 = arith.constant 0 : i32
    %dma_wait3A_725 = tpu.memref_slice %arg7[%dma_wait3A_723, %dma_wait3A_724] : memref<16x64xi32, #tpu.memory_space<vmem>> -> memref<1x64xi32, #tpu.memory_space<vmem>>
    %dma_wait3A_726 = tpu.memref_squeeze %dma_wait3A_725 : memref<1x64xi32, #tpu.memory_space<vmem>> -> memref<64xi32, #tpu.memory_space<vmem>>
    %dma_wait3A_727 = arith.constant 0 : i32
    %dma_wait3A_728 = arith.constant 0 : i32
    %dma_wait3A_729 = tpu.memref_slice %arg14[%dma_wait3A_727, %dma_wait3A_728] : memref<10240x128xf32, #tpu.memory_space<vmem_shared>> -> memref<10240x128xf32, #tpu.memory_space<vmem_shared>>
    tpu.wait_indirect_dma semaphore(%arg20 : memref<!tpu.dma_semaphore, #tpu.memory_space<semaphore_mem>>) src(%arg10 : memref<64x128xf32, #tpu.memory_space<vmem>>) dst(%dma_wait3A_729 : memref<10240x128xf32, #tpu.memory_space<vmem_shared>>)
    %dma_wait3A_730 = arith.constant 14 : i32
    %dma_wait3A_731 = arith.constant 0 : i32
    %dma_wait3A_732 = tpu.memref_slice %arg7[%dma_wait3A_730, %dma_wait3A_731] : memref<16x64xi32, #tpu.memory_space<vmem>> -> memref<1x64xi32, #tpu.memory_space<vmem>>
    %dma_wait3A_733 = tpu.memref_squeeze %dma_wait3A_732 : memref<1x64xi32, #tpu.memory_space<vmem>> -> memref<64xi32, #tpu.memory_space<vmem>>
    %dma_wait3A_734 = arith.constant 0 : i32
    %dma_wait3A_735 = arith.constant 0 : i32
    %dma_wait3A_736 = tpu.memref_slice %arg14[%dma_wait3A_734, %dma_wait3A_735] : memref<10240x128xf32, #tpu.memory_space<vmem_shared>> -> memref<10240x128xf32, #tpu.memory_space<vmem_shared>>
    tpu.wait_indirect_dma semaphore(%arg21 : memref<!tpu.dma_semaphore, #tpu.memory_space<semaphore_mem>>) src(%arg11 : memref<64x128xf32, #tpu.memory_space<vmem>>) dst(%dma_wait3A_736 : memref<10240x128xf32, #tpu.memory_space<vmem_shared>>)
    %dma_wait3A_737 = arith.constant 15 : i32
    %dma_wait3A_738 = arith.constant 0 : i32
    %dma_wait3A_739 = tpu.memref_slice %arg7[%dma_wait3A_737, %dma_wait3A_738] : memref<16x64xi32, #tpu.memory_space<vmem>> -> memref<1x64xi32, #tpu.memory_space<vmem>>
    %dma_wait3A_740 = tpu.memref_squeeze %dma_wait3A_739 : memref<1x64xi32, #tpu.memory_space<vmem>> -> memref<64xi32, #tpu.memory_space<vmem>>
    %dma_wait3A_741 = arith.constant 0 : i32
    %dma_wait3A_742 = arith.constant 0 : i32
    %dma_wait3A_743 = tpu.memref_slice %arg14[%dma_wait3A_741, %dma_wait3A_742] : memref<10240x128xf32, #tpu.memory_space<vmem_shared>> -> memref<10240x128xf32, #tpu.memory_space<vmem_shared>>
    tpu.wait_indirect_dma semaphore(%arg22 : memref<!tpu.dma_semaphore, #tpu.memory_space<semaphore_mem>>) src(%arg12 : memref<64x128xf32, #tpu.memory_space<vmem>>) dst(%dma_wait3A_743 : memref<10240x128xf32, #tpu.memory_space<vmem_shared>>)
    %dma_wait3A_744 = arith.constant 0 : i32
    %dma_wait3A_745 = arith.constant 0 : i32
    %dma_wait3A_746 = tpu.memref_slice %arg3[%dma_wait3A_744, %dma_wait3A_745] : memref<10240x64xi32, #tpu.memory_space<hbm>> -> memref<16x64xi32, #tpu.memory_space<hbm>>
    %dma_wait3A_747 = arith.constant 0 : i32
    %dma_wait3A_748 = arith.constant 0 : i32
    %dma_wait3A_749 = tpu.memref_slice %arg3[%dma_wait3A_747, %dma_wait3A_748] : memref<10240x64xi32, #tpu.memory_space<hbm>> -> memref<16x64xi32, #tpu.memory_space<hbm>>
    tpu.wait_dma2 semaphore(%arg24 : memref<!tpu.dma_semaphore, #tpu.memory_space<semaphore_mem>>) src(%dma_wait3A_749 : memref<16x64xi32, #tpu.memory_space<hbm>>) dst(%arg6 : memref<16x64xi32, #tpu.memory_space<vmem>>)
    %dma_wait3A_750 = arith.constant 0 : i32
    %dma_wait3A_751 = arith.constant 0 : i32
    %dma_wait3A_752 = tpu.memref_slice %arg3[%dma_wait3A_750, %dma_wait3A_751] : memref<10240x64xi32, #tpu.memory_space<hbm>> -> memref<16x64xi32, #tpu.memory_space<hbm>>
    %dma_wait3A_753 = arith.constant 0 : i32
    %dma_wait3A_754 = arith.constant 0 : i32
    %dma_wait3A_755 = tpu.memref_slice %arg3[%dma_wait3A_753, %dma_wait3A_754] : memref<10240x64xi32, #tpu.memory_space<hbm>> -> memref<16x64xi32, #tpu.memory_space<hbm>>
    tpu.wait_dma2 semaphore(%arg24 : memref<!tpu.dma_semaphore, #tpu.memory_space<semaphore_mem>>) src(%dma_wait3A_755 : memref<16x64xi32, #tpu.memory_space<hbm>>) dst(%arg8 : memref<16x64xi32, #tpu.memory_space<vmem>>)
    %mul3A_756 = arith.constant 160 : i32
    %mul3A_757 = arith.muli %add3A, %mul3A_756 : i32
    %add3A_758 = arith.constant 96 : i32
    %add3A_759 = arith.addi %mul3A_757, %add3A_758 : i32
    %add3A_760 = arith.constant 5120 : i32
    %add3A_761 = arith.addi %add3A_760, %add3A_759 : i32
    %dma_start3A_762 = arith.constant 0 : i32
    %dma_start3A_763 = tpu.memref_slice %arg3[%add3A_761, %dma_start3A_762] : memref<10240x64xi32, #tpu.memory_space<hbm>> -> memref<16x64xi32, #tpu.memory_space<hbm>>
    %dma_start3A_764 = arith.constant 0 : i32
    %dma_start3A_765 = tpu.memref_slice %arg3[%add3A_761, %dma_start3A_764] : memref<10240x64xi32, #tpu.memory_space<hbm>> -> memref<16x64xi32, #tpu.memory_space<hbm>>
    tpu.enqueue_dma source(%dma_start3A_765 : memref<16x64xi32, #tpu.memory_space<hbm>>) target(%arg5 : memref<16x64xi32, #tpu.memory_space<vmem>>) target_semaphore(%arg23 : memref<!tpu.dma_semaphore, #tpu.memory_space<semaphore_mem>>)
    %dma_start3A_766 = arith.constant 0 : i32
    %dma_start3A_767 = tpu.memref_slice %arg3[%add3A_759, %dma_start3A_766] : memref<10240x64xi32, #tpu.memory_space<hbm>> -> memref<16x64xi32, #tpu.memory_space<hbm>>
    %dma_start3A_768 = arith.constant 0 : i32
    %dma_start3A_769 = tpu.memref_slice %arg3[%add3A_759, %dma_start3A_768] : memref<10240x64xi32, #tpu.memory_space<hbm>> -> memref<16x64xi32, #tpu.memory_space<hbm>>
    tpu.enqueue_dma source(%dma_start3A_769 : memref<16x64xi32, #tpu.memory_space<hbm>>) target(%arg7 : memref<16x64xi32, #tpu.memory_space<vmem>>) target_semaphore(%arg23 : memref<!tpu.dma_semaphore, #tpu.memory_space<semaphore_mem>>)
    %dma_start3A_770 = arith.constant 0 : i32
    %dma_start3A_771 = arith.constant 0 : i32
    %dma_start3A_772 = tpu.memref_slice %arg6[%dma_start3A_770, %dma_start3A_771] : memref<16x64xi32, #tpu.memory_space<vmem>> -> memref<1x64xi32, #tpu.memory_space<vmem>>
    %dma_start3A_773 = tpu.memref_squeeze %dma_start3A_772 : memref<1x64xi32, #tpu.memory_space<vmem>> -> memref<64xi32, #tpu.memory_space<vmem>>
    %dma_start3A_774 = arith.constant 0 : i32
    %dma_start3A_775 = arith.constant 0 : i32
    %dma_start3A_776 = tpu.memref_slice %arg2[%dma_start3A_774, %dma_start3A_775] : memref<10000x128xf32, #tpu.memory_space<hbm>> -> memref<10000x128xf32, #tpu.memory_space<hbm>>
    tpu.enqueue_indirect_dma source(%dma_start3A_776 : memref<10000x128xf32, #tpu.memory_space<hbm>>) target(%arg9 : memref<64x128xf32, #tpu.memory_space<vmem>>) offsets(%dma_start3A_773 : memref<64xi32, #tpu.memory_space<vmem>>) semaphore(%arg15 : memref<!tpu.dma_semaphore, #tpu.memory_space<semaphore_mem>>)
    %dma_start3A_777 = arith.constant 1 : i32
    %dma_start3A_778 = arith.constant 0 : i32
    %dma_start3A_779 = tpu.memref_slice %arg6[%dma_start3A_777, %dma_start3A_778] : memref<16x64xi32, #tpu.memory_space<vmem>> -> memref<1x64xi32, #tpu.memory_space<vmem>>
    %dma_start3A_780 = tpu.memref_squeeze %dma_start3A_779 : memref<1x64xi32, #tpu.memory_space<vmem>> -> memref<64xi32, #tpu.memory_space<vmem>>
    %dma_start3A_781 = arith.constant 0 : i32
    %dma_start3A_782 = arith.constant 0 : i32
    %dma_start3A_783 = tpu.memref_slice %arg2[%dma_start3A_781, %dma_start3A_782] : memref<10000x128xf32, #tpu.memory_space<hbm>> -> memref<10000x128xf32, #tpu.memory_space<hbm>>
    tpu.enqueue_indirect_dma source(%dma_start3A_783 : memref<10000x128xf32, #tpu.memory_space<hbm>>) target(%arg10 : memref<64x128xf32, #tpu.memory_space<vmem>>) offsets(%dma_start3A_780 : memref<64xi32, #tpu.memory_space<vmem>>) semaphore(%arg16 : memref<!tpu.dma_semaphore, #tpu.memory_space<semaphore_mem>>)
    %dma_start3A_784 = arith.constant 2 : i32
    %dma_start3A_785 = arith.constant 0 : i32
    %dma_start3A_786 = tpu.memref_slice %arg6[%dma_start3A_784, %dma_start3A_785] : memref<16x64xi32, #tpu.memory_space<vmem>> -> memref<1x64xi32, #tpu.memory_space<vmem>>
    %dma_start3A_787 = tpu.memref_squeeze %dma_start3A_786 : memref<1x64xi32, #tpu.memory_space<vmem>> -> memref<64xi32, #tpu.memory_space<vmem>>
    %dma_start3A_788 = arith.constant 0 : i32
    %dma_start3A_789 = arith.constant 0 : i32
    %dma_start3A_790 = tpu.memref_slice %arg2[%dma_start3A_788, %dma_start3A_789] : memref<10000x128xf32, #tpu.memory_space<hbm>> -> memref<10000x128xf32, #tpu.memory_space<hbm>>
    tpu.enqueue_indirect_dma source(%dma_start3A_790 : memref<10000x128xf32, #tpu.memory_space<hbm>>) target(%arg11 : memref<64x128xf32, #tpu.memory_space<vmem>>) offsets(%dma_start3A_787 : memref<64xi32, #tpu.memory_space<vmem>>) semaphore(%arg17 : memref<!tpu.dma_semaphore, #tpu.memory_space<semaphore_mem>>)
    %dma_start3A_791 = arith.constant 3 : i32
    %dma_start3A_792 = arith.constant 0 : i32
    %dma_start3A_793 = tpu.memref_slice %arg6[%dma_start3A_791, %dma_start3A_792] : memref<16x64xi32, #tpu.memory_space<vmem>> -> memref<1x64xi32, #tpu.memory_space<vmem>>
    %dma_start3A_794 = tpu.memref_squeeze %dma_start3A_793 : memref<1x64xi32, #tpu.memory_space<vmem>> -> memref<64xi32, #tpu.memory_space<vmem>>
    %dma_start3A_795 = arith.constant 0 : i32
    %dma_start3A_796 = arith.constant 0 : i32
    %dma_start3A_797 = tpu.memref_slice %arg2[%dma_start3A_795, %dma_start3A_796] : memref<10000x128xf32, #tpu.memory_space<hbm>> -> memref<10000x128xf32, #tpu.memory_space<hbm>>
    tpu.enqueue_indirect_dma source(%dma_start3A_797 : memref<10000x128xf32, #tpu.memory_space<hbm>>) target(%arg12 : memref<64x128xf32, #tpu.memory_space<vmem>>) offsets(%dma_start3A_794 : memref<64xi32, #tpu.memory_space<vmem>>) semaphore(%arg18 : memref<!tpu.dma_semaphore, #tpu.memory_space<semaphore_mem>>)
    %scan3A_798 = arith.constant 0 : i32
    %scan3A_799 = arith.constant 0 : i32
    %scan3A_800 = arith.constant 3 : i32
    %scan3A_801 = arith.addi %scan3A_799, %scan3A_800 : i32
    %scan3A_802 = arith.constant 1 : i32
    scf.for %scan3A_1457 = %scan3A_799 to %scan3A_801 step %scan3A_802  : i32 {
      %mul3A_1458 = arith.constant 4 : i32
      %mul3A_1459 = arith.muli %scan3A_1457, %mul3A_1458 : i32
      %add3A_1460 = arith.constant 0 : i32
      %add3A_1461 = arith.addi %mul3A_1459, %add3A_1460 : i32
      %dma_wait3A_1462 = arith.constant 0 : i32
      %dma_wait3A_1463 = tpu.memref_slice %arg6[%add3A_1461, %dma_wait3A_1462] : memref<16x64xi32, #tpu.memory_space<vmem>> -> memref<1x64xi32, #tpu.memory_space<vmem>>
      %dma_wait3A_1464 = tpu.memref_squeeze %dma_wait3A_1463 : memref<1x64xi32, #tpu.memory_space<vmem>> -> memref<64xi32, #tpu.memory_space<vmem>>
      %dma_wait3A_1465 = arith.constant 0 : i32
      %dma_wait3A_1466 = arith.constant 0 : i32
      %dma_wait3A_1467 = tpu.memref_slice %arg2[%dma_wait3A_1465, %dma_wait3A_1466] : memref<10000x128xf32, #tpu.memory_space<hbm>> -> memref<10000x128xf32, #tpu.memory_space<hbm>>
      tpu.wait_indirect_dma semaphore(%arg15 : memref<!tpu.dma_semaphore, #tpu.memory_space<semaphore_mem>>) src(%dma_wait3A_1467 : memref<10000x128xf32, #tpu.memory_space<hbm>>) dst(%arg9 : memref<64x128xf32, #tpu.memory_space<vmem>>)
      %add3A_1468 = arith.constant 0 : i32
      %add3A_1469 = arith.addi %mul3A_1459, %add3A_1468 : i32
      %dma_start3A_1470 = arith.constant 0 : i32
      %dma_start3A_1471 = tpu.memref_slice %arg8[%add3A_1469, %dma_start3A_1470] : memref<16x64xi32, #tpu.memory_space<vmem>> -> memref<1x64xi32, #tpu.memory_space<vmem>>
      %dma_start3A_1472 = tpu.memref_squeeze %dma_start3A_1471 : memref<1x64xi32, #tpu.memory_space<vmem>> -> memref<64xi32, #tpu.memory_space<vmem>>
      %dma_start3A_1473 = arith.constant 0 : i32
      %dma_start3A_1474 = arith.constant 0 : i32
      %dma_start3A_1475 = tpu.memref_slice %arg14[%dma_start3A_1473, %dma_start3A_1474] : memref<10240x128xf32, #tpu.memory_space<vmem_shared>> -> memref<10240x128xf32, #tpu.memory_space<vmem_shared>>
      tpu.enqueue_indirect_dma source(%arg9 : memref<64x128xf32, #tpu.memory_space<vmem>>) target(%dma_start3A_1475 : memref<10240x128xf32, #tpu.memory_space<vmem_shared>>) offsets(%dma_start3A_1472 : memref<64xi32, #tpu.memory_space<vmem>>) semaphore(%arg19 : memref<!tpu.dma_semaphore, #tpu.memory_space<semaphore_mem>>) {add = true}
      %add3A_1476 = arith.constant 1 : i32
      %add3A_1477 = arith.addi %mul3A_1459, %add3A_1476 : i32
      %dma_wait3A_1478 = arith.constant 0 : i32
      %dma_wait3A_1479 = tpu.memref_slice %arg6[%add3A_1477, %dma_wait3A_1478] : memref<16x64xi32, #tpu.memory_space<vmem>> -> memref<1x64xi32, #tpu.memory_space<vmem>>
      %dma_wait3A_1480 = tpu.memref_squeeze %dma_wait3A_1479 : memref<1x64xi32, #tpu.memory_space<vmem>> -> memref<64xi32, #tpu.memory_space<vmem>>
      %dma_wait3A_1481 = arith.constant 0 : i32
      %dma_wait3A_1482 = arith.constant 0 : i32
      %dma_wait3A_1483 = tpu.memref_slice %arg2[%dma_wait3A_1481, %dma_wait3A_1482] : memref<10000x128xf32, #tpu.memory_space<hbm>> -> memref<10000x128xf32, #tpu.memory_space<hbm>>
      tpu.wait_indirect_dma semaphore(%arg16 : memref<!tpu.dma_semaphore, #tpu.memory_space<semaphore_mem>>) src(%dma_wait3A_1483 : memref<10000x128xf32, #tpu.memory_space<hbm>>) dst(%arg10 : memref<64x128xf32, #tpu.memory_space<vmem>>)
      %add3A_1484 = arith.constant 1 : i32
      %add3A_1485 = arith.addi %mul3A_1459, %add3A_1484 : i32
      %dma_start3A_1486 = arith.constant 0 : i32
      %dma_start3A_1487 = tpu.memref_slice %arg8[%add3A_1485, %dma_start3A_1486] : memref<16x64xi32, #tpu.memory_space<vmem>> -> memref<1x64xi32, #tpu.memory_space<vmem>>
      %dma_start3A_1488 = tpu.memref_squeeze %dma_start3A_1487 : memref<1x64xi32, #tpu.memory_space<vmem>> -> memref<64xi32, #tpu.memory_space<vmem>>
      %dma_start3A_1489 = arith.constant 0 : i32
      %dma_start3A_1490 = arith.constant 0 : i32
      %dma_start3A_1491 = tpu.memref_slice %arg14[%dma_start3A_1489, %dma_start3A_1490] : memref<10240x128xf32, #tpu.memory_space<vmem_shared>> -> memref<10240x128xf32, #tpu.memory_space<vmem_shared>>
      tpu.enqueue_indirect_dma source(%arg10 : memref<64x128xf32, #tpu.memory_space<vmem>>) target(%dma_start3A_1491 : memref<10240x128xf32, #tpu.memory_space<vmem_shared>>) offsets(%dma_start3A_1488 : memref<64xi32, #tpu.memory_space<vmem>>) semaphore(%arg20 : memref<!tpu.dma_semaphore, #tpu.memory_space<semaphore_mem>>) {add = true}
      %add3A_1492 = arith.constant 2 : i32
      %add3A_1493 = arith.addi %mul3A_1459, %add3A_1492 : i32
      %dma_wait3A_1494 = arith.constant 0 : i32
      %dma_wait3A_1495 = tpu.memref_slice %arg6[%add3A_1493, %dma_wait3A_1494] : memref<16x64xi32, #tpu.memory_space<vmem>> -> memref<1x64xi32, #tpu.memory_space<vmem>>
      %dma_wait3A_1496 = tpu.memref_squeeze %dma_wait3A_1495 : memref<1x64xi32, #tpu.memory_space<vmem>> -> memref<64xi32, #tpu.memory_space<vmem>>
      %dma_wait3A_1497 = arith.constant 0 : i32
      %dma_wait3A_1498 = arith.constant 0 : i32
      %dma_wait3A_1499 = tpu.memref_slice %arg2[%dma_wait3A_1497, %dma_wait3A_1498] : memref<10000x128xf32, #tpu.memory_space<hbm>> -> memref<10000x128xf32, #tpu.memory_space<hbm>>
      tpu.wait_indirect_dma semaphore(%arg17 : memref<!tpu.dma_semaphore, #tpu.memory_space<semaphore_mem>>) src(%dma_wait3A_1499 : memref<10000x128xf32, #tpu.memory_space<hbm>>) dst(%arg11 : memref<64x128xf32, #tpu.memory_space<vmem>>)
      %add3A_1500 = arith.constant 2 : i32
      %add3A_1501 = arith.addi %mul3A_1459, %add3A_1500 : i32
      %dma_start3A_1502 = arith.constant 0 : i32
      %dma_start3A_1503 = tpu.memref_slice %arg8[%add3A_1501, %dma_start3A_1502] : memref<16x64xi32, #tpu.memory_space<vmem>> -> memref<1x64xi32, #tpu.memory_space<vmem>>
      %dma_start3A_1504 = tpu.memref_squeeze %dma_start3A_1503 : memref<1x64xi32, #tpu.memory_space<vmem>> -> memref<64xi32, #tpu.memory_space<vmem>>
      %dma_start3A_1505 = arith.constant 0 : i32
      %dma_start3A_1506 = arith.constant 0 : i32
      %dma_start3A_1507 = tpu.memref_slice %arg14[%dma_start3A_1505, %dma_start3A_1506] : memref<10240x128xf32, #tpu.memory_space<vmem_shared>> -> memref<10240x128xf32, #tpu.memory_space<vmem_shared>>
      tpu.enqueue_indirect_dma source(%arg11 : memref<64x128xf32, #tpu.memory_space<vmem>>) target(%dma_start3A_1507 : memref<10240x128xf32, #tpu.memory_space<vmem_shared>>) offsets(%dma_start3A_1504 : memref<64xi32, #tpu.memory_space<vmem>>) semaphore(%arg21 : memref<!tpu.dma_semaphore, #tpu.memory_space<semaphore_mem>>) {add = true}
      %add3A_1508 = arith.constant 3 : i32
      %add3A_1509 = arith.addi %mul3A_1459, %add3A_1508 : i32
      %dma_wait3A_1510 = arith.constant 0 : i32
      %dma_wait3A_1511 = tpu.memref_slice %arg6[%add3A_1509, %dma_wait3A_1510] : memref<16x64xi32, #tpu.memory_space<vmem>> -> memref<1x64xi32, #tpu.memory_space<vmem>>
      %dma_wait3A_1512 = tpu.memref_squeeze %dma_wait3A_1511 : memref<1x64xi32, #tpu.memory_space<vmem>> -> memref<64xi32, #tpu.memory_space<vmem>>
      %dma_wait3A_1513 = arith.constant 0 : i32
      %dma_wait3A_1514 = arith.constant 0 : i32
      %dma_wait3A_1515 = tpu.memref_slice %arg2[%dma_wait3A_1513, %dma_wait3A_1514] : memref<10000x128xf32, #tpu.memory_space<hbm>> -> memref<10000x128xf32, #tpu.memory_space<hbm>>
      tpu.wait_indirect_dma semaphore(%arg18 : memref<!tpu.dma_semaphore, #tpu.memory_space<semaphore_mem>>) src(%dma_wait3A_1515 : memref<10000x128xf32, #tpu.memory_space<hbm>>) dst(%arg12 : memref<64x128xf32, #tpu.memory_space<vmem>>)
      %add3A_1516 = arith.constant 3 : i32
      %add3A_1517 = arith.addi %mul3A_1459, %add3A_1516 : i32
      %dma_start3A_1518 = arith.constant 0 : i32
      %dma_start3A_1519 = tpu.memref_slice %arg8[%add3A_1517, %dma_start3A_1518] : memref<16x64xi32, #tpu.memory_space<vmem>> -> memref<1x64xi32, #tpu.memory_space<vmem>>
      %dma_start3A_1520 = tpu.memref_squeeze %dma_start3A_1519 : memref<1x64xi32, #tpu.memory_space<vmem>> -> memref<64xi32, #tpu.memory_space<vmem>>
      %dma_start3A_1521 = arith.constant 0 : i32
      %dma_start3A_1522 = arith.constant 0 : i32
      %dma_start3A_1523 = tpu.memref_slice %arg14[%dma_start3A_1521, %dma_start3A_1522] : memref<10240x128xf32, #tpu.memory_space<vmem_shared>> -> memref<10240x128xf32, #tpu.memory_space<vmem_shared>>
      tpu.enqueue_indirect_dma source(%arg12 : memref<64x128xf32, #tpu.memory_space<vmem>>) target(%dma_start3A_1523 : memref<10240x128xf32, #tpu.memory_space<vmem_shared>>) offsets(%dma_start3A_1520 : memref<64xi32, #tpu.memory_space<vmem>>) semaphore(%arg22 : memref<!tpu.dma_semaphore, #tpu.memory_space<semaphore_mem>>) {add = true}
      %add3A_1524 = arith.constant 0 : i32
      %add3A_1525 = arith.addi %mul3A_1459, %add3A_1524 : i32
      %dma_wait3A_1526 = arith.constant 0 : i32
      %dma_wait3A_1527 = tpu.memref_slice %arg8[%add3A_1525, %dma_wait3A_1526] : memref<16x64xi32, #tpu.memory_space<vmem>> -> memref<1x64xi32, #tpu.memory_space<vmem>>
      %dma_wait3A_1528 = tpu.memref_squeeze %dma_wait3A_1527 : memref<1x64xi32, #tpu.memory_space<vmem>> -> memref<64xi32, #tpu.memory_space<vmem>>
      %dma_wait3A_1529 = arith.constant 0 : i32
      %dma_wait3A_1530 = arith.constant 0 : i32
      %dma_wait3A_1531 = tpu.memref_slice %arg14[%dma_wait3A_1529, %dma_wait3A_1530] : memref<10240x128xf32, #tpu.memory_space<vmem_shared>> -> memref<10240x128xf32, #tpu.memory_space<vmem_shared>>
      tpu.wait_indirect_dma semaphore(%arg19 : memref<!tpu.dma_semaphore, #tpu.memory_space<semaphore_mem>>) src(%arg9 : memref<64x128xf32, #tpu.memory_space<vmem>>) dst(%dma_wait3A_1531 : memref<10240x128xf32, #tpu.memory_space<vmem_shared>>)
      %add3A_1532 = arith.constant 4 : i32
      %add3A_1533 = arith.addi %mul3A_1459, %add3A_1532 : i32
      %add3A_1534 = arith.constant 0 : i32
      %add3A_1535 = arith.addi %add3A_1533, %add3A_1534 : i32
      %dma_start3A_1536 = arith.constant 0 : i32
      %dma_start3A_1537 = tpu.memref_slice %arg6[%add3A_1535, %dma_start3A_1536] : memref<16x64xi32, #tpu.memory_space<vmem>> -> memref<1x64xi32, #tpu.memory_space<vmem>>
      %dma_start3A_1538 = tpu.memref_squeeze %dma_start3A_1537 : memref<1x64xi32, #tpu.memory_space<vmem>> -> memref<64xi32, #tpu.memory_space<vmem>>
      %dma_start3A_1539 = arith.constant 0 : i32
      %dma_start3A_1540 = arith.constant 0 : i32
      %dma_start3A_1541 = tpu.memref_slice %arg2[%dma_start3A_1539, %dma_start3A_1540] : memref<10000x128xf32, #tpu.memory_space<hbm>> -> memref<10000x128xf32, #tpu.memory_space<hbm>>
      tpu.enqueue_indirect_dma source(%dma_start3A_1541 : memref<10000x128xf32, #tpu.memory_space<hbm>>) target(%arg9 : memref<64x128xf32, #tpu.memory_space<vmem>>) offsets(%dma_start3A_1538 : memref<64xi32, #tpu.memory_space<vmem>>) semaphore(%arg15 : memref<!tpu.dma_semaphore, #tpu.memory_space<semaphore_mem>>)
      %add3A_1542 = arith.constant 1 : i32
      %add3A_1543 = arith.addi %mul3A_1459, %add3A_1542 : i32
      %dma_wait3A_1544 = arith.constant 0 : i32
      %dma_wait3A_1545 = tpu.memref_slice %arg8[%add3A_1543, %dma_wait3A_1544] : memref<16x64xi32, #tpu.memory_space<vmem>> -> memref<1x64xi32, #tpu.memory_space<vmem>>
      %dma_wait3A_1546 = tpu.memref_squeeze %dma_wait3A_1545 : memref<1x64xi32, #tpu.memory_space<vmem>> -> memref<64xi32, #tpu.memory_space<vmem>>
      %dma_wait3A_1547 = arith.constant 0 : i32
      %dma_wait3A_1548 = arith.constant 0 : i32
      %dma_wait3A_1549 = tpu.memref_slice %arg14[%dma_wait3A_1547, %dma_wait3A_1548] : memref<10240x128xf32, #tpu.memory_space<vmem_shared>> -> memref<10240x128xf32, #tpu.memory_space<vmem_shared>>
      tpu.wait_indirect_dma semaphore(%arg20 : memref<!tpu.dma_semaphore, #tpu.memory_space<semaphore_mem>>) src(%arg10 : memref<64x128xf32, #tpu.memory_space<vmem>>) dst(%dma_wait3A_1549 : memref<10240x128xf32, #tpu.memory_space<vmem_shared>>)
      %add3A_1550 = arith.constant 4 : i32
      %add3A_1551 = arith.addi %mul3A_1459, %add3A_1550 : i32
      %add3A_1552 = arith.constant 1 : i32
      %add3A_1553 = arith.addi %add3A_1551, %add3A_1552 : i32
      %dma_start3A_1554 = arith.constant 0 : i32
      %dma_start3A_1555 = tpu.memref_slice %arg6[%add3A_1553, %dma_start3A_1554] : memref<16x64xi32, #tpu.memory_space<vmem>> -> memref<1x64xi32, #tpu.memory_space<vmem>>
      %dma_start3A_1556 = tpu.memref_squeeze %dma_start3A_1555 : memref<1x64xi32, #tpu.memory_space<vmem>> -> memref<64xi32, #tpu.memory_space<vmem>>
      %dma_start3A_1557 = arith.constant 0 : i32
      %dma_start3A_1558 = arith.constant 0 : i32
      %dma_start3A_1559 = tpu.memref_slice %arg2[%dma_start3A_1557, %dma_start3A_1558] : memref<10000x128xf32, #tpu.memory_space<hbm>> -> memref<10000x128xf32, #tpu.memory_space<hbm>>
      tpu.enqueue_indirect_dma source(%dma_start3A_1559 : memref<10000x128xf32, #tpu.memory_space<hbm>>) target(%arg10 : memref<64x128xf32, #tpu.memory_space<vmem>>) offsets(%dma_start3A_1556 : memref<64xi32, #tpu.memory_space<vmem>>) semaphore(%arg16 : memref<!tpu.dma_semaphore, #tpu.memory_space<semaphore_mem>>)
      %add3A_1560 = arith.constant 2 : i32
      %add3A_1561 = arith.addi %mul3A_1459, %add3A_1560 : i32
      %dma_wait3A_1562 = arith.constant 0 : i32
      %dma_wait3A_1563 = tpu.memref_slice %arg8[%add3A_1561, %dma_wait3A_1562] : memref<16x64xi32, #tpu.memory_space<vmem>> -> memref<1x64xi32, #tpu.memory_space<vmem>>
      %dma_wait3A_1564 = tpu.memref_squeeze %dma_wait3A_1563 : memref<1x64xi32, #tpu.memory_space<vmem>> -> memref<64xi32, #tpu.memory_space<vmem>>
      %dma_wait3A_1565 = arith.constant 0 : i32
      %dma_wait3A_1566 = arith.constant 0 : i32
      %dma_wait3A_1567 = tpu.memref_slice %arg14[%dma_wait3A_1565, %dma_wait3A_1566] : memref<10240x128xf32, #tpu.memory_space<vmem_shared>> -> memref<10240x128xf32, #tpu.memory_space<vmem_shared>>
      tpu.wait_indirect_dma semaphore(%arg21 : memref<!tpu.dma_semaphore, #tpu.memory_space<semaphore_mem>>) src(%arg11 : memref<64x128xf32, #tpu.memory_space<vmem>>) dst(%dma_wait3A_1567 : memref<10240x128xf32, #tpu.memory_space<vmem_shared>>)
      %add3A_1568 = arith.constant 4 : i32
      %add3A_1569 = arith.addi %mul3A_1459, %add3A_1568 : i32
      %add3A_1570 = arith.constant 2 : i32
      %add3A_1571 = arith.addi %add3A_1569, %add3A_1570 : i32
      %dma_start3A_1572 = arith.constant 0 : i32
      %dma_start3A_1573 = tpu.memref_slice %arg6[%add3A_1571, %dma_start3A_1572] : memref<16x64xi32, #tpu.memory_space<vmem>> -> memref<1x64xi32, #tpu.memory_space<vmem>>
      %dma_start3A_1574 = tpu.memref_squeeze %dma_start3A_1573 : memref<1x64xi32, #tpu.memory_space<vmem>> -> memref<64xi32, #tpu.memory_space<vmem>>
      %dma_start3A_1575 = arith.constant 0 : i32
      %dma_start3A_1576 = arith.constant 0 : i32
      %dma_start3A_1577 = tpu.memref_slice %arg2[%dma_start3A_1575, %dma_start3A_1576] : memref<10000x128xf32, #tpu.memory_space<hbm>> -> memref<10000x128xf32, #tpu.memory_space<hbm>>
      tpu.enqueue_indirect_dma source(%dma_start3A_1577 : memref<10000x128xf32, #tpu.memory_space<hbm>>) target(%arg11 : memref<64x128xf32, #tpu.memory_space<vmem>>) offsets(%dma_start3A_1574 : memref<64xi32, #tpu.memory_space<vmem>>) semaphore(%arg17 : memref<!tpu.dma_semaphore, #tpu.memory_space<semaphore_mem>>)
      %add3A_1578 = arith.constant 3 : i32
      %add3A_1579 = arith.addi %mul3A_1459, %add3A_1578 : i32
      %dma_wait3A_1580 = arith.constant 0 : i32
      %dma_wait3A_1581 = tpu.memref_slice %arg8[%add3A_1579, %dma_wait3A_1580] : memref<16x64xi32, #tpu.memory_space<vmem>> -> memref<1x64xi32, #tpu.memory_space<vmem>>
      %dma_wait3A_1582 = tpu.memref_squeeze %dma_wait3A_1581 : memref<1x64xi32, #tpu.memory_space<vmem>> -> memref<64xi32, #tpu.memory_space<vmem>>
      %dma_wait3A_1583 = arith.constant 0 : i32
      %dma_wait3A_1584 = arith.constant 0 : i32
      %dma_wait3A_1585 = tpu.memref_slice %arg14[%dma_wait3A_1583, %dma_wait3A_1584] : memref<10240x128xf32, #tpu.memory_space<vmem_shared>> -> memref<10240x128xf32, #tpu.memory_space<vmem_shared>>
      tpu.wait_indirect_dma semaphore(%arg22 : memref<!tpu.dma_semaphore, #tpu.memory_space<semaphore_mem>>) src(%arg12 : memref<64x128xf32, #tpu.memory_space<vmem>>) dst(%dma_wait3A_1585 : memref<10240x128xf32, #tpu.memory_space<vmem_shared>>)
      %add3A_1586 = arith.constant 4 : i32
      %add3A_1587 = arith.addi %mul3A_1459, %add3A_1586 : i32
      %add3A_1588 = arith.constant 3 : i32
      %add3A_1589 = arith.addi %add3A_1587, %add3A_1588 : i32
      %dma_start3A_1590 = arith.constant 0 : i32
      %dma_start3A_1591 = tpu.memref_slice %arg6[%add3A_1589, %dma_start3A_1590] : memref<16x64xi32, #tpu.memory_space<vmem>> -> memref<1x64xi32, #tpu.memory_space<vmem>>
      %dma_start3A_1592 = tpu.memref_squeeze %dma_start3A_1591 : memref<1x64xi32, #tpu.memory_space<vmem>> -> memref<64xi32, #tpu.memory_space<vmem>>
      %dma_start3A_1593 = arith.constant 0 : i32
      %dma_start3A_1594 = arith.constant 0 : i32
      %dma_start3A_1595 = tpu.memref_slice %arg2[%dma_start3A_1593, %dma_start3A_1594] : memref<10000x128xf32, #tpu.memory_space<hbm>> -> memref<10000x128xf32, #tpu.memory_space<hbm>>
      tpu.enqueue_indirect_dma source(%dma_start3A_1595 : memref<10000x128xf32, #tpu.memory_space<hbm>>) target(%arg12 : memref<64x128xf32, #tpu.memory_space<vmem>>) offsets(%dma_start3A_1592 : memref<64xi32, #tpu.memory_space<vmem>>) semaphore(%arg18 : memref<!tpu.dma_semaphore, #tpu.memory_space<semaphore_mem>>)
    }
    %scan3A_803 = arith.constant 3 : i32
    %dma_wait3A_804 = arith.constant 12 : i32
    %dma_wait3A_805 = arith.constant 0 : i32
    %dma_wait3A_806 = tpu.memref_slice %arg6[%dma_wait3A_804, %dma_wait3A_805] : memref<16x64xi32, #tpu.memory_space<vmem>> -> memref<1x64xi32, #tpu.memory_space<vmem>>
    %dma_wait3A_807 = tpu.memref_squeeze %dma_wait3A_806 : memref<1x64xi32, #tpu.memory_space<vmem>> -> memref<64xi32, #tpu.memory_space<vmem>>
    %dma_wait3A_808 = arith.constant 0 : i32
    %dma_wait3A_809 = arith.constant 0 : i32
    %dma_wait3A_810 = tpu.memref_slice %arg2[%dma_wait3A_808, %dma_wait3A_809] : memref<10000x128xf32, #tpu.memory_space<hbm>> -> memref<10000x128xf32, #tpu.memory_space<hbm>>
    tpu.wait_indirect_dma semaphore(%arg15 : memref<!tpu.dma_semaphore, #tpu.memory_space<semaphore_mem>>) src(%dma_wait3A_810 : memref<10000x128xf32, #tpu.memory_space<hbm>>) dst(%arg9 : memref<64x128xf32, #tpu.memory_space<vmem>>)
    %dma_start3A_811 = arith.constant 12 : i32
    %dma_start3A_812 = arith.constant 0 : i32
    %dma_start3A_813 = tpu.memref_slice %arg8[%dma_start3A_811, %dma_start3A_812] : memref<16x64xi32, #tpu.memory_space<vmem>> -> memref<1x64xi32, #tpu.memory_space<vmem>>
    %dma_start3A_814 = tpu.memref_squeeze %dma_start3A_813 : memref<1x64xi32, #tpu.memory_space<vmem>> -> memref<64xi32, #tpu.memory_space<vmem>>
    %dma_start3A_815 = arith.constant 0 : i32
    %dma_start3A_816 = arith.constant 0 : i32
    %dma_start3A_817 = tpu.memref_slice %arg14[%dma_start3A_815, %dma_start3A_816] : memref<10240x128xf32, #tpu.memory_space<vmem_shared>> -> memref<10240x128xf32, #tpu.memory_space<vmem_shared>>
    tpu.enqueue_indirect_dma source(%arg9 : memref<64x128xf32, #tpu.memory_space<vmem>>) target(%dma_start3A_817 : memref<10240x128xf32, #tpu.memory_space<vmem_shared>>) offsets(%dma_start3A_814 : memref<64xi32, #tpu.memory_space<vmem>>) semaphore(%arg19 : memref<!tpu.dma_semaphore, #tpu.memory_space<semaphore_mem>>) {add = true}
    %dma_wait3A_818 = arith.constant 13 : i32
    %dma_wait3A_819 = arith.constant 0 : i32
    %dma_wait3A_820 = tpu.memref_slice %arg6[%dma_wait3A_818, %dma_wait3A_819] : memref<16x64xi32, #tpu.memory_space<vmem>> -> memref<1x64xi32, #tpu.memory_space<vmem>>
    %dma_wait3A_821 = tpu.memref_squeeze %dma_wait3A_820 : memref<1x64xi32, #tpu.memory_space<vmem>> -> memref<64xi32, #tpu.memory_space<vmem>>
    %dma_wait3A_822 = arith.constant 0 : i32
    %dma_wait3A_823 = arith.constant 0 : i32
    %dma_wait3A_824 = tpu.memref_slice %arg2[%dma_wait3A_822, %dma_wait3A_823] : memref<10000x128xf32, #tpu.memory_space<hbm>> -> memref<10000x128xf32, #tpu.memory_space<hbm>>
    tpu.wait_indirect_dma semaphore(%arg16 : memref<!tpu.dma_semaphore, #tpu.memory_space<semaphore_mem>>) src(%dma_wait3A_824 : memref<10000x128xf32, #tpu.memory_space<hbm>>) dst(%arg10 : memref<64x128xf32, #tpu.memory_space<vmem>>)
    %dma_start3A_825 = arith.constant 13 : i32
    %dma_start3A_826 = arith.constant 0 : i32
    %dma_start3A_827 = tpu.memref_slice %arg8[%dma_start3A_825, %dma_start3A_826] : memref<16x64xi32, #tpu.memory_space<vmem>> -> memref<1x64xi32, #tpu.memory_space<vmem>>
    %dma_start3A_828 = tpu.memref_squeeze %dma_start3A_827 : memref<1x64xi32, #tpu.memory_space<vmem>> -> memref<64xi32, #tpu.memory_space<vmem>>
    %dma_start3A_829 = arith.constant 0 : i32
    %dma_start3A_830 = arith.constant 0 : i32
    %dma_start3A_831 = tpu.memref_slice %arg14[%dma_start3A_829, %dma_start3A_830] : memref<10240x128xf32, #tpu.memory_space<vmem_shared>> -> memref<10240x128xf32, #tpu.memory_space<vmem_shared>>
    tpu.enqueue_indirect_dma source(%arg10 : memref<64x128xf32, #tpu.memory_space<vmem>>) target(%dma_start3A_831 : memref<10240x128xf32, #tpu.memory_space<vmem_shared>>) offsets(%dma_start3A_828 : memref<64xi32, #tpu.memory_space<vmem>>) semaphore(%arg20 : memref<!tpu.dma_semaphore, #tpu.memory_space<semaphore_mem>>) {add = true}
    %dma_wait3A_832 = arith.constant 14 : i32
    %dma_wait3A_833 = arith.constant 0 : i32
    %dma_wait3A_834 = tpu.memref_slice %arg6[%dma_wait3A_832, %dma_wait3A_833] : memref<16x64xi32, #tpu.memory_space<vmem>> -> memref<1x64xi32, #tpu.memory_space<vmem>>
    %dma_wait3A_835 = tpu.memref_squeeze %dma_wait3A_834 : memref<1x64xi32, #tpu.memory_space<vmem>> -> memref<64xi32, #tpu.memory_space<vmem>>
    %dma_wait3A_836 = arith.constant 0 : i32
    %dma_wait3A_837 = arith.constant 0 : i32
    %dma_wait3A_838 = tpu.memref_slice %arg2[%dma_wait3A_836, %dma_wait3A_837] : memref<10000x128xf32, #tpu.memory_space<hbm>> -> memref<10000x128xf32, #tpu.memory_space<hbm>>
    tpu.wait_indirect_dma semaphore(%arg17 : memref<!tpu.dma_semaphore, #tpu.memory_space<semaphore_mem>>) src(%dma_wait3A_838 : memref<10000x128xf32, #tpu.memory_space<hbm>>) dst(%arg11 : memref<64x128xf32, #tpu.memory_space<vmem>>)
    %dma_start3A_839 = arith.constant 14 : i32
    %dma_start3A_840 = arith.constant 0 : i32
    %dma_start3A_841 = tpu.memref_slice %arg8[%dma_start3A_839, %dma_start3A_840] : memref<16x64xi32, #tpu.memory_space<vmem>> -> memref<1x64xi32, #tpu.memory_space<vmem>>
    %dma_start3A_842 = tpu.memref_squeeze %dma_start3A_841 : memref<1x64xi32, #tpu.memory_space<vmem>> -> memref<64xi32, #tpu.memory_space<vmem>>
    %dma_start3A_843 = arith.constant 0 : i32
    %dma_start3A_844 = arith.constant 0 : i32
    %dma_start3A_845 = tpu.memref_slice %arg14[%dma_start3A_843, %dma_start3A_844] : memref<10240x128xf32, #tpu.memory_space<vmem_shared>> -> memref<10240x128xf32, #tpu.memory_space<vmem_shared>>
    tpu.enqueue_indirect_dma source(%arg11 : memref<64x128xf32, #tpu.memory_space<vmem>>) target(%dma_start3A_845 : memref<10240x128xf32, #tpu.memory_space<vmem_shared>>) offsets(%dma_start3A_842 : memref<64xi32, #tpu.memory_space<vmem>>) semaphore(%arg21 : memref<!tpu.dma_semaphore, #tpu.memory_space<semaphore_mem>>) {add = true}
    %dma_wait3A_846 = arith.constant 15 : i32
    %dma_wait3A_847 = arith.constant 0 : i32
    %dma_wait3A_848 = tpu.memref_slice %arg6[%dma_wait3A_846, %dma_wait3A_847] : memref<16x64xi32, #tpu.memory_space<vmem>> -> memref<1x64xi32, #tpu.memory_space<vmem>>
    %dma_wait3A_849 = tpu.memref_squeeze %dma_wait3A_848 : memref<1x64xi32, #tpu.memory_space<vmem>> -> memref<64xi32, #tpu.memory_space<vmem>>
    %dma_wait3A_850 = arith.constant 0 : i32
    %dma_wait3A_851 = arith.constant 0 : i32
    %dma_wait3A_852 = tpu.memref_slice %arg2[%dma_wait3A_850, %dma_wait3A_851] : memref<10000x128xf32, #tpu.memory_space<hbm>> -> memref<10000x128xf32, #tpu.memory_space<hbm>>
    tpu.wait_indirect_dma semaphore(%arg18 : memref<!tpu.dma_semaphore, #tpu.memory_space<semaphore_mem>>) src(%dma_wait3A_852 : memref<10000x128xf32, #tpu.memory_space<hbm>>) dst(%arg12 : memref<64x128xf32, #tpu.memory_space<vmem>>)
    %dma_start3A_853 = arith.constant 15 : i32
    %dma_start3A_854 = arith.constant 0 : i32
    %dma_start3A_855 = tpu.memref_slice %arg8[%dma_start3A_853, %dma_start3A_854] : memref<16x64xi32, #tpu.memory_space<vmem>> -> memref<1x64xi32, #tpu.memory_space<vmem>>
    %dma_start3A_856 = tpu.memref_squeeze %dma_start3A_855 : memref<1x64xi32, #tpu.memory_space<vmem>> -> memref<64xi32, #tpu.memory_space<vmem>>
    %dma_start3A_857 = arith.constant 0 : i32
    %dma_start3A_858 = arith.constant 0 : i32
    %dma_start3A_859 = tpu.memref_slice %arg14[%dma_start3A_857, %dma_start3A_858] : memref<10240x128xf32, #tpu.memory_space<vmem_shared>> -> memref<10240x128xf32, #tpu.memory_space<vmem_shared>>
    tpu.enqueue_indirect_dma source(%arg12 : memref<64x128xf32, #tpu.memory_space<vmem>>) target(%dma_start3A_859 : memref<10240x128xf32, #tpu.memory_space<vmem_shared>>) offsets(%dma_start3A_856 : memref<64xi32, #tpu.memory_space<vmem>>) semaphore(%arg22 : memref<!tpu.dma_semaphore, #tpu.memory_space<semaphore_mem>>) {add = true}
    %dma_wait3A_860 = arith.constant 12 : i32
    %dma_wait3A_861 = arith.constant 0 : i32
    %dma_wait3A_862 = tpu.memref_slice %arg8[%dma_wait3A_860, %dma_wait3A_861] : memref<16x64xi32, #tpu.memory_space<vmem>> -> memref<1x64xi32, #tpu.memory_space<vmem>>
    %dma_wait3A_863 = tpu.memref_squeeze %dma_wait3A_862 : memref<1x64xi32, #tpu.memory_space<vmem>> -> memref<64xi32, #tpu.memory_space<vmem>>
    %dma_wait3A_864 = arith.constant 0 : i32
    %dma_wait3A_865 = arith.constant 0 : i32
    %dma_wait3A_866 = tpu.memref_slice %arg14[%dma_wait3A_864, %dma_wait3A_865] : memref<10240x128xf32, #tpu.memory_space<vmem_shared>> -> memref<10240x128xf32, #tpu.memory_space<vmem_shared>>
    tpu.wait_indirect_dma semaphore(%arg19 : memref<!tpu.dma_semaphore, #tpu.memory_space<semaphore_mem>>) src(%arg9 : memref<64x128xf32, #tpu.memory_space<vmem>>) dst(%dma_wait3A_866 : memref<10240x128xf32, #tpu.memory_space<vmem_shared>>)
    %dma_wait3A_867 = arith.constant 13 : i32
    %dma_wait3A_868 = arith.constant 0 : i32
    %dma_wait3A_869 = tpu.memref_slice %arg8[%dma_wait3A_867, %dma_wait3A_868] : memref<16x64xi32, #tpu.memory_space<vmem>> -> memref<1x64xi32, #tpu.memory_space<vmem>>
    %dma_wait3A_870 = tpu.memref_squeeze %dma_wait3A_869 : memref<1x64xi32, #tpu.memory_space<vmem>> -> memref<64xi32, #tpu.memory_space<vmem>>
    %dma_wait3A_871 = arith.constant 0 : i32
    %dma_wait3A_872 = arith.constant 0 : i32
    %dma_wait3A_873 = tpu.memref_slice %arg14[%dma_wait3A_871, %dma_wait3A_872] : memref<10240x128xf32, #tpu.memory_space<vmem_shared>> -> memref<10240x128xf32, #tpu.memory_space<vmem_shared>>
    tpu.wait_indirect_dma semaphore(%arg20 : memref<!tpu.dma_semaphore, #tpu.memory_space<semaphore_mem>>) src(%arg10 : memref<64x128xf32, #tpu.memory_space<vmem>>) dst(%dma_wait3A_873 : memref<10240x128xf32, #tpu.memory_space<vmem_shared>>)
    %dma_wait3A_874 = arith.constant 14 : i32
    %dma_wait3A_875 = arith.constant 0 : i32
    %dma_wait3A_876 = tpu.memref_slice %arg8[%dma_wait3A_874, %dma_wait3A_875] : memref<16x64xi32, #tpu.memory_space<vmem>> -> memref<1x64xi32, #tpu.memory_space<vmem>>
    %dma_wait3A_877 = tpu.memref_squeeze %dma_wait3A_876 : memref<1x64xi32, #tpu.memory_space<vmem>> -> memref<64xi32, #tpu.memory_space<vmem>>
    %dma_wait3A_878 = arith.constant 0 : i32
    %dma_wait3A_879 = arith.constant 0 : i32
    %dma_wait3A_880 = tpu.memref_slice %arg14[%dma_wait3A_878, %dma_wait3A_879] : memref<10240x128xf32, #tpu.memory_space<vmem_shared>> -> memref<10240x128xf32, #tpu.memory_space<vmem_shared>>
    tpu.wait_indirect_dma semaphore(%arg21 : memref<!tpu.dma_semaphore, #tpu.memory_space<semaphore_mem>>) src(%arg11 : memref<64x128xf32, #tpu.memory_space<vmem>>) dst(%dma_wait3A_880 : memref<10240x128xf32, #tpu.memory_space<vmem_shared>>)
    %dma_wait3A_881 = arith.constant 15 : i32
    %dma_wait3A_882 = arith.constant 0 : i32
    %dma_wait3A_883 = tpu.memref_slice %arg8[%dma_wait3A_881, %dma_wait3A_882] : memref<16x64xi32, #tpu.memory_space<vmem>> -> memref<1x64xi32, #tpu.memory_space<vmem>>
    %dma_wait3A_884 = tpu.memref_squeeze %dma_wait3A_883 : memref<1x64xi32, #tpu.memory_space<vmem>> -> memref<64xi32, #tpu.memory_space<vmem>>
    %dma_wait3A_885 = arith.constant 0 : i32
    %dma_wait3A_886 = arith.constant 0 : i32
    %dma_wait3A_887 = tpu.memref_slice %arg14[%dma_wait3A_885, %dma_wait3A_886] : memref<10240x128xf32, #tpu.memory_space<vmem_shared>> -> memref<10240x128xf32, #tpu.memory_space<vmem_shared>>
    tpu.wait_indirect_dma semaphore(%arg22 : memref<!tpu.dma_semaphore, #tpu.memory_space<semaphore_mem>>) src(%arg12 : memref<64x128xf32, #tpu.memory_space<vmem>>) dst(%dma_wait3A_887 : memref<10240x128xf32, #tpu.memory_space<vmem_shared>>)
    %dma_wait3A_888 = arith.constant 0 : i32
    %dma_wait3A_889 = arith.constant 0 : i32
    %dma_wait3A_890 = tpu.memref_slice %arg3[%dma_wait3A_888, %dma_wait3A_889] : memref<10240x64xi32, #tpu.memory_space<hbm>> -> memref<16x64xi32, #tpu.memory_space<hbm>>
    %dma_wait3A_891 = arith.constant 0 : i32
    %dma_wait3A_892 = arith.constant 0 : i32
    %dma_wait3A_893 = tpu.memref_slice %arg3[%dma_wait3A_891, %dma_wait3A_892] : memref<10240x64xi32, #tpu.memory_space<hbm>> -> memref<16x64xi32, #tpu.memory_space<hbm>>
    tpu.wait_dma2 semaphore(%arg23 : memref<!tpu.dma_semaphore, #tpu.memory_space<semaphore_mem>>) src(%dma_wait3A_893 : memref<16x64xi32, #tpu.memory_space<hbm>>) dst(%arg5 : memref<16x64xi32, #tpu.memory_space<vmem>>)
    %dma_wait3A_894 = arith.constant 0 : i32
    %dma_wait3A_895 = arith.constant 0 : i32
    %dma_wait3A_896 = tpu.memref_slice %arg3[%dma_wait3A_894, %dma_wait3A_895] : memref<10240x64xi32, #tpu.memory_space<hbm>> -> memref<16x64xi32, #tpu.memory_space<hbm>>
    %dma_wait3A_897 = arith.constant 0 : i32
    %dma_wait3A_898 = arith.constant 0 : i32
    %dma_wait3A_899 = tpu.memref_slice %arg3[%dma_wait3A_897, %dma_wait3A_898] : memref<10240x64xi32, #tpu.memory_space<hbm>> -> memref<16x64xi32, #tpu.memory_space<hbm>>
    tpu.wait_dma2 semaphore(%arg23 : memref<!tpu.dma_semaphore, #tpu.memory_space<semaphore_mem>>) src(%dma_wait3A_899 : memref<16x64xi32, #tpu.memory_space<hbm>>) dst(%arg7 : memref<16x64xi32, #tpu.memory_space<vmem>>)
    %mul3A_900 = arith.constant 160 : i32
    %mul3A_901 = arith.muli %add3A, %mul3A_900 : i32
    %add3A_902 = arith.constant 112 : i32
    %add3A_903 = arith.addi %mul3A_901, %add3A_902 : i32
    %add3A_904 = arith.constant 5120 : i32
    %add3A_905 = arith.addi %add3A_904, %add3A_903 : i32
    %dma_start3A_906 = arith.constant 0 : i32
    %dma_start3A_907 = tpu.memref_slice %arg3[%add3A_905, %dma_start3A_906] : memref<10240x64xi32, #tpu.memory_space<hbm>> -> memref<16x64xi32, #tpu.memory_space<hbm>>
    %dma_start3A_908 = arith.constant 0 : i32
    %dma_start3A_909 = tpu.memref_slice %arg3[%add3A_905, %dma_start3A_908] : memref<10240x64xi32, #tpu.memory_space<hbm>> -> memref<16x64xi32, #tpu.memory_space<hbm>>
    tpu.enqueue_dma source(%dma_start3A_909 : memref<16x64xi32, #tpu.memory_space<hbm>>) target(%arg6 : memref<16x64xi32, #tpu.memory_space<vmem>>) target_semaphore(%arg24 : memref<!tpu.dma_semaphore, #tpu.memory_space<semaphore_mem>>)
    %dma_start3A_910 = arith.constant 0 : i32
    %dma_start3A_911 = tpu.memref_slice %arg3[%add3A_903, %dma_start3A_910] : memref<10240x64xi32, #tpu.memory_space<hbm>> -> memref<16x64xi32, #tpu.memory_space<hbm>>
    %dma_start3A_912 = arith.constant 0 : i32
    %dma_start3A_913 = tpu.memref_slice %arg3[%add3A_903, %dma_start3A_912] : memref<10240x64xi32, #tpu.memory_space<hbm>> -> memref<16x64xi32, #tpu.memory_space<hbm>>
    tpu.enqueue_dma source(%dma_start3A_913 : memref<16x64xi32, #tpu.memory_space<hbm>>) target(%arg8 : memref<16x64xi32, #tpu.memory_space<vmem>>) target_semaphore(%arg24 : memref<!tpu.dma_semaphore, #tpu.memory_space<semaphore_mem>>)
    %dma_start3A_914 = arith.constant 0 : i32
    %dma_start3A_915 = arith.constant 0 : i32
    %dma_start3A_916 = tpu.memref_slice %arg5[%dma_start3A_914, %dma_start3A_915] : memref<16x64xi32, #tpu.memory_space<vmem>> -> memref<1x64xi32, #tpu.memory_space<vmem>>
    %dma_start3A_917 = tpu.memref_squeeze %dma_start3A_916 : memref<1x64xi32, #tpu.memory_space<vmem>> -> memref<64xi32, #tpu.memory_space<vmem>>
    %dma_start3A_918 = arith.constant 0 : i32
    %dma_start3A_919 = arith.constant 0 : i32
    %dma_start3A_920 = tpu.memref_slice %arg2[%dma_start3A_918, %dma_start3A_919] : memref<10000x128xf32, #tpu.memory_space<hbm>> -> memref<10000x128xf32, #tpu.memory_space<hbm>>
    tpu.enqueue_indirect_dma source(%dma_start3A_920 : memref<10000x128xf32, #tpu.memory_space<hbm>>) target(%arg9 : memref<64x128xf32, #tpu.memory_space<vmem>>) offsets(%dma_start3A_917 : memref<64xi32, #tpu.memory_space<vmem>>) semaphore(%arg15 : memref<!tpu.dma_semaphore, #tpu.memory_space<semaphore_mem>>)
    %dma_start3A_921 = arith.constant 1 : i32
    %dma_start3A_922 = arith.constant 0 : i32
    %dma_start3A_923 = tpu.memref_slice %arg5[%dma_start3A_921, %dma_start3A_922] : memref<16x64xi32, #tpu.memory_space<vmem>> -> memref<1x64xi32, #tpu.memory_space<vmem>>
    %dma_start3A_924 = tpu.memref_squeeze %dma_start3A_923 : memref<1x64xi32, #tpu.memory_space<vmem>> -> memref<64xi32, #tpu.memory_space<vmem>>
    %dma_start3A_925 = arith.constant 0 : i32
    %dma_start3A_926 = arith.constant 0 : i32
    %dma_start3A_927 = tpu.memref_slice %arg2[%dma_start3A_925, %dma_start3A_926] : memref<10000x128xf32, #tpu.memory_space<hbm>> -> memref<10000x128xf32, #tpu.memory_space<hbm>>
    tpu.enqueue_indirect_dma source(%dma_start3A_927 : memref<10000x128xf32, #tpu.memory_space<hbm>>) target(%arg10 : memref<64x128xf32, #tpu.memory_space<vmem>>) offsets(%dma_start3A_924 : memref<64xi32, #tpu.memory_space<vmem>>) semaphore(%arg16 : memref<!tpu.dma_semaphore, #tpu.memory_space<semaphore_mem>>)
    %dma_start3A_928 = arith.constant 2 : i32
    %dma_start3A_929 = arith.constant 0 : i32
    %dma_start3A_930 = tpu.memref_slice %arg5[%dma_start3A_928, %dma_start3A_929] : memref<16x64xi32, #tpu.memory_space<vmem>> -> memref<1x64xi32, #tpu.memory_space<vmem>>
    %dma_start3A_931 = tpu.memref_squeeze %dma_start3A_930 : memref<1x64xi32, #tpu.memory_space<vmem>> -> memref<64xi32, #tpu.memory_space<vmem>>
    %dma_start3A_932 = arith.constant 0 : i32
    %dma_start3A_933 = arith.constant 0 : i32
    %dma_start3A_934 = tpu.memref_slice %arg2[%dma_start3A_932, %dma_start3A_933] : memref<10000x128xf32, #tpu.memory_space<hbm>> -> memref<10000x128xf32, #tpu.memory_space<hbm>>
    tpu.enqueue_indirect_dma source(%dma_start3A_934 : memref<10000x128xf32, #tpu.memory_space<hbm>>) target(%arg11 : memref<64x128xf32, #tpu.memory_space<vmem>>) offsets(%dma_start3A_931 : memref<64xi32, #tpu.memory_space<vmem>>) semaphore(%arg17 : memref<!tpu.dma_semaphore, #tpu.memory_space<semaphore_mem>>)
    %dma_start3A_935 = arith.constant 3 : i32
    %dma_start3A_936 = arith.constant 0 : i32
    %dma_start3A_937 = tpu.memref_slice %arg5[%dma_start3A_935, %dma_start3A_936] : memref<16x64xi32, #tpu.memory_space<vmem>> -> memref<1x64xi32, #tpu.memory_space<vmem>>
    %dma_start3A_938 = tpu.memref_squeeze %dma_start3A_937 : memref<1x64xi32, #tpu.memory_space<vmem>> -> memref<64xi32, #tpu.memory_space<vmem>>
    %dma_start3A_939 = arith.constant 0 : i32
    %dma_start3A_940 = arith.constant 0 : i32
    %dma_start3A_941 = tpu.memref_slice %arg2[%dma_start3A_939, %dma_start3A_940] : memref<10000x128xf32, #tpu.memory_space<hbm>> -> memref<10000x128xf32, #tpu.memory_space<hbm>>
    tpu.enqueue_indirect_dma source(%dma_start3A_941 : memref<10000x128xf32, #tpu.memory_space<hbm>>) target(%arg12 : memref<64x128xf32, #tpu.memory_space<vmem>>) offsets(%dma_start3A_938 : memref<64xi32, #tpu.memory_space<vmem>>) semaphore(%arg18 : memref<!tpu.dma_semaphore, #tpu.memory_space<semaphore_mem>>)
    %scan3A_942 = arith.constant 0 : i32
    %scan3A_943 = arith.constant 0 : i32
    %scan3A_944 = arith.constant 3 : i32
    %scan3A_945 = arith.addi %scan3A_943, %scan3A_944 : i32
    %scan3A_946 = arith.constant 1 : i32
    scf.for %scan3A_1457 = %scan3A_943 to %scan3A_945 step %scan3A_946  : i32 {
      %mul3A_1458 = arith.constant 4 : i32
      %mul3A_1459 = arith.muli %scan3A_1457, %mul3A_1458 : i32
      %add3A_1460 = arith.constant 0 : i32
      %add3A_1461 = arith.addi %mul3A_1459, %add3A_1460 : i32
      %dma_wait3A_1462 = arith.constant 0 : i32
      %dma_wait3A_1463 = tpu.memref_slice %arg5[%add3A_1461, %dma_wait3A_1462] : memref<16x64xi32, #tpu.memory_space<vmem>> -> memref<1x64xi32, #tpu.memory_space<vmem>>
      %dma_wait3A_1464 = tpu.memref_squeeze %dma_wait3A_1463 : memref<1x64xi32, #tpu.memory_space<vmem>> -> memref<64xi32, #tpu.memory_space<vmem>>
      %dma_wait3A_1465 = arith.constant 0 : i32
      %dma_wait3A_1466 = arith.constant 0 : i32
      %dma_wait3A_1467 = tpu.memref_slice %arg2[%dma_wait3A_1465, %dma_wait3A_1466] : memref<10000x128xf32, #tpu.memory_space<hbm>> -> memref<10000x128xf32, #tpu.memory_space<hbm>>
      tpu.wait_indirect_dma semaphore(%arg15 : memref<!tpu.dma_semaphore, #tpu.memory_space<semaphore_mem>>) src(%dma_wait3A_1467 : memref<10000x128xf32, #tpu.memory_space<hbm>>) dst(%arg9 : memref<64x128xf32, #tpu.memory_space<vmem>>)
      %add3A_1468 = arith.constant 0 : i32
      %add3A_1469 = arith.addi %mul3A_1459, %add3A_1468 : i32
      %dma_start3A_1470 = arith.constant 0 : i32
      %dma_start3A_1471 = tpu.memref_slice %arg7[%add3A_1469, %dma_start3A_1470] : memref<16x64xi32, #tpu.memory_space<vmem>> -> memref<1x64xi32, #tpu.memory_space<vmem>>
      %dma_start3A_1472 = tpu.memref_squeeze %dma_start3A_1471 : memref<1x64xi32, #tpu.memory_space<vmem>> -> memref<64xi32, #tpu.memory_space<vmem>>
      %dma_start3A_1473 = arith.constant 0 : i32
      %dma_start3A_1474 = arith.constant 0 : i32
      %dma_start3A_1475 = tpu.memref_slice %arg14[%dma_start3A_1473, %dma_start3A_1474] : memref<10240x128xf32, #tpu.memory_space<vmem_shared>> -> memref<10240x128xf32, #tpu.memory_space<vmem_shared>>
      tpu.enqueue_indirect_dma source(%arg9 : memref<64x128xf32, #tpu.memory_space<vmem>>) target(%dma_start3A_1475 : memref<10240x128xf32, #tpu.memory_space<vmem_shared>>) offsets(%dma_start3A_1472 : memref<64xi32, #tpu.memory_space<vmem>>) semaphore(%arg19 : memref<!tpu.dma_semaphore, #tpu.memory_space<semaphore_mem>>) {add = true}
      %add3A_1476 = arith.constant 1 : i32
      %add3A_1477 = arith.addi %mul3A_1459, %add3A_1476 : i32
      %dma_wait3A_1478 = arith.constant 0 : i32
      %dma_wait3A_1479 = tpu.memref_slice %arg5[%add3A_1477, %dma_wait3A_1478] : memref<16x64xi32, #tpu.memory_space<vmem>> -> memref<1x64xi32, #tpu.memory_space<vmem>>
      %dma_wait3A_1480 = tpu.memref_squeeze %dma_wait3A_1479 : memref<1x64xi32, #tpu.memory_space<vmem>> -> memref<64xi32, #tpu.memory_space<vmem>>
      %dma_wait3A_1481 = arith.constant 0 : i32
      %dma_wait3A_1482 = arith.constant 0 : i32
      %dma_wait3A_1483 = tpu.memref_slice %arg2[%dma_wait3A_1481, %dma_wait3A_1482] : memref<10000x128xf32, #tpu.memory_space<hbm>> -> memref<10000x128xf32, #tpu.memory_space<hbm>>
      tpu.wait_indirect_dma semaphore(%arg16 : memref<!tpu.dma_semaphore, #tpu.memory_space<semaphore_mem>>) src(%dma_wait3A_1483 : memref<10000x128xf32, #tpu.memory_space<hbm>>) dst(%arg10 : memref<64x128xf32, #tpu.memory_space<vmem>>)
      %add3A_1484 = arith.constant 1 : i32
      %add3A_1485 = arith.addi %mul3A_1459, %add3A_1484 : i32
      %dma_start3A_1486 = arith.constant 0 : i32
      %dma_start3A_1487 = tpu.memref_slice %arg7[%add3A_1485, %dma_start3A_1486] : memref<16x64xi32, #tpu.memory_space<vmem>> -> memref<1x64xi32, #tpu.memory_space<vmem>>
      %dma_start3A_1488 = tpu.memref_squeeze %dma_start3A_1487 : memref<1x64xi32, #tpu.memory_space<vmem>> -> memref<64xi32, #tpu.memory_space<vmem>>
      %dma_start3A_1489 = arith.constant 0 : i32
      %dma_start3A_1490 = arith.constant 0 : i32
      %dma_start3A_1491 = tpu.memref_slice %arg14[%dma_start3A_1489, %dma_start3A_1490] : memref<10240x128xf32, #tpu.memory_space<vmem_shared>> -> memref<10240x128xf32, #tpu.memory_space<vmem_shared>>
      tpu.enqueue_indirect_dma source(%arg10 : memref<64x128xf32, #tpu.memory_space<vmem>>) target(%dma_start3A_1491 : memref<10240x128xf32, #tpu.memory_space<vmem_shared>>) offsets(%dma_start3A_1488 : memref<64xi32, #tpu.memory_space<vmem>>) semaphore(%arg20 : memref<!tpu.dma_semaphore, #tpu.memory_space<semaphore_mem>>) {add = true}
      %add3A_1492 = arith.constant 2 : i32
      %add3A_1493 = arith.addi %mul3A_1459, %add3A_1492 : i32
      %dma_wait3A_1494 = arith.constant 0 : i32
      %dma_wait3A_1495 = tpu.memref_slice %arg5[%add3A_1493, %dma_wait3A_1494] : memref<16x64xi32, #tpu.memory_space<vmem>> -> memref<1x64xi32, #tpu.memory_space<vmem>>
      %dma_wait3A_1496 = tpu.memref_squeeze %dma_wait3A_1495 : memref<1x64xi32, #tpu.memory_space<vmem>> -> memref<64xi32, #tpu.memory_space<vmem>>
      %dma_wait3A_1497 = arith.constant 0 : i32
      %dma_wait3A_1498 = arith.constant 0 : i32
      %dma_wait3A_1499 = tpu.memref_slice %arg2[%dma_wait3A_1497, %dma_wait3A_1498] : memref<10000x128xf32, #tpu.memory_space<hbm>> -> memref<10000x128xf32, #tpu.memory_space<hbm>>
      tpu.wait_indirect_dma semaphore(%arg17 : memref<!tpu.dma_semaphore, #tpu.memory_space<semaphore_mem>>) src(%dma_wait3A_1499 : memref<10000x128xf32, #tpu.memory_space<hbm>>) dst(%arg11 : memref<64x128xf32, #tpu.memory_space<vmem>>)
      %add3A_1500 = arith.constant 2 : i32
      %add3A_1501 = arith.addi %mul3A_1459, %add3A_1500 : i32
      %dma_start3A_1502 = arith.constant 0 : i32
      %dma_start3A_1503 = tpu.memref_slice %arg7[%add3A_1501, %dma_start3A_1502] : memref<16x64xi32, #tpu.memory_space<vmem>> -> memref<1x64xi32, #tpu.memory_space<vmem>>
      %dma_start3A_1504 = tpu.memref_squeeze %dma_start3A_1503 : memref<1x64xi32, #tpu.memory_space<vmem>> -> memref<64xi32, #tpu.memory_space<vmem>>
      %dma_start3A_1505 = arith.constant 0 : i32
      %dma_start3A_1506 = arith.constant 0 : i32
      %dma_start3A_1507 = tpu.memref_slice %arg14[%dma_start3A_1505, %dma_start3A_1506] : memref<10240x128xf32, #tpu.memory_space<vmem_shared>> -> memref<10240x128xf32, #tpu.memory_space<vmem_shared>>
      tpu.enqueue_indirect_dma source(%arg11 : memref<64x128xf32, #tpu.memory_space<vmem>>) target(%dma_start3A_1507 : memref<10240x128xf32, #tpu.memory_space<vmem_shared>>) offsets(%dma_start3A_1504 : memref<64xi32, #tpu.memory_space<vmem>>) semaphore(%arg21 : memref<!tpu.dma_semaphore, #tpu.memory_space<semaphore_mem>>) {add = true}
      %add3A_1508 = arith.constant 3 : i32
      %add3A_1509 = arith.addi %mul3A_1459, %add3A_1508 : i32
      %dma_wait3A_1510 = arith.constant 0 : i32
      %dma_wait3A_1511 = tpu.memref_slice %arg5[%add3A_1509, %dma_wait3A_1510] : memref<16x64xi32, #tpu.memory_space<vmem>> -> memref<1x64xi32, #tpu.memory_space<vmem>>
      %dma_wait3A_1512 = tpu.memref_squeeze %dma_wait3A_1511 : memref<1x64xi32, #tpu.memory_space<vmem>> -> memref<64xi32, #tpu.memory_space<vmem>>
      %dma_wait3A_1513 = arith.constant 0 : i32
      %dma_wait3A_1514 = arith.constant 0 : i32
      %dma_wait3A_1515 = tpu.memref_slice %arg2[%dma_wait3A_1513, %dma_wait3A_1514] : memref<10000x128xf32, #tpu.memory_space<hbm>> -> memref<10000x128xf32, #tpu.memory_space<hbm>>
      tpu.wait_indirect_dma semaphore(%arg18 : memref<!tpu.dma_semaphore, #tpu.memory_space<semaphore_mem>>) src(%dma_wait3A_1515 : memref<10000x128xf32, #tpu.memory_space<hbm>>) dst(%arg12 : memref<64x128xf32, #tpu.memory_space<vmem>>)
      %add3A_1516 = arith.constant 3 : i32
      %add3A_1517 = arith.addi %mul3A_1459, %add3A_1516 : i32
      %dma_start3A_1518 = arith.constant 0 : i32
      %dma_start3A_1519 = tpu.memref_slice %arg7[%add3A_1517, %dma_start3A_1518] : memref<16x64xi32, #tpu.memory_space<vmem>> -> memref<1x64xi32, #tpu.memory_space<vmem>>
      %dma_start3A_1520 = tpu.memref_squeeze %dma_start3A_1519 : memref<1x64xi32, #tpu.memory_space<vmem>> -> memref<64xi32, #tpu.memory_space<vmem>>
      %dma_start3A_1521 = arith.constant 0 : i32
      %dma_start3A_1522 = arith.constant 0 : i32
      %dma_start3A_1523 = tpu.memref_slice %arg14[%dma_start3A_1521, %dma_start3A_1522] : memref<10240x128xf32, #tpu.memory_space<vmem_shared>> -> memref<10240x128xf32, #tpu.memory_space<vmem_shared>>
      tpu.enqueue_indirect_dma source(%arg12 : memref<64x128xf32, #tpu.memory_space<vmem>>) target(%dma_start3A_1523 : memref<10240x128xf32, #tpu.memory_space<vmem_shared>>) offsets(%dma_start3A_1520 : memref<64xi32, #tpu.memory_space<vmem>>) semaphore(%arg22 : memref<!tpu.dma_semaphore, #tpu.memory_space<semaphore_mem>>) {add = true}
      %add3A_1524 = arith.constant 0 : i32
      %add3A_1525 = arith.addi %mul3A_1459, %add3A_1524 : i32
      %dma_wait3A_1526 = arith.constant 0 : i32
      %dma_wait3A_1527 = tpu.memref_slice %arg7[%add3A_1525, %dma_wait3A_1526] : memref<16x64xi32, #tpu.memory_space<vmem>> -> memref<1x64xi32, #tpu.memory_space<vmem>>
      %dma_wait3A_1528 = tpu.memref_squeeze %dma_wait3A_1527 : memref<1x64xi32, #tpu.memory_space<vmem>> -> memref<64xi32, #tpu.memory_space<vmem>>
      %dma_wait3A_1529 = arith.constant 0 : i32
      %dma_wait3A_1530 = arith.constant 0 : i32
      %dma_wait3A_1531 = tpu.memref_slice %arg14[%dma_wait3A_1529, %dma_wait3A_1530] : memref<10240x128xf32, #tpu.memory_space<vmem_shared>> -> memref<10240x128xf32, #tpu.memory_space<vmem_shared>>
      tpu.wait_indirect_dma semaphore(%arg19 : memref<!tpu.dma_semaphore, #tpu.memory_space<semaphore_mem>>) src(%arg9 : memref<64x128xf32, #tpu.memory_space<vmem>>) dst(%dma_wait3A_1531 : memref<10240x128xf32, #tpu.memory_space<vmem_shared>>)
      %add3A_1532 = arith.constant 4 : i32
      %add3A_1533 = arith.addi %mul3A_1459, %add3A_1532 : i32
      %add3A_1534 = arith.constant 0 : i32
      %add3A_1535 = arith.addi %add3A_1533, %add3A_1534 : i32
      %dma_start3A_1536 = arith.constant 0 : i32
      %dma_start3A_1537 = tpu.memref_slice %arg5[%add3A_1535, %dma_start3A_1536] : memref<16x64xi32, #tpu.memory_space<vmem>> -> memref<1x64xi32, #tpu.memory_space<vmem>>
      %dma_start3A_1538 = tpu.memref_squeeze %dma_start3A_1537 : memref<1x64xi32, #tpu.memory_space<vmem>> -> memref<64xi32, #tpu.memory_space<vmem>>
      %dma_start3A_1539 = arith.constant 0 : i32
      %dma_start3A_1540 = arith.constant 0 : i32
      %dma_start3A_1541 = tpu.memref_slice %arg2[%dma_start3A_1539, %dma_start3A_1540] : memref<10000x128xf32, #tpu.memory_space<hbm>> -> memref<10000x128xf32, #tpu.memory_space<hbm>>
      tpu.enqueue_indirect_dma source(%dma_start3A_1541 : memref<10000x128xf32, #tpu.memory_space<hbm>>) target(%arg9 : memref<64x128xf32, #tpu.memory_space<vmem>>) offsets(%dma_start3A_1538 : memref<64xi32, #tpu.memory_space<vmem>>) semaphore(%arg15 : memref<!tpu.dma_semaphore, #tpu.memory_space<semaphore_mem>>)
      %add3A_1542 = arith.constant 1 : i32
      %add3A_1543 = arith.addi %mul3A_1459, %add3A_1542 : i32
      %dma_wait3A_1544 = arith.constant 0 : i32
      %dma_wait3A_1545 = tpu.memref_slice %arg7[%add3A_1543, %dma_wait3A_1544] : memref<16x64xi32, #tpu.memory_space<vmem>> -> memref<1x64xi32, #tpu.memory_space<vmem>>
      %dma_wait3A_1546 = tpu.memref_squeeze %dma_wait3A_1545 : memref<1x64xi32, #tpu.memory_space<vmem>> -> memref<64xi32, #tpu.memory_space<vmem>>
      %dma_wait3A_1547 = arith.constant 0 : i32
      %dma_wait3A_1548 = arith.constant 0 : i32
      %dma_wait3A_1549 = tpu.memref_slice %arg14[%dma_wait3A_1547, %dma_wait3A_1548] : memref<10240x128xf32, #tpu.memory_space<vmem_shared>> -> memref<10240x128xf32, #tpu.memory_space<vmem_shared>>
      tpu.wait_indirect_dma semaphore(%arg20 : memref<!tpu.dma_semaphore, #tpu.memory_space<semaphore_mem>>) src(%arg10 : memref<64x128xf32, #tpu.memory_space<vmem>>) dst(%dma_wait3A_1549 : memref<10240x128xf32, #tpu.memory_space<vmem_shared>>)
      %add3A_1550 = arith.constant 4 : i32
      %add3A_1551 = arith.addi %mul3A_1459, %add3A_1550 : i32
      %add3A_1552 = arith.constant 1 : i32
      %add3A_1553 = arith.addi %add3A_1551, %add3A_1552 : i32
      %dma_start3A_1554 = arith.constant 0 : i32
      %dma_start3A_1555 = tpu.memref_slice %arg5[%add3A_1553, %dma_start3A_1554] : memref<16x64xi32, #tpu.memory_space<vmem>> -> memref<1x64xi32, #tpu.memory_space<vmem>>
      %dma_start3A_1556 = tpu.memref_squeeze %dma_start3A_1555 : memref<1x64xi32, #tpu.memory_space<vmem>> -> memref<64xi32, #tpu.memory_space<vmem>>
      %dma_start3A_1557 = arith.constant 0 : i32
      %dma_start3A_1558 = arith.constant 0 : i32
      %dma_start3A_1559 = tpu.memref_slice %arg2[%dma_start3A_1557, %dma_start3A_1558] : memref<10000x128xf32, #tpu.memory_space<hbm>> -> memref<10000x128xf32, #tpu.memory_space<hbm>>
      tpu.enqueue_indirect_dma source(%dma_start3A_1559 : memref<10000x128xf32, #tpu.memory_space<hbm>>) target(%arg10 : memref<64x128xf32, #tpu.memory_space<vmem>>) offsets(%dma_start3A_1556 : memref<64xi32, #tpu.memory_space<vmem>>) semaphore(%arg16 : memref<!tpu.dma_semaphore, #tpu.memory_space<semaphore_mem>>)
      %add3A_1560 = arith.constant 2 : i32
      %add3A_1561 = arith.addi %mul3A_1459, %add3A_1560 : i32
      %dma_wait3A_1562 = arith.constant 0 : i32
      %dma_wait3A_1563 = tpu.memref_slice %arg7[%add3A_1561, %dma_wait3A_1562] : memref<16x64xi32, #tpu.memory_space<vmem>> -> memref<1x64xi32, #tpu.memory_space<vmem>>
      %dma_wait3A_1564 = tpu.memref_squeeze %dma_wait3A_1563 : memref<1x64xi32, #tpu.memory_space<vmem>> -> memref<64xi32, #tpu.memory_space<vmem>>
      %dma_wait3A_1565 = arith.constant 0 : i32
      %dma_wait3A_1566 = arith.constant 0 : i32
      %dma_wait3A_1567 = tpu.memref_slice %arg14[%dma_wait3A_1565, %dma_wait3A_1566] : memref<10240x128xf32, #tpu.memory_space<vmem_shared>> -> memref<10240x128xf32, #tpu.memory_space<vmem_shared>>
      tpu.wait_indirect_dma semaphore(%arg21 : memref<!tpu.dma_semaphore, #tpu.memory_space<semaphore_mem>>) src(%arg11 : memref<64x128xf32, #tpu.memory_space<vmem>>) dst(%dma_wait3A_1567 : memref<10240x128xf32, #tpu.memory_space<vmem_shared>>)
      %add3A_1568 = arith.constant 4 : i32
      %add3A_1569 = arith.addi %mul3A_1459, %add3A_1568 : i32
      %add3A_1570 = arith.constant 2 : i32
      %add3A_1571 = arith.addi %add3A_1569, %add3A_1570 : i32
      %dma_start3A_1572 = arith.constant 0 : i32
      %dma_start3A_1573 = tpu.memref_slice %arg5[%add3A_1571, %dma_start3A_1572] : memref<16x64xi32, #tpu.memory_space<vmem>> -> memref<1x64xi32, #tpu.memory_space<vmem>>
      %dma_start3A_1574 = tpu.memref_squeeze %dma_start3A_1573 : memref<1x64xi32, #tpu.memory_space<vmem>> -> memref<64xi32, #tpu.memory_space<vmem>>
      %dma_start3A_1575 = arith.constant 0 : i32
      %dma_start3A_1576 = arith.constant 0 : i32
      %dma_start3A_1577 = tpu.memref_slice %arg2[%dma_start3A_1575, %dma_start3A_1576] : memref<10000x128xf32, #tpu.memory_space<hbm>> -> memref<10000x128xf32, #tpu.memory_space<hbm>>
      tpu.enqueue_indirect_dma source(%dma_start3A_1577 : memref<10000x128xf32, #tpu.memory_space<hbm>>) target(%arg11 : memref<64x128xf32, #tpu.memory_space<vmem>>) offsets(%dma_start3A_1574 : memref<64xi32, #tpu.memory_space<vmem>>) semaphore(%arg17 : memref<!tpu.dma_semaphore, #tpu.memory_space<semaphore_mem>>)
      %add3A_1578 = arith.constant 3 : i32
      %add3A_1579 = arith.addi %mul3A_1459, %add3A_1578 : i32
      %dma_wait3A_1580 = arith.constant 0 : i32
      %dma_wait3A_1581 = tpu.memref_slice %arg7[%add3A_1579, %dma_wait3A_1580] : memref<16x64xi32, #tpu.memory_space<vmem>> -> memref<1x64xi32, #tpu.memory_space<vmem>>
      %dma_wait3A_1582 = tpu.memref_squeeze %dma_wait3A_1581 : memref<1x64xi32, #tpu.memory_space<vmem>> -> memref<64xi32, #tpu.memory_space<vmem>>
      %dma_wait3A_1583 = arith.constant 0 : i32
      %dma_wait3A_1584 = arith.constant 0 : i32
      %dma_wait3A_1585 = tpu.memref_slice %arg14[%dma_wait3A_1583, %dma_wait3A_1584] : memref<10240x128xf32, #tpu.memory_space<vmem_shared>> -> memref<10240x128xf32, #tpu.memory_space<vmem_shared>>
      tpu.wait_indirect_dma semaphore(%arg22 : memref<!tpu.dma_semaphore, #tpu.memory_space<semaphore_mem>>) src(%arg12 : memref<64x128xf32, #tpu.memory_space<vmem>>) dst(%dma_wait3A_1585 : memref<10240x128xf32, #tpu.memory_space<vmem_shared>>)
      %add3A_1586 = arith.constant 4 : i32
      %add3A_1587 = arith.addi %mul3A_1459, %add3A_1586 : i32
      %add3A_1588 = arith.constant 3 : i32
      %add3A_1589 = arith.addi %add3A_1587, %add3A_1588 : i32
      %dma_start3A_1590 = arith.constant 0 : i32
      %dma_start3A_1591 = tpu.memref_slice %arg5[%add3A_1589, %dma_start3A_1590] : memref<16x64xi32, #tpu.memory_space<vmem>> -> memref<1x64xi32, #tpu.memory_space<vmem>>
      %dma_start3A_1592 = tpu.memref_squeeze %dma_start3A_1591 : memref<1x64xi32, #tpu.memory_space<vmem>> -> memref<64xi32, #tpu.memory_space<vmem>>
      %dma_start3A_1593 = arith.constant 0 : i32
      %dma_start3A_1594 = arith.constant 0 : i32
      %dma_start3A_1595 = tpu.memref_slice %arg2[%dma_start3A_1593, %dma_start3A_1594] : memref<10000x128xf32, #tpu.memory_space<hbm>> -> memref<10000x128xf32, #tpu.memory_space<hbm>>
      tpu.enqueue_indirect_dma source(%dma_start3A_1595 : memref<10000x128xf32, #tpu.memory_space<hbm>>) target(%arg12 : memref<64x128xf32, #tpu.memory_space<vmem>>) offsets(%dma_start3A_1592 : memref<64xi32, #tpu.memory_space<vmem>>) semaphore(%arg18 : memref<!tpu.dma_semaphore, #tpu.memory_space<semaphore_mem>>)
    }
    %scan3A_947 = arith.constant 3 : i32
    %dma_wait3A_948 = arith.constant 12 : i32
    %dma_wait3A_949 = arith.constant 0 : i32
    %dma_wait3A_950 = tpu.memref_slice %arg5[%dma_wait3A_948, %dma_wait3A_949] : memref<16x64xi32, #tpu.memory_space<vmem>> -> memref<1x64xi32, #tpu.memory_space<vmem>>
    %dma_wait3A_951 = tpu.memref_squeeze %dma_wait3A_950 : memref<1x64xi32, #tpu.memory_space<vmem>> -> memref<64xi32, #tpu.memory_space<vmem>>
    %dma_wait3A_952 = arith.constant 0 : i32
    %dma_wait3A_953 = arith.constant 0 : i32
    %dma_wait3A_954 = tpu.memref_slice %arg2[%dma_wait3A_952, %dma_wait3A_953] : memref<10000x128xf32, #tpu.memory_space<hbm>> -> memref<10000x128xf32, #tpu.memory_space<hbm>>
    tpu.wait_indirect_dma semaphore(%arg15 : memref<!tpu.dma_semaphore, #tpu.memory_space<semaphore_mem>>) src(%dma_wait3A_954 : memref<10000x128xf32, #tpu.memory_space<hbm>>) dst(%arg9 : memref<64x128xf32, #tpu.memory_space<vmem>>)
    %dma_start3A_955 = arith.constant 12 : i32
    %dma_start3A_956 = arith.constant 0 : i32
    %dma_start3A_957 = tpu.memref_slice %arg7[%dma_start3A_955, %dma_start3A_956] : memref<16x64xi32, #tpu.memory_space<vmem>> -> memref<1x64xi32, #tpu.memory_space<vmem>>
    %dma_start3A_958 = tpu.memref_squeeze %dma_start3A_957 : memref<1x64xi32, #tpu.memory_space<vmem>> -> memref<64xi32, #tpu.memory_space<vmem>>
    %dma_start3A_959 = arith.constant 0 : i32
    %dma_start3A_960 = arith.constant 0 : i32
    %dma_start3A_961 = tpu.memref_slice %arg14[%dma_start3A_959, %dma_start3A_960] : memref<10240x128xf32, #tpu.memory_space<vmem_shared>> -> memref<10240x128xf32, #tpu.memory_space<vmem_shared>>
    tpu.enqueue_indirect_dma source(%arg9 : memref<64x128xf32, #tpu.memory_space<vmem>>) target(%dma_start3A_961 : memref<10240x128xf32, #tpu.memory_space<vmem_shared>>) offsets(%dma_start3A_958 : memref<64xi32, #tpu.memory_space<vmem>>) semaphore(%arg19 : memref<!tpu.dma_semaphore, #tpu.memory_space<semaphore_mem>>) {add = true}
    %dma_wait3A_962 = arith.constant 13 : i32
    %dma_wait3A_963 = arith.constant 0 : i32
    %dma_wait3A_964 = tpu.memref_slice %arg5[%dma_wait3A_962, %dma_wait3A_963] : memref<16x64xi32, #tpu.memory_space<vmem>> -> memref<1x64xi32, #tpu.memory_space<vmem>>
    %dma_wait3A_965 = tpu.memref_squeeze %dma_wait3A_964 : memref<1x64xi32, #tpu.memory_space<vmem>> -> memref<64xi32, #tpu.memory_space<vmem>>
    %dma_wait3A_966 = arith.constant 0 : i32
    %dma_wait3A_967 = arith.constant 0 : i32
    %dma_wait3A_968 = tpu.memref_slice %arg2[%dma_wait3A_966, %dma_wait3A_967] : memref<10000x128xf32, #tpu.memory_space<hbm>> -> memref<10000x128xf32, #tpu.memory_space<hbm>>
    tpu.wait_indirect_dma semaphore(%arg16 : memref<!tpu.dma_semaphore, #tpu.memory_space<semaphore_mem>>) src(%dma_wait3A_968 : memref<10000x128xf32, #tpu.memory_space<hbm>>) dst(%arg10 : memref<64x128xf32, #tpu.memory_space<vmem>>)
    %dma_start3A_969 = arith.constant 13 : i32
    %dma_start3A_970 = arith.constant 0 : i32
    %dma_start3A_971 = tpu.memref_slice %arg7[%dma_start3A_969, %dma_start3A_970] : memref<16x64xi32, #tpu.memory_space<vmem>> -> memref<1x64xi32, #tpu.memory_space<vmem>>
    %dma_start3A_972 = tpu.memref_squeeze %dma_start3A_971 : memref<1x64xi32, #tpu.memory_space<vmem>> -> memref<64xi32, #tpu.memory_space<vmem>>
    %dma_start3A_973 = arith.constant 0 : i32
    %dma_start3A_974 = arith.constant 0 : i32
    %dma_start3A_975 = tpu.memref_slice %arg14[%dma_start3A_973, %dma_start3A_974] : memref<10240x128xf32, #tpu.memory_space<vmem_shared>> -> memref<10240x128xf32, #tpu.memory_space<vmem_shared>>
    tpu.enqueue_indirect_dma source(%arg10 : memref<64x128xf32, #tpu.memory_space<vmem>>) target(%dma_start3A_975 : memref<10240x128xf32, #tpu.memory_space<vmem_shared>>) offsets(%dma_start3A_972 : memref<64xi32, #tpu.memory_space<vmem>>) semaphore(%arg20 : memref<!tpu.dma_semaphore, #tpu.memory_space<semaphore_mem>>) {add = true}
    %dma_wait3A_976 = arith.constant 14 : i32
    %dma_wait3A_977 = arith.constant 0 : i32
    %dma_wait3A_978 = tpu.memref_slice %arg5[%dma_wait3A_976, %dma_wait3A_977] : memref<16x64xi32, #tpu.memory_space<vmem>> -> memref<1x64xi32, #tpu.memory_space<vmem>>
    %dma_wait3A_979 = tpu.memref_squeeze %dma_wait3A_978 : memref<1x64xi32, #tpu.memory_space<vmem>> -> memref<64xi32, #tpu.memory_space<vmem>>
    %dma_wait3A_980 = arith.constant 0 : i32
    %dma_wait3A_981 = arith.constant 0 : i32
    %dma_wait3A_982 = tpu.memref_slice %arg2[%dma_wait3A_980, %dma_wait3A_981] : memref<10000x128xf32, #tpu.memory_space<hbm>> -> memref<10000x128xf32, #tpu.memory_space<hbm>>
    tpu.wait_indirect_dma semaphore(%arg17 : memref<!tpu.dma_semaphore, #tpu.memory_space<semaphore_mem>>) src(%dma_wait3A_982 : memref<10000x128xf32, #tpu.memory_space<hbm>>) dst(%arg11 : memref<64x128xf32, #tpu.memory_space<vmem>>)
    %dma_start3A_983 = arith.constant 14 : i32
    %dma_start3A_984 = arith.constant 0 : i32
    %dma_start3A_985 = tpu.memref_slice %arg7[%dma_start3A_983, %dma_start3A_984] : memref<16x64xi32, #tpu.memory_space<vmem>> -> memref<1x64xi32, #tpu.memory_space<vmem>>
    %dma_start3A_986 = tpu.memref_squeeze %dma_start3A_985 : memref<1x64xi32, #tpu.memory_space<vmem>> -> memref<64xi32, #tpu.memory_space<vmem>>
    %dma_start3A_987 = arith.constant 0 : i32
    %dma_start3A_988 = arith.constant 0 : i32
    %dma_start3A_989 = tpu.memref_slice %arg14[%dma_start3A_987, %dma_start3A_988] : memref<10240x128xf32, #tpu.memory_space<vmem_shared>> -> memref<10240x128xf32, #tpu.memory_space<vmem_shared>>
    tpu.enqueue_indirect_dma source(%arg11 : memref<64x128xf32, #tpu.memory_space<vmem>>) target(%dma_start3A_989 : memref<10240x128xf32, #tpu.memory_space<vmem_shared>>) offsets(%dma_start3A_986 : memref<64xi32, #tpu.memory_space<vmem>>) semaphore(%arg21 : memref<!tpu.dma_semaphore, #tpu.memory_space<semaphore_mem>>) {add = true}
    %dma_wait3A_990 = arith.constant 15 : i32
    %dma_wait3A_991 = arith.constant 0 : i32
    %dma_wait3A_992 = tpu.memref_slice %arg5[%dma_wait3A_990, %dma_wait3A_991] : memref<16x64xi32, #tpu.memory_space<vmem>> -> memref<1x64xi32, #tpu.memory_space<vmem>>
    %dma_wait3A_993 = tpu.memref_squeeze %dma_wait3A_992 : memref<1x64xi32, #tpu.memory_space<vmem>> -> memref<64xi32, #tpu.memory_space<vmem>>
    %dma_wait3A_994 = arith.constant 0 : i32
    %dma_wait3A_995 = arith.constant 0 : i32
    %dma_wait3A_996 = tpu.memref_slice %arg2[%dma_wait3A_994, %dma_wait3A_995] : memref<10000x128xf32, #tpu.memory_space<hbm>> -> memref<10000x128xf32, #tpu.memory_space<hbm>>
    tpu.wait_indirect_dma semaphore(%arg18 : memref<!tpu.dma_semaphore, #tpu.memory_space<semaphore_mem>>) src(%dma_wait3A_996 : memref<10000x128xf32, #tpu.memory_space<hbm>>) dst(%arg12 : memref<64x128xf32, #tpu.memory_space<vmem>>)
    %dma_start3A_997 = arith.constant 15 : i32
    %dma_start3A_998 = arith.constant 0 : i32
    %dma_start3A_999 = tpu.memref_slice %arg7[%dma_start3A_997, %dma_start3A_998] : memref<16x64xi32, #tpu.memory_space<vmem>> -> memref<1x64xi32, #tpu.memory_space<vmem>>
    %dma_start3A_1000 = tpu.memref_squeeze %dma_start3A_999 : memref<1x64xi32, #tpu.memory_space<vmem>> -> memref<64xi32, #tpu.memory_space<vmem>>
    %dma_start3A_1001 = arith.constant 0 : i32
    %dma_start3A_1002 = arith.constant 0 : i32
    %dma_start3A_1003 = tpu.memref_slice %arg14[%dma_start3A_1001, %dma_start3A_1002] : memref<10240x128xf32, #tpu.memory_space<vmem_shared>> -> memref<10240x128xf32, #tpu.memory_space<vmem_shared>>
    tpu.enqueue_indirect_dma source(%arg12 : memref<64x128xf32, #tpu.memory_space<vmem>>) target(%dma_start3A_1003 : memref<10240x128xf32, #tpu.memory_space<vmem_shared>>) offsets(%dma_start3A_1000 : memref<64xi32, #tpu.memory_space<vmem>>) semaphore(%arg22 : memref<!tpu.dma_semaphore, #tpu.memory_space<semaphore_mem>>) {add = true}
    %dma_wait3A_1004 = arith.constant 12 : i32
    %dma_wait3A_1005 = arith.constant 0 : i32
    %dma_wait3A_1006 = tpu.memref_slice %arg7[%dma_wait3A_1004, %dma_wait3A_1005] : memref<16x64xi32, #tpu.memory_space<vmem>> -> memref<1x64xi32, #tpu.memory_space<vmem>>
    %dma_wait3A_1007 = tpu.memref_squeeze %dma_wait3A_1006 : memref<1x64xi32, #tpu.memory_space<vmem>> -> memref<64xi32, #tpu.memory_space<vmem>>
    %dma_wait3A_1008 = arith.constant 0 : i32
    %dma_wait3A_1009 = arith.constant 0 : i32
    %dma_wait3A_1010 = tpu.memref_slice %arg14[%dma_wait3A_1008, %dma_wait3A_1009] : memref<10240x128xf32, #tpu.memory_space<vmem_shared>> -> memref<10240x128xf32, #tpu.memory_space<vmem_shared>>
    tpu.wait_indirect_dma semaphore(%arg19 : memref<!tpu.dma_semaphore, #tpu.memory_space<semaphore_mem>>) src(%arg9 : memref<64x128xf32, #tpu.memory_space<vmem>>) dst(%dma_wait3A_1010 : memref<10240x128xf32, #tpu.memory_space<vmem_shared>>)
    %dma_wait3A_1011 = arith.constant 13 : i32
    %dma_wait3A_1012 = arith.constant 0 : i32
    %dma_wait3A_1013 = tpu.memref_slice %arg7[%dma_wait3A_1011, %dma_wait3A_1012] : memref<16x64xi32, #tpu.memory_space<vmem>> -> memref<1x64xi32, #tpu.memory_space<vmem>>
    %dma_wait3A_1014 = tpu.memref_squeeze %dma_wait3A_1013 : memref<1x64xi32, #tpu.memory_space<vmem>> -> memref<64xi32, #tpu.memory_space<vmem>>
    %dma_wait3A_1015 = arith.constant 0 : i32
    %dma_wait3A_1016 = arith.constant 0 : i32
    %dma_wait3A_1017 = tpu.memref_slice %arg14[%dma_wait3A_1015, %dma_wait3A_1016] : memref<10240x128xf32, #tpu.memory_space<vmem_shared>> -> memref<10240x128xf32, #tpu.memory_space<vmem_shared>>
    tpu.wait_indirect_dma semaphore(%arg20 : memref<!tpu.dma_semaphore, #tpu.memory_space<semaphore_mem>>) src(%arg10 : memref<64x128xf32, #tpu.memory_space<vmem>>) dst(%dma_wait3A_1017 : memref<10240x128xf32, #tpu.memory_space<vmem_shared>>)
    %dma_wait3A_1018 = arith.constant 14 : i32
    %dma_wait3A_1019 = arith.constant 0 : i32
    %dma_wait3A_1020 = tpu.memref_slice %arg7[%dma_wait3A_1018, %dma_wait3A_1019] : memref<16x64xi32, #tpu.memory_space<vmem>> -> memref<1x64xi32, #tpu.memory_space<vmem>>
    %dma_wait3A_1021 = tpu.memref_squeeze %dma_wait3A_1020 : memref<1x64xi32, #tpu.memory_space<vmem>> -> memref<64xi32, #tpu.memory_space<vmem>>
    %dma_wait3A_1022 = arith.constant 0 : i32
    %dma_wait3A_1023 = arith.constant 0 : i32
    %dma_wait3A_1024 = tpu.memref_slice %arg14[%dma_wait3A_1022, %dma_wait3A_1023] : memref<10240x128xf32, #tpu.memory_space<vmem_shared>> -> memref<10240x128xf32, #tpu.memory_space<vmem_shared>>
    tpu.wait_indirect_dma semaphore(%arg21 : memref<!tpu.dma_semaphore, #tpu.memory_space<semaphore_mem>>) src(%arg11 : memref<64x128xf32, #tpu.memory_space<vmem>>) dst(%dma_wait3A_1024 : memref<10240x128xf32, #tpu.memory_space<vmem_shared>>)
    %dma_wait3A_1025 = arith.constant 15 : i32
    %dma_wait3A_1026 = arith.constant 0 : i32
    %dma_wait3A_1027 = tpu.memref_slice %arg7[%dma_wait3A_1025, %dma_wait3A_1026] : memref<16x64xi32, #tpu.memory_space<vmem>> -> memref<1x64xi32, #tpu.memory_space<vmem>>
    %dma_wait3A_1028 = tpu.memref_squeeze %dma_wait3A_1027 : memref<1x64xi32, #tpu.memory_space<vmem>> -> memref<64xi32, #tpu.memory_space<vmem>>
    %dma_wait3A_1029 = arith.constant 0 : i32
    %dma_wait3A_1030 = arith.constant 0 : i32
    %dma_wait3A_1031 = tpu.memref_slice %arg14[%dma_wait3A_1029, %dma_wait3A_1030] : memref<10240x128xf32, #tpu.memory_space<vmem_shared>> -> memref<10240x128xf32, #tpu.memory_space<vmem_shared>>
    tpu.wait_indirect_dma semaphore(%arg22 : memref<!tpu.dma_semaphore, #tpu.memory_space<semaphore_mem>>) src(%arg12 : memref<64x128xf32, #tpu.memory_space<vmem>>) dst(%dma_wait3A_1031 : memref<10240x128xf32, #tpu.memory_space<vmem_shared>>)
    %dma_wait3A_1032 = arith.constant 0 : i32
    %dma_wait3A_1033 = arith.constant 0 : i32
    %dma_wait3A_1034 = tpu.memref_slice %arg3[%dma_wait3A_1032, %dma_wait3A_1033] : memref<10240x64xi32, #tpu.memory_space<hbm>> -> memref<16x64xi32, #tpu.memory_space<hbm>>
    %dma_wait3A_1035 = arith.constant 0 : i32
    %dma_wait3A_1036 = arith.constant 0 : i32
    %dma_wait3A_1037 = tpu.memref_slice %arg3[%dma_wait3A_1035, %dma_wait3A_1036] : memref<10240x64xi32, #tpu.memory_space<hbm>> -> memref<16x64xi32, #tpu.memory_space<hbm>>
    tpu.wait_dma2 semaphore(%arg24 : memref<!tpu.dma_semaphore, #tpu.memory_space<semaphore_mem>>) src(%dma_wait3A_1037 : memref<16x64xi32, #tpu.memory_space<hbm>>) dst(%arg6 : memref<16x64xi32, #tpu.memory_space<vmem>>)
    %dma_wait3A_1038 = arith.constant 0 : i32
    %dma_wait3A_1039 = arith.constant 0 : i32
    %dma_wait3A_1040 = tpu.memref_slice %arg3[%dma_wait3A_1038, %dma_wait3A_1039] : memref<10240x64xi32, #tpu.memory_space<hbm>> -> memref<16x64xi32, #tpu.memory_space<hbm>>
    %dma_wait3A_1041 = arith.constant 0 : i32
    %dma_wait3A_1042 = arith.constant 0 : i32
    %dma_wait3A_1043 = tpu.memref_slice %arg3[%dma_wait3A_1041, %dma_wait3A_1042] : memref<10240x64xi32, #tpu.memory_space<hbm>> -> memref<16x64xi32, #tpu.memory_space<hbm>>
    tpu.wait_dma2 semaphore(%arg24 : memref<!tpu.dma_semaphore, #tpu.memory_space<semaphore_mem>>) src(%dma_wait3A_1043 : memref<16x64xi32, #tpu.memory_space<hbm>>) dst(%arg8 : memref<16x64xi32, #tpu.memory_space<vmem>>)
    %mul3A_1044 = arith.constant 160 : i32
    %mul3A_1045 = arith.muli %add3A, %mul3A_1044 : i32
    %add3A_1046 = arith.constant 128 : i32
    %add3A_1047 = arith.addi %mul3A_1045, %add3A_1046 : i32
    %add3A_1048 = arith.constant 5120 : i32
    %add3A_1049 = arith.addi %add3A_1048, %add3A_1047 : i32
    %dma_start3A_1050 = arith.constant 0 : i32
    %dma_start3A_1051 = tpu.memref_slice %arg3[%add3A_1049, %dma_start3A_1050] : memref<10240x64xi32, #tpu.memory_space<hbm>> -> memref<16x64xi32, #tpu.memory_space<hbm>>
    %dma_start3A_1052 = arith.constant 0 : i32
    %dma_start3A_1053 = tpu.memref_slice %arg3[%add3A_1049, %dma_start3A_1052] : memref<10240x64xi32, #tpu.memory_space<hbm>> -> memref<16x64xi32, #tpu.memory_space<hbm>>
    tpu.enqueue_dma source(%dma_start3A_1053 : memref<16x64xi32, #tpu.memory_space<hbm>>) target(%arg5 : memref<16x64xi32, #tpu.memory_space<vmem>>) target_semaphore(%arg23 : memref<!tpu.dma_semaphore, #tpu.memory_space<semaphore_mem>>)
    %dma_start3A_1054 = arith.constant 0 : i32
    %dma_start3A_1055 = tpu.memref_slice %arg3[%add3A_1047, %dma_start3A_1054] : memref<10240x64xi32, #tpu.memory_space<hbm>> -> memref<16x64xi32, #tpu.memory_space<hbm>>
    %dma_start3A_1056 = arith.constant 0 : i32
    %dma_start3A_1057 = tpu.memref_slice %arg3[%add3A_1047, %dma_start3A_1056] : memref<10240x64xi32, #tpu.memory_space<hbm>> -> memref<16x64xi32, #tpu.memory_space<hbm>>
    tpu.enqueue_dma source(%dma_start3A_1057 : memref<16x64xi32, #tpu.memory_space<hbm>>) target(%arg7 : memref<16x64xi32, #tpu.memory_space<vmem>>) target_semaphore(%arg23 : memref<!tpu.dma_semaphore, #tpu.memory_space<semaphore_mem>>)
    %dma_start3A_1058 = arith.constant 0 : i32
    %dma_start3A_1059 = arith.constant 0 : i32
    %dma_start3A_1060 = tpu.memref_slice %arg6[%dma_start3A_1058, %dma_start3A_1059] : memref<16x64xi32, #tpu.memory_space<vmem>> -> memref<1x64xi32, #tpu.memory_space<vmem>>
    %dma_start3A_1061 = tpu.memref_squeeze %dma_start3A_1060 : memref<1x64xi32, #tpu.memory_space<vmem>> -> memref<64xi32, #tpu.memory_space<vmem>>
    %dma_start3A_1062 = arith.constant 0 : i32
    %dma_start3A_1063 = arith.constant 0 : i32
    %dma_start3A_1064 = tpu.memref_slice %arg2[%dma_start3A_1062, %dma_start3A_1063] : memref<10000x128xf32, #tpu.memory_space<hbm>> -> memref<10000x128xf32, #tpu.memory_space<hbm>>
    tpu.enqueue_indirect_dma source(%dma_start3A_1064 : memref<10000x128xf32, #tpu.memory_space<hbm>>) target(%arg9 : memref<64x128xf32, #tpu.memory_space<vmem>>) offsets(%dma_start3A_1061 : memref<64xi32, #tpu.memory_space<vmem>>) semaphore(%arg15 : memref<!tpu.dma_semaphore, #tpu.memory_space<semaphore_mem>>)
    %dma_start3A_1065 = arith.constant 1 : i32
    %dma_start3A_1066 = arith.constant 0 : i32
    %dma_start3A_1067 = tpu.memref_slice %arg6[%dma_start3A_1065, %dma_start3A_1066] : memref<16x64xi32, #tpu.memory_space<vmem>> -> memref<1x64xi32, #tpu.memory_space<vmem>>
    %dma_start3A_1068 = tpu.memref_squeeze %dma_start3A_1067 : memref<1x64xi32, #tpu.memory_space<vmem>> -> memref<64xi32, #tpu.memory_space<vmem>>
    %dma_start3A_1069 = arith.constant 0 : i32
    %dma_start3A_1070 = arith.constant 0 : i32
    %dma_start3A_1071 = tpu.memref_slice %arg2[%dma_start3A_1069, %dma_start3A_1070] : memref<10000x128xf32, #tpu.memory_space<hbm>> -> memref<10000x128xf32, #tpu.memory_space<hbm>>
    tpu.enqueue_indirect_dma source(%dma_start3A_1071 : memref<10000x128xf32, #tpu.memory_space<hbm>>) target(%arg10 : memref<64x128xf32, #tpu.memory_space<vmem>>) offsets(%dma_start3A_1068 : memref<64xi32, #tpu.memory_space<vmem>>) semaphore(%arg16 : memref<!tpu.dma_semaphore, #tpu.memory_space<semaphore_mem>>)
    %dma_start3A_1072 = arith.constant 2 : i32
    %dma_start3A_1073 = arith.constant 0 : i32
    %dma_start3A_1074 = tpu.memref_slice %arg6[%dma_start3A_1072, %dma_start3A_1073] : memref<16x64xi32, #tpu.memory_space<vmem>> -> memref<1x64xi32, #tpu.memory_space<vmem>>
    %dma_start3A_1075 = tpu.memref_squeeze %dma_start3A_1074 : memref<1x64xi32, #tpu.memory_space<vmem>> -> memref<64xi32, #tpu.memory_space<vmem>>
    %dma_start3A_1076 = arith.constant 0 : i32
    %dma_start3A_1077 = arith.constant 0 : i32
    %dma_start3A_1078 = tpu.memref_slice %arg2[%dma_start3A_1076, %dma_start3A_1077] : memref<10000x128xf32, #tpu.memory_space<hbm>> -> memref<10000x128xf32, #tpu.memory_space<hbm>>
    tpu.enqueue_indirect_dma source(%dma_start3A_1078 : memref<10000x128xf32, #tpu.memory_space<hbm>>) target(%arg11 : memref<64x128xf32, #tpu.memory_space<vmem>>) offsets(%dma_start3A_1075 : memref<64xi32, #tpu.memory_space<vmem>>) semaphore(%arg17 : memref<!tpu.dma_semaphore, #tpu.memory_space<semaphore_mem>>)
    %dma_start3A_1079 = arith.constant 3 : i32
    %dma_start3A_1080 = arith.constant 0 : i32
    %dma_start3A_1081 = tpu.memref_slice %arg6[%dma_start3A_1079, %dma_start3A_1080] : memref<16x64xi32, #tpu.memory_space<vmem>> -> memref<1x64xi32, #tpu.memory_space<vmem>>
    %dma_start3A_1082 = tpu.memref_squeeze %dma_start3A_1081 : memref<1x64xi32, #tpu.memory_space<vmem>> -> memref<64xi32, #tpu.memory_space<vmem>>
    %dma_start3A_1083 = arith.constant 0 : i32
    %dma_start3A_1084 = arith.constant 0 : i32
    %dma_start3A_1085 = tpu.memref_slice %arg2[%dma_start3A_1083, %dma_start3A_1084] : memref<10000x128xf32, #tpu.memory_space<hbm>> -> memref<10000x128xf32, #tpu.memory_space<hbm>>
    tpu.enqueue_indirect_dma source(%dma_start3A_1085 : memref<10000x128xf32, #tpu.memory_space<hbm>>) target(%arg12 : memref<64x128xf32, #tpu.memory_space<vmem>>) offsets(%dma_start3A_1082 : memref<64xi32, #tpu.memory_space<vmem>>) semaphore(%arg18 : memref<!tpu.dma_semaphore, #tpu.memory_space<semaphore_mem>>)
    %scan3A_1086 = arith.constant 0 : i32
    %scan3A_1087 = arith.constant 0 : i32
    %scan3A_1088 = arith.constant 3 : i32
    %scan3A_1089 = arith.addi %scan3A_1087, %scan3A_1088 : i32
    %scan3A_1090 = arith.constant 1 : i32
    scf.for %scan3A_1457 = %scan3A_1087 to %scan3A_1089 step %scan3A_1090  : i32 {
      %mul3A_1458 = arith.constant 4 : i32
      %mul3A_1459 = arith.muli %scan3A_1457, %mul3A_1458 : i32
      %add3A_1460 = arith.constant 0 : i32
      %add3A_1461 = arith.addi %mul3A_1459, %add3A_1460 : i32
      %dma_wait3A_1462 = arith.constant 0 : i32
      %dma_wait3A_1463 = tpu.memref_slice %arg6[%add3A_1461, %dma_wait3A_1462] : memref<16x64xi32, #tpu.memory_space<vmem>> -> memref<1x64xi32, #tpu.memory_space<vmem>>
      %dma_wait3A_1464 = tpu.memref_squeeze %dma_wait3A_1463 : memref<1x64xi32, #tpu.memory_space<vmem>> -> memref<64xi32, #tpu.memory_space<vmem>>
      %dma_wait3A_1465 = arith.constant 0 : i32
      %dma_wait3A_1466 = arith.constant 0 : i32
      %dma_wait3A_1467 = tpu.memref_slice %arg2[%dma_wait3A_1465, %dma_wait3A_1466] : memref<10000x128xf32, #tpu.memory_space<hbm>> -> memref<10000x128xf32, #tpu.memory_space<hbm>>
      tpu.wait_indirect_dma semaphore(%arg15 : memref<!tpu.dma_semaphore, #tpu.memory_space<semaphore_mem>>) src(%dma_wait3A_1467 : memref<10000x128xf32, #tpu.memory_space<hbm>>) dst(%arg9 : memref<64x128xf32, #tpu.memory_space<vmem>>)
      %add3A_1468 = arith.constant 0 : i32
      %add3A_1469 = arith.addi %mul3A_1459, %add3A_1468 : i32
      %dma_start3A_1470 = arith.constant 0 : i32
      %dma_start3A_1471 = tpu.memref_slice %arg8[%add3A_1469, %dma_start3A_1470] : memref<16x64xi32, #tpu.memory_space<vmem>> -> memref<1x64xi32, #tpu.memory_space<vmem>>
      %dma_start3A_1472 = tpu.memref_squeeze %dma_start3A_1471 : memref<1x64xi32, #tpu.memory_space<vmem>> -> memref<64xi32, #tpu.memory_space<vmem>>
      %dma_start3A_1473 = arith.constant 0 : i32
      %dma_start3A_1474 = arith.constant 0 : i32
      %dma_start3A_1475 = tpu.memref_slice %arg14[%dma_start3A_1473, %dma_start3A_1474] : memref<10240x128xf32, #tpu.memory_space<vmem_shared>> -> memref<10240x128xf32, #tpu.memory_space<vmem_shared>>
      tpu.enqueue_indirect_dma source(%arg9 : memref<64x128xf32, #tpu.memory_space<vmem>>) target(%dma_start3A_1475 : memref<10240x128xf32, #tpu.memory_space<vmem_shared>>) offsets(%dma_start3A_1472 : memref<64xi32, #tpu.memory_space<vmem>>) semaphore(%arg19 : memref<!tpu.dma_semaphore, #tpu.memory_space<semaphore_mem>>) {add = true}
      %add3A_1476 = arith.constant 1 : i32
      %add3A_1477 = arith.addi %mul3A_1459, %add3A_1476 : i32
      %dma_wait3A_1478 = arith.constant 0 : i32
      %dma_wait3A_1479 = tpu.memref_slice %arg6[%add3A_1477, %dma_wait3A_1478] : memref<16x64xi32, #tpu.memory_space<vmem>> -> memref<1x64xi32, #tpu.memory_space<vmem>>
      %dma_wait3A_1480 = tpu.memref_squeeze %dma_wait3A_1479 : memref<1x64xi32, #tpu.memory_space<vmem>> -> memref<64xi32, #tpu.memory_space<vmem>>
      %dma_wait3A_1481 = arith.constant 0 : i32
      %dma_wait3A_1482 = arith.constant 0 : i32
      %dma_wait3A_1483 = tpu.memref_slice %arg2[%dma_wait3A_1481, %dma_wait3A_1482] : memref<10000x128xf32, #tpu.memory_space<hbm>> -> memref<10000x128xf32, #tpu.memory_space<hbm>>
      tpu.wait_indirect_dma semaphore(%arg16 : memref<!tpu.dma_semaphore, #tpu.memory_space<semaphore_mem>>) src(%dma_wait3A_1483 : memref<10000x128xf32, #tpu.memory_space<hbm>>) dst(%arg10 : memref<64x128xf32, #tpu.memory_space<vmem>>)
      %add3A_1484 = arith.constant 1 : i32
      %add3A_1485 = arith.addi %mul3A_1459, %add3A_1484 : i32
      %dma_start3A_1486 = arith.constant 0 : i32
      %dma_start3A_1487 = tpu.memref_slice %arg8[%add3A_1485, %dma_start3A_1486] : memref<16x64xi32, #tpu.memory_space<vmem>> -> memref<1x64xi32, #tpu.memory_space<vmem>>
      %dma_start3A_1488 = tpu.memref_squeeze %dma_start3A_1487 : memref<1x64xi32, #tpu.memory_space<vmem>> -> memref<64xi32, #tpu.memory_space<vmem>>
      %dma_start3A_1489 = arith.constant 0 : i32
      %dma_start3A_1490 = arith.constant 0 : i32
      %dma_start3A_1491 = tpu.memref_slice %arg14[%dma_start3A_1489, %dma_start3A_1490] : memref<10240x128xf32, #tpu.memory_space<vmem_shared>> -> memref<10240x128xf32, #tpu.memory_space<vmem_shared>>
      tpu.enqueue_indirect_dma source(%arg10 : memref<64x128xf32, #tpu.memory_space<vmem>>) target(%dma_start3A_1491 : memref<10240x128xf32, #tpu.memory_space<vmem_shared>>) offsets(%dma_start3A_1488 : memref<64xi32, #tpu.memory_space<vmem>>) semaphore(%arg20 : memref<!tpu.dma_semaphore, #tpu.memory_space<semaphore_mem>>) {add = true}
      %add3A_1492 = arith.constant 2 : i32
      %add3A_1493 = arith.addi %mul3A_1459, %add3A_1492 : i32
      %dma_wait3A_1494 = arith.constant 0 : i32
      %dma_wait3A_1495 = tpu.memref_slice %arg6[%add3A_1493, %dma_wait3A_1494] : memref<16x64xi32, #tpu.memory_space<vmem>> -> memref<1x64xi32, #tpu.memory_space<vmem>>
      %dma_wait3A_1496 = tpu.memref_squeeze %dma_wait3A_1495 : memref<1x64xi32, #tpu.memory_space<vmem>> -> memref<64xi32, #tpu.memory_space<vmem>>
      %dma_wait3A_1497 = arith.constant 0 : i32
      %dma_wait3A_1498 = arith.constant 0 : i32
      %dma_wait3A_1499 = tpu.memref_slice %arg2[%dma_wait3A_1497, %dma_wait3A_1498] : memref<10000x128xf32, #tpu.memory_space<hbm>> -> memref<10000x128xf32, #tpu.memory_space<hbm>>
      tpu.wait_indirect_dma semaphore(%arg17 : memref<!tpu.dma_semaphore, #tpu.memory_space<semaphore_mem>>) src(%dma_wait3A_1499 : memref<10000x128xf32, #tpu.memory_space<hbm>>) dst(%arg11 : memref<64x128xf32, #tpu.memory_space<vmem>>)
      %add3A_1500 = arith.constant 2 : i32
      %add3A_1501 = arith.addi %mul3A_1459, %add3A_1500 : i32
      %dma_start3A_1502 = arith.constant 0 : i32
      %dma_start3A_1503 = tpu.memref_slice %arg8[%add3A_1501, %dma_start3A_1502] : memref<16x64xi32, #tpu.memory_space<vmem>> -> memref<1x64xi32, #tpu.memory_space<vmem>>
      %dma_start3A_1504 = tpu.memref_squeeze %dma_start3A_1503 : memref<1x64xi32, #tpu.memory_space<vmem>> -> memref<64xi32, #tpu.memory_space<vmem>>
      %dma_start3A_1505 = arith.constant 0 : i32
      %dma_start3A_1506 = arith.constant 0 : i32
      %dma_start3A_1507 = tpu.memref_slice %arg14[%dma_start3A_1505, %dma_start3A_1506] : memref<10240x128xf32, #tpu.memory_space<vmem_shared>> -> memref<10240x128xf32, #tpu.memory_space<vmem_shared>>
      tpu.enqueue_indirect_dma source(%arg11 : memref<64x128xf32, #tpu.memory_space<vmem>>) target(%dma_start3A_1507 : memref<10240x128xf32, #tpu.memory_space<vmem_shared>>) offsets(%dma_start3A_1504 : memref<64xi32, #tpu.memory_space<vmem>>) semaphore(%arg21 : memref<!tpu.dma_semaphore, #tpu.memory_space<semaphore_mem>>) {add = true}
      %add3A_1508 = arith.constant 3 : i32
      %add3A_1509 = arith.addi %mul3A_1459, %add3A_1508 : i32
      %dma_wait3A_1510 = arith.constant 0 : i32
      %dma_wait3A_1511 = tpu.memref_slice %arg6[%add3A_1509, %dma_wait3A_1510] : memref<16x64xi32, #tpu.memory_space<vmem>> -> memref<1x64xi32, #tpu.memory_space<vmem>>
      %dma_wait3A_1512 = tpu.memref_squeeze %dma_wait3A_1511 : memref<1x64xi32, #tpu.memory_space<vmem>> -> memref<64xi32, #tpu.memory_space<vmem>>
      %dma_wait3A_1513 = arith.constant 0 : i32
      %dma_wait3A_1514 = arith.constant 0 : i32
      %dma_wait3A_1515 = tpu.memref_slice %arg2[%dma_wait3A_1513, %dma_wait3A_1514] : memref<10000x128xf32, #tpu.memory_space<hbm>> -> memref<10000x128xf32, #tpu.memory_space<hbm>>
      tpu.wait_indirect_dma semaphore(%arg18 : memref<!tpu.dma_semaphore, #tpu.memory_space<semaphore_mem>>) src(%dma_wait3A_1515 : memref<10000x128xf32, #tpu.memory_space<hbm>>) dst(%arg12 : memref<64x128xf32, #tpu.memory_space<vmem>>)
      %add3A_1516 = arith.constant 3 : i32
      %add3A_1517 = arith.addi %mul3A_1459, %add3A_1516 : i32
      %dma_start3A_1518 = arith.constant 0 : i32
      %dma_start3A_1519 = tpu.memref_slice %arg8[%add3A_1517, %dma_start3A_1518] : memref<16x64xi32, #tpu.memory_space<vmem>> -> memref<1x64xi32, #tpu.memory_space<vmem>>
      %dma_start3A_1520 = tpu.memref_squeeze %dma_start3A_1519 : memref<1x64xi32, #tpu.memory_space<vmem>> -> memref<64xi32, #tpu.memory_space<vmem>>
      %dma_start3A_1521 = arith.constant 0 : i32
      %dma_start3A_1522 = arith.constant 0 : i32
      %dma_start3A_1523 = tpu.memref_slice %arg14[%dma_start3A_1521, %dma_start3A_1522] : memref<10240x128xf32, #tpu.memory_space<vmem_shared>> -> memref<10240x128xf32, #tpu.memory_space<vmem_shared>>
      tpu.enqueue_indirect_dma source(%arg12 : memref<64x128xf32, #tpu.memory_space<vmem>>) target(%dma_start3A_1523 : memref<10240x128xf32, #tpu.memory_space<vmem_shared>>) offsets(%dma_start3A_1520 : memref<64xi32, #tpu.memory_space<vmem>>) semaphore(%arg22 : memref<!tpu.dma_semaphore, #tpu.memory_space<semaphore_mem>>) {add = true}
      %add3A_1524 = arith.constant 0 : i32
      %add3A_1525 = arith.addi %mul3A_1459, %add3A_1524 : i32
      %dma_wait3A_1526 = arith.constant 0 : i32
      %dma_wait3A_1527 = tpu.memref_slice %arg8[%add3A_1525, %dma_wait3A_1526] : memref<16x64xi32, #tpu.memory_space<vmem>> -> memref<1x64xi32, #tpu.memory_space<vmem>>
      %dma_wait3A_1528 = tpu.memref_squeeze %dma_wait3A_1527 : memref<1x64xi32, #tpu.memory_space<vmem>> -> memref<64xi32, #tpu.memory_space<vmem>>
      %dma_wait3A_1529 = arith.constant 0 : i32
      %dma_wait3A_1530 = arith.constant 0 : i32
      %dma_wait3A_1531 = tpu.memref_slice %arg14[%dma_wait3A_1529, %dma_wait3A_1530] : memref<10240x128xf32, #tpu.memory_space<vmem_shared>> -> memref<10240x128xf32, #tpu.memory_space<vmem_shared>>
      tpu.wait_indirect_dma semaphore(%arg19 : memref<!tpu.dma_semaphore, #tpu.memory_space<semaphore_mem>>) src(%arg9 : memref<64x128xf32, #tpu.memory_space<vmem>>) dst(%dma_wait3A_1531 : memref<10240x128xf32, #tpu.memory_space<vmem_shared>>)
      %add3A_1532 = arith.constant 4 : i32
      %add3A_1533 = arith.addi %mul3A_1459, %add3A_1532 : i32
      %add3A_1534 = arith.constant 0 : i32
      %add3A_1535 = arith.addi %add3A_1533, %add3A_1534 : i32
      %dma_start3A_1536 = arith.constant 0 : i32
      %dma_start3A_1537 = tpu.memref_slice %arg6[%add3A_1535, %dma_start3A_1536] : memref<16x64xi32, #tpu.memory_space<vmem>> -> memref<1x64xi32, #tpu.memory_space<vmem>>
      %dma_start3A_1538 = tpu.memref_squeeze %dma_start3A_1537 : memref<1x64xi32, #tpu.memory_space<vmem>> -> memref<64xi32, #tpu.memory_space<vmem>>
      %dma_start3A_1539 = arith.constant 0 : i32
      %dma_start3A_1540 = arith.constant 0 : i32
      %dma_start3A_1541 = tpu.memref_slice %arg2[%dma_start3A_1539, %dma_start3A_1540] : memref<10000x128xf32, #tpu.memory_space<hbm>> -> memref<10000x128xf32, #tpu.memory_space<hbm>>
      tpu.enqueue_indirect_dma source(%dma_start3A_1541 : memref<10000x128xf32, #tpu.memory_space<hbm>>) target(%arg9 : memref<64x128xf32, #tpu.memory_space<vmem>>) offsets(%dma_start3A_1538 : memref<64xi32, #tpu.memory_space<vmem>>) semaphore(%arg15 : memref<!tpu.dma_semaphore, #tpu.memory_space<semaphore_mem>>)
      %add3A_1542 = arith.constant 1 : i32
      %add3A_1543 = arith.addi %mul3A_1459, %add3A_1542 : i32
      %dma_wait3A_1544 = arith.constant 0 : i32
      %dma_wait3A_1545 = tpu.memref_slice %arg8[%add3A_1543, %dma_wait3A_1544] : memref<16x64xi32, #tpu.memory_space<vmem>> -> memref<1x64xi32, #tpu.memory_space<vmem>>
      %dma_wait3A_1546 = tpu.memref_squeeze %dma_wait3A_1545 : memref<1x64xi32, #tpu.memory_space<vmem>> -> memref<64xi32, #tpu.memory_space<vmem>>
      %dma_wait3A_1547 = arith.constant 0 : i32
      %dma_wait3A_1548 = arith.constant 0 : i32
      %dma_wait3A_1549 = tpu.memref_slice %arg14[%dma_wait3A_1547, %dma_wait3A_1548] : memref<10240x128xf32, #tpu.memory_space<vmem_shared>> -> memref<10240x128xf32, #tpu.memory_space<vmem_shared>>
      tpu.wait_indirect_dma semaphore(%arg20 : memref<!tpu.dma_semaphore, #tpu.memory_space<semaphore_mem>>) src(%arg10 : memref<64x128xf32, #tpu.memory_space<vmem>>) dst(%dma_wait3A_1549 : memref<10240x128xf32, #tpu.memory_space<vmem_shared>>)
      %add3A_1550 = arith.constant 4 : i32
      %add3A_1551 = arith.addi %mul3A_1459, %add3A_1550 : i32
      %add3A_1552 = arith.constant 1 : i32
      %add3A_1553 = arith.addi %add3A_1551, %add3A_1552 : i32
      %dma_start3A_1554 = arith.constant 0 : i32
      %dma_start3A_1555 = tpu.memref_slice %arg6[%add3A_1553, %dma_start3A_1554] : memref<16x64xi32, #tpu.memory_space<vmem>> -> memref<1x64xi32, #tpu.memory_space<vmem>>
      %dma_start3A_1556 = tpu.memref_squeeze %dma_start3A_1555 : memref<1x64xi32, #tpu.memory_space<vmem>> -> memref<64xi32, #tpu.memory_space<vmem>>
      %dma_start3A_1557 = arith.constant 0 : i32
      %dma_start3A_1558 = arith.constant 0 : i32
      %dma_start3A_1559 = tpu.memref_slice %arg2[%dma_start3A_1557, %dma_start3A_1558] : memref<10000x128xf32, #tpu.memory_space<hbm>> -> memref<10000x128xf32, #tpu.memory_space<hbm>>
      tpu.enqueue_indirect_dma source(%dma_start3A_1559 : memref<10000x128xf32, #tpu.memory_space<hbm>>) target(%arg10 : memref<64x128xf32, #tpu.memory_space<vmem>>) offsets(%dma_start3A_1556 : memref<64xi32, #tpu.memory_space<vmem>>) semaphore(%arg16 : memref<!tpu.dma_semaphore, #tpu.memory_space<semaphore_mem>>)
      %add3A_1560 = arith.constant 2 : i32
      %add3A_1561 = arith.addi %mul3A_1459, %add3A_1560 : i32
      %dma_wait3A_1562 = arith.constant 0 : i32
      %dma_wait3A_1563 = tpu.memref_slice %arg8[%add3A_1561, %dma_wait3A_1562] : memref<16x64xi32, #tpu.memory_space<vmem>> -> memref<1x64xi32, #tpu.memory_space<vmem>>
      %dma_wait3A_1564 = tpu.memref_squeeze %dma_wait3A_1563 : memref<1x64xi32, #tpu.memory_space<vmem>> -> memref<64xi32, #tpu.memory_space<vmem>>
      %dma_wait3A_1565 = arith.constant 0 : i32
      %dma_wait3A_1566 = arith.constant 0 : i32
      %dma_wait3A_1567 = tpu.memref_slice %arg14[%dma_wait3A_1565, %dma_wait3A_1566] : memref<10240x128xf32, #tpu.memory_space<vmem_shared>> -> memref<10240x128xf32, #tpu.memory_space<vmem_shared>>
      tpu.wait_indirect_dma semaphore(%arg21 : memref<!tpu.dma_semaphore, #tpu.memory_space<semaphore_mem>>) src(%arg11 : memref<64x128xf32, #tpu.memory_space<vmem>>) dst(%dma_wait3A_1567 : memref<10240x128xf32, #tpu.memory_space<vmem_shared>>)
      %add3A_1568 = arith.constant 4 : i32
      %add3A_1569 = arith.addi %mul3A_1459, %add3A_1568 : i32
      %add3A_1570 = arith.constant 2 : i32
      %add3A_1571 = arith.addi %add3A_1569, %add3A_1570 : i32
      %dma_start3A_1572 = arith.constant 0 : i32
      %dma_start3A_1573 = tpu.memref_slice %arg6[%add3A_1571, %dma_start3A_1572] : memref<16x64xi32, #tpu.memory_space<vmem>> -> memref<1x64xi32, #tpu.memory_space<vmem>>
      %dma_start3A_1574 = tpu.memref_squeeze %dma_start3A_1573 : memref<1x64xi32, #tpu.memory_space<vmem>> -> memref<64xi32, #tpu.memory_space<vmem>>
      %dma_start3A_1575 = arith.constant 0 : i32
      %dma_start3A_1576 = arith.constant 0 : i32
      %dma_start3A_1577 = tpu.memref_slice %arg2[%dma_start3A_1575, %dma_start3A_1576] : memref<10000x128xf32, #tpu.memory_space<hbm>> -> memref<10000x128xf32, #tpu.memory_space<hbm>>
      tpu.enqueue_indirect_dma source(%dma_start3A_1577 : memref<10000x128xf32, #tpu.memory_space<hbm>>) target(%arg11 : memref<64x128xf32, #tpu.memory_space<vmem>>) offsets(%dma_start3A_1574 : memref<64xi32, #tpu.memory_space<vmem>>) semaphore(%arg17 : memref<!tpu.dma_semaphore, #tpu.memory_space<semaphore_mem>>)
      %add3A_1578 = arith.constant 3 : i32
      %add3A_1579 = arith.addi %mul3A_1459, %add3A_1578 : i32
      %dma_wait3A_1580 = arith.constant 0 : i32
      %dma_wait3A_1581 = tpu.memref_slice %arg8[%add3A_1579, %dma_wait3A_1580] : memref<16x64xi32, #tpu.memory_space<vmem>> -> memref<1x64xi32, #tpu.memory_space<vmem>>
      %dma_wait3A_1582 = tpu.memref_squeeze %dma_wait3A_1581 : memref<1x64xi32, #tpu.memory_space<vmem>> -> memref<64xi32, #tpu.memory_space<vmem>>
      %dma_wait3A_1583 = arith.constant 0 : i32
      %dma_wait3A_1584 = arith.constant 0 : i32
      %dma_wait3A_1585 = tpu.memref_slice %arg14[%dma_wait3A_1583, %dma_wait3A_1584] : memref<10240x128xf32, #tpu.memory_space<vmem_shared>> -> memref<10240x128xf32, #tpu.memory_space<vmem_shared>>
      tpu.wait_indirect_dma semaphore(%arg22 : memref<!tpu.dma_semaphore, #tpu.memory_space<semaphore_mem>>) src(%arg12 : memref<64x128xf32, #tpu.memory_space<vmem>>) dst(%dma_wait3A_1585 : memref<10240x128xf32, #tpu.memory_space<vmem_shared>>)
      %add3A_1586 = arith.constant 4 : i32
      %add3A_1587 = arith.addi %mul3A_1459, %add3A_1586 : i32
      %add3A_1588 = arith.constant 3 : i32
      %add3A_1589 = arith.addi %add3A_1587, %add3A_1588 : i32
      %dma_start3A_1590 = arith.constant 0 : i32
      %dma_start3A_1591 = tpu.memref_slice %arg6[%add3A_1589, %dma_start3A_1590] : memref<16x64xi32, #tpu.memory_space<vmem>> -> memref<1x64xi32, #tpu.memory_space<vmem>>
      %dma_start3A_1592 = tpu.memref_squeeze %dma_start3A_1591 : memref<1x64xi32, #tpu.memory_space<vmem>> -> memref<64xi32, #tpu.memory_space<vmem>>
      %dma_start3A_1593 = arith.constant 0 : i32
      %dma_start3A_1594 = arith.constant 0 : i32
      %dma_start3A_1595 = tpu.memref_slice %arg2[%dma_start3A_1593, %dma_start3A_1594] : memref<10000x128xf32, #tpu.memory_space<hbm>> -> memref<10000x128xf32, #tpu.memory_space<hbm>>
      tpu.enqueue_indirect_dma source(%dma_start3A_1595 : memref<10000x128xf32, #tpu.memory_space<hbm>>) target(%arg12 : memref<64x128xf32, #tpu.memory_space<vmem>>) offsets(%dma_start3A_1592 : memref<64xi32, #tpu.memory_space<vmem>>) semaphore(%arg18 : memref<!tpu.dma_semaphore, #tpu.memory_space<semaphore_mem>>)
    }
    %scan3A_1091 = arith.constant 3 : i32
    %dma_wait3A_1092 = arith.constant 12 : i32
    %dma_wait3A_1093 = arith.constant 0 : i32
    %dma_wait3A_1094 = tpu.memref_slice %arg6[%dma_wait3A_1092, %dma_wait3A_1093] : memref<16x64xi32, #tpu.memory_space<vmem>> -> memref<1x64xi32, #tpu.memory_space<vmem>>
    %dma_wait3A_1095 = tpu.memref_squeeze %dma_wait3A_1094 : memref<1x64xi32, #tpu.memory_space<vmem>> -> memref<64xi32, #tpu.memory_space<vmem>>
    %dma_wait3A_1096 = arith.constant 0 : i32
    %dma_wait3A_1097 = arith.constant 0 : i32
    %dma_wait3A_1098 = tpu.memref_slice %arg2[%dma_wait3A_1096, %dma_wait3A_1097] : memref<10000x128xf32, #tpu.memory_space<hbm>> -> memref<10000x128xf32, #tpu.memory_space<hbm>>
    tpu.wait_indirect_dma semaphore(%arg15 : memref<!tpu.dma_semaphore, #tpu.memory_space<semaphore_mem>>) src(%dma_wait3A_1098 : memref<10000x128xf32, #tpu.memory_space<hbm>>) dst(%arg9 : memref<64x128xf32, #tpu.memory_space<vmem>>)
    %dma_start3A_1099 = arith.constant 12 : i32
    %dma_start3A_1100 = arith.constant 0 : i32
    %dma_start3A_1101 = tpu.memref_slice %arg8[%dma_start3A_1099, %dma_start3A_1100] : memref<16x64xi32, #tpu.memory_space<vmem>> -> memref<1x64xi32, #tpu.memory_space<vmem>>
    %dma_start3A_1102 = tpu.memref_squeeze %dma_start3A_1101 : memref<1x64xi32, #tpu.memory_space<vmem>> -> memref<64xi32, #tpu.memory_space<vmem>>
    %dma_start3A_1103 = arith.constant 0 : i32
    %dma_start3A_1104 = arith.constant 0 : i32
    %dma_start3A_1105 = tpu.memref_slice %arg14[%dma_start3A_1103, %dma_start3A_1104] : memref<10240x128xf32, #tpu.memory_space<vmem_shared>> -> memref<10240x128xf32, #tpu.memory_space<vmem_shared>>
    tpu.enqueue_indirect_dma source(%arg9 : memref<64x128xf32, #tpu.memory_space<vmem>>) target(%dma_start3A_1105 : memref<10240x128xf32, #tpu.memory_space<vmem_shared>>) offsets(%dma_start3A_1102 : memref<64xi32, #tpu.memory_space<vmem>>) semaphore(%arg19 : memref<!tpu.dma_semaphore, #tpu.memory_space<semaphore_mem>>) {add = true}
    %dma_wait3A_1106 = arith.constant 13 : i32
    %dma_wait3A_1107 = arith.constant 0 : i32
    %dma_wait3A_1108 = tpu.memref_slice %arg6[%dma_wait3A_1106, %dma_wait3A_1107] : memref<16x64xi32, #tpu.memory_space<vmem>> -> memref<1x64xi32, #tpu.memory_space<vmem>>
    %dma_wait3A_1109 = tpu.memref_squeeze %dma_wait3A_1108 : memref<1x64xi32, #tpu.memory_space<vmem>> -> memref<64xi32, #tpu.memory_space<vmem>>
    %dma_wait3A_1110 = arith.constant 0 : i32
    %dma_wait3A_1111 = arith.constant 0 : i32
    %dma_wait3A_1112 = tpu.memref_slice %arg2[%dma_wait3A_1110, %dma_wait3A_1111] : memref<10000x128xf32, #tpu.memory_space<hbm>> -> memref<10000x128xf32, #tpu.memory_space<hbm>>
    tpu.wait_indirect_dma semaphore(%arg16 : memref<!tpu.dma_semaphore, #tpu.memory_space<semaphore_mem>>) src(%dma_wait3A_1112 : memref<10000x128xf32, #tpu.memory_space<hbm>>) dst(%arg10 : memref<64x128xf32, #tpu.memory_space<vmem>>)
    %dma_start3A_1113 = arith.constant 13 : i32
    %dma_start3A_1114 = arith.constant 0 : i32
    %dma_start3A_1115 = tpu.memref_slice %arg8[%dma_start3A_1113, %dma_start3A_1114] : memref<16x64xi32, #tpu.memory_space<vmem>> -> memref<1x64xi32, #tpu.memory_space<vmem>>
    %dma_start3A_1116 = tpu.memref_squeeze %dma_start3A_1115 : memref<1x64xi32, #tpu.memory_space<vmem>> -> memref<64xi32, #tpu.memory_space<vmem>>
    %dma_start3A_1117 = arith.constant 0 : i32
    %dma_start3A_1118 = arith.constant 0 : i32
    %dma_start3A_1119 = tpu.memref_slice %arg14[%dma_start3A_1117, %dma_start3A_1118] : memref<10240x128xf32, #tpu.memory_space<vmem_shared>> -> memref<10240x128xf32, #tpu.memory_space<vmem_shared>>
    tpu.enqueue_indirect_dma source(%arg10 : memref<64x128xf32, #tpu.memory_space<vmem>>) target(%dma_start3A_1119 : memref<10240x128xf32, #tpu.memory_space<vmem_shared>>) offsets(%dma_start3A_1116 : memref<64xi32, #tpu.memory_space<vmem>>) semaphore(%arg20 : memref<!tpu.dma_semaphore, #tpu.memory_space<semaphore_mem>>) {add = true}
    %dma_wait3A_1120 = arith.constant 14 : i32
    %dma_wait3A_1121 = arith.constant 0 : i32
    %dma_wait3A_1122 = tpu.memref_slice %arg6[%dma_wait3A_1120, %dma_wait3A_1121] : memref<16x64xi32, #tpu.memory_space<vmem>> -> memref<1x64xi32, #tpu.memory_space<vmem>>
    %dma_wait3A_1123 = tpu.memref_squeeze %dma_wait3A_1122 : memref<1x64xi32, #tpu.memory_space<vmem>> -> memref<64xi32, #tpu.memory_space<vmem>>
    %dma_wait3A_1124 = arith.constant 0 : i32
    %dma_wait3A_1125 = arith.constant 0 : i32
    %dma_wait3A_1126 = tpu.memref_slice %arg2[%dma_wait3A_1124, %dma_wait3A_1125] : memref<10000x128xf32, #tpu.memory_space<hbm>> -> memref<10000x128xf32, #tpu.memory_space<hbm>>
    tpu.wait_indirect_dma semaphore(%arg17 : memref<!tpu.dma_semaphore, #tpu.memory_space<semaphore_mem>>) src(%dma_wait3A_1126 : memref<10000x128xf32, #tpu.memory_space<hbm>>) dst(%arg11 : memref<64x128xf32, #tpu.memory_space<vmem>>)
    %dma_start3A_1127 = arith.constant 14 : i32
    %dma_start3A_1128 = arith.constant 0 : i32
    %dma_start3A_1129 = tpu.memref_slice %arg8[%dma_start3A_1127, %dma_start3A_1128] : memref<16x64xi32, #tpu.memory_space<vmem>> -> memref<1x64xi32, #tpu.memory_space<vmem>>
    %dma_start3A_1130 = tpu.memref_squeeze %dma_start3A_1129 : memref<1x64xi32, #tpu.memory_space<vmem>> -> memref<64xi32, #tpu.memory_space<vmem>>
    %dma_start3A_1131 = arith.constant 0 : i32
    %dma_start3A_1132 = arith.constant 0 : i32
    %dma_start3A_1133 = tpu.memref_slice %arg14[%dma_start3A_1131, %dma_start3A_1132] : memref<10240x128xf32, #tpu.memory_space<vmem_shared>> -> memref<10240x128xf32, #tpu.memory_space<vmem_shared>>
    tpu.enqueue_indirect_dma source(%arg11 : memref<64x128xf32, #tpu.memory_space<vmem>>) target(%dma_start3A_1133 : memref<10240x128xf32, #tpu.memory_space<vmem_shared>>) offsets(%dma_start3A_1130 : memref<64xi32, #tpu.memory_space<vmem>>) semaphore(%arg21 : memref<!tpu.dma_semaphore, #tpu.memory_space<semaphore_mem>>) {add = true}
    %dma_wait3A_1134 = arith.constant 15 : i32
    %dma_wait3A_1135 = arith.constant 0 : i32
    %dma_wait3A_1136 = tpu.memref_slice %arg6[%dma_wait3A_1134, %dma_wait3A_1135] : memref<16x64xi32, #tpu.memory_space<vmem>> -> memref<1x64xi32, #tpu.memory_space<vmem>>
    %dma_wait3A_1137 = tpu.memref_squeeze %dma_wait3A_1136 : memref<1x64xi32, #tpu.memory_space<vmem>> -> memref<64xi32, #tpu.memory_space<vmem>>
    %dma_wait3A_1138 = arith.constant 0 : i32
    %dma_wait3A_1139 = arith.constant 0 : i32
    %dma_wait3A_1140 = tpu.memref_slice %arg2[%dma_wait3A_1138, %dma_wait3A_1139] : memref<10000x128xf32, #tpu.memory_space<hbm>> -> memref<10000x128xf32, #tpu.memory_space<hbm>>
    tpu.wait_indirect_dma semaphore(%arg18 : memref<!tpu.dma_semaphore, #tpu.memory_space<semaphore_mem>>) src(%dma_wait3A_1140 : memref<10000x128xf32, #tpu.memory_space<hbm>>) dst(%arg12 : memref<64x128xf32, #tpu.memory_space<vmem>>)
    %dma_start3A_1141 = arith.constant 15 : i32
    %dma_start3A_1142 = arith.constant 0 : i32
    %dma_start3A_1143 = tpu.memref_slice %arg8[%dma_start3A_1141, %dma_start3A_1142] : memref<16x64xi32, #tpu.memory_space<vmem>> -> memref<1x64xi32, #tpu.memory_space<vmem>>
    %dma_start3A_1144 = tpu.memref_squeeze %dma_start3A_1143 : memref<1x64xi32, #tpu.memory_space<vmem>> -> memref<64xi32, #tpu.memory_space<vmem>>
    %dma_start3A_1145 = arith.constant 0 : i32
    %dma_start3A_1146 = arith.constant 0 : i32
    %dma_start3A_1147 = tpu.memref_slice %arg14[%dma_start3A_1145, %dma_start3A_1146] : memref<10240x128xf32, #tpu.memory_space<vmem_shared>> -> memref<10240x128xf32, #tpu.memory_space<vmem_shared>>
    tpu.enqueue_indirect_dma source(%arg12 : memref<64x128xf32, #tpu.memory_space<vmem>>) target(%dma_start3A_1147 : memref<10240x128xf32, #tpu.memory_space<vmem_shared>>) offsets(%dma_start3A_1144 : memref<64xi32, #tpu.memory_space<vmem>>) semaphore(%arg22 : memref<!tpu.dma_semaphore, #tpu.memory_space<semaphore_mem>>) {add = true}
    %dma_wait3A_1148 = arith.constant 12 : i32
    %dma_wait3A_1149 = arith.constant 0 : i32
    %dma_wait3A_1150 = tpu.memref_slice %arg8[%dma_wait3A_1148, %dma_wait3A_1149] : memref<16x64xi32, #tpu.memory_space<vmem>> -> memref<1x64xi32, #tpu.memory_space<vmem>>
    %dma_wait3A_1151 = tpu.memref_squeeze %dma_wait3A_1150 : memref<1x64xi32, #tpu.memory_space<vmem>> -> memref<64xi32, #tpu.memory_space<vmem>>
    %dma_wait3A_1152 = arith.constant 0 : i32
    %dma_wait3A_1153 = arith.constant 0 : i32
    %dma_wait3A_1154 = tpu.memref_slice %arg14[%dma_wait3A_1152, %dma_wait3A_1153] : memref<10240x128xf32, #tpu.memory_space<vmem_shared>> -> memref<10240x128xf32, #tpu.memory_space<vmem_shared>>
    tpu.wait_indirect_dma semaphore(%arg19 : memref<!tpu.dma_semaphore, #tpu.memory_space<semaphore_mem>>) src(%arg9 : memref<64x128xf32, #tpu.memory_space<vmem>>) dst(%dma_wait3A_1154 : memref<10240x128xf32, #tpu.memory_space<vmem_shared>>)
    %dma_wait3A_1155 = arith.constant 13 : i32
    %dma_wait3A_1156 = arith.constant 0 : i32
    %dma_wait3A_1157 = tpu.memref_slice %arg8[%dma_wait3A_1155, %dma_wait3A_1156] : memref<16x64xi32, #tpu.memory_space<vmem>> -> memref<1x64xi32, #tpu.memory_space<vmem>>
    %dma_wait3A_1158 = tpu.memref_squeeze %dma_wait3A_1157 : memref<1x64xi32, #tpu.memory_space<vmem>> -> memref<64xi32, #tpu.memory_space<vmem>>
    %dma_wait3A_1159 = arith.constant 0 : i32
    %dma_wait3A_1160 = arith.constant 0 : i32
    %dma_wait3A_1161 = tpu.memref_slice %arg14[%dma_wait3A_1159, %dma_wait3A_1160] : memref<10240x128xf32, #tpu.memory_space<vmem_shared>> -> memref<10240x128xf32, #tpu.memory_space<vmem_shared>>
    tpu.wait_indirect_dma semaphore(%arg20 : memref<!tpu.dma_semaphore, #tpu.memory_space<semaphore_mem>>) src(%arg10 : memref<64x128xf32, #tpu.memory_space<vmem>>) dst(%dma_wait3A_1161 : memref<10240x128xf32, #tpu.memory_space<vmem_shared>>)
    %dma_wait3A_1162 = arith.constant 14 : i32
    %dma_wait3A_1163 = arith.constant 0 : i32
    %dma_wait3A_1164 = tpu.memref_slice %arg8[%dma_wait3A_1162, %dma_wait3A_1163] : memref<16x64xi32, #tpu.memory_space<vmem>> -> memref<1x64xi32, #tpu.memory_space<vmem>>
    %dma_wait3A_1165 = tpu.memref_squeeze %dma_wait3A_1164 : memref<1x64xi32, #tpu.memory_space<vmem>> -> memref<64xi32, #tpu.memory_space<vmem>>
    %dma_wait3A_1166 = arith.constant 0 : i32
    %dma_wait3A_1167 = arith.constant 0 : i32
    %dma_wait3A_1168 = tpu.memref_slice %arg14[%dma_wait3A_1166, %dma_wait3A_1167] : memref<10240x128xf32, #tpu.memory_space<vmem_shared>> -> memref<10240x128xf32, #tpu.memory_space<vmem_shared>>
    tpu.wait_indirect_dma semaphore(%arg21 : memref<!tpu.dma_semaphore, #tpu.memory_space<semaphore_mem>>) src(%arg11 : memref<64x128xf32, #tpu.memory_space<vmem>>) dst(%dma_wait3A_1168 : memref<10240x128xf32, #tpu.memory_space<vmem_shared>>)
    %dma_wait3A_1169 = arith.constant 15 : i32
    %dma_wait3A_1170 = arith.constant 0 : i32
    %dma_wait3A_1171 = tpu.memref_slice %arg8[%dma_wait3A_1169, %dma_wait3A_1170] : memref<16x64xi32, #tpu.memory_space<vmem>> -> memref<1x64xi32, #tpu.memory_space<vmem>>
    %dma_wait3A_1172 = tpu.memref_squeeze %dma_wait3A_1171 : memref<1x64xi32, #tpu.memory_space<vmem>> -> memref<64xi32, #tpu.memory_space<vmem>>
    %dma_wait3A_1173 = arith.constant 0 : i32
    %dma_wait3A_1174 = arith.constant 0 : i32
    %dma_wait3A_1175 = tpu.memref_slice %arg14[%dma_wait3A_1173, %dma_wait3A_1174] : memref<10240x128xf32, #tpu.memory_space<vmem_shared>> -> memref<10240x128xf32, #tpu.memory_space<vmem_shared>>
    tpu.wait_indirect_dma semaphore(%arg22 : memref<!tpu.dma_semaphore, #tpu.memory_space<semaphore_mem>>) src(%arg12 : memref<64x128xf32, #tpu.memory_space<vmem>>) dst(%dma_wait3A_1175 : memref<10240x128xf32, #tpu.memory_space<vmem_shared>>)
    %dma_wait3A_1176 = arith.constant 0 : i32
    %dma_wait3A_1177 = arith.constant 0 : i32
    %dma_wait3A_1178 = tpu.memref_slice %arg3[%dma_wait3A_1176, %dma_wait3A_1177] : memref<10240x64xi32, #tpu.memory_space<hbm>> -> memref<16x64xi32, #tpu.memory_space<hbm>>
    %dma_wait3A_1179 = arith.constant 0 : i32
    %dma_wait3A_1180 = arith.constant 0 : i32
    %dma_wait3A_1181 = tpu.memref_slice %arg3[%dma_wait3A_1179, %dma_wait3A_1180] : memref<10240x64xi32, #tpu.memory_space<hbm>> -> memref<16x64xi32, #tpu.memory_space<hbm>>
    tpu.wait_dma2 semaphore(%arg23 : memref<!tpu.dma_semaphore, #tpu.memory_space<semaphore_mem>>) src(%dma_wait3A_1181 : memref<16x64xi32, #tpu.memory_space<hbm>>) dst(%arg5 : memref<16x64xi32, #tpu.memory_space<vmem>>)
    %dma_wait3A_1182 = arith.constant 0 : i32
    %dma_wait3A_1183 = arith.constant 0 : i32
    %dma_wait3A_1184 = tpu.memref_slice %arg3[%dma_wait3A_1182, %dma_wait3A_1183] : memref<10240x64xi32, #tpu.memory_space<hbm>> -> memref<16x64xi32, #tpu.memory_space<hbm>>
    %dma_wait3A_1185 = arith.constant 0 : i32
    %dma_wait3A_1186 = arith.constant 0 : i32
    %dma_wait3A_1187 = tpu.memref_slice %arg3[%dma_wait3A_1185, %dma_wait3A_1186] : memref<10240x64xi32, #tpu.memory_space<hbm>> -> memref<16x64xi32, #tpu.memory_space<hbm>>
    tpu.wait_dma2 semaphore(%arg23 : memref<!tpu.dma_semaphore, #tpu.memory_space<semaphore_mem>>) src(%dma_wait3A_1187 : memref<16x64xi32, #tpu.memory_space<hbm>>) dst(%arg7 : memref<16x64xi32, #tpu.memory_space<vmem>>)
    %mul3A_1188 = arith.constant 160 : i32
    %mul3A_1189 = arith.muli %add3A, %mul3A_1188 : i32
    %add3A_1190 = arith.constant 144 : i32
    %add3A_1191 = arith.addi %mul3A_1189, %add3A_1190 : i32
    %add3A_1192 = arith.constant 5120 : i32
    %add3A_1193 = arith.addi %add3A_1192, %add3A_1191 : i32
    %dma_start3A_1194 = arith.constant 0 : i32
    %dma_start3A_1195 = tpu.memref_slice %arg3[%add3A_1193, %dma_start3A_1194] : memref<10240x64xi32, #tpu.memory_space<hbm>> -> memref<16x64xi32, #tpu.memory_space<hbm>>
    %dma_start3A_1196 = arith.constant 0 : i32
    %dma_start3A_1197 = tpu.memref_slice %arg3[%add3A_1193, %dma_start3A_1196] : memref<10240x64xi32, #tpu.memory_space<hbm>> -> memref<16x64xi32, #tpu.memory_space<hbm>>
    tpu.enqueue_dma source(%dma_start3A_1197 : memref<16x64xi32, #tpu.memory_space<hbm>>) target(%arg6 : memref<16x64xi32, #tpu.memory_space<vmem>>) target_semaphore(%arg24 : memref<!tpu.dma_semaphore, #tpu.memory_space<semaphore_mem>>)
    %dma_start3A_1198 = arith.constant 0 : i32
    %dma_start3A_1199 = tpu.memref_slice %arg3[%add3A_1191, %dma_start3A_1198] : memref<10240x64xi32, #tpu.memory_space<hbm>> -> memref<16x64xi32, #tpu.memory_space<hbm>>
    %dma_start3A_1200 = arith.constant 0 : i32
    %dma_start3A_1201 = tpu.memref_slice %arg3[%add3A_1191, %dma_start3A_1200] : memref<10240x64xi32, #tpu.memory_space<hbm>> -> memref<16x64xi32, #tpu.memory_space<hbm>>
    tpu.enqueue_dma source(%dma_start3A_1201 : memref<16x64xi32, #tpu.memory_space<hbm>>) target(%arg8 : memref<16x64xi32, #tpu.memory_space<vmem>>) target_semaphore(%arg24 : memref<!tpu.dma_semaphore, #tpu.memory_space<semaphore_mem>>)
    %dma_start3A_1202 = arith.constant 0 : i32
    %dma_start3A_1203 = arith.constant 0 : i32
    %dma_start3A_1204 = tpu.memref_slice %arg5[%dma_start3A_1202, %dma_start3A_1203] : memref<16x64xi32, #tpu.memory_space<vmem>> -> memref<1x64xi32, #tpu.memory_space<vmem>>
    %dma_start3A_1205 = tpu.memref_squeeze %dma_start3A_1204 : memref<1x64xi32, #tpu.memory_space<vmem>> -> memref<64xi32, #tpu.memory_space<vmem>>
    %dma_start3A_1206 = arith.constant 0 : i32
    %dma_start3A_1207 = arith.constant 0 : i32
    %dma_start3A_1208 = tpu.memref_slice %arg2[%dma_start3A_1206, %dma_start3A_1207] : memref<10000x128xf32, #tpu.memory_space<hbm>> -> memref<10000x128xf32, #tpu.memory_space<hbm>>
    tpu.enqueue_indirect_dma source(%dma_start3A_1208 : memref<10000x128xf32, #tpu.memory_space<hbm>>) target(%arg9 : memref<64x128xf32, #tpu.memory_space<vmem>>) offsets(%dma_start3A_1205 : memref<64xi32, #tpu.memory_space<vmem>>) semaphore(%arg15 : memref<!tpu.dma_semaphore, #tpu.memory_space<semaphore_mem>>)
    %dma_start3A_1209 = arith.constant 1 : i32
    %dma_start3A_1210 = arith.constant 0 : i32
    %dma_start3A_1211 = tpu.memref_slice %arg5[%dma_start3A_1209, %dma_start3A_1210] : memref<16x64xi32, #tpu.memory_space<vmem>> -> memref<1x64xi32, #tpu.memory_space<vmem>>
    %dma_start3A_1212 = tpu.memref_squeeze %dma_start3A_1211 : memref<1x64xi32, #tpu.memory_space<vmem>> -> memref<64xi32, #tpu.memory_space<vmem>>
    %dma_start3A_1213 = arith.constant 0 : i32
    %dma_start3A_1214 = arith.constant 0 : i32
    %dma_start3A_1215 = tpu.memref_slice %arg2[%dma_start3A_1213, %dma_start3A_1214] : memref<10000x128xf32, #tpu.memory_space<hbm>> -> memref<10000x128xf32, #tpu.memory_space<hbm>>
    tpu.enqueue_indirect_dma source(%dma_start3A_1215 : memref<10000x128xf32, #tpu.memory_space<hbm>>) target(%arg10 : memref<64x128xf32, #tpu.memory_space<vmem>>) offsets(%dma_start3A_1212 : memref<64xi32, #tpu.memory_space<vmem>>) semaphore(%arg16 : memref<!tpu.dma_semaphore, #tpu.memory_space<semaphore_mem>>)
    %dma_start3A_1216 = arith.constant 2 : i32
    %dma_start3A_1217 = arith.constant 0 : i32
    %dma_start3A_1218 = tpu.memref_slice %arg5[%dma_start3A_1216, %dma_start3A_1217] : memref<16x64xi32, #tpu.memory_space<vmem>> -> memref<1x64xi32, #tpu.memory_space<vmem>>
    %dma_start3A_1219 = tpu.memref_squeeze %dma_start3A_1218 : memref<1x64xi32, #tpu.memory_space<vmem>> -> memref<64xi32, #tpu.memory_space<vmem>>
    %dma_start3A_1220 = arith.constant 0 : i32
    %dma_start3A_1221 = arith.constant 0 : i32
    %dma_start3A_1222 = tpu.memref_slice %arg2[%dma_start3A_1220, %dma_start3A_1221] : memref<10000x128xf32, #tpu.memory_space<hbm>> -> memref<10000x128xf32, #tpu.memory_space<hbm>>
    tpu.enqueue_indirect_dma source(%dma_start3A_1222 : memref<10000x128xf32, #tpu.memory_space<hbm>>) target(%arg11 : memref<64x128xf32, #tpu.memory_space<vmem>>) offsets(%dma_start3A_1219 : memref<64xi32, #tpu.memory_space<vmem>>) semaphore(%arg17 : memref<!tpu.dma_semaphore, #tpu.memory_space<semaphore_mem>>)
    %dma_start3A_1223 = arith.constant 3 : i32
    %dma_start3A_1224 = arith.constant 0 : i32
    %dma_start3A_1225 = tpu.memref_slice %arg5[%dma_start3A_1223, %dma_start3A_1224] : memref<16x64xi32, #tpu.memory_space<vmem>> -> memref<1x64xi32, #tpu.memory_space<vmem>>
    %dma_start3A_1226 = tpu.memref_squeeze %dma_start3A_1225 : memref<1x64xi32, #tpu.memory_space<vmem>> -> memref<64xi32, #tpu.memory_space<vmem>>
    %dma_start3A_1227 = arith.constant 0 : i32
    %dma_start3A_1228 = arith.constant 0 : i32
    %dma_start3A_1229 = tpu.memref_slice %arg2[%dma_start3A_1227, %dma_start3A_1228] : memref<10000x128xf32, #tpu.memory_space<hbm>> -> memref<10000x128xf32, #tpu.memory_space<hbm>>
    tpu.enqueue_indirect_dma source(%dma_start3A_1229 : memref<10000x128xf32, #tpu.memory_space<hbm>>) target(%arg12 : memref<64x128xf32, #tpu.memory_space<vmem>>) offsets(%dma_start3A_1226 : memref<64xi32, #tpu.memory_space<vmem>>) semaphore(%arg18 : memref<!tpu.dma_semaphore, #tpu.memory_space<semaphore_mem>>)
    %scan3A_1230 = arith.constant 0 : i32
    %scan3A_1231 = arith.constant 0 : i32
    %scan3A_1232 = arith.constant 3 : i32
    %scan3A_1233 = arith.addi %scan3A_1231, %scan3A_1232 : i32
    %scan3A_1234 = arith.constant 1 : i32
    scf.for %scan3A_1457 = %scan3A_1231 to %scan3A_1233 step %scan3A_1234  : i32 {
      %mul3A_1458 = arith.constant 4 : i32
      %mul3A_1459 = arith.muli %scan3A_1457, %mul3A_1458 : i32
      %add3A_1460 = arith.constant 0 : i32
      %add3A_1461 = arith.addi %mul3A_1459, %add3A_1460 : i32
      %dma_wait3A_1462 = arith.constant 0 : i32
      %dma_wait3A_1463 = tpu.memref_slice %arg5[%add3A_1461, %dma_wait3A_1462] : memref<16x64xi32, #tpu.memory_space<vmem>> -> memref<1x64xi32, #tpu.memory_space<vmem>>
      %dma_wait3A_1464 = tpu.memref_squeeze %dma_wait3A_1463 : memref<1x64xi32, #tpu.memory_space<vmem>> -> memref<64xi32, #tpu.memory_space<vmem>>
      %dma_wait3A_1465 = arith.constant 0 : i32
      %dma_wait3A_1466 = arith.constant 0 : i32
      %dma_wait3A_1467 = tpu.memref_slice %arg2[%dma_wait3A_1465, %dma_wait3A_1466] : memref<10000x128xf32, #tpu.memory_space<hbm>> -> memref<10000x128xf32, #tpu.memory_space<hbm>>
      tpu.wait_indirect_dma semaphore(%arg15 : memref<!tpu.dma_semaphore, #tpu.memory_space<semaphore_mem>>) src(%dma_wait3A_1467 : memref<10000x128xf32, #tpu.memory_space<hbm>>) dst(%arg9 : memref<64x128xf32, #tpu.memory_space<vmem>>)
      %add3A_1468 = arith.constant 0 : i32
      %add3A_1469 = arith.addi %mul3A_1459, %add3A_1468 : i32
      %dma_start3A_1470 = arith.constant 0 : i32
      %dma_start3A_1471 = tpu.memref_slice %arg7[%add3A_1469, %dma_start3A_1470] : memref<16x64xi32, #tpu.memory_space<vmem>> -> memref<1x64xi32, #tpu.memory_space<vmem>>
      %dma_start3A_1472 = tpu.memref_squeeze %dma_start3A_1471 : memref<1x64xi32, #tpu.memory_space<vmem>> -> memref<64xi32, #tpu.memory_space<vmem>>
      %dma_start3A_1473 = arith.constant 0 : i32
      %dma_start3A_1474 = arith.constant 0 : i32
      %dma_start3A_1475 = tpu.memref_slice %arg14[%dma_start3A_1473, %dma_start3A_1474] : memref<10240x128xf32, #tpu.memory_space<vmem_shared>> -> memref<10240x128xf32, #tpu.memory_space<vmem_shared>>
      tpu.enqueue_indirect_dma source(%arg9 : memref<64x128xf32, #tpu.memory_space<vmem>>) target(%dma_start3A_1475 : memref<10240x128xf32, #tpu.memory_space<vmem_shared>>) offsets(%dma_start3A_1472 : memref<64xi32, #tpu.memory_space<vmem>>) semaphore(%arg19 : memref<!tpu.dma_semaphore, #tpu.memory_space<semaphore_mem>>) {add = true}
      %add3A_1476 = arith.constant 1 : i32
      %add3A_1477 = arith.addi %mul3A_1459, %add3A_1476 : i32
      %dma_wait3A_1478 = arith.constant 0 : i32
      %dma_wait3A_1479 = tpu.memref_slice %arg5[%add3A_1477, %dma_wait3A_1478] : memref<16x64xi32, #tpu.memory_space<vmem>> -> memref<1x64xi32, #tpu.memory_space<vmem>>
      %dma_wait3A_1480 = tpu.memref_squeeze %dma_wait3A_1479 : memref<1x64xi32, #tpu.memory_space<vmem>> -> memref<64xi32, #tpu.memory_space<vmem>>
      %dma_wait3A_1481 = arith.constant 0 : i32
      %dma_wait3A_1482 = arith.constant 0 : i32
      %dma_wait3A_1483 = tpu.memref_slice %arg2[%dma_wait3A_1481, %dma_wait3A_1482] : memref<10000x128xf32, #tpu.memory_space<hbm>> -> memref<10000x128xf32, #tpu.memory_space<hbm>>
      tpu.wait_indirect_dma semaphore(%arg16 : memref<!tpu.dma_semaphore, #tpu.memory_space<semaphore_mem>>) src(%dma_wait3A_1483 : memref<10000x128xf32, #tpu.memory_space<hbm>>) dst(%arg10 : memref<64x128xf32, #tpu.memory_space<vmem>>)
      %add3A_1484 = arith.constant 1 : i32
      %add3A_1485 = arith.addi %mul3A_1459, %add3A_1484 : i32
      %dma_start3A_1486 = arith.constant 0 : i32
      %dma_start3A_1487 = tpu.memref_slice %arg7[%add3A_1485, %dma_start3A_1486] : memref<16x64xi32, #tpu.memory_space<vmem>> -> memref<1x64xi32, #tpu.memory_space<vmem>>
      %dma_start3A_1488 = tpu.memref_squeeze %dma_start3A_1487 : memref<1x64xi32, #tpu.memory_space<vmem>> -> memref<64xi32, #tpu.memory_space<vmem>>
      %dma_start3A_1489 = arith.constant 0 : i32
      %dma_start3A_1490 = arith.constant 0 : i32
      %dma_start3A_1491 = tpu.memref_slice %arg14[%dma_start3A_1489, %dma_start3A_1490] : memref<10240x128xf32, #tpu.memory_space<vmem_shared>> -> memref<10240x128xf32, #tpu.memory_space<vmem_shared>>
      tpu.enqueue_indirect_dma source(%arg10 : memref<64x128xf32, #tpu.memory_space<vmem>>) target(%dma_start3A_1491 : memref<10240x128xf32, #tpu.memory_space<vmem_shared>>) offsets(%dma_start3A_1488 : memref<64xi32, #tpu.memory_space<vmem>>) semaphore(%arg20 : memref<!tpu.dma_semaphore, #tpu.memory_space<semaphore_mem>>) {add = true}
      %add3A_1492 = arith.constant 2 : i32
      %add3A_1493 = arith.addi %mul3A_1459, %add3A_1492 : i32
      %dma_wait3A_1494 = arith.constant 0 : i32
      %dma_wait3A_1495 = tpu.memref_slice %arg5[%add3A_1493, %dma_wait3A_1494] : memref<16x64xi32, #tpu.memory_space<vmem>> -> memref<1x64xi32, #tpu.memory_space<vmem>>
      %dma_wait3A_1496 = tpu.memref_squeeze %dma_wait3A_1495 : memref<1x64xi32, #tpu.memory_space<vmem>> -> memref<64xi32, #tpu.memory_space<vmem>>
      %dma_wait3A_1497 = arith.constant 0 : i32
      %dma_wait3A_1498 = arith.constant 0 : i32
      %dma_wait3A_1499 = tpu.memref_slice %arg2[%dma_wait3A_1497, %dma_wait3A_1498] : memref<10000x128xf32, #tpu.memory_space<hbm>> -> memref<10000x128xf32, #tpu.memory_space<hbm>>
      tpu.wait_indirect_dma semaphore(%arg17 : memref<!tpu.dma_semaphore, #tpu.memory_space<semaphore_mem>>) src(%dma_wait3A_1499 : memref<10000x128xf32, #tpu.memory_space<hbm>>) dst(%arg11 : memref<64x128xf32, #tpu.memory_space<vmem>>)
      %add3A_1500 = arith.constant 2 : i32
      %add3A_1501 = arith.addi %mul3A_1459, %add3A_1500 : i32
      %dma_start3A_1502 = arith.constant 0 : i32
      %dma_start3A_1503 = tpu.memref_slice %arg7[%add3A_1501, %dma_start3A_1502] : memref<16x64xi32, #tpu.memory_space<vmem>> -> memref<1x64xi32, #tpu.memory_space<vmem>>
      %dma_start3A_1504 = tpu.memref_squeeze %dma_start3A_1503 : memref<1x64xi32, #tpu.memory_space<vmem>> -> memref<64xi32, #tpu.memory_space<vmem>>
      %dma_start3A_1505 = arith.constant 0 : i32
      %dma_start3A_1506 = arith.constant 0 : i32
      %dma_start3A_1507 = tpu.memref_slice %arg14[%dma_start3A_1505, %dma_start3A_1506] : memref<10240x128xf32, #tpu.memory_space<vmem_shared>> -> memref<10240x128xf32, #tpu.memory_space<vmem_shared>>
      tpu.enqueue_indirect_dma source(%arg11 : memref<64x128xf32, #tpu.memory_space<vmem>>) target(%dma_start3A_1507 : memref<10240x128xf32, #tpu.memory_space<vmem_shared>>) offsets(%dma_start3A_1504 : memref<64xi32, #tpu.memory_space<vmem>>) semaphore(%arg21 : memref<!tpu.dma_semaphore, #tpu.memory_space<semaphore_mem>>) {add = true}
      %add3A_1508 = arith.constant 3 : i32
      %add3A_1509 = arith.addi %mul3A_1459, %add3A_1508 : i32
      %dma_wait3A_1510 = arith.constant 0 : i32
      %dma_wait3A_1511 = tpu.memref_slice %arg5[%add3A_1509, %dma_wait3A_1510] : memref<16x64xi32, #tpu.memory_space<vmem>> -> memref<1x64xi32, #tpu.memory_space<vmem>>
      %dma_wait3A_1512 = tpu.memref_squeeze %dma_wait3A_1511 : memref<1x64xi32, #tpu.memory_space<vmem>> -> memref<64xi32, #tpu.memory_space<vmem>>
      %dma_wait3A_1513 = arith.constant 0 : i32
      %dma_wait3A_1514 = arith.constant 0 : i32
      %dma_wait3A_1515 = tpu.memref_slice %arg2[%dma_wait3A_1513, %dma_wait3A_1514] : memref<10000x128xf32, #tpu.memory_space<hbm>> -> memref<10000x128xf32, #tpu.memory_space<hbm>>
      tpu.wait_indirect_dma semaphore(%arg18 : memref<!tpu.dma_semaphore, #tpu.memory_space<semaphore_mem>>) src(%dma_wait3A_1515 : memref<10000x128xf32, #tpu.memory_space<hbm>>) dst(%arg12 : memref<64x128xf32, #tpu.memory_space<vmem>>)
      %add3A_1516 = arith.constant 3 : i32
      %add3A_1517 = arith.addi %mul3A_1459, %add3A_1516 : i32
      %dma_start3A_1518 = arith.constant 0 : i32
      %dma_start3A_1519 = tpu.memref_slice %arg7[%add3A_1517, %dma_start3A_1518] : memref<16x64xi32, #tpu.memory_space<vmem>> -> memref<1x64xi32, #tpu.memory_space<vmem>>
      %dma_start3A_1520 = tpu.memref_squeeze %dma_start3A_1519 : memref<1x64xi32, #tpu.memory_space<vmem>> -> memref<64xi32, #tpu.memory_space<vmem>>
      %dma_start3A_1521 = arith.constant 0 : i32
      %dma_start3A_1522 = arith.constant 0 : i32
      %dma_start3A_1523 = tpu.memref_slice %arg14[%dma_start3A_1521, %dma_start3A_1522] : memref<10240x128xf32, #tpu.memory_space<vmem_shared>> -> memref<10240x128xf32, #tpu.memory_space<vmem_shared>>
      tpu.enqueue_indirect_dma source(%arg12 : memref<64x128xf32, #tpu.memory_space<vmem>>) target(%dma_start3A_1523 : memref<10240x128xf32, #tpu.memory_space<vmem_shared>>) offsets(%dma_start3A_1520 : memref<64xi32, #tpu.memory_space<vmem>>) semaphore(%arg22 : memref<!tpu.dma_semaphore, #tpu.memory_space<semaphore_mem>>) {add = true}
      %add3A_1524 = arith.constant 0 : i32
      %add3A_1525 = arith.addi %mul3A_1459, %add3A_1524 : i32
      %dma_wait3A_1526 = arith.constant 0 : i32
      %dma_wait3A_1527 = tpu.memref_slice %arg7[%add3A_1525, %dma_wait3A_1526] : memref<16x64xi32, #tpu.memory_space<vmem>> -> memref<1x64xi32, #tpu.memory_space<vmem>>
      %dma_wait3A_1528 = tpu.memref_squeeze %dma_wait3A_1527 : memref<1x64xi32, #tpu.memory_space<vmem>> -> memref<64xi32, #tpu.memory_space<vmem>>
      %dma_wait3A_1529 = arith.constant 0 : i32
      %dma_wait3A_1530 = arith.constant 0 : i32
      %dma_wait3A_1531 = tpu.memref_slice %arg14[%dma_wait3A_1529, %dma_wait3A_1530] : memref<10240x128xf32, #tpu.memory_space<vmem_shared>> -> memref<10240x128xf32, #tpu.memory_space<vmem_shared>>
      tpu.wait_indirect_dma semaphore(%arg19 : memref<!tpu.dma_semaphore, #tpu.memory_space<semaphore_mem>>) src(%arg9 : memref<64x128xf32, #tpu.memory_space<vmem>>) dst(%dma_wait3A_1531 : memref<10240x128xf32, #tpu.memory_space<vmem_shared>>)
      %add3A_1532 = arith.constant 4 : i32
      %add3A_1533 = arith.addi %mul3A_1459, %add3A_1532 : i32
      %add3A_1534 = arith.constant 0 : i32
      %add3A_1535 = arith.addi %add3A_1533, %add3A_1534 : i32
      %dma_start3A_1536 = arith.constant 0 : i32
      %dma_start3A_1537 = tpu.memref_slice %arg5[%add3A_1535, %dma_start3A_1536] : memref<16x64xi32, #tpu.memory_space<vmem>> -> memref<1x64xi32, #tpu.memory_space<vmem>>
      %dma_start3A_1538 = tpu.memref_squeeze %dma_start3A_1537 : memref<1x64xi32, #tpu.memory_space<vmem>> -> memref<64xi32, #tpu.memory_space<vmem>>
      %dma_start3A_1539 = arith.constant 0 : i32
      %dma_start3A_1540 = arith.constant 0 : i32
      %dma_start3A_1541 = tpu.memref_slice %arg2[%dma_start3A_1539, %dma_start3A_1540] : memref<10000x128xf32, #tpu.memory_space<hbm>> -> memref<10000x128xf32, #tpu.memory_space<hbm>>
      tpu.enqueue_indirect_dma source(%dma_start3A_1541 : memref<10000x128xf32, #tpu.memory_space<hbm>>) target(%arg9 : memref<64x128xf32, #tpu.memory_space<vmem>>) offsets(%dma_start3A_1538 : memref<64xi32, #tpu.memory_space<vmem>>) semaphore(%arg15 : memref<!tpu.dma_semaphore, #tpu.memory_space<semaphore_mem>>)
      %add3A_1542 = arith.constant 1 : i32
      %add3A_1543 = arith.addi %mul3A_1459, %add3A_1542 : i32
      %dma_wait3A_1544 = arith.constant 0 : i32
      %dma_wait3A_1545 = tpu.memref_slice %arg7[%add3A_1543, %dma_wait3A_1544] : memref<16x64xi32, #tpu.memory_space<vmem>> -> memref<1x64xi32, #tpu.memory_space<vmem>>
      %dma_wait3A_1546 = tpu.memref_squeeze %dma_wait3A_1545 : memref<1x64xi32, #tpu.memory_space<vmem>> -> memref<64xi32, #tpu.memory_space<vmem>>
      %dma_wait3A_1547 = arith.constant 0 : i32
      %dma_wait3A_1548 = arith.constant 0 : i32
      %dma_wait3A_1549 = tpu.memref_slice %arg14[%dma_wait3A_1547, %dma_wait3A_1548] : memref<10240x128xf32, #tpu.memory_space<vmem_shared>> -> memref<10240x128xf32, #tpu.memory_space<vmem_shared>>
      tpu.wait_indirect_dma semaphore(%arg20 : memref<!tpu.dma_semaphore, #tpu.memory_space<semaphore_mem>>) src(%arg10 : memref<64x128xf32, #tpu.memory_space<vmem>>) dst(%dma_wait3A_1549 : memref<10240x128xf32, #tpu.memory_space<vmem_shared>>)
      %add3A_1550 = arith.constant 4 : i32
      %add3A_1551 = arith.addi %mul3A_1459, %add3A_1550 : i32
      %add3A_1552 = arith.constant 1 : i32
      %add3A_1553 = arith.addi %add3A_1551, %add3A_1552 : i32
      %dma_start3A_1554 = arith.constant 0 : i32
      %dma_start3A_1555 = tpu.memref_slice %arg5[%add3A_1553, %dma_start3A_1554] : memref<16x64xi32, #tpu.memory_space<vmem>> -> memref<1x64xi32, #tpu.memory_space<vmem>>
      %dma_start3A_1556 = tpu.memref_squeeze %dma_start3A_1555 : memref<1x64xi32, #tpu.memory_space<vmem>> -> memref<64xi32, #tpu.memory_space<vmem>>
      %dma_start3A_1557 = arith.constant 0 : i32
      %dma_start3A_1558 = arith.constant 0 : i32
      %dma_start3A_1559 = tpu.memref_slice %arg2[%dma_start3A_1557, %dma_start3A_1558] : memref<10000x128xf32, #tpu.memory_space<hbm>> -> memref<10000x128xf32, #tpu.memory_space<hbm>>
      tpu.enqueue_indirect_dma source(%dma_start3A_1559 : memref<10000x128xf32, #tpu.memory_space<hbm>>) target(%arg10 : memref<64x128xf32, #tpu.memory_space<vmem>>) offsets(%dma_start3A_1556 : memref<64xi32, #tpu.memory_space<vmem>>) semaphore(%arg16 : memref<!tpu.dma_semaphore, #tpu.memory_space<semaphore_mem>>)
      %add3A_1560 = arith.constant 2 : i32
      %add3A_1561 = arith.addi %mul3A_1459, %add3A_1560 : i32
      %dma_wait3A_1562 = arith.constant 0 : i32
      %dma_wait3A_1563 = tpu.memref_slice %arg7[%add3A_1561, %dma_wait3A_1562] : memref<16x64xi32, #tpu.memory_space<vmem>> -> memref<1x64xi32, #tpu.memory_space<vmem>>
      %dma_wait3A_1564 = tpu.memref_squeeze %dma_wait3A_1563 : memref<1x64xi32, #tpu.memory_space<vmem>> -> memref<64xi32, #tpu.memory_space<vmem>>
      %dma_wait3A_1565 = arith.constant 0 : i32
      %dma_wait3A_1566 = arith.constant 0 : i32
      %dma_wait3A_1567 = tpu.memref_slice %arg14[%dma_wait3A_1565, %dma_wait3A_1566] : memref<10240x128xf32, #tpu.memory_space<vmem_shared>> -> memref<10240x128xf32, #tpu.memory_space<vmem_shared>>
      tpu.wait_indirect_dma semaphore(%arg21 : memref<!tpu.dma_semaphore, #tpu.memory_space<semaphore_mem>>) src(%arg11 : memref<64x128xf32, #tpu.memory_space<vmem>>) dst(%dma_wait3A_1567 : memref<10240x128xf32, #tpu.memory_space<vmem_shared>>)
      %add3A_1568 = arith.constant 4 : i32
      %add3A_1569 = arith.addi %mul3A_1459, %add3A_1568 : i32
      %add3A_1570 = arith.constant 2 : i32
      %add3A_1571 = arith.addi %add3A_1569, %add3A_1570 : i32
      %dma_start3A_1572 = arith.constant 0 : i32
      %dma_start3A_1573 = tpu.memref_slice %arg5[%add3A_1571, %dma_start3A_1572] : memref<16x64xi32, #tpu.memory_space<vmem>> -> memref<1x64xi32, #tpu.memory_space<vmem>>
      %dma_start3A_1574 = tpu.memref_squeeze %dma_start3A_1573 : memref<1x64xi32, #tpu.memory_space<vmem>> -> memref<64xi32, #tpu.memory_space<vmem>>
      %dma_start3A_1575 = arith.constant 0 : i32
      %dma_start3A_1576 = arith.constant 0 : i32
      %dma_start3A_1577 = tpu.memref_slice %arg2[%dma_start3A_1575, %dma_start3A_1576] : memref<10000x128xf32, #tpu.memory_space<hbm>> -> memref<10000x128xf32, #tpu.memory_space<hbm>>
      tpu.enqueue_indirect_dma source(%dma_start3A_1577 : memref<10000x128xf32, #tpu.memory_space<hbm>>) target(%arg11 : memref<64x128xf32, #tpu.memory_space<vmem>>) offsets(%dma_start3A_1574 : memref<64xi32, #tpu.memory_space<vmem>>) semaphore(%arg17 : memref<!tpu.dma_semaphore, #tpu.memory_space<semaphore_mem>>)
      %add3A_1578 = arith.constant 3 : i32
      %add3A_1579 = arith.addi %mul3A_1459, %add3A_1578 : i32
      %dma_wait3A_1580 = arith.constant 0 : i32
      %dma_wait3A_1581 = tpu.memref_slice %arg7[%add3A_1579, %dma_wait3A_1580] : memref<16x64xi32, #tpu.memory_space<vmem>> -> memref<1x64xi32, #tpu.memory_space<vmem>>
      %dma_wait3A_1582 = tpu.memref_squeeze %dma_wait3A_1581 : memref<1x64xi32, #tpu.memory_space<vmem>> -> memref<64xi32, #tpu.memory_space<vmem>>
      %dma_wait3A_1583 = arith.constant 0 : i32
      %dma_wait3A_1584 = arith.constant 0 : i32
      %dma_wait3A_1585 = tpu.memref_slice %arg14[%dma_wait3A_1583, %dma_wait3A_1584] : memref<10240x128xf32, #tpu.memory_space<vmem_shared>> -> memref<10240x128xf32, #tpu.memory_space<vmem_shared>>
      tpu.wait_indirect_dma semaphore(%arg22 : memref<!tpu.dma_semaphore, #tpu.memory_space<semaphore_mem>>) src(%arg12 : memref<64x128xf32, #tpu.memory_space<vmem>>) dst(%dma_wait3A_1585 : memref<10240x128xf32, #tpu.memory_space<vmem_shared>>)
      %add3A_1586 = arith.constant 4 : i32
      %add3A_1587 = arith.addi %mul3A_1459, %add3A_1586 : i32
      %add3A_1588 = arith.constant 3 : i32
      %add3A_1589 = arith.addi %add3A_1587, %add3A_1588 : i32
      %dma_start3A_1590 = arith.constant 0 : i32
      %dma_start3A_1591 = tpu.memref_slice %arg5[%add3A_1589, %dma_start3A_1590] : memref<16x64xi32, #tpu.memory_space<vmem>> -> memref<1x64xi32, #tpu.memory_space<vmem>>
      %dma_start3A_1592 = tpu.memref_squeeze %dma_start3A_1591 : memref<1x64xi32, #tpu.memory_space<vmem>> -> memref<64xi32, #tpu.memory_space<vmem>>
      %dma_start3A_1593 = arith.constant 0 : i32
      %dma_start3A_1594 = arith.constant 0 : i32
      %dma_start3A_1595 = tpu.memref_slice %arg2[%dma_start3A_1593, %dma_start3A_1594] : memref<10000x128xf32, #tpu.memory_space<hbm>> -> memref<10000x128xf32, #tpu.memory_space<hbm>>
      tpu.enqueue_indirect_dma source(%dma_start3A_1595 : memref<10000x128xf32, #tpu.memory_space<hbm>>) target(%arg12 : memref<64x128xf32, #tpu.memory_space<vmem>>) offsets(%dma_start3A_1592 : memref<64xi32, #tpu.memory_space<vmem>>) semaphore(%arg18 : memref<!tpu.dma_semaphore, #tpu.memory_space<semaphore_mem>>)
    }
    %scan3A_1235 = arith.constant 3 : i32
    %dma_wait3A_1236 = arith.constant 12 : i32
    %dma_wait3A_1237 = arith.constant 0 : i32
    %dma_wait3A_1238 = tpu.memref_slice %arg5[%dma_wait3A_1236, %dma_wait3A_1237] : memref<16x64xi32, #tpu.memory_space<vmem>> -> memref<1x64xi32, #tpu.memory_space<vmem>>
    %dma_wait3A_1239 = tpu.memref_squeeze %dma_wait3A_1238 : memref<1x64xi32, #tpu.memory_space<vmem>> -> memref<64xi32, #tpu.memory_space<vmem>>
    %dma_wait3A_1240 = arith.constant 0 : i32
    %dma_wait3A_1241 = arith.constant 0 : i32
    %dma_wait3A_1242 = tpu.memref_slice %arg2[%dma_wait3A_1240, %dma_wait3A_1241] : memref<10000x128xf32, #tpu.memory_space<hbm>> -> memref<10000x128xf32, #tpu.memory_space<hbm>>
    tpu.wait_indirect_dma semaphore(%arg15 : memref<!tpu.dma_semaphore, #tpu.memory_space<semaphore_mem>>) src(%dma_wait3A_1242 : memref<10000x128xf32, #tpu.memory_space<hbm>>) dst(%arg9 : memref<64x128xf32, #tpu.memory_space<vmem>>)
    %dma_start3A_1243 = arith.constant 12 : i32
    %dma_start3A_1244 = arith.constant 0 : i32
    %dma_start3A_1245 = tpu.memref_slice %arg7[%dma_start3A_1243, %dma_start3A_1244] : memref<16x64xi32, #tpu.memory_space<vmem>> -> memref<1x64xi32, #tpu.memory_space<vmem>>
    %dma_start3A_1246 = tpu.memref_squeeze %dma_start3A_1245 : memref<1x64xi32, #tpu.memory_space<vmem>> -> memref<64xi32, #tpu.memory_space<vmem>>
    %dma_start3A_1247 = arith.constant 0 : i32
    %dma_start3A_1248 = arith.constant 0 : i32
    %dma_start3A_1249 = tpu.memref_slice %arg14[%dma_start3A_1247, %dma_start3A_1248] : memref<10240x128xf32, #tpu.memory_space<vmem_shared>> -> memref<10240x128xf32, #tpu.memory_space<vmem_shared>>
    tpu.enqueue_indirect_dma source(%arg9 : memref<64x128xf32, #tpu.memory_space<vmem>>) target(%dma_start3A_1249 : memref<10240x128xf32, #tpu.memory_space<vmem_shared>>) offsets(%dma_start3A_1246 : memref<64xi32, #tpu.memory_space<vmem>>) semaphore(%arg19 : memref<!tpu.dma_semaphore, #tpu.memory_space<semaphore_mem>>) {add = true}
    %dma_wait3A_1250 = arith.constant 13 : i32
    %dma_wait3A_1251 = arith.constant 0 : i32
    %dma_wait3A_1252 = tpu.memref_slice %arg5[%dma_wait3A_1250, %dma_wait3A_1251] : memref<16x64xi32, #tpu.memory_space<vmem>> -> memref<1x64xi32, #tpu.memory_space<vmem>>
    %dma_wait3A_1253 = tpu.memref_squeeze %dma_wait3A_1252 : memref<1x64xi32, #tpu.memory_space<vmem>> -> memref<64xi32, #tpu.memory_space<vmem>>
    %dma_wait3A_1254 = arith.constant 0 : i32
    %dma_wait3A_1255 = arith.constant 0 : i32
    %dma_wait3A_1256 = tpu.memref_slice %arg2[%dma_wait3A_1254, %dma_wait3A_1255] : memref<10000x128xf32, #tpu.memory_space<hbm>> -> memref<10000x128xf32, #tpu.memory_space<hbm>>
    tpu.wait_indirect_dma semaphore(%arg16 : memref<!tpu.dma_semaphore, #tpu.memory_space<semaphore_mem>>) src(%dma_wait3A_1256 : memref<10000x128xf32, #tpu.memory_space<hbm>>) dst(%arg10 : memref<64x128xf32, #tpu.memory_space<vmem>>)
    %dma_start3A_1257 = arith.constant 13 : i32
    %dma_start3A_1258 = arith.constant 0 : i32
    %dma_start3A_1259 = tpu.memref_slice %arg7[%dma_start3A_1257, %dma_start3A_1258] : memref<16x64xi32, #tpu.memory_space<vmem>> -> memref<1x64xi32, #tpu.memory_space<vmem>>
    %dma_start3A_1260 = tpu.memref_squeeze %dma_start3A_1259 : memref<1x64xi32, #tpu.memory_space<vmem>> -> memref<64xi32, #tpu.memory_space<vmem>>
    %dma_start3A_1261 = arith.constant 0 : i32
    %dma_start3A_1262 = arith.constant 0 : i32
    %dma_start3A_1263 = tpu.memref_slice %arg14[%dma_start3A_1261, %dma_start3A_1262] : memref<10240x128xf32, #tpu.memory_space<vmem_shared>> -> memref<10240x128xf32, #tpu.memory_space<vmem_shared>>
    tpu.enqueue_indirect_dma source(%arg10 : memref<64x128xf32, #tpu.memory_space<vmem>>) target(%dma_start3A_1263 : memref<10240x128xf32, #tpu.memory_space<vmem_shared>>) offsets(%dma_start3A_1260 : memref<64xi32, #tpu.memory_space<vmem>>) semaphore(%arg20 : memref<!tpu.dma_semaphore, #tpu.memory_space<semaphore_mem>>) {add = true}
    %dma_wait3A_1264 = arith.constant 14 : i32
    %dma_wait3A_1265 = arith.constant 0 : i32
    %dma_wait3A_1266 = tpu.memref_slice %arg5[%dma_wait3A_1264, %dma_wait3A_1265] : memref<16x64xi32, #tpu.memory_space<vmem>> -> memref<1x64xi32, #tpu.memory_space<vmem>>
    %dma_wait3A_1267 = tpu.memref_squeeze %dma_wait3A_1266 : memref<1x64xi32, #tpu.memory_space<vmem>> -> memref<64xi32, #tpu.memory_space<vmem>>
    %dma_wait3A_1268 = arith.constant 0 : i32
    %dma_wait3A_1269 = arith.constant 0 : i32
    %dma_wait3A_1270 = tpu.memref_slice %arg2[%dma_wait3A_1268, %dma_wait3A_1269] : memref<10000x128xf32, #tpu.memory_space<hbm>> -> memref<10000x128xf32, #tpu.memory_space<hbm>>
    tpu.wait_indirect_dma semaphore(%arg17 : memref<!tpu.dma_semaphore, #tpu.memory_space<semaphore_mem>>) src(%dma_wait3A_1270 : memref<10000x128xf32, #tpu.memory_space<hbm>>) dst(%arg11 : memref<64x128xf32, #tpu.memory_space<vmem>>)
    %dma_start3A_1271 = arith.constant 14 : i32
    %dma_start3A_1272 = arith.constant 0 : i32
    %dma_start3A_1273 = tpu.memref_slice %arg7[%dma_start3A_1271, %dma_start3A_1272] : memref<16x64xi32, #tpu.memory_space<vmem>> -> memref<1x64xi32, #tpu.memory_space<vmem>>
    %dma_start3A_1274 = tpu.memref_squeeze %dma_start3A_1273 : memref<1x64xi32, #tpu.memory_space<vmem>> -> memref<64xi32, #tpu.memory_space<vmem>>
    %dma_start3A_1275 = arith.constant 0 : i32
    %dma_start3A_1276 = arith.constant 0 : i32
    %dma_start3A_1277 = tpu.memref_slice %arg14[%dma_start3A_1275, %dma_start3A_1276] : memref<10240x128xf32, #tpu.memory_space<vmem_shared>> -> memref<10240x128xf32, #tpu.memory_space<vmem_shared>>
    tpu.enqueue_indirect_dma source(%arg11 : memref<64x128xf32, #tpu.memory_space<vmem>>) target(%dma_start3A_1277 : memref<10240x128xf32, #tpu.memory_space<vmem_shared>>) offsets(%dma_start3A_1274 : memref<64xi32, #tpu.memory_space<vmem>>) semaphore(%arg21 : memref<!tpu.dma_semaphore, #tpu.memory_space<semaphore_mem>>) {add = true}
    %dma_wait3A_1278 = arith.constant 15 : i32
    %dma_wait3A_1279 = arith.constant 0 : i32
    %dma_wait3A_1280 = tpu.memref_slice %arg5[%dma_wait3A_1278, %dma_wait3A_1279] : memref<16x64xi32, #tpu.memory_space<vmem>> -> memref<1x64xi32, #tpu.memory_space<vmem>>
    %dma_wait3A_1281 = tpu.memref_squeeze %dma_wait3A_1280 : memref<1x64xi32, #tpu.memory_space<vmem>> -> memref<64xi32, #tpu.memory_space<vmem>>
    %dma_wait3A_1282 = arith.constant 0 : i32
    %dma_wait3A_1283 = arith.constant 0 : i32
    %dma_wait3A_1284 = tpu.memref_slice %arg2[%dma_wait3A_1282, %dma_wait3A_1283] : memref<10000x128xf32, #tpu.memory_space<hbm>> -> memref<10000x128xf32, #tpu.memory_space<hbm>>
    tpu.wait_indirect_dma semaphore(%arg18 : memref<!tpu.dma_semaphore, #tpu.memory_space<semaphore_mem>>) src(%dma_wait3A_1284 : memref<10000x128xf32, #tpu.memory_space<hbm>>) dst(%arg12 : memref<64x128xf32, #tpu.memory_space<vmem>>)
    %dma_start3A_1285 = arith.constant 15 : i32
    %dma_start3A_1286 = arith.constant 0 : i32
    %dma_start3A_1287 = tpu.memref_slice %arg7[%dma_start3A_1285, %dma_start3A_1286] : memref<16x64xi32, #tpu.memory_space<vmem>> -> memref<1x64xi32, #tpu.memory_space<vmem>>
    %dma_start3A_1288 = tpu.memref_squeeze %dma_start3A_1287 : memref<1x64xi32, #tpu.memory_space<vmem>> -> memref<64xi32, #tpu.memory_space<vmem>>
    %dma_start3A_1289 = arith.constant 0 : i32
    %dma_start3A_1290 = arith.constant 0 : i32
    %dma_start3A_1291 = tpu.memref_slice %arg14[%dma_start3A_1289, %dma_start3A_1290] : memref<10240x128xf32, #tpu.memory_space<vmem_shared>> -> memref<10240x128xf32, #tpu.memory_space<vmem_shared>>
    tpu.enqueue_indirect_dma source(%arg12 : memref<64x128xf32, #tpu.memory_space<vmem>>) target(%dma_start3A_1291 : memref<10240x128xf32, #tpu.memory_space<vmem_shared>>) offsets(%dma_start3A_1288 : memref<64xi32, #tpu.memory_space<vmem>>) semaphore(%arg22 : memref<!tpu.dma_semaphore, #tpu.memory_space<semaphore_mem>>) {add = true}
    %dma_wait3A_1292 = arith.constant 12 : i32
    %dma_wait3A_1293 = arith.constant 0 : i32
    %dma_wait3A_1294 = tpu.memref_slice %arg7[%dma_wait3A_1292, %dma_wait3A_1293] : memref<16x64xi32, #tpu.memory_space<vmem>> -> memref<1x64xi32, #tpu.memory_space<vmem>>
    %dma_wait3A_1295 = tpu.memref_squeeze %dma_wait3A_1294 : memref<1x64xi32, #tpu.memory_space<vmem>> -> memref<64xi32, #tpu.memory_space<vmem>>
    %dma_wait3A_1296 = arith.constant 0 : i32
    %dma_wait3A_1297 = arith.constant 0 : i32
    %dma_wait3A_1298 = tpu.memref_slice %arg14[%dma_wait3A_1296, %dma_wait3A_1297] : memref<10240x128xf32, #tpu.memory_space<vmem_shared>> -> memref<10240x128xf32, #tpu.memory_space<vmem_shared>>
    tpu.wait_indirect_dma semaphore(%arg19 : memref<!tpu.dma_semaphore, #tpu.memory_space<semaphore_mem>>) src(%arg9 : memref<64x128xf32, #tpu.memory_space<vmem>>) dst(%dma_wait3A_1298 : memref<10240x128xf32, #tpu.memory_space<vmem_shared>>)
    %dma_wait3A_1299 = arith.constant 13 : i32
    %dma_wait3A_1300 = arith.constant 0 : i32
    %dma_wait3A_1301 = tpu.memref_slice %arg7[%dma_wait3A_1299, %dma_wait3A_1300] : memref<16x64xi32, #tpu.memory_space<vmem>> -> memref<1x64xi32, #tpu.memory_space<vmem>>
    %dma_wait3A_1302 = tpu.memref_squeeze %dma_wait3A_1301 : memref<1x64xi32, #tpu.memory_space<vmem>> -> memref<64xi32, #tpu.memory_space<vmem>>
    %dma_wait3A_1303 = arith.constant 0 : i32
    %dma_wait3A_1304 = arith.constant 0 : i32
    %dma_wait3A_1305 = tpu.memref_slice %arg14[%dma_wait3A_1303, %dma_wait3A_1304] : memref<10240x128xf32, #tpu.memory_space<vmem_shared>> -> memref<10240x128xf32, #tpu.memory_space<vmem_shared>>
    tpu.wait_indirect_dma semaphore(%arg20 : memref<!tpu.dma_semaphore, #tpu.memory_space<semaphore_mem>>) src(%arg10 : memref<64x128xf32, #tpu.memory_space<vmem>>) dst(%dma_wait3A_1305 : memref<10240x128xf32, #tpu.memory_space<vmem_shared>>)
    %dma_wait3A_1306 = arith.constant 14 : i32
    %dma_wait3A_1307 = arith.constant 0 : i32
    %dma_wait3A_1308 = tpu.memref_slice %arg7[%dma_wait3A_1306, %dma_wait3A_1307] : memref<16x64xi32, #tpu.memory_space<vmem>> -> memref<1x64xi32, #tpu.memory_space<vmem>>
    %dma_wait3A_1309 = tpu.memref_squeeze %dma_wait3A_1308 : memref<1x64xi32, #tpu.memory_space<vmem>> -> memref<64xi32, #tpu.memory_space<vmem>>
    %dma_wait3A_1310 = arith.constant 0 : i32
    %dma_wait3A_1311 = arith.constant 0 : i32
    %dma_wait3A_1312 = tpu.memref_slice %arg14[%dma_wait3A_1310, %dma_wait3A_1311] : memref<10240x128xf32, #tpu.memory_space<vmem_shared>> -> memref<10240x128xf32, #tpu.memory_space<vmem_shared>>
    tpu.wait_indirect_dma semaphore(%arg21 : memref<!tpu.dma_semaphore, #tpu.memory_space<semaphore_mem>>) src(%arg11 : memref<64x128xf32, #tpu.memory_space<vmem>>) dst(%dma_wait3A_1312 : memref<10240x128xf32, #tpu.memory_space<vmem_shared>>)
    %dma_wait3A_1313 = arith.constant 15 : i32
    %dma_wait3A_1314 = arith.constant 0 : i32
    %dma_wait3A_1315 = tpu.memref_slice %arg7[%dma_wait3A_1313, %dma_wait3A_1314] : memref<16x64xi32, #tpu.memory_space<vmem>> -> memref<1x64xi32, #tpu.memory_space<vmem>>
    %dma_wait3A_1316 = tpu.memref_squeeze %dma_wait3A_1315 : memref<1x64xi32, #tpu.memory_space<vmem>> -> memref<64xi32, #tpu.memory_space<vmem>>
    %dma_wait3A_1317 = arith.constant 0 : i32
    %dma_wait3A_1318 = arith.constant 0 : i32
    %dma_wait3A_1319 = tpu.memref_slice %arg14[%dma_wait3A_1317, %dma_wait3A_1318] : memref<10240x128xf32, #tpu.memory_space<vmem_shared>> -> memref<10240x128xf32, #tpu.memory_space<vmem_shared>>
    tpu.wait_indirect_dma semaphore(%arg22 : memref<!tpu.dma_semaphore, #tpu.memory_space<semaphore_mem>>) src(%arg12 : memref<64x128xf32, #tpu.memory_space<vmem>>) dst(%dma_wait3A_1319 : memref<10240x128xf32, #tpu.memory_space<vmem_shared>>)
    %dma_wait3A_1320 = arith.constant 0 : i32
    %dma_wait3A_1321 = arith.constant 0 : i32
    %dma_wait3A_1322 = tpu.memref_slice %arg3[%dma_wait3A_1320, %dma_wait3A_1321] : memref<10240x64xi32, #tpu.memory_space<hbm>> -> memref<16x64xi32, #tpu.memory_space<hbm>>
    %dma_wait3A_1323 = arith.constant 0 : i32
    %dma_wait3A_1324 = arith.constant 0 : i32
    %dma_wait3A_1325 = tpu.memref_slice %arg3[%dma_wait3A_1323, %dma_wait3A_1324] : memref<10240x64xi32, #tpu.memory_space<hbm>> -> memref<16x64xi32, #tpu.memory_space<hbm>>
    tpu.wait_dma2 semaphore(%arg24 : memref<!tpu.dma_semaphore, #tpu.memory_space<semaphore_mem>>) src(%dma_wait3A_1325 : memref<16x64xi32, #tpu.memory_space<hbm>>) dst(%arg6 : memref<16x64xi32, #tpu.memory_space<vmem>>)
    %dma_wait3A_1326 = arith.constant 0 : i32
    %dma_wait3A_1327 = arith.constant 0 : i32
    %dma_wait3A_1328 = tpu.memref_slice %arg3[%dma_wait3A_1326, %dma_wait3A_1327] : memref<10240x64xi32, #tpu.memory_space<hbm>> -> memref<16x64xi32, #tpu.memory_space<hbm>>
    %dma_wait3A_1329 = arith.constant 0 : i32
    %dma_wait3A_1330 = arith.constant 0 : i32
    %dma_wait3A_1331 = tpu.memref_slice %arg3[%dma_wait3A_1329, %dma_wait3A_1330] : memref<10240x64xi32, #tpu.memory_space<hbm>> -> memref<16x64xi32, #tpu.memory_space<hbm>>
    tpu.wait_dma2 semaphore(%arg24 : memref<!tpu.dma_semaphore, #tpu.memory_space<semaphore_mem>>) src(%dma_wait3A_1331 : memref<16x64xi32, #tpu.memory_space<hbm>>) dst(%arg8 : memref<16x64xi32, #tpu.memory_space<vmem>>)
    %dma_start3A_1332 = arith.constant 0 : i32
    %dma_start3A_1333 = arith.constant 0 : i32
    %dma_start3A_1334 = tpu.memref_slice %arg6[%dma_start3A_1332, %dma_start3A_1333] : memref<16x64xi32, #tpu.memory_space<vmem>> -> memref<1x64xi32, #tpu.memory_space<vmem>>
    %dma_start3A_1335 = tpu.memref_squeeze %dma_start3A_1334 : memref<1x64xi32, #tpu.memory_space<vmem>> -> memref<64xi32, #tpu.memory_space<vmem>>
    %dma_start3A_1336 = arith.constant 0 : i32
    %dma_start3A_1337 = arith.constant 0 : i32
    %dma_start3A_1338 = tpu.memref_slice %arg2[%dma_start3A_1336, %dma_start3A_1337] : memref<10000x128xf32, #tpu.memory_space<hbm>> -> memref<10000x128xf32, #tpu.memory_space<hbm>>
    tpu.enqueue_indirect_dma source(%dma_start3A_1338 : memref<10000x128xf32, #tpu.memory_space<hbm>>) target(%arg9 : memref<64x128xf32, #tpu.memory_space<vmem>>) offsets(%dma_start3A_1335 : memref<64xi32, #tpu.memory_space<vmem>>) semaphore(%arg15 : memref<!tpu.dma_semaphore, #tpu.memory_space<semaphore_mem>>)
    %dma_start3A_1339 = arith.constant 1 : i32
    %dma_start3A_1340 = arith.constant 0 : i32
    %dma_start3A_1341 = tpu.memref_slice %arg6[%dma_start3A_1339, %dma_start3A_1340] : memref<16x64xi32, #tpu.memory_space<vmem>> -> memref<1x64xi32, #tpu.memory_space<vmem>>
    %dma_start3A_1342 = tpu.memref_squeeze %dma_start3A_1341 : memref<1x64xi32, #tpu.memory_space<vmem>> -> memref<64xi32, #tpu.memory_space<vmem>>
    %dma_start3A_1343 = arith.constant 0 : i32
    %dma_start3A_1344 = arith.constant 0 : i32
    %dma_start3A_1345 = tpu.memref_slice %arg2[%dma_start3A_1343, %dma_start3A_1344] : memref<10000x128xf32, #tpu.memory_space<hbm>> -> memref<10000x128xf32, #tpu.memory_space<hbm>>
    tpu.enqueue_indirect_dma source(%dma_start3A_1345 : memref<10000x128xf32, #tpu.memory_space<hbm>>) target(%arg10 : memref<64x128xf32, #tpu.memory_space<vmem>>) offsets(%dma_start3A_1342 : memref<64xi32, #tpu.memory_space<vmem>>) semaphore(%arg16 : memref<!tpu.dma_semaphore, #tpu.memory_space<semaphore_mem>>)
    %dma_start3A_1346 = arith.constant 2 : i32
    %dma_start3A_1347 = arith.constant 0 : i32
    %dma_start3A_1348 = tpu.memref_slice %arg6[%dma_start3A_1346, %dma_start3A_1347] : memref<16x64xi32, #tpu.memory_space<vmem>> -> memref<1x64xi32, #tpu.memory_space<vmem>>
    %dma_start3A_1349 = tpu.memref_squeeze %dma_start3A_1348 : memref<1x64xi32, #tpu.memory_space<vmem>> -> memref<64xi32, #tpu.memory_space<vmem>>
    %dma_start3A_1350 = arith.constant 0 : i32
    %dma_start3A_1351 = arith.constant 0 : i32
    %dma_start3A_1352 = tpu.memref_slice %arg2[%dma_start3A_1350, %dma_start3A_1351] : memref<10000x128xf32, #tpu.memory_space<hbm>> -> memref<10000x128xf32, #tpu.memory_space<hbm>>
    tpu.enqueue_indirect_dma source(%dma_start3A_1352 : memref<10000x128xf32, #tpu.memory_space<hbm>>) target(%arg11 : memref<64x128xf32, #tpu.memory_space<vmem>>) offsets(%dma_start3A_1349 : memref<64xi32, #tpu.memory_space<vmem>>) semaphore(%arg17 : memref<!tpu.dma_semaphore, #tpu.memory_space<semaphore_mem>>)
    %dma_start3A_1353 = arith.constant 3 : i32
    %dma_start3A_1354 = arith.constant 0 : i32
    %dma_start3A_1355 = tpu.memref_slice %arg6[%dma_start3A_1353, %dma_start3A_1354] : memref<16x64xi32, #tpu.memory_space<vmem>> -> memref<1x64xi32, #tpu.memory_space<vmem>>
    %dma_start3A_1356 = tpu.memref_squeeze %dma_start3A_1355 : memref<1x64xi32, #tpu.memory_space<vmem>> -> memref<64xi32, #tpu.memory_space<vmem>>
    %dma_start3A_1357 = arith.constant 0 : i32
    %dma_start3A_1358 = arith.constant 0 : i32
    %dma_start3A_1359 = tpu.memref_slice %arg2[%dma_start3A_1357, %dma_start3A_1358] : memref<10000x128xf32, #tpu.memory_space<hbm>> -> memref<10000x128xf32, #tpu.memory_space<hbm>>
    tpu.enqueue_indirect_dma source(%dma_start3A_1359 : memref<10000x128xf32, #tpu.memory_space<hbm>>) target(%arg12 : memref<64x128xf32, #tpu.memory_space<vmem>>) offsets(%dma_start3A_1356 : memref<64xi32, #tpu.memory_space<vmem>>) semaphore(%arg18 : memref<!tpu.dma_semaphore, #tpu.memory_space<semaphore_mem>>)
    %scan3A_1360 = arith.constant 0 : i32
    %scan3A_1361 = arith.constant 0 : i32
    %scan3A_1362 = arith.constant 3 : i32
    %scan3A_1363 = arith.addi %scan3A_1361, %scan3A_1362 : i32
    %scan3A_1364 = arith.constant 1 : i32
    scf.for %scan3A_1457 = %scan3A_1361 to %scan3A_1363 step %scan3A_1364  : i32 {
      %mul3A_1458 = arith.constant 4 : i32
      %mul3A_1459 = arith.muli %scan3A_1457, %mul3A_1458 : i32
      %add3A_1460 = arith.constant 0 : i32
      %add3A_1461 = arith.addi %mul3A_1459, %add3A_1460 : i32
      %dma_wait3A_1462 = arith.constant 0 : i32
      %dma_wait3A_1463 = tpu.memref_slice %arg6[%add3A_1461, %dma_wait3A_1462] : memref<16x64xi32, #tpu.memory_space<vmem>> -> memref<1x64xi32, #tpu.memory_space<vmem>>
      %dma_wait3A_1464 = tpu.memref_squeeze %dma_wait3A_1463 : memref<1x64xi32, #tpu.memory_space<vmem>> -> memref<64xi32, #tpu.memory_space<vmem>>
      %dma_wait3A_1465 = arith.constant 0 : i32
      %dma_wait3A_1466 = arith.constant 0 : i32
      %dma_wait3A_1467 = tpu.memref_slice %arg2[%dma_wait3A_1465, %dma_wait3A_1466] : memref<10000x128xf32, #tpu.memory_space<hbm>> -> memref<10000x128xf32, #tpu.memory_space<hbm>>
      tpu.wait_indirect_dma semaphore(%arg15 : memref<!tpu.dma_semaphore, #tpu.memory_space<semaphore_mem>>) src(%dma_wait3A_1467 : memref<10000x128xf32, #tpu.memory_space<hbm>>) dst(%arg9 : memref<64x128xf32, #tpu.memory_space<vmem>>)
      %add3A_1468 = arith.constant 0 : i32
      %add3A_1469 = arith.addi %mul3A_1459, %add3A_1468 : i32
      %dma_start3A_1470 = arith.constant 0 : i32
      %dma_start3A_1471 = tpu.memref_slice %arg8[%add3A_1469, %dma_start3A_1470] : memref<16x64xi32, #tpu.memory_space<vmem>> -> memref<1x64xi32, #tpu.memory_space<vmem>>
      %dma_start3A_1472 = tpu.memref_squeeze %dma_start3A_1471 : memref<1x64xi32, #tpu.memory_space<vmem>> -> memref<64xi32, #tpu.memory_space<vmem>>
      %dma_start3A_1473 = arith.constant 0 : i32
      %dma_start3A_1474 = arith.constant 0 : i32
      %dma_start3A_1475 = tpu.memref_slice %arg14[%dma_start3A_1473, %dma_start3A_1474] : memref<10240x128xf32, #tpu.memory_space<vmem_shared>> -> memref<10240x128xf32, #tpu.memory_space<vmem_shared>>
      tpu.enqueue_indirect_dma source(%arg9 : memref<64x128xf32, #tpu.memory_space<vmem>>) target(%dma_start3A_1475 : memref<10240x128xf32, #tpu.memory_space<vmem_shared>>) offsets(%dma_start3A_1472 : memref<64xi32, #tpu.memory_space<vmem>>) semaphore(%arg19 : memref<!tpu.dma_semaphore, #tpu.memory_space<semaphore_mem>>) {add = true}
      %add3A_1476 = arith.constant 1 : i32
      %add3A_1477 = arith.addi %mul3A_1459, %add3A_1476 : i32
      %dma_wait3A_1478 = arith.constant 0 : i32
      %dma_wait3A_1479 = tpu.memref_slice %arg6[%add3A_1477, %dma_wait3A_1478] : memref<16x64xi32, #tpu.memory_space<vmem>> -> memref<1x64xi32, #tpu.memory_space<vmem>>
      %dma_wait3A_1480 = tpu.memref_squeeze %dma_wait3A_1479 : memref<1x64xi32, #tpu.memory_space<vmem>> -> memref<64xi32, #tpu.memory_space<vmem>>
      %dma_wait3A_1481 = arith.constant 0 : i32
      %dma_wait3A_1482 = arith.constant 0 : i32
      %dma_wait3A_1483 = tpu.memref_slice %arg2[%dma_wait3A_1481, %dma_wait3A_1482] : memref<10000x128xf32, #tpu.memory_space<hbm>> -> memref<10000x128xf32, #tpu.memory_space<hbm>>
      tpu.wait_indirect_dma semaphore(%arg16 : memref<!tpu.dma_semaphore, #tpu.memory_space<semaphore_mem>>) src(%dma_wait3A_1483 : memref<10000x128xf32, #tpu.memory_space<hbm>>) dst(%arg10 : memref<64x128xf32, #tpu.memory_space<vmem>>)
      %add3A_1484 = arith.constant 1 : i32
      %add3A_1485 = arith.addi %mul3A_1459, %add3A_1484 : i32
      %dma_start3A_1486 = arith.constant 0 : i32
      %dma_start3A_1487 = tpu.memref_slice %arg8[%add3A_1485, %dma_start3A_1486] : memref<16x64xi32, #tpu.memory_space<vmem>> -> memref<1x64xi32, #tpu.memory_space<vmem>>
      %dma_start3A_1488 = tpu.memref_squeeze %dma_start3A_1487 : memref<1x64xi32, #tpu.memory_space<vmem>> -> memref<64xi32, #tpu.memory_space<vmem>>
      %dma_start3A_1489 = arith.constant 0 : i32
      %dma_start3A_1490 = arith.constant 0 : i32
      %dma_start3A_1491 = tpu.memref_slice %arg14[%dma_start3A_1489, %dma_start3A_1490] : memref<10240x128xf32, #tpu.memory_space<vmem_shared>> -> memref<10240x128xf32, #tpu.memory_space<vmem_shared>>
      tpu.enqueue_indirect_dma source(%arg10 : memref<64x128xf32, #tpu.memory_space<vmem>>) target(%dma_start3A_1491 : memref<10240x128xf32, #tpu.memory_space<vmem_shared>>) offsets(%dma_start3A_1488 : memref<64xi32, #tpu.memory_space<vmem>>) semaphore(%arg20 : memref<!tpu.dma_semaphore, #tpu.memory_space<semaphore_mem>>) {add = true}
      %add3A_1492 = arith.constant 2 : i32
      %add3A_1493 = arith.addi %mul3A_1459, %add3A_1492 : i32
      %dma_wait3A_1494 = arith.constant 0 : i32
      %dma_wait3A_1495 = tpu.memref_slice %arg6[%add3A_1493, %dma_wait3A_1494] : memref<16x64xi32, #tpu.memory_space<vmem>> -> memref<1x64xi32, #tpu.memory_space<vmem>>
      %dma_wait3A_1496 = tpu.memref_squeeze %dma_wait3A_1495 : memref<1x64xi32, #tpu.memory_space<vmem>> -> memref<64xi32, #tpu.memory_space<vmem>>
      %dma_wait3A_1497 = arith.constant 0 : i32
      %dma_wait3A_1498 = arith.constant 0 : i32
      %dma_wait3A_1499 = tpu.memref_slice %arg2[%dma_wait3A_1497, %dma_wait3A_1498] : memref<10000x128xf32, #tpu.memory_space<hbm>> -> memref<10000x128xf32, #tpu.memory_space<hbm>>
      tpu.wait_indirect_dma semaphore(%arg17 : memref<!tpu.dma_semaphore, #tpu.memory_space<semaphore_mem>>) src(%dma_wait3A_1499 : memref<10000x128xf32, #tpu.memory_space<hbm>>) dst(%arg11 : memref<64x128xf32, #tpu.memory_space<vmem>>)
      %add3A_1500 = arith.constant 2 : i32
      %add3A_1501 = arith.addi %mul3A_1459, %add3A_1500 : i32
      %dma_start3A_1502 = arith.constant 0 : i32
      %dma_start3A_1503 = tpu.memref_slice %arg8[%add3A_1501, %dma_start3A_1502] : memref<16x64xi32, #tpu.memory_space<vmem>> -> memref<1x64xi32, #tpu.memory_space<vmem>>
      %dma_start3A_1504 = tpu.memref_squeeze %dma_start3A_1503 : memref<1x64xi32, #tpu.memory_space<vmem>> -> memref<64xi32, #tpu.memory_space<vmem>>
      %dma_start3A_1505 = arith.constant 0 : i32
      %dma_start3A_1506 = arith.constant 0 : i32
      %dma_start3A_1507 = tpu.memref_slice %arg14[%dma_start3A_1505, %dma_start3A_1506] : memref<10240x128xf32, #tpu.memory_space<vmem_shared>> -> memref<10240x128xf32, #tpu.memory_space<vmem_shared>>
      tpu.enqueue_indirect_dma source(%arg11 : memref<64x128xf32, #tpu.memory_space<vmem>>) target(%dma_start3A_1507 : memref<10240x128xf32, #tpu.memory_space<vmem_shared>>) offsets(%dma_start3A_1504 : memref<64xi32, #tpu.memory_space<vmem>>) semaphore(%arg21 : memref<!tpu.dma_semaphore, #tpu.memory_space<semaphore_mem>>) {add = true}
      %add3A_1508 = arith.constant 3 : i32
      %add3A_1509 = arith.addi %mul3A_1459, %add3A_1508 : i32
      %dma_wait3A_1510 = arith.constant 0 : i32
      %dma_wait3A_1511 = tpu.memref_slice %arg6[%add3A_1509, %dma_wait3A_1510] : memref<16x64xi32, #tpu.memory_space<vmem>> -> memref<1x64xi32, #tpu.memory_space<vmem>>
      %dma_wait3A_1512 = tpu.memref_squeeze %dma_wait3A_1511 : memref<1x64xi32, #tpu.memory_space<vmem>> -> memref<64xi32, #tpu.memory_space<vmem>>
      %dma_wait3A_1513 = arith.constant 0 : i32
      %dma_wait3A_1514 = arith.constant 0 : i32
      %dma_wait3A_1515 = tpu.memref_slice %arg2[%dma_wait3A_1513, %dma_wait3A_1514] : memref<10000x128xf32, #tpu.memory_space<hbm>> -> memref<10000x128xf32, #tpu.memory_space<hbm>>
      tpu.wait_indirect_dma semaphore(%arg18 : memref<!tpu.dma_semaphore, #tpu.memory_space<semaphore_mem>>) src(%dma_wait3A_1515 : memref<10000x128xf32, #tpu.memory_space<hbm>>) dst(%arg12 : memref<64x128xf32, #tpu.memory_space<vmem>>)
      %add3A_1516 = arith.constant 3 : i32
      %add3A_1517 = arith.addi %mul3A_1459, %add3A_1516 : i32
      %dma_start3A_1518 = arith.constant 0 : i32
      %dma_start3A_1519 = tpu.memref_slice %arg8[%add3A_1517, %dma_start3A_1518] : memref<16x64xi32, #tpu.memory_space<vmem>> -> memref<1x64xi32, #tpu.memory_space<vmem>>
      %dma_start3A_1520 = tpu.memref_squeeze %dma_start3A_1519 : memref<1x64xi32, #tpu.memory_space<vmem>> -> memref<64xi32, #tpu.memory_space<vmem>>
      %dma_start3A_1521 = arith.constant 0 : i32
      %dma_start3A_1522 = arith.constant 0 : i32
      %dma_start3A_1523 = tpu.memref_slice %arg14[%dma_start3A_1521, %dma_start3A_1522] : memref<10240x128xf32, #tpu.memory_space<vmem_shared>> -> memref<10240x128xf32, #tpu.memory_space<vmem_shared>>
      tpu.enqueue_indirect_dma source(%arg12 : memref<64x128xf32, #tpu.memory_space<vmem>>) target(%dma_start3A_1523 : memref<10240x128xf32, #tpu.memory_space<vmem_shared>>) offsets(%dma_start3A_1520 : memref<64xi32, #tpu.memory_space<vmem>>) semaphore(%arg22 : memref<!tpu.dma_semaphore, #tpu.memory_space<semaphore_mem>>) {add = true}
      %add3A_1524 = arith.constant 0 : i32
      %add3A_1525 = arith.addi %mul3A_1459, %add3A_1524 : i32
      %dma_wait3A_1526 = arith.constant 0 : i32
      %dma_wait3A_1527 = tpu.memref_slice %arg8[%add3A_1525, %dma_wait3A_1526] : memref<16x64xi32, #tpu.memory_space<vmem>> -> memref<1x64xi32, #tpu.memory_space<vmem>>
      %dma_wait3A_1528 = tpu.memref_squeeze %dma_wait3A_1527 : memref<1x64xi32, #tpu.memory_space<vmem>> -> memref<64xi32, #tpu.memory_space<vmem>>
      %dma_wait3A_1529 = arith.constant 0 : i32
      %dma_wait3A_1530 = arith.constant 0 : i32
      %dma_wait3A_1531 = tpu.memref_slice %arg14[%dma_wait3A_1529, %dma_wait3A_1530] : memref<10240x128xf32, #tpu.memory_space<vmem_shared>> -> memref<10240x128xf32, #tpu.memory_space<vmem_shared>>
      tpu.wait_indirect_dma semaphore(%arg19 : memref<!tpu.dma_semaphore, #tpu.memory_space<semaphore_mem>>) src(%arg9 : memref<64x128xf32, #tpu.memory_space<vmem>>) dst(%dma_wait3A_1531 : memref<10240x128xf32, #tpu.memory_space<vmem_shared>>)
      %add3A_1532 = arith.constant 4 : i32
      %add3A_1533 = arith.addi %mul3A_1459, %add3A_1532 : i32
      %add3A_1534 = arith.constant 0 : i32
      %add3A_1535 = arith.addi %add3A_1533, %add3A_1534 : i32
      %dma_start3A_1536 = arith.constant 0 : i32
      %dma_start3A_1537 = tpu.memref_slice %arg6[%add3A_1535, %dma_start3A_1536] : memref<16x64xi32, #tpu.memory_space<vmem>> -> memref<1x64xi32, #tpu.memory_space<vmem>>
      %dma_start3A_1538 = tpu.memref_squeeze %dma_start3A_1537 : memref<1x64xi32, #tpu.memory_space<vmem>> -> memref<64xi32, #tpu.memory_space<vmem>>
      %dma_start3A_1539 = arith.constant 0 : i32
      %dma_start3A_1540 = arith.constant 0 : i32
      %dma_start3A_1541 = tpu.memref_slice %arg2[%dma_start3A_1539, %dma_start3A_1540] : memref<10000x128xf32, #tpu.memory_space<hbm>> -> memref<10000x128xf32, #tpu.memory_space<hbm>>
      tpu.enqueue_indirect_dma source(%dma_start3A_1541 : memref<10000x128xf32, #tpu.memory_space<hbm>>) target(%arg9 : memref<64x128xf32, #tpu.memory_space<vmem>>) offsets(%dma_start3A_1538 : memref<64xi32, #tpu.memory_space<vmem>>) semaphore(%arg15 : memref<!tpu.dma_semaphore, #tpu.memory_space<semaphore_mem>>)
      %add3A_1542 = arith.constant 1 : i32
      %add3A_1543 = arith.addi %mul3A_1459, %add3A_1542 : i32
      %dma_wait3A_1544 = arith.constant 0 : i32
      %dma_wait3A_1545 = tpu.memref_slice %arg8[%add3A_1543, %dma_wait3A_1544] : memref<16x64xi32, #tpu.memory_space<vmem>> -> memref<1x64xi32, #tpu.memory_space<vmem>>
      %dma_wait3A_1546 = tpu.memref_squeeze %dma_wait3A_1545 : memref<1x64xi32, #tpu.memory_space<vmem>> -> memref<64xi32, #tpu.memory_space<vmem>>
      %dma_wait3A_1547 = arith.constant 0 : i32
      %dma_wait3A_1548 = arith.constant 0 : i32
      %dma_wait3A_1549 = tpu.memref_slice %arg14[%dma_wait3A_1547, %dma_wait3A_1548] : memref<10240x128xf32, #tpu.memory_space<vmem_shared>> -> memref<10240x128xf32, #tpu.memory_space<vmem_shared>>
      tpu.wait_indirect_dma semaphore(%arg20 : memref<!tpu.dma_semaphore, #tpu.memory_space<semaphore_mem>>) src(%arg10 : memref<64x128xf32, #tpu.memory_space<vmem>>) dst(%dma_wait3A_1549 : memref<10240x128xf32, #tpu.memory_space<vmem_shared>>)
      %add3A_1550 = arith.constant 4 : i32
      %add3A_1551 = arith.addi %mul3A_1459, %add3A_1550 : i32
      %add3A_1552 = arith.constant 1 : i32
      %add3A_1553 = arith.addi %add3A_1551, %add3A_1552 : i32
      %dma_start3A_1554 = arith.constant 0 : i32
      %dma_start3A_1555 = tpu.memref_slice %arg6[%add3A_1553, %dma_start3A_1554] : memref<16x64xi32, #tpu.memory_space<vmem>> -> memref<1x64xi32, #tpu.memory_space<vmem>>
      %dma_start3A_1556 = tpu.memref_squeeze %dma_start3A_1555 : memref<1x64xi32, #tpu.memory_space<vmem>> -> memref<64xi32, #tpu.memory_space<vmem>>
      %dma_start3A_1557 = arith.constant 0 : i32
      %dma_start3A_1558 = arith.constant 0 : i32
      %dma_start3A_1559 = tpu.memref_slice %arg2[%dma_start3A_1557, %dma_start3A_1558] : memref<10000x128xf32, #tpu.memory_space<hbm>> -> memref<10000x128xf32, #tpu.memory_space<hbm>>
      tpu.enqueue_indirect_dma source(%dma_start3A_1559 : memref<10000x128xf32, #tpu.memory_space<hbm>>) target(%arg10 : memref<64x128xf32, #tpu.memory_space<vmem>>) offsets(%dma_start3A_1556 : memref<64xi32, #tpu.memory_space<vmem>>) semaphore(%arg16 : memref<!tpu.dma_semaphore, #tpu.memory_space<semaphore_mem>>)
      %add3A_1560 = arith.constant 2 : i32
      %add3A_1561 = arith.addi %mul3A_1459, %add3A_1560 : i32
      %dma_wait3A_1562 = arith.constant 0 : i32
      %dma_wait3A_1563 = tpu.memref_slice %arg8[%add3A_1561, %dma_wait3A_1562] : memref<16x64xi32, #tpu.memory_space<vmem>> -> memref<1x64xi32, #tpu.memory_space<vmem>>
      %dma_wait3A_1564 = tpu.memref_squeeze %dma_wait3A_1563 : memref<1x64xi32, #tpu.memory_space<vmem>> -> memref<64xi32, #tpu.memory_space<vmem>>
      %dma_wait3A_1565 = arith.constant 0 : i32
      %dma_wait3A_1566 = arith.constant 0 : i32
      %dma_wait3A_1567 = tpu.memref_slice %arg14[%dma_wait3A_1565, %dma_wait3A_1566] : memref<10240x128xf32, #tpu.memory_space<vmem_shared>> -> memref<10240x128xf32, #tpu.memory_space<vmem_shared>>
      tpu.wait_indirect_dma semaphore(%arg21 : memref<!tpu.dma_semaphore, #tpu.memory_space<semaphore_mem>>) src(%arg11 : memref<64x128xf32, #tpu.memory_space<vmem>>) dst(%dma_wait3A_1567 : memref<10240x128xf32, #tpu.memory_space<vmem_shared>>)
      %add3A_1568 = arith.constant 4 : i32
      %add3A_1569 = arith.addi %mul3A_1459, %add3A_1568 : i32
      %add3A_1570 = arith.constant 2 : i32
      %add3A_1571 = arith.addi %add3A_1569, %add3A_1570 : i32
      %dma_start3A_1572 = arith.constant 0 : i32
      %dma_start3A_1573 = tpu.memref_slice %arg6[%add3A_1571, %dma_start3A_1572] : memref<16x64xi32, #tpu.memory_space<vmem>> -> memref<1x64xi32, #tpu.memory_space<vmem>>
      %dma_start3A_1574 = tpu.memref_squeeze %dma_start3A_1573 : memref<1x64xi32, #tpu.memory_space<vmem>> -> memref<64xi32, #tpu.memory_space<vmem>>
      %dma_start3A_1575 = arith.constant 0 : i32
      %dma_start3A_1576 = arith.constant 0 : i32
      %dma_start3A_1577 = tpu.memref_slice %arg2[%dma_start3A_1575, %dma_start3A_1576] : memref<10000x128xf32, #tpu.memory_space<hbm>> -> memref<10000x128xf32, #tpu.memory_space<hbm>>
      tpu.enqueue_indirect_dma source(%dma_start3A_1577 : memref<10000x128xf32, #tpu.memory_space<hbm>>) target(%arg11 : memref<64x128xf32, #tpu.memory_space<vmem>>) offsets(%dma_start3A_1574 : memref<64xi32, #tpu.memory_space<vmem>>) semaphore(%arg17 : memref<!tpu.dma_semaphore, #tpu.memory_space<semaphore_mem>>)
      %add3A_1578 = arith.constant 3 : i32
      %add3A_1579 = arith.addi %mul3A_1459, %add3A_1578 : i32
      %dma_wait3A_1580 = arith.constant 0 : i32
      %dma_wait3A_1581 = tpu.memref_slice %arg8[%add3A_1579, %dma_wait3A_1580] : memref<16x64xi32, #tpu.memory_space<vmem>> -> memref<1x64xi32, #tpu.memory_space<vmem>>
      %dma_wait3A_1582 = tpu.memref_squeeze %dma_wait3A_1581 : memref<1x64xi32, #tpu.memory_space<vmem>> -> memref<64xi32, #tpu.memory_space<vmem>>
      %dma_wait3A_1583 = arith.constant 0 : i32
      %dma_wait3A_1584 = arith.constant 0 : i32
      %dma_wait3A_1585 = tpu.memref_slice %arg14[%dma_wait3A_1583, %dma_wait3A_1584] : memref<10240x128xf32, #tpu.memory_space<vmem_shared>> -> memref<10240x128xf32, #tpu.memory_space<vmem_shared>>
      tpu.wait_indirect_dma semaphore(%arg22 : memref<!tpu.dma_semaphore, #tpu.memory_space<semaphore_mem>>) src(%arg12 : memref<64x128xf32, #tpu.memory_space<vmem>>) dst(%dma_wait3A_1585 : memref<10240x128xf32, #tpu.memory_space<vmem_shared>>)
      %add3A_1586 = arith.constant 4 : i32
      %add3A_1587 = arith.addi %mul3A_1459, %add3A_1586 : i32
      %add3A_1588 = arith.constant 3 : i32
      %add3A_1589 = arith.addi %add3A_1587, %add3A_1588 : i32
      %dma_start3A_1590 = arith.constant 0 : i32
      %dma_start3A_1591 = tpu.memref_slice %arg6[%add3A_1589, %dma_start3A_1590] : memref<16x64xi32, #tpu.memory_space<vmem>> -> memref<1x64xi32, #tpu.memory_space<vmem>>
      %dma_start3A_1592 = tpu.memref_squeeze %dma_start3A_1591 : memref<1x64xi32, #tpu.memory_space<vmem>> -> memref<64xi32, #tpu.memory_space<vmem>>
      %dma_start3A_1593 = arith.constant 0 : i32
      %dma_start3A_1594 = arith.constant 0 : i32
      %dma_start3A_1595 = tpu.memref_slice %arg2[%dma_start3A_1593, %dma_start3A_1594] : memref<10000x128xf32, #tpu.memory_space<hbm>> -> memref<10000x128xf32, #tpu.memory_space<hbm>>
      tpu.enqueue_indirect_dma source(%dma_start3A_1595 : memref<10000x128xf32, #tpu.memory_space<hbm>>) target(%arg12 : memref<64x128xf32, #tpu.memory_space<vmem>>) offsets(%dma_start3A_1592 : memref<64xi32, #tpu.memory_space<vmem>>) semaphore(%arg18 : memref<!tpu.dma_semaphore, #tpu.memory_space<semaphore_mem>>)
    }
    %scan3A_1365 = arith.constant 3 : i32
    %dma_wait3A_1366 = arith.constant 12 : i32
    %dma_wait3A_1367 = arith.constant 0 : i32
    %dma_wait3A_1368 = tpu.memref_slice %arg6[%dma_wait3A_1366, %dma_wait3A_1367] : memref<16x64xi32, #tpu.memory_space<vmem>> -> memref<1x64xi32, #tpu.memory_space<vmem>>
    %dma_wait3A_1369 = tpu.memref_squeeze %dma_wait3A_1368 : memref<1x64xi32, #tpu.memory_space<vmem>> -> memref<64xi32, #tpu.memory_space<vmem>>
    %dma_wait3A_1370 = arith.constant 0 : i32
    %dma_wait3A_1371 = arith.constant 0 : i32
    %dma_wait3A_1372 = tpu.memref_slice %arg2[%dma_wait3A_1370, %dma_wait3A_1371] : memref<10000x128xf32, #tpu.memory_space<hbm>> -> memref<10000x128xf32, #tpu.memory_space<hbm>>
    tpu.wait_indirect_dma semaphore(%arg15 : memref<!tpu.dma_semaphore, #tpu.memory_space<semaphore_mem>>) src(%dma_wait3A_1372 : memref<10000x128xf32, #tpu.memory_space<hbm>>) dst(%arg9 : memref<64x128xf32, #tpu.memory_space<vmem>>)
    %dma_start3A_1373 = arith.constant 12 : i32
    %dma_start3A_1374 = arith.constant 0 : i32
    %dma_start3A_1375 = tpu.memref_slice %arg8[%dma_start3A_1373, %dma_start3A_1374] : memref<16x64xi32, #tpu.memory_space<vmem>> -> memref<1x64xi32, #tpu.memory_space<vmem>>
    %dma_start3A_1376 = tpu.memref_squeeze %dma_start3A_1375 : memref<1x64xi32, #tpu.memory_space<vmem>> -> memref<64xi32, #tpu.memory_space<vmem>>
    %dma_start3A_1377 = arith.constant 0 : i32
    %dma_start3A_1378 = arith.constant 0 : i32
    %dma_start3A_1379 = tpu.memref_slice %arg14[%dma_start3A_1377, %dma_start3A_1378] : memref<10240x128xf32, #tpu.memory_space<vmem_shared>> -> memref<10240x128xf32, #tpu.memory_space<vmem_shared>>
    tpu.enqueue_indirect_dma source(%arg9 : memref<64x128xf32, #tpu.memory_space<vmem>>) target(%dma_start3A_1379 : memref<10240x128xf32, #tpu.memory_space<vmem_shared>>) offsets(%dma_start3A_1376 : memref<64xi32, #tpu.memory_space<vmem>>) semaphore(%arg19 : memref<!tpu.dma_semaphore, #tpu.memory_space<semaphore_mem>>) {add = true}
    %dma_wait3A_1380 = arith.constant 13 : i32
    %dma_wait3A_1381 = arith.constant 0 : i32
    %dma_wait3A_1382 = tpu.memref_slice %arg6[%dma_wait3A_1380, %dma_wait3A_1381] : memref<16x64xi32, #tpu.memory_space<vmem>> -> memref<1x64xi32, #tpu.memory_space<vmem>>
    %dma_wait3A_1383 = tpu.memref_squeeze %dma_wait3A_1382 : memref<1x64xi32, #tpu.memory_space<vmem>> -> memref<64xi32, #tpu.memory_space<vmem>>
    %dma_wait3A_1384 = arith.constant 0 : i32
    %dma_wait3A_1385 = arith.constant 0 : i32
    %dma_wait3A_1386 = tpu.memref_slice %arg2[%dma_wait3A_1384, %dma_wait3A_1385] : memref<10000x128xf32, #tpu.memory_space<hbm>> -> memref<10000x128xf32, #tpu.memory_space<hbm>>
    tpu.wait_indirect_dma semaphore(%arg16 : memref<!tpu.dma_semaphore, #tpu.memory_space<semaphore_mem>>) src(%dma_wait3A_1386 : memref<10000x128xf32, #tpu.memory_space<hbm>>) dst(%arg10 : memref<64x128xf32, #tpu.memory_space<vmem>>)
    %dma_start3A_1387 = arith.constant 13 : i32
    %dma_start3A_1388 = arith.constant 0 : i32
    %dma_start3A_1389 = tpu.memref_slice %arg8[%dma_start3A_1387, %dma_start3A_1388] : memref<16x64xi32, #tpu.memory_space<vmem>> -> memref<1x64xi32, #tpu.memory_space<vmem>>
    %dma_start3A_1390 = tpu.memref_squeeze %dma_start3A_1389 : memref<1x64xi32, #tpu.memory_space<vmem>> -> memref<64xi32, #tpu.memory_space<vmem>>
    %dma_start3A_1391 = arith.constant 0 : i32
    %dma_start3A_1392 = arith.constant 0 : i32
    %dma_start3A_1393 = tpu.memref_slice %arg14[%dma_start3A_1391, %dma_start3A_1392] : memref<10240x128xf32, #tpu.memory_space<vmem_shared>> -> memref<10240x128xf32, #tpu.memory_space<vmem_shared>>
    tpu.enqueue_indirect_dma source(%arg10 : memref<64x128xf32, #tpu.memory_space<vmem>>) target(%dma_start3A_1393 : memref<10240x128xf32, #tpu.memory_space<vmem_shared>>) offsets(%dma_start3A_1390 : memref<64xi32, #tpu.memory_space<vmem>>) semaphore(%arg20 : memref<!tpu.dma_semaphore, #tpu.memory_space<semaphore_mem>>) {add = true}
    %dma_wait3A_1394 = arith.constant 14 : i32
    %dma_wait3A_1395 = arith.constant 0 : i32
    %dma_wait3A_1396 = tpu.memref_slice %arg6[%dma_wait3A_1394, %dma_wait3A_1395] : memref<16x64xi32, #tpu.memory_space<vmem>> -> memref<1x64xi32, #tpu.memory_space<vmem>>
    %dma_wait3A_1397 = tpu.memref_squeeze %dma_wait3A_1396 : memref<1x64xi32, #tpu.memory_space<vmem>> -> memref<64xi32, #tpu.memory_space<vmem>>
    %dma_wait3A_1398 = arith.constant 0 : i32
    %dma_wait3A_1399 = arith.constant 0 : i32
    %dma_wait3A_1400 = tpu.memref_slice %arg2[%dma_wait3A_1398, %dma_wait3A_1399] : memref<10000x128xf32, #tpu.memory_space<hbm>> -> memref<10000x128xf32, #tpu.memory_space<hbm>>
    tpu.wait_indirect_dma semaphore(%arg17 : memref<!tpu.dma_semaphore, #tpu.memory_space<semaphore_mem>>) src(%dma_wait3A_1400 : memref<10000x128xf32, #tpu.memory_space<hbm>>) dst(%arg11 : memref<64x128xf32, #tpu.memory_space<vmem>>)
    %dma_start3A_1401 = arith.constant 14 : i32
    %dma_start3A_1402 = arith.constant 0 : i32
    %dma_start3A_1403 = tpu.memref_slice %arg8[%dma_start3A_1401, %dma_start3A_1402] : memref<16x64xi32, #tpu.memory_space<vmem>> -> memref<1x64xi32, #tpu.memory_space<vmem>>
    %dma_start3A_1404 = tpu.memref_squeeze %dma_start3A_1403 : memref<1x64xi32, #tpu.memory_space<vmem>> -> memref<64xi32, #tpu.memory_space<vmem>>
    %dma_start3A_1405 = arith.constant 0 : i32
    %dma_start3A_1406 = arith.constant 0 : i32
    %dma_start3A_1407 = tpu.memref_slice %arg14[%dma_start3A_1405, %dma_start3A_1406] : memref<10240x128xf32, #tpu.memory_space<vmem_shared>> -> memref<10240x128xf32, #tpu.memory_space<vmem_shared>>
    tpu.enqueue_indirect_dma source(%arg11 : memref<64x128xf32, #tpu.memory_space<vmem>>) target(%dma_start3A_1407 : memref<10240x128xf32, #tpu.memory_space<vmem_shared>>) offsets(%dma_start3A_1404 : memref<64xi32, #tpu.memory_space<vmem>>) semaphore(%arg21 : memref<!tpu.dma_semaphore, #tpu.memory_space<semaphore_mem>>) {add = true}
    %dma_wait3A_1408 = arith.constant 15 : i32
    %dma_wait3A_1409 = arith.constant 0 : i32
    %dma_wait3A_1410 = tpu.memref_slice %arg6[%dma_wait3A_1408, %dma_wait3A_1409] : memref<16x64xi32, #tpu.memory_space<vmem>> -> memref<1x64xi32, #tpu.memory_space<vmem>>
    %dma_wait3A_1411 = tpu.memref_squeeze %dma_wait3A_1410 : memref<1x64xi32, #tpu.memory_space<vmem>> -> memref<64xi32, #tpu.memory_space<vmem>>
    %dma_wait3A_1412 = arith.constant 0 : i32
    %dma_wait3A_1413 = arith.constant 0 : i32
    %dma_wait3A_1414 = tpu.memref_slice %arg2[%dma_wait3A_1412, %dma_wait3A_1413] : memref<10000x128xf32, #tpu.memory_space<hbm>> -> memref<10000x128xf32, #tpu.memory_space<hbm>>
    tpu.wait_indirect_dma semaphore(%arg18 : memref<!tpu.dma_semaphore, #tpu.memory_space<semaphore_mem>>) src(%dma_wait3A_1414 : memref<10000x128xf32, #tpu.memory_space<hbm>>) dst(%arg12 : memref<64x128xf32, #tpu.memory_space<vmem>>)
    %dma_start3A_1415 = arith.constant 15 : i32
    %dma_start3A_1416 = arith.constant 0 : i32
    %dma_start3A_1417 = tpu.memref_slice %arg8[%dma_start3A_1415, %dma_start3A_1416] : memref<16x64xi32, #tpu.memory_space<vmem>> -> memref<1x64xi32, #tpu.memory_space<vmem>>
    %dma_start3A_1418 = tpu.memref_squeeze %dma_start3A_1417 : memref<1x64xi32, #tpu.memory_space<vmem>> -> memref<64xi32, #tpu.memory_space<vmem>>
    %dma_start3A_1419 = arith.constant 0 : i32
    %dma_start3A_1420 = arith.constant 0 : i32
    %dma_start3A_1421 = tpu.memref_slice %arg14[%dma_start3A_1419, %dma_start3A_1420] : memref<10240x128xf32, #tpu.memory_space<vmem_shared>> -> memref<10240x128xf32, #tpu.memory_space<vmem_shared>>
    tpu.enqueue_indirect_dma source(%arg12 : memref<64x128xf32, #tpu.memory_space<vmem>>) target(%dma_start3A_1421 : memref<10240x128xf32, #tpu.memory_space<vmem_shared>>) offsets(%dma_start3A_1418 : memref<64xi32, #tpu.memory_space<vmem>>) semaphore(%arg22 : memref<!tpu.dma_semaphore, #tpu.memory_space<semaphore_mem>>) {add = true}
    %dma_wait3A_1422 = arith.constant 12 : i32
    %dma_wait3A_1423 = arith.constant 0 : i32
    %dma_wait3A_1424 = tpu.memref_slice %arg8[%dma_wait3A_1422, %dma_wait3A_1423] : memref<16x64xi32, #tpu.memory_space<vmem>> -> memref<1x64xi32, #tpu.memory_space<vmem>>
    %dma_wait3A_1425 = tpu.memref_squeeze %dma_wait3A_1424 : memref<1x64xi32, #tpu.memory_space<vmem>> -> memref<64xi32, #tpu.memory_space<vmem>>
    %dma_wait3A_1426 = arith.constant 0 : i32
    %dma_wait3A_1427 = arith.constant 0 : i32
    %dma_wait3A_1428 = tpu.memref_slice %arg14[%dma_wait3A_1426, %dma_wait3A_1427] : memref<10240x128xf32, #tpu.memory_space<vmem_shared>> -> memref<10240x128xf32, #tpu.memory_space<vmem_shared>>
    tpu.wait_indirect_dma semaphore(%arg19 : memref<!tpu.dma_semaphore, #tpu.memory_space<semaphore_mem>>) src(%arg9 : memref<64x128xf32, #tpu.memory_space<vmem>>) dst(%dma_wait3A_1428 : memref<10240x128xf32, #tpu.memory_space<vmem_shared>>)
    %dma_wait3A_1429 = arith.constant 13 : i32
    %dma_wait3A_1430 = arith.constant 0 : i32
    %dma_wait3A_1431 = tpu.memref_slice %arg8[%dma_wait3A_1429, %dma_wait3A_1430] : memref<16x64xi32, #tpu.memory_space<vmem>> -> memref<1x64xi32, #tpu.memory_space<vmem>>
    %dma_wait3A_1432 = tpu.memref_squeeze %dma_wait3A_1431 : memref<1x64xi32, #tpu.memory_space<vmem>> -> memref<64xi32, #tpu.memory_space<vmem>>
    %dma_wait3A_1433 = arith.constant 0 : i32
    %dma_wait3A_1434 = arith.constant 0 : i32
    %dma_wait3A_1435 = tpu.memref_slice %arg14[%dma_wait3A_1433, %dma_wait3A_1434] : memref<10240x128xf32, #tpu.memory_space<vmem_shared>> -> memref<10240x128xf32, #tpu.memory_space<vmem_shared>>
    tpu.wait_indirect_dma semaphore(%arg20 : memref<!tpu.dma_semaphore, #tpu.memory_space<semaphore_mem>>) src(%arg10 : memref<64x128xf32, #tpu.memory_space<vmem>>) dst(%dma_wait3A_1435 : memref<10240x128xf32, #tpu.memory_space<vmem_shared>>)
    %dma_wait3A_1436 = arith.constant 14 : i32
    %dma_wait3A_1437 = arith.constant 0 : i32
    %dma_wait3A_1438 = tpu.memref_slice %arg8[%dma_wait3A_1436, %dma_wait3A_1437] : memref<16x64xi32, #tpu.memory_space<vmem>> -> memref<1x64xi32, #tpu.memory_space<vmem>>
    %dma_wait3A_1439 = tpu.memref_squeeze %dma_wait3A_1438 : memref<1x64xi32, #tpu.memory_space<vmem>> -> memref<64xi32, #tpu.memory_space<vmem>>
    %dma_wait3A_1440 = arith.constant 0 : i32
    %dma_wait3A_1441 = arith.constant 0 : i32
    %dma_wait3A_1442 = tpu.memref_slice %arg14[%dma_wait3A_1440, %dma_wait3A_1441] : memref<10240x128xf32, #tpu.memory_space<vmem_shared>> -> memref<10240x128xf32, #tpu.memory_space<vmem_shared>>
    tpu.wait_indirect_dma semaphore(%arg21 : memref<!tpu.dma_semaphore, #tpu.memory_space<semaphore_mem>>) src(%arg11 : memref<64x128xf32, #tpu.memory_space<vmem>>) dst(%dma_wait3A_1442 : memref<10240x128xf32, #tpu.memory_space<vmem_shared>>)
    %dma_wait3A_1443 = arith.constant 15 : i32
    %dma_wait3A_1444 = arith.constant 0 : i32
    %dma_wait3A_1445 = tpu.memref_slice %arg8[%dma_wait3A_1443, %dma_wait3A_1444] : memref<16x64xi32, #tpu.memory_space<vmem>> -> memref<1x64xi32, #tpu.memory_space<vmem>>
    %dma_wait3A_1446 = tpu.memref_squeeze %dma_wait3A_1445 : memref<1x64xi32, #tpu.memory_space<vmem>> -> memref<64xi32, #tpu.memory_space<vmem>>
    %dma_wait3A_1447 = arith.constant 0 : i32
    %dma_wait3A_1448 = arith.constant 0 : i32
    %dma_wait3A_1449 = tpu.memref_slice %arg14[%dma_wait3A_1447, %dma_wait3A_1448] : memref<10240x128xf32, #tpu.memory_space<vmem_shared>> -> memref<10240x128xf32, #tpu.memory_space<vmem_shared>>
    tpu.wait_indirect_dma semaphore(%arg22 : memref<!tpu.dma_semaphore, #tpu.memory_space<semaphore_mem>>) src(%arg12 : memref<64x128xf32, #tpu.memory_space<vmem>>) dst(%dma_wait3A_1449 : memref<10240x128xf32, #tpu.memory_space<vmem_shared>>)
    %barrier3A_1450 = arith.constant 0 : index
    tpu.barrier barrier_id(%barrier3A_1450)
    "tpu.trace_stop"() : () -> ()
    "tpu.trace_start"() <{level = 10 : i32, message = "sc_wout"}> : () -> ()
    %scan3A_1451 = arith.constant 0 : i32
    %scan3A_1452 = arith.constant 0 : i32
    %scan3A_1453 = arith.constant 10 : i32
    %scan3A_1454 = arith.addi %scan3A_1452, %scan3A_1453 : i32
    %scan3A_1455 = arith.constant 1 : i32
    scf.for %scan3A_1457 = %scan3A_1452 to %scan3A_1454 step %scan3A_1455  : i32 {
      %mul3A_1458 = arith.constant 10 : i32
      %mul3A_1459 = arith.muli %arg1, %mul3A_1458 : i32
      %add3A_1460 = arith.addi %mul3A_1459, %scan3A_1457 : i32
      %mul3A_1461 = arith.constant 64 : i32
      %mul3A_1462 = arith.muli %add3A_1460, %mul3A_1461 : i32
      %mul3A_1463 = arith.constant 10240 : i32
      %mul3A_1464 = arith.muli %arg0, %mul3A_1463 : i32
      %add3A_1465 = arith.addi %mul3A_1464, %mul3A_1462 : i32
      "tpu.region"() ({
        %run_scoped3A = tpu.sem_alloc : memref<!tpu.dma_semaphore, #tpu.memory_space<semaphore_mem>>
        %dma_start3A_1466 = arith.constant 0 : i32
        %dma_start3A_1467 = tpu.memref_slice %arg4[%add3A_1465, %dma_start3A_1466] : memref<20480x128xf32, #tpu.memory_space<hbm>> -> memref<64x128xf32, #tpu.memory_space<hbm>>
        %dma_start3A_1468 = arith.constant 0 : i32
        %dma_start3A_1469 = tpu.memref_slice %arg14[%mul3A_1462, %dma_start3A_1468] : memref<10240x128xf32, #tpu.memory_space<vmem_shared>> -> memref<64x128xf32, #tpu.memory_space<vmem_shared>>
        tpu.enqueue_dma source(%dma_start3A_1469 : memref<64x128xf32, #tpu.memory_space<vmem_shared>>) target(%dma_start3A_1467 : memref<64x128xf32, #tpu.memory_space<hbm>>) target_semaphore(%run_scoped3A : memref<!tpu.dma_semaphore, #tpu.memory_space<semaphore_mem>>)
        %dma_wait3A_1470 = arith.constant 0 : i32
        %dma_wait3A_1471 = tpu.memref_slice %arg4[%add3A_1465, %dma_wait3A_1470] : memref<20480x128xf32, #tpu.memory_space<hbm>> -> memref<64x128xf32, #tpu.memory_space<hbm>>
        %dma_wait3A_1472 = arith.constant 0 : i32
        %dma_wait3A_1473 = tpu.memref_slice %arg14[%mul3A_1462, %dma_wait3A_1472] : memref<10240x128xf32, #tpu.memory_space<vmem_shared>> -> memref<64x128xf32, #tpu.memory_space<vmem_shared>>
        tpu.wait_dma2 semaphore(%run_scoped3A : memref<!tpu.dma_semaphore, #tpu.memory_space<semaphore_mem>>) src(%dma_wait3A_1473 : memref<64x128xf32, #tpu.memory_space<vmem_shared>>) dst(%dma_wait3A_1471 : memref<64x128xf32, #tpu.memory_space<hbm>>)
        tpu.yield
      }) : () -> ()
    }
    %scan3A_1456 = arith.constant 10 : i32
    "tpu.trace_stop"() : () -> ()
    return
  }
}

module attributes {stable_mosaic.version = 14 : i64} {
  func.func @mm_body(%arg0: i32, %arg1: memref<2000x128xf32, #tpu.memory_space<vmem>>, %arg2: memref<128x128xf32, #tpu.memory_space<vmem>>, %arg3: memref<2000x128xf32, #tpu.memory_space<vmem>>) attributes {dimension_semantics = [#tpu.dimension_semantics<arbitrary>], iteration_bounds = array<i64: 5>, scalar_prefetch = 0 : i64, scratch_operands = 0 : i64, tpu.core_type = #tpu.core_type<tc>, window_params = [{transform_indices = @transform_0, window_bounds = array<i64: 2000, 128>}, {pipeline_mode = #tpu.pipeline_mode<synchronous>, transform_indices = @transform_1, window_bounds = array<i64: 128, 128>}, {transform_indices = @transform_2, window_bounds = array<i64: 2000, 128>}]} {
    %get3A = arith.constant 0 : index
    %get3A_0 = arith.constant 0 : index
    %get3A_1 = vector.load %arg1[%get3A, %get3A_0] : memref<2000x128xf32, #tpu.memory_space<vmem>>, vector<2000x128xf32>
    %get3A_2 = arith.constant 0 : index
    %get3A_3 = arith.constant 0 : index
    %get3A_4 = vector.load %arg2[%get3A_2, %get3A_3] : memref<128x128xf32, #tpu.memory_space<vmem>>, vector<128x128xf32>
    %dot_general3A = arith.constant dense<0.000000e+00> : vector<2000x128xf32>
    %dot_general3A_5 = tpu.matmul %get3A_1, %get3A_4, %dot_general3A {dimension_numbers = #tpu.dot_dimension_numbers<[1], [0], [0], [1], [0, 0, 1, 1], [], []>, transpose_lhs_hint = false} : vector<2000x128xf32>, vector<128x128xf32>, vector<2000x128xf32> -> vector<2000x128xf32>
    %swap3A = arith.constant 0 : index
    %swap3A_6 = arith.constant 0 : index
    %swap3A_7 = vector.load %arg3[%swap3A, %swap3A_6] : memref<2000x128xf32, #tpu.memory_space<vmem>>, vector<2000x128xf32>
    tpu.vector_store %arg3[%swap3A, %swap3A_6], %dot_general3A_5 {strides = array<i32>} : memref<2000x128xf32, #tpu.memory_space<vmem>>, vector<2000x128xf32>,
    return
  }
  func.func @transform_0(%arg0: i32) -> (i32, i32) {
    %c0_i32 = arith.constant 0 : i32
    %c0_i32_0 = arith.constant 0 : i32
    return %arg0, %c0_i32 : i32, i32
  }
  func.func @transform_1(%arg0: i32) -> (i32, i32) {
    %c0_i32 = arith.constant 0 : i32
    %c0_i32_0 = arith.constant 0 : i32
    %c0_i32_1 = arith.constant 0 : i32
    return %c0_i32, %c0_i32_0 : i32, i32
  }
  func.func @transform_2(%arg0: i32) -> (i32, i32) {
    %c0_i32 = arith.constant 0 : i32
    %c0_i32_0 = arith.constant 0 : i32
    return %arg0, %c0_i32 : i32, i32
  }
}

module attributes {stable_mosaic.version = 14 : i64} {
  func.func @add_body(%arg0: i32, %arg1: memref<1x2000x128xf32, #tpu.memory_space<vmem>>, %arg2: memref<1x2000x128xf32, #tpu.memory_space<vmem>>, %arg3: memref<2000x128xf32, #tpu.memory_space<vmem>>) attributes {dimension_semantics = [#tpu.dimension_semantics<arbitrary>], iteration_bounds = array<i64: 5>, scalar_prefetch = 0 : i64, scratch_operands = 0 : i64, tpu.core_type = #tpu.core_type<tc>, window_params = [{transform_indices = @transform_0, window_bounds = array<i64: 1, 2000, 128>}, {transform_indices = @transform_1, window_bounds = array<i64: 1, 2000, 128>}, {transform_indices = @transform_2, window_bounds = array<i64: 2000, 128>}]} {
    %get3A = arith.constant 0 : index
    %get3A_0 = arith.constant 0 : index
    %get3A_1 = arith.constant 0 : index
    %get3A_2 = vector.load %arg1[%get3A, %get3A_0, %get3A_1] : memref<1x2000x128xf32, #tpu.memory_space<vmem>>, vector<1x2000x128xf32>
    %get3A_3 = vector.shape_cast %get3A_2 : vector<1x2000x128xf32> to vector<2000x128xf32>
    %get3A_4 = arith.constant 0 : index
    %get3A_5 = arith.constant 0 : index
    %get3A_6 = arith.constant 0 : index
    %get3A_7 = vector.load %arg2[%get3A_4, %get3A_5, %get3A_6] : memref<1x2000x128xf32, #tpu.memory_space<vmem>>, vector<1x2000x128xf32>
    %get3A_8 = vector.shape_cast %get3A_7 : vector<1x2000x128xf32> to vector<2000x128xf32>
    %add3A = arith.addf %get3A_3, %get3A_8 : vector<2000x128xf32>
    %swap3A = arith.constant 0 : index
    %swap3A_9 = arith.constant 0 : index
    %swap3A_10 = vector.load %arg3[%swap3A, %swap3A_9] : memref<2000x128xf32, #tpu.memory_space<vmem>>, vector<2000x128xf32>
    tpu.vector_store %arg3[%swap3A, %swap3A_9], %add3A {strides = array<i32>} : memref<2000x128xf32, #tpu.memory_space<vmem>>, vector<2000x128xf32>,
    return
  }
  func.func @transform_0(%arg0: i32) -> (i32, i32, i32) {
    %c0_i32 = arith.constant 0 : i32
    %c0_i32_0 = arith.constant 0 : i32
    %c0_i32_1 = arith.constant 0 : i32
    return %c0_i32, %arg0, %c0_i32_0 : i32, i32, i32
  }
  func.func @transform_1(%arg0: i32) -> (i32, i32, i32) {
    %c1_i32 = arith.constant 1 : i32
    %c0_i32 = arith.constant 0 : i32
    %c0_i32_0 = arith.constant 0 : i32
    return %c1_i32, %arg0, %c0_i32 : i32, i32, i32
  }
  func.func @transform_2(%arg0: i32) -> (i32, i32) {
    %c0_i32 = arith.constant 0 : i32
    %c0_i32_0 = arith.constant 0 : i32
    return %arg0, %c0_i32 : i32, i32
  }
}

</mosaic_0001>

<sc_bundles>
// kernel: kernel.5.cloned.1.call-start
scs
__scs_entry_jumppad:
0x0: {  	(pc) =	sbr.rel $0x88, $3  }
0x1: {  	(tag) =	ssettag $0x0;
	lr =	simm.s32 $0x1  }
0x2: {  	[smem:$0x3F9E] =	sst lr;
	_ =	strace $0xD0000000  }
0x3: {  	_ = 	snop  }
0x4: {  	_ = 	snop  }
0x5: {  	_ = 	snop  }
0x6: {  	_ = 	snop  }
0x7: {  	_ = 	snop  }
__scs_overlays_trampoline_lowered:
0x8: {  	[smem:$0x3FAD] =	sst s0  }
0x9: {  	[smem:$0x3FAE] =	sst s1  }
0xa: {  	[smem:$0x3FAF] =	sst s2  }
0xb: {  	[smem:$0x3FB0] =	sst s3  }
0xc: {  	[smem:$0x3FB1] =	sst s4  }
0xd: {  	[smem:$0x3FB2] =	sst s5  }
0xe: {  	[smem:$0x3FB3] =	sst s6  }
0xf: {  	[smem:$0x3FB4] =	sst s7  }
0x10: {  	[smem:$0x3FB5] =	sst s8  }
0x11: {  	[smem:$0x3FB6] =	sst s9;
	s0 =	simm.s32 @!p0 $0x0  }
0x12: {  	s1 =	sld [smem:$0x3F9C];
	s0 =	simm.s32 @p0 $0x1  }
0x13: {  	[smem:$0x3FB7] =	sst s0;
	s0 =	simm.s32 @!p1 $0x0  }
0x14: {  	s2 =	sld [smem:$0x3F9B];
	s0 =	simm.s32 @p1 $0x1  }
0x15: {  	[smem:$0x3FB8] =	sst s0;
	s0 =	simm.s32 @!p2 $0x0  }
0x16: {  	s3 =	sld [smem:$0x3FDB];
	s0 =	simm.s32 @p2 $0x1  }
0x17: {  	s4 =	simm.s32 $0x1BF5;
	[smem:$0x3FBA] =	sst s0  }
0x18: {  	s0 =	sld [smem:$0x3F9D];
	_ =	swait.ge [sflag:s4], $0x0  }
0x19: {  	s7 =	sld [smem:$0x3F9E]  }
0x1a: {  	s8 =	sadd.s32 $0xFFFFE003, lr  }
0x1b: {  	s9 =	sadd.s32 $0xFFFFFEF7, lr;
	s5 =	simm.s32 $0xFFFFFFFF;
	p2 =	slt.u32 s8, $0xFFFFF086  }
0x1c: {  	p1 =	slt.u32 s9, $0xF7A;
	s5 =	simm.s32 @!p2 $0x0  }
0x1d: {  	s5 =	simm.s32 @p1 $0x1;
	p0 =	seq.s32 s7, s2  }
0x1e: {  	s7 =	smul.u32 @!p0 $0xF7A, s2;
	p2 =	seq.s32 @!p0 s5, $0x0  }
0x1f: {  	s9 =	smul.u32 $0xF7A, s1;
	s8 =	simm.s32 @!p0 $0x1BF5;
	p2 =	por !p2, p0  }
0x20: {  	[sflag:s8] =	ssyncset.s32 @!p0 $0xFFFFF086;
	s6 =	sadd.s32 @!p0 s3, s7;
	s7 =	simm.s32 @!p0 $0x108  }
0x21: {  	s3 =	sadd.s32 s3, s9;
	s6 =	sadd.s32 @!p0 $0x88, s6;
	s7 =	simm.s32 @p2 $0x1082  }
0x22: {  	[simem:s7], [sflag:s8] =	dma.local @!p0 [hbm:s6], $0xF7A  }
0x23: {  	s9 =	sor.u32 $0xD0000000, s2;
	s6 =	simm.s32 $0x108;
	_ =	swait.ge @!p0 [sflag:s8], $0x0  }
0x24: {  	s3 =	sadd.s32 $0x88, s3;
	s6 =	simm.s32 @!p1 $0x1082;
	[sflag:s4] =	ssyncset.s32 $0xFFFFF086  }
0x25: {  	[simem:s6], [sflag:s4] =	dma.local [hbm:s3], $0xF7A  }
0x26: {  	[smem:$0x3F9E] =	sst s1;
	(tag) =	ssettag s2;
	_ =	strace s9  }
0x27: {  	s1 =	sld [smem:$0x3FAE]  }
0x28: {  	s2 =	sld [smem:$0x3FAF]  }
0x29: {  	s4 =	sld [smem:$0x3FB1]  }
0x2a: {  	p0 =	seq.s32 s5, $0x0;
	s5 =	sld [smem:$0x3FB2]  }
0x2b: {  	s6 =	sld [smem:$0x3FB3]  }
0x2c: {  	s7 =	sld [smem:$0x3FB4]  }
0x2d: {  	s3 =	simm.s32 $0x108;
	s8 =	sld [smem:$0x3FB5]  }
0x2e: {  	s3 =	simm.s32 @!p0 $0x1082;
	s9 =	sld [smem:$0x3FB6]  }
0x2f: {  	lr =	sadd.s32 s0, s3;
	s0 =	sld [smem:$0x3FAD]  }
0x30: {  	s3 =	sld [smem:$0x3FB0]  }
0x31: {  	[smem:$0x3FB9] =	sst s10  }
0x32: {  	s10 =	sld [smem:$0x3FB7];
	_ =	sdelay $0x3  }
0x33: {  	p0 =	seq.s32 s10, $0x1;
	s10 =	sld [smem:$0x3FB9];
	_ =	sdelay $0x3  }
0x34: {  	[smem:$0x3FB9] =	sst s10  }
0x35: {  	s10 =	sld [smem:$0x3FB8];
	_ =	sdelay $0x3  }
0x36: {  	p1 =	seq.s32 s10, $0x1;
	s10 =	sld [smem:$0x3FB9];
	_ =	sdelay $0x3  }
0x37: {  	[smem:$0x3FB9] =	sst s10  }
0x38: {  	s10 =	sld [smem:$0x3FBA]  }
0x39: {  	_ = 	snop;
	(pc) =	sbr.ind lr, $3  }
0x3a: {  	_ = 	snop  }
0x3b: {  	_ = 	snop  }
0x3c: {  	p2 =	seq.s32 s10, $0x1;
	s10 =	sld [smem:$0x3FB9]  }
0x3d: {  	_ =	shalt  }
0x3e: {  	_ =	shalt  }
0x3f: {  	_ =	shalt  }
0x40: {  	_ =	shalt  }
0x41: {  	_ =	shalt  }
0x42: {  	_ =	shalt  }
0x43: {  	_ =	shalt  }
0x44: {  	_ =	shalt  }
0x45: {  	_ =	shalt  }
0x46: {  	_ =	shalt  }
0x47: {  	_ =	shalt  }
0x48: {  	_ =	shalt  }
0x49: {  	_ =	shalt  }
0x4a: {  	_ =	shalt  }
0x4b: {  	_ =	shalt  }
0x4c: {  	_ =	shalt  }
0x4d: {  	_ =	shalt  }
0x4e: {  	_ =	shalt  }
0x4f: {  	_ =	shalt  }
0x50: {  	_ =	shalt  }
0x51: {  	_ =	shalt  }
0x52: {  	_ =	shalt  }
0x53: {  	_ =	shalt  }
0x54: {  	_ =	shalt  }
0x55: {  	_ =	shalt  }
0x56: {  	_ =	shalt  }
0x57: {  	_ =	shalt  }
0x58: {  	_ =	shalt  }
0x59: {  	_ =	shalt  }
0x5a: {  	_ =	shalt  }
0x5b: {  	_ =	shalt  }
0x5c: {  	_ =	shalt  }
0x5d: {  	_ =	shalt  }
0x5e: {  	_ =	shalt  }
0x5f: {  	_ =	shalt  }
0x60: {  	_ =	shalt  }
0x61: {  	_ =	shalt  }
0x62: {  	_ =	shalt  }
0x63: {  	_ =	shalt  }
0x64: {  	_ =	shalt  }
0x65: {  	_ =	shalt  }
0x66: {  	_ =	shalt  }
0x67: {  	_ =	shalt  }
0x68: {  	_ =	shalt  }
0x69: {  	_ =	shalt  }
0x6a: {  	_ =	shalt  }
0x6b: {  	_ =	shalt  }
0x6c: {  	_ =	shalt  }
0x6d: {  	_ =	shalt  }
0x6e: {  	_ =	shalt  }
0x6f: {  	_ =	shalt  }
0x70: {  	_ =	shalt  }
0x71: {  	_ =	shalt  }
0x72: {  	_ =	shalt  }
0x73: {  	_ =	shalt  }
0x74: {  	_ =	shalt  }
0x75: {  	_ =	shalt  }
0x76: {  	_ =	shalt  }
0x77: {  	_ =	shalt  }
0x78: {  	_ =	shalt  }
0x79: {  	_ =	shalt  }
0x7a: {  	_ =	shalt  }
0x7b: {  	_ =	shalt  }
0x7c: {  	_ =	shalt  }
0x7d: {  	_ =	shalt  }
0x7e: {  	_ =	shalt  }
0x7f: {  	_ =	shalt  }
0x80: {  	_ =	shalt  }
0x81: {  	_ =	shalt  }
0x82: {  	_ =	shalt  }
0x83: {  	_ =	shalt  }
0x84: {  	_ =	shalt  }
0x85: {  	_ =	shalt  }
0x86: {  	_ =	shalt  }
0x87: {  	_ =	shalt  }
.Lfunc_end0:
.L_simem_size_0:
called_computation_lowered:
.L_overlay_start_0:
0x88: {  	s2 =	sld [smem:$0x3FD9]  }
0x89: {  	s3 =	sld [smem:$0x3FFE];
	_ =	sdelay $0x1  }
0x8a: {  	s1 =	srdreg.scid  }
0x8b: {  	s0 =	sand.u32 $0x1, s1  }
0x8c: {  	s17 =	sshll.u32 s0, $0xA;
	s2 =	sadd.s32 s3, s2  }
0x8d: {  	s2 =	sadd.s32 s2, s17  }
0x8e: {  	[smem:$0x3FC5] =	sst s2  }
0x8f: {  	_ = 	snop  }
0x90: {  	s2 =	sld [smem:$0x3FD0];
	(tm) =	ssettm $0x1  }
0x91: {  	s18 =	sld [smem:$0x3FFB];
	_ =	sdelay $0x3  }
0x92: {  	_ =	strace s18  }
0x93: {  	s3 =	sld [smem:$0x3FFC];
	_ =	sdelay $0x3  }
0x94: {  	_ =	strace s3  }
0x95: {  	s3 =	sld [smem:$0x3FFD];
	_ =	sdelay $0x3  }
0x96: {  	_ =	strace s3  }
0x97: {  	_ =	strace $0x8FFFFFFF  }
0x98: {  	s19 =	sld [smem:$0x3FDB];
	_ =	sdelay $0x1  }
0x99: {  	s4 =	simm.s32 $_scs_section_size  }
0x9a: {  	s5 =	simm.s32 $_size__tile_overlayer_lowered;
	s6 =	simm.s32 $_tile_overlayer_lowered  }
0x9b: {  	s22 =	simm.s32 $0x1BFF;
	s21 =	sshll.u32 s6, $0x1;
	s3 =	sadd.s32 s4, s19  }
0x9c: {  	s7 =	simm.s32 $0x0;
	s20 =	sshll.u32 s5, $0x1;
	s5 =	sadd.s32 s21, s3  }
0x9d: {  	[timem:s7], [sflag:s22] =	dma.local [hbm:s5], s20  }
0x9e: {  	_ =	swait.ge [sflag:s22], s20  }
0x9f: {  	s4 =	ssub.s32 $0x0, s20;
	[sflag:s22] =	ssyncset.done $0x0  }
0xa0: {  	[sflag:s22] =	ssyncadd.s32 s4;
	_ =	sdelay $0x1  }
0xa1: {  	s23 =	simm.s32 $0x1B8B  }
0xa2: {  	_ =	swait.ge [sflag:s23], $0x1  }
0xa3: {  	[sflag:s23] =	ssyncset.done $0x0  }
0xa4: {  	s25 =	simm.s32 $0x1B8E;
	s24 =	sld [smem:$0x3FFE];
	[sflag:s23] =	ssyncadd.s32 $0xFFFFFFFF  }
0xa5: {  	s26 =	simm.s32 $execute0_lowered;
	[smem:$0x3FD2] =	sst s25  }
0xa6: {  	s5 =	sshll.u32 s26, $0x1;
	_ =	strace $0x80000046;
	[dreg:$0x1] =	wrdreg $0xFFFFFFFF  }
0xa7: {  	s28 =	simm.s32 $_size_execute0_lowered;
	s3 =	sadd.s32 s3, s5;
	[dreg:$0x0] =	wrdreg $0x0  }
0xa8: {  	s5 =	sshll.u32 s28, $0x1;
	[dreg:$0x2] =	wrdreg s3  }
0xa9: {  	[dreg:$0x3] =	wrdreg s5  }
0xaa: {  	[dreg:$0x4] =	wrdreg $0xC0  }
0xab: {  	_ =	task [dreg:s7], $0x5FFFF  }
0xac: {  	[dreg:$0x1] =	wrdreg $0xFFFFFFFF  }
0xad: {  	[dreg:$0x0] =	wrdreg $0x60  }
0xae: {  	[dreg:$0x2] =	wrdreg s2  }
0xaf: {  	[dreg:$0x3] =	wrdreg s24  }
0xb0: {  	[dreg:$0x4] =	wrdreg $0xC0000  }
0xb1: {  	[dreg:$0x5] =	wrdreg $0x9  }
0xb2: {  	_ =	task.clear_ibuf [dreg:s7], $0x6FFFF;
	_ =	strace $0x90000046  }
0xb3: {  	s29 =	simm.s32 $0x9;
	_ =	strace $0x8000004B  }
0xb4: {  	_ =	swait.ge [sflag:s29], $0x1  }
0xb5: {  	[sflag:s29] =	ssyncadd.s32 $0xFFFFFFFF  }
0xb6: {  	_ =	strace $0x9000004B  }
0xb7: {  	_ =	sfence  }
0xb8: {  	s30 =	sld [smem:$0x0];
	_ =	sdelay $0x2  }
0xb9: {  	s31 =	sshll.u32 s1, $0xD;
	s1 =	sshrl.u32 s1, $0x2  }
0xba: {  	s3 =	sand.u32 $0x4000, s31;
	s1 =	sadd.s32 s1, s30  }
0xbb: {  	s0 =	sor.u32 s3, s0;
	s1 =	sshll.u32 s1, $0x11  }
0xbc: {  	s0 =	sor.u32 s1, s0  }
0xbd: {  	s0 =	sadd.s32 $0x8F2B, s0  }
0xbe: {  	[sflag:s0] =	ssyncadd.remote.s32 $0x1  }
0xbf: {  	_ =	sfence.sel $0xFFFF  }
0xc0: {  	[dreg:$0x0] =	wrdreg $0xFFFFFFFF;
	(pc) =	sbr.abs _section_cstart, $3  }
0xc1: {  	[dreg:$0x1] =	wrdreg $0xFFFFFFFF  }
0xc2: {  	_ =	task.clear_ibuf [dreg:s7], $0x2FFFF;
	_ =	strace $0x9FFFFFFF  }
0xc3: {  	(tm) =	ssettm $0x7FFFFFFF  }
tec
execute0_lowered:
.L_overlay_start_1:
0x0: {  	(tag) =	ssettag $0x1  }
0x1: {  	s0 =	srdreg.scid  }
0x2: {  	s18 =	stileid.u32;
	s4 =	rddreg [dreg:$0x1]  }
0x3: {  	s1 =	rddreg [dreg:$0x0];
	s0 =	sand.u32 $0x1, s0;
	s7 =	sadd.s32 $0x1200, s4  }
0x4: {  	s8 =	smul.u32 $0x14000, s18;
	s4 =	sadd.s32 $0x29200, s4;
	s2 =	sshll.u32 s0, $0x4  }
0x5: {  	s6 =	smul.u32 $0x140000, s0;
	s0 =	ssub.s32 $0x2, s0;
	s3 =	sor.u32 s18, s2  }
0x6: {  	s2 =	simm.s32 $0x0;
	s9 =	sshrl.u32 s0, $0x1;
	s10 =	sadd.s32 $0x8000, s8  }
0x7: {  	s11 =	sadd.s32 $0xA000, s8;
	s12 =	sadd.s32 $0xC000, s8;
	s14 =	sadd.s32 $0xE000, s8  }
0x8: {  	s15 =	sadd.s32 $0x10000, s8;
	s5 =	smul.u32 $0x5000, s3;
	[smem:$0x7FF] =	sst s2  }
0x9: {  	s3 =	smul.u32 $0xA00, s3;
	s0 =	ssub.s32 s0, s9;
	s20 =	sadd.s32 s6, s8  }
0xa: {  	s9 =	sadd.s32 $0x6000, s8;
	s17 =	sadd.s32 s6, s10;
	s25 =	sadd.s32 s6, s11  }
0xb: {  	s26 =	sadd.s32 s6, s12;
	s31 =	sadd.s32 s6, s14;
	s21 =	sshrl.u32 s20, $0x3  }
0xc: {  	s16 =	sadd.s32 s6, s9;
	s24 =	sshrl.u32 s17, $0x3;
	s17 =	sshrl.u32 s31, $0x3  }
0xd: {  	s5 =	sshrl.u32 s5, $0x3;
	s19 =	sadd.s32 s7, s3;
	s3 =	sadd.s32 s4, s21  }
0xe: {  	s16 =	sshrl.u32 s16, $0x3;
	[dreg:$0x5] =	wrdreg s3;
	s3 =	sor.u32 $0x2000, s8  }
0xf: {  	s5 =	sadd.s32 s7, s5;
	s7 =	sadd.s32 $0x4000, s8;
	s13 =	sadd.s32 s6, s3  }
0x10: {  	s23 =	sadd.s32 s4, s16;
	s16 =	sshrl.u32 s26, $0x3;
	s13 =	sshrl.u32 s13, $0x3  }
0x11: {  	s22 =	sadd.s32 s6, s7;
	[dreg:$0x8] =	wrdreg s23;
	s13 =	sadd.s32 s4, s13  }
0x12: {  	s16 =	sadd.s32 s4, s16;
	[dreg:$0x6] =	wrdreg s13;
	s13 =	sshrl.u32 s22, $0x3  }
0x13: {  	s20 =	sadd.s32 s6, s15;
	[dreg:$0xb] =	wrdreg s16;
	s13 =	sadd.s32 s4, s13  }
0x14: {  	s21 =	sshrl.u32 s20, $0x3;
	[dreg:$0x7] =	wrdreg s13;
	s13 =	sadd.s32 s4, s24  }
0x15: {  	s16 =	sadd.s32 s4, s21;
	[dreg:$0x9] =	wrdreg s13;
	s13 =	sshrl.u32 s25, $0x3  }
0x16: {  	s8 =	sadd.s32 $0x12000, s8;
	[dreg:$0xd] =	wrdreg s16;
	s13 =	sadd.s32 s4, s13  }
0x17: {  	s6 =	sadd.s32 s6, s8;
	[dreg:$0xa] =	wrdreg s13;
	s13 =	sadd.s32 s4, s17  }
0x18: {  	s6 =	sshrl.u32 s6, $0x3;
	[dreg:$0xc] =	wrdreg s13  }
0x19: {  	s4 =	sadd.s32 s4, s6;
	s13 =	rddreg [dreg:$0x2]  }
0x1a: {  	s22 =	sadd.s32 $0x14000, s5;
	[dreg:$0xe] =	wrdreg s4  }
0x1b: {  	s23 =	sadd.s32 $0x14100, s5;
	_ =	strace $0x80000047;
	[dreg:$0xf] =	wrdreg s22  }
0x1c: {  	s24 =	sadd.s32 $0x14200, s5;
	[dreg:$0x10] =	wrdreg s23  }
0x1d: {  	s25 =	sadd.s32 $0x200, s5;
	[dreg:$0x11] =	wrdreg s24  }
0x1e: {  	s26 =	sadd.s32 $0x14300, s5;
	[dreg:$0x12] =	wrdreg s25  }
0x1f: {  	s31 =	sadd.s32 $0x300, s5;
	[dreg:$0x13] =	wrdreg s26  }
0x20: {  	s6 =	sadd.s32 $0x14400, s5;
	[dreg:$0x14] =	wrdreg s31  }
0x21: {  	s16 =	sadd.s32 $0x400, s5;
	[dreg:$0x15] =	wrdreg s6  }
0x22: {  	s17 =	sadd.s32 $0x14500, s5;
	[dreg:$0x16] =	wrdreg s16  }
0x23: {  	s20 =	sadd.s32 $0x500, s5;
	[dreg:$0x17] =	wrdreg s17  }
0x24: {  	s21 =	sadd.s32 $0x14600, s5;
	[dreg:$0x18] =	wrdreg s20  }
0x25: {  	s0 =	smax.u32 s0, $0x1;
	[dreg:$0x19] =	wrdreg s21  }
0x26: {  	[smem:$0x7F3] =	sst s0  }
0x27: {  	s22 =	sadd.s32 $0x600, s5;
	[dreg:$0x4] =	wrdreg s19  }
0x28: {  	s23 =	sadd.s32 $0x14700, s5;
	[dreg:$0x1a] =	wrdreg s22  }
0x29: {  	s25 =	sadd.s32 $0x700, s5;
	[dreg:$0x1b] =	wrdreg s23  }
0x2a: {  	s28 =	simm.s32 $0x4000;
	s26 =	sadd.s32 $0x14800, s5;
	[dreg:$0x1c] =	wrdreg s25  }
0x2b: {  	s30 =	simm.s32 $0x6000;
	s31 =	sadd.s32 $0x800, s5;
	[dreg:$0x1d] =	wrdreg s26  }
0x2c: {  	s29 =	simm.s32 $0x0;
	s16 =	sadd.s32 $0x14900, s5;
	[dreg:$0x1e] =	wrdreg s31  }
0x2d: {  	s24 =	smul.u32 $0x50000, s18;
	s5 =	sadd.s32 $0x900, s5;
	[dreg:$0x1f] =	wrdreg s16  }
0x2e: {  	s17 =	sadd.s32 s3, s13;
	s18 =	sadd.s32 s7, s13;
	[smem:$0x7F1] =	sst s5  }
0x2f: {  	s20 =	sadd.s32 s9, s13;
	s21 =	sadd.s32 s10, s13;
	[smem:$0x7F4] =	sst s17  }
0x30: {  	s0 =	simm.s32 $0x1;
	s7 =	simm.s32 $0x4;
	[smem:$0x7F5] =	sst s18  }
0x31: {  	s9 =	simm.s32 $0x5;
	s6 =	simm.s32 $0xA;
	[smem:$0x7F6] =	sst s20  }
0x32: {  	[smem:$0x7F7] =	sst s21;
	s22 =	sadd.s32 s11, s13;
	s23 =	sadd.s32 s12, s13  }
0x33: {  	s25 =	sadd.s32 s15, s13;
	s26 =	sadd.s32 s8, s13;
	s31 =	sadd.s32 $0x100, s19  }
0x34: {  	s21 =	simm.s32 $0xB;
	s12 =	simm.s32 $0x8000;
	[smem:$0x7F8] =	sst s22  }
0x35: {  	s18 =	simm.s32 $0x3;
	s11 =	simm.s32 $0x6;
	[smem:$0x7F9] =	sst s23  }
0x36: {  	s15 =	simm.s32 $0x7;
	s17 =	simm.s32 $0x8;
	[smem:$0x7FB] =	sst s25  }
0x37: {  	s20 =	simm.s32 $0x1000;
	s4 =	sshrl.u32 s24, $0x2;
	[smem:$0x7FC] =	sst s26  }
0x38: {  	s24 =	sadd.s32 s14, s13;
	[smem:$0x7FD] =	sst s31;
	s22 =	simm.s32 $0x9  }
0x39: {  	s25 =	simm.s32 $0x2000;
	s4 =	sadd.s32 s4, s13;
	[smem:$0x7FA] =	sst s24  }
0x3a: {  	v0 =	vimm.f32 $0.0e+00;
	s24 =	simm.s32 $0x40;
	[smem:$0x7F2] =	sst s4;
	s4 =	simm.s32 $0x2  }
.LBB2_1:
0x3b: {  	_ =	strace $0x80000048;
	s31 =	simm.s32 $0x0;
	s5 =	simm.s32 $0x200  }
.LBB2_2:
0x3c: {  	p0 =	sne.s32 s5, $0x7E00;
	[tilespmem:s31+$0xA070] =	vst v0  }
0x3d: {  	[tilespmem:s31+$0xA000] =	vst v0  }
0x3e: {  	[tilespmem:s31+$0xA010] =	vst v0  }
.Ltmp0:
0x3f: {  	[tilespmem:s31+$0xA020] =	vst v0;
	(pc) =	sbr.rel @p0 .LBB2_2-.Ltmp0, $4  }
0x40: {  	[tilespmem:s31+$0xA030] =	vst v0  }
0x41: {  	[tilespmem:s31+$0xA040] =	vst v0  }
0x42: {  	[tilespmem:s31+$0xA050] =	vst v0  }
0x43: {  	[tilespmem:s31+$0xA060] =	vst v0;
	s31 =	sshra.s32 s5, $0x2;
	s5 =	sadd.s32 $0x200, s5  }
0x44: {  	[tilespmem:s31+$0xA070] =	vst v0  }
0x45: {  	[tilespmem:s31+$0xA000] =	vst v0  }
0x46: {  	[tilespmem:s31+$0xA010] =	vst v0  }
0x47: {  	[tilespmem:s31+$0xA020] =	vst v0  }
0x48: {  	[tilespmem:s31+$0xA030] =	vst v0  }
0x49: {  	[tilespmem:s31+$0xA040] =	vst v0  }
0x4a: {  	[tilespmem:s31+$0xA050] =	vst v0;
	s5 =	rddreg [dreg:$0xf]  }
0x4b: {  	[tilespmem:s31+$0xA060] =	vst v0;
	s26 =	rddreg [dreg:$0x4]  }
0x4c: {  	[tilespmem:s2], [sflag:$0x9] =	stream.linear.gather [hbm4b:s5+s2], $0x800, $0x200038;
	v63 =	vld [tilespmem:$0x0]  }
0x4d: {  	s31 =	sld [smem:$0x7F2]  }
0x4e: {  	[tilespmem:s20], [sflag:$0x9] =	stream.linear.gather [hbm4b:s26+s2], $0x800, $0x200038;
	v63 =	vld [tilespmem:$0x0]  }
0x4f: {  	s8 =	simm.s32 $0xA000  }
0x50: {  	[spmem:s31] =	stream.linear.scatter [tilespmem:s8], [sflag:$0xB], $0x2000, $0x200038;
	v63 =	vld [tilespmem:$0x0]  }
0x51: {  	_ =	swait.ge [sflag:s21], $0x2000  }
0x52: {  	s3 =	sld [smem:$0x7F4]  }
0x53: {  	[sflag:s21] =	ssyncset.done $0x0  }
0x54: {  	[sflag:s21] =	ssyncadd.s32 $0xFFFFE000  }
0x55: {  	[spmem:s3] =	stream.linear.scatter [tilespmem:s8], [sflag:$0xB], $0x2000, $0x200038;
	v63 =	vld [tilespmem:$0x0]  }
0x56: {  	_ =	swait.ge [sflag:s21], $0x2000  }
0x57: {  	s10 =	sld [smem:$0x7F5]  }
0x58: {  	[sflag:s21] =	ssyncset.done $0x0  }
0x59: {  	[sflag:s21] =	ssyncadd.s32 $0xFFFFE000  }
0x5a: {  	[spmem:s10] =	stream.linear.scatter [tilespmem:s8], [sflag:$0xB], $0x2000, $0x200038;
	v63 =	vld [tilespmem:$0x0]  }
0x5b: {  	_ =	swait.ge [sflag:s21], $0x2000  }
0x5c: {  	s14 =	sld [smem:$0x7F6]  }
0x5d: {  	[sflag:s21] =	ssyncset.done $0x0  }
0x5e: {  	[sflag:s21] =	ssyncadd.s32 $0xFFFFE000  }
0x5f: {  	[spmem:s14] =	stream.linear.scatter [tilespmem:s8], [sflag:$0xB], $0x2000, $0x200038;
	v63 =	vld [tilespmem:$0x0]  }
0x60: {  	_ =	swait.ge [sflag:s21], $0x2000  }
0x61: {  	s16 =	sld [smem:$0x7F7]  }
0x62: {  	[sflag:s21] =	ssyncset.done $0x0  }
0x63: {  	[sflag:s21] =	ssyncadd.s32 $0xFFFFE000  }
0x64: {  	[spmem:s16] =	stream.linear.scatter [tilespmem:s8], [sflag:$0xB], $0x2000, $0x200038;
	v63 =	vld [tilespmem:$0x0]  }
0x65: {  	_ =	swait.ge [sflag:s21], $0x2000  }
0x66: {  	s19 =	sld [smem:$0x7F8]  }
0x67: {  	[sflag:s21] =	ssyncset.done $0x0  }
0x68: {  	[sflag:s21] =	ssyncadd.s32 $0xFFFFE000  }
0x69: {  	[spmem:s19] =	stream.linear.scatter [tilespmem:s8], [sflag:$0xB], $0x2000, $0x200038;
	v63 =	vld [tilespmem:$0x0]  }
0x6a: {  	_ =	swait.ge [sflag:s21], $0x2000  }
0x6b: {  	s23 =	sld [smem:$0x7F9]  }
0x6c: {  	[sflag:s21] =	ssyncset.done $0x0  }
0x6d: {  	[sflag:s21] =	ssyncadd.s32 $0xFFFFE000  }
0x6e: {  	[spmem:s23] =	stream.linear.scatter [tilespmem:s8], [sflag:$0xB], $0x2000, $0x200038;
	v63 =	vld [tilespmem:$0x0]  }
0x6f: {  	_ =	swait.ge [sflag:s21], $0x2000  }
0x70: {  	s26 =	sld [smem:$0x7FA]  }
0x71: {  	[sflag:s21] =	ssyncset.done $0x0  }
0x72: {  	[sflag:s21] =	ssyncadd.s32 $0xFFFFE000  }
0x73: {  	[spmem:s26] =	stream.linear.scatter [tilespmem:s8], [sflag:$0xB], $0x2000, $0x200038;
	v63 =	vld [tilespmem:$0x0]  }
0x74: {  	_ =	swait.ge [sflag:s21], $0x2000  }
0x75: {  	s31 =	sld [smem:$0x7FB]  }
0x76: {  	[sflag:s21] =	ssyncset.done $0x0  }
0x77: {  	[sflag:s21] =	ssyncadd.s32 $0xFFFFE000  }
0x78: {  	[spmem:s31] =	stream.linear.scatter [tilespmem:s8], [sflag:$0xB], $0x2000, $0x200038;
	v63 =	vld [tilespmem:$0x0]  }
0x79: {  	_ =	swait.ge [sflag:s21], $0x2000  }
0x7a: {  	s3 =	sld [smem:$0x7FC]  }
0x7b: {  	[sflag:s21] =	ssyncset.done $0x0  }
0x7c: {  	[sflag:s21] =	ssyncadd.s32 $0xFFFFE000  }
0x7d: {  	[spmem:s3] =	stream.linear.scatter [tilespmem:s8], [sflag:$0xB], $0x2000, $0x200038;
	v63 =	vld [tilespmem:$0x0]  }
0x7e: {  	_ =	swait.ge [sflag:s21], $0x2000  }
0x7f: {  	[sflag:s21] =	ssyncset.done $0x0  }
0x80: {  	[sflag:s21] =	ssyncadd.s32 $0xFFFFE000  }
0x81: {  	[bflag:$0x0] =	sbarrier.arrive $0xFFFF  }
0x82: {  	_ =	strace $0x90000048  }
0x83: {  	_ =	strace $0x80000049  }
0x84: {  	_ =	swait.ge [sflag:s22], $0x800  }
0x85: {  	[sflag:s22] =	ssyncset.done $0x0  }
0x86: {  	[sflag:s22] =	ssyncadd.s32 $0xFFFFF800  }
0x87: {  	_ =	swait.ge [sflag:s22], $0x800  }
0x88: {  	[sflag:s22] =	ssyncset.done $0x0;
	s8 =	rddreg [dreg:$0x10]  }
0x89: {  	s3 =	simm.s32 $0x800;
	s10 =	sld [smem:$0x7FD];
	[sflag:s22] =	ssyncadd.s32 $0xFFFFF800  }
0x8a: {  	[tilespmem:s3], [sflag:$0xA] =	stream.linear.gather [hbm4b:s8+s2], $0x800, $0x200038;
	v63 =	vld [tilespmem:$0x0]  }
0x8b: {  	s8 =	simm.s32 $0x1800  }
0x8c: {  	[tilespmem:s8], [sflag:$0xA] =	stream.linear.gather [hbm4b:s10+s2], $0x800, $0x200038;
	v63 =	vld [tilespmem:$0x0]  }
0x8d: {  	_ = 	snop  }
0x8e: {  	[tilespmem:s25], [sflag:$0x1] =	stream.indirect.gather [hbm4b:s1+s24], $0x80, s2, s24, $0x2000b8;
	v63 =	vld [tilespmem:$0x0]  }
0x8f: {  	s14 =	simm.s32 $0x80  }
0x90: {  	[tilespmem:s28], [sflag:$0x2] =	stream.indirect.gather [hbm4b:s1+s24], $0x80, s14, s24, $0x2000b8;
	v63 =	vld [tilespmem:$0x0]  }
0x91: {  	s16 =	simm.s32 $0x100  }
0x92: {  	[tilespmem:s30], [sflag:$0x3] =	stream.indirect.gather [hbm4b:s1+s24], $0x80, s16, s24, $0x2000b8;
	v63 =	vld [tilespmem:$0x0]  }
0x93: {  	s19 =	simm.s32 $0x180  }
0x94: {  	[tilespmem:s12], [sflag:$0x4] =	stream.indirect.gather [hbm4b:s1+s24], $0x80, s19, s24, $0x2000b8;
	v63 =	vld [tilespmem:$0x0]  }
0x95: {  	_ =	swait.ge [sflag:s0], $0x2000  }
0x96: {  	[sflag:s0] =	ssyncset.done $0x0  }
0x97: {  	[sflag:s0] =	ssyncadd.s32 $0xFFFFE000  }
0x98: {  	[spmem:s13] =	stream.indirect.scatter.add.f32 [tilespmem:s25], [sflag:$0x5], $0x80, s20, s24, $0x2000b8;
	v63 =	vld [tilespmem:$0x0]  }
0x99: {  	_ =	swait.ge [sflag:s4], $0x2000  }
0x9a: {  	[sflag:s4] =	ssyncset.done $0x0  }
0x9b: {  	s23 =	simm.s32 $0x1080;
	[sflag:s4] =	ssyncadd.s32 $0xFFFFE000  }
0x9c: {  	[spmem:s13] =	stream.indirect.scatter.add.f32 [tilespmem:s28], [sflag:$0x6], $0x80, s23, s24, $0x2000b8;
	v63 =	vld [tilespmem:$0x0]  }
0x9d: {  	_ =	swait.ge [sflag:s18], $0x2000  }
0x9e: {  	[sflag:s18] =	ssyncset.done $0x0  }
0x9f: {  	s26 =	simm.s32 $0x1100;
	[sflag:s18] =	ssyncadd.s32 $0xFFFFE000  }
0xa0: {  	[spmem:s13] =	stream.indirect.scatter.add.f32 [tilespmem:s30], [sflag:$0x7], $0x80, s26, s24, $0x2000b8;
	v63 =	vld [tilespmem:$0x0]  }
0xa1: {  	_ =	swait.ge [sflag:s7], $0x2000  }
0xa2: {  	[sflag:s7] =	ssyncset.done $0x0  }
0xa3: {  	s31 =	simm.s32 $0x1180;
	[sflag:s7] =	ssyncadd.s32 $0xFFFFE000  }
0xa4: {  	[spmem:s13] =	stream.indirect.scatter.add.f32 [tilespmem:s12], [sflag:$0x8], $0x80, s31, s24, $0x2000b8;
	v63 =	vld [tilespmem:$0x0]  }
0xa5: {  	_ =	swait.ge [sflag:s9], $0x2000  }
0xa6: {  	[sflag:s9] =	ssyncset.done $0x0  }
0xa7: {  	s10 =	simm.s32 $0x200;
	[sflag:s9] =	ssyncadd.s32 $0xFFFFE000  }
0xa8: {  	[tilespmem:s25], [sflag:$0x1] =	stream.indirect.gather [hbm4b:s1+s24], $0x80, s10, s24, $0x2000b8;
	v63 =	vld [tilespmem:$0x0]  }
0xa9: {  	_ =	swait.ge [sflag:s11], $0x2000  }
0xaa: {  	[sflag:s11] =	ssyncset.done $0x0  }
0xab: {  	s19 =	simm.s32 $0x280;
	[sflag:s11] =	ssyncadd.s32 $0xFFFFE000  }
0xac: {  	[tilespmem:s28], [sflag:$0x2] =	stream.indirect.gather [hbm4b:s1+s24], $0x80, s19, s24, $0x2000b8;
	v63 =	vld [tilespmem:$0x0]  }
0xad: {  	_ =	swait.ge [sflag:s15], $0x2000  }
0xae: {  	[sflag:s15] =	ssyncset.done $0x0  }
0xaf: {  	s31 =	simm.s32 $0x300;
	[sflag:s15] =	ssyncadd.s32 $0xFFFFE000  }
0xb0: {  	[tilespmem:s30], [sflag:$0x3] =	stream.indirect.gather [hbm4b:s1+s24], $0x80, s31, s24, $0x2000b8;
	v63 =	vld [tilespmem:$0x0]  }
0xb1: {  	_ =	swait.ge [sflag:s17], $0x2000  }
0xb2: {  	[sflag:s17] =	ssyncset.done $0x0  }
0xb3: {  	s5 =	simm.s32 $0x380;
	[sflag:s17] =	ssyncadd.s32 $0xFFFFE000  }
0xb4: {  	[tilespmem:s12], [sflag:$0x4] =	stream.indirect.gather [hbm4b:s1+s24], $0x80, s5, s24, $0x2000b8;
	v63 =	vld [tilespmem:$0x0]  }
0xb5: {  	_ =	swait.ge [sflag:s0], $0x2000  }
0xb6: {  	[sflag:s0] =	ssyncset.done $0x0  }
0xb7: {  	s5 =	simm.s32 $0x1200;
	[sflag:s0] =	ssyncadd.s32 $0xFFFFE000  }
0xb8: {  	[spmem:s13] =	stream.indirect.scatter.add.f32 [tilespmem:s25], [sflag:$0x5], $0x80, s5, s24, $0x2000b8;
	v63 =	vld [tilespmem:$0x0]  }
0xb9: {  	_ =	swait.ge [sflag:s4], $0x2000  }
0xba: {  	[sflag:s4] =	ssyncset.done $0x0  }
0xbb: {  	s5 =	simm.s32 $0x1280;
	[sflag:s4] =	ssyncadd.s32 $0xFFFFE000  }
0xbc: {  	[spmem:s13] =	stream.indirect.scatter.add.f32 [tilespmem:s28], [sflag:$0x6], $0x80, s5, s24, $0x2000b8;
	v63 =	vld [tilespmem:$0x0]  }
0xbd: {  	_ =	swait.ge [sflag:s18], $0x2000  }
0xbe: {  	[sflag:s18] =	ssyncset.done $0x0  }
0xbf: {  	s5 =	simm.s32 $0x1300;
	[sflag:s18] =	ssyncadd.s32 $0xFFFFE000  }
0xc0: {  	[spmem:s13] =	stream.indirect.scatter.add.f32 [tilespmem:s30], [sflag:$0x7], $0x80, s5, s24, $0x2000b8;
	v63 =	vld [tilespmem:$0x0]  }
0xc1: {  	_ =	swait.ge [sflag:s7], $0x2000  }
0xc2: {  	[sflag:s7] =	ssyncset.done $0x0  }
0xc3: {  	s5 =	simm.s32 $0x1380;
	[sflag:s7] =	ssyncadd.s32 $0xFFFFE000  }
0xc4: {  	[spmem:s13] =	stream.indirect.scatter.add.f32 [tilespmem:s12], [sflag:$0x8], $0x80, s5, s24, $0x2000b8;
	v63 =	vld [tilespmem:$0x0]  }
0xc5: {  	_ =	swait.ge [sflag:s9], $0x2000  }
0xc6: {  	[sflag:s9] =	ssyncset.done $0x0  }
0xc7: {  	s5 =	simm.s32 $0x400;
	[sflag:s9] =	ssyncadd.s32 $0xFFFFE000  }
0xc8: {  	[tilespmem:s25], [sflag:$0x1] =	stream.indirect.gather [hbm4b:s1+s24], $0x80, s5, s24, $0x2000b8;
	v63 =	vld [tilespmem:$0x0]  }
0xc9: {  	_ =	swait.ge [sflag:s11], $0x2000  }
0xca: {  	[sflag:s11] =	ssyncset.done $0x0  }
0xcb: {  	s5 =	simm.s32 $0x480;
	[sflag:s11] =	ssyncadd.s32 $0xFFFFE000  }
0xcc: {  	[tilespmem:s28], [sflag:$0x2] =	stream.indirect.gather [hbm4b:s1+s24], $0x80, s5, s24, $0x2000b8;
	v63 =	vld [tilespmem:$0x0]  }
0xcd: {  	_ =	swait.ge [sflag:s15], $0x2000  }
0xce: {  	[sflag:s15] =	ssyncset.done $0x0  }
0xcf: {  	s5 =	simm.s32 $0x500;
	[sflag:s15] =	ssyncadd.s32 $0xFFFFE000  }
0xd0: {  	[tilespmem:s30], [sflag:$0x3] =	stream.indirect.gather [hbm4b:s1+s24], $0x80, s5, s24, $0x2000b8;
	v63 =	vld [tilespmem:$0x0]  }
0xd1: {  	_ =	swait.ge [sflag:s17], $0x2000  }
0xd2: {  	[sflag:s17] =	ssyncset.done $0x0  }
0xd3: {  	s5 =	simm.s32 $0x580;
	[sflag:s17] =	ssyncadd.s32 $0xFFFFE000  }
0xd4: {  	[tilespmem:s12], [sflag:$0x4] =	stream.indirect.gather [hbm4b:s1+s24], $0x80, s5, s24, $0x2000b8;
	v63 =	vld [tilespmem:$0x0]  }
0xd5: {  	_ =	swait.ge [sflag:s0], $0x2000  }
0xd6: {  	[sflag:s0] =	ssyncset.done $0x0  }
0xd7: {  	s5 =	simm.s32 $0x1400;
	[sflag:s0] =	ssyncadd.s32 $0xFFFFE000  }
0xd8: {  	[spmem:s13] =	stream.indirect.scatter.add.f32 [tilespmem:s25], [sflag:$0x5], $0x80, s5, s24, $0x2000b8;
	v63 =	vld [tilespmem:$0x0]  }
0xd9: {  	_ =	swait.ge [sflag:s4], $0x2000  }
0xda: {  	[sflag:s4] =	ssyncset.done $0x0  }
0xdb: {  	s5 =	simm.s32 $0x1480;
	[sflag:s4] =	ssyncadd.s32 $0xFFFFE000  }
0xdc: {  	[spmem:s13] =	stream.indirect.scatter.add.f32 [tilespmem:s28], [sflag:$0x6], $0x80, s5, s24, $0x2000b8;
	v63 =	vld [tilespmem:$0x0]  }
0xdd: {  	_ =	swait.ge [sflag:s18], $0x2000  }
0xde: {  	[sflag:s18] =	ssyncset.done $0x0  }
0xdf: {  	s5 =	simm.s32 $0x1500;
	[sflag:s18] =	ssyncadd.s32 $0xFFFFE000  }
0xe0: {  	[spmem:s13] =	stream.indirect.scatter.add.f32 [tilespmem:s30], [sflag:$0x7], $0x80, s5, s24, $0x2000b8;
	v63 =	vld [tilespmem:$0x0]  }
0xe1: {  	_ =	swait.ge [sflag:s7], $0x2000  }
0xe2: {  	[sflag:s7] =	ssyncset.done $0x0  }
0xe3: {  	s5 =	simm.s32 $0x1580;
	[sflag:s7] =	ssyncadd.s32 $0xFFFFE000  }
0xe4: {  	[spmem:s13] =	stream.indirect.scatter.add.f32 [tilespmem:s12], [sflag:$0x8], $0x80, s5, s24, $0x2000b8;
	v63 =	vld [tilespmem:$0x0]  }
0xe5: {  	_ =	swait.ge [sflag:s9], $0x2000  }
0xe6: {  	[sflag:s9] =	ssyncset.done $0x0  }
0xe7: {  	s5 =	simm.s32 $0x600;
	[sflag:s9] =	ssyncadd.s32 $0xFFFFE000  }
0xe8: {  	[tilespmem:s25], [sflag:$0x1] =	stream.indirect.gather [hbm4b:s1+s24], $0x80, s5, s24, $0x2000b8;
	v63 =	vld [tilespmem:$0x0]  }
0xe9: {  	_ =	swait.ge [sflag:s11], $0x2000  }
0xea: {  	[sflag:s11] =	ssyncset.done $0x0  }
0xeb: {  	s5 =	simm.s32 $0x680;
	[sflag:s11] =	ssyncadd.s32 $0xFFFFE000  }
0xec: {  	[tilespmem:s28], [sflag:$0x2] =	stream.indirect.gather [hbm4b:s1+s24], $0x80, s5, s24, $0x2000b8;
	v63 =	vld [tilespmem:$0x0]  }
0xed: {  	_ =	swait.ge [sflag:s15], $0x2000  }
0xee: {  	[sflag:s15] =	ssyncset.done $0x0  }
0xef: {  	s5 =	simm.s32 $0x700;
	[sflag:s15] =	ssyncadd.s32 $0xFFFFE000  }
0xf0: {  	[tilespmem:s30], [sflag:$0x3] =	stream.indirect.gather [hbm4b:s1+s24], $0x80, s5, s24, $0x2000b8;
	v63 =	vld [tilespmem:$0x0]  }
0xf1: {  	_ =	swait.ge [sflag:s17], $0x2000  }
0xf2: {  	[sflag:s17] =	ssyncset.done $0x0  }
0xf3: {  	s5 =	simm.s32 $0x780;
	[sflag:s17] =	ssyncadd.s32 $0xFFFFE000  }
0xf4: {  	[tilespmem:s12], [sflag:$0x4] =	stream.indirect.gather [hbm4b:s1+s24], $0x80, s5, s24, $0x2000b8;
	v63 =	vld [tilespmem:$0x0]  }
0xf5: {  	_ =	swait.ge [sflag:s0], $0x2000  }
0xf6: {  	[sflag:s0] =	ssyncset.done $0x0  }
0xf7: {  	s5 =	simm.s32 $0x1600;
	[sflag:s0] =	ssyncadd.s32 $0xFFFFE000  }
0xf8: {  	[spmem:s13] =	stream.indirect.scatter.add.f32 [tilespmem:s25], [sflag:$0x5], $0x80, s5, s24, $0x2000b8;
	v63 =	vld [tilespmem:$0x0]  }
0xf9: {  	_ =	swait.ge [sflag:s4], $0x2000  }
0xfa: {  	[sflag:s4] =	ssyncset.done $0x0  }
0xfb: {  	s5 =	simm.s32 $0x1680;
	[sflag:s4] =	ssyncadd.s32 $0xFFFFE000  }
0xfc: {  	[spmem:s13] =	stream.indirect.scatter.add.f32 [tilespmem:s28], [sflag:$0x6], $0x80, s5, s24, $0x2000b8;
	v63 =	vld [tilespmem:$0x0]  }
0xfd: {  	_ =	swait.ge [sflag:s18], $0x2000  }
0xfe: {  	[sflag:s18] =	ssyncset.done $0x0  }
0xff: {  	s5 =	simm.s32 $0x1700;
	[sflag:s18] =	ssyncadd.s32 $0xFFFFE000  }
0x100: {  	[spmem:s13] =	stream.indirect.scatter.add.f32 [tilespmem:s30], [sflag:$0x7], $0x80, s5, s24, $0x2000b8;
	v63 =	vld [tilespmem:$0x0]  }
0x101: {  	_ =	swait.ge [sflag:s7], $0x2000  }
0x102: {  	[sflag:s7] =	ssyncset.done $0x0  }
0x103: {  	s5 =	simm.s32 $0x1780;
	[sflag:s7] =	ssyncadd.s32 $0xFFFFE000  }
0x104: {  	[spmem:s13] =	stream.indirect.scatter.add.f32 [tilespmem:s12], [sflag:$0x8], $0x80, s5, s24, $0x2000b8;
	v63 =	vld [tilespmem:$0x0]  }
0x105: {  	_ =	swait.ge [sflag:s9], $0x2000  }
0x106: {  	[sflag:s9] =	ssyncset.done $0x0  }
0x107: {  	[sflag:s9] =	ssyncadd.s32 $0xFFFFE000  }
0x108: {  	_ =	swait.ge [sflag:s11], $0x2000  }
0x109: {  	[sflag:s11] =	ssyncset.done $0x0  }
0x10a: {  	[sflag:s11] =	ssyncadd.s32 $0xFFFFE000  }
0x10b: {  	_ =	swait.ge [sflag:s15], $0x2000  }
0x10c: {  	[sflag:s15] =	ssyncset.done $0x0  }
0x10d: {  	[sflag:s15] =	ssyncadd.s32 $0xFFFFE000  }
0x10e: {  	_ =	swait.ge [sflag:s17], $0x2000  }
0x10f: {  	[sflag:s17] =	ssyncset.done $0x0  }
0x110: {  	[sflag:s17] =	ssyncadd.s32 $0xFFFFE000  }
0x111: {  	_ =	swait.ge [sflag:s6], $0x800  }
0x112: {  	[sflag:s6] =	ssyncset.done $0x0  }
0x113: {  	[sflag:s6] =	ssyncadd.s32 $0xFFFFF800  }
0x114: {  	_ =	swait.ge [sflag:s6], $0x800  }
0x115: {  	[sflag:s6] =	ssyncset.done $0x0  }
0x116: {  	s5 =	rddreg [dreg:$0x11];
	[sflag:s6] =	ssyncadd.s32 $0xFFFFF800  }
0x117: {  	[tilespmem:s2], [sflag:$0x9] =	stream.linear.gather [hbm4b:s5+s2], $0x800, $0x200038;
	v63 =	vld [tilespmem:$0x0]  }
0x118: {  	s5 =	rddreg [dreg:$0x12]  }
0x119: {  	[tilespmem:s20], [sflag:$0x9] =	stream.linear.gather [hbm4b:s5+s2], $0x800, $0x200038;
	v63 =	vld [tilespmem:$0x0]  }
0x11a: {  	_ = 	snop  }
0x11b: {  	[tilespmem:s25], [sflag:$0x1] =	stream.indirect.gather [hbm4b:s1+s24], $0x80, s3, s24, $0x2000b8;
	v63 =	vld [tilespmem:$0x0]  }
0x11c: {  	s5 =	simm.s32 $0x880  }
0x11d: {  	[tilespmem:s28], [sflag:$0x2] =	stream.indirect.gather [hbm4b:s1+s24], $0x80, s5, s24, $0x2000b8;
	v63 =	vld [tilespmem:$0x0]  }
0x11e: {  	s5 =	simm.s32 $0x900  }
0x11f: {  	[tilespmem:s30], [sflag:$0x3] =	stream.indirect.gather [hbm4b:s1+s24], $0x80, s5, s24, $0x2000b8;
	v63 =	vld [tilespmem:$0x0]  }
0x120: {  	s5 =	simm.s32 $0x980  }
0x121: {  	[tilespmem:s12], [sflag:$0x4] =	stream.indirect.gather [hbm4b:s1+s24], $0x80, s5, s24, $0x2000b8;
	v63 =	vld [tilespmem:$0x0]  }
0x122: {  	_ =	swait.ge [sflag:s0], $0x2000  }
0x123: {  	[sflag:s0] =	ssyncset.done $0x0  }
0x124: {  	[sflag:s0] =	ssyncadd.s32 $0xFFFFE000  }
0x125: {  	[spmem:s13] =	stream.indirect.scatter.add.f32 [tilespmem:s25], [sflag:$0x5], $0x80, s8, s24, $0x2000b8;
	v63 =	vld [tilespmem:$0x0]  }
0x126: {  	_ =	swait.ge [sflag:s4], $0x2000  }
0x127: {  	[sflag:s4] =	ssyncset.done $0x0  }
0x128: {  	s5 =	simm.s32 $0x1880;
	[sflag:s4] =	ssyncadd.s32 $0xFFFFE000  }
0x129: {  	[spmem:s13] =	stream.indirect.scatter.add.f32 [tilespmem:s28], [sflag:$0x6], $0x80, s5, s24, $0x2000b8;
	v63 =	vld [tilespmem:$0x0]  }
0x12a: {  	_ =	swait.ge [sflag:s18], $0x2000  }
0x12b: {  	[sflag:s18] =	ssyncset.done $0x0  }
0x12c: {  	s5 =	simm.s32 $0x1900;
	[sflag:s18] =	ssyncadd.s32 $0xFFFFE000  }
0x12d: {  	[spmem:s13] =	stream.indirect.scatter.add.f32 [tilespmem:s30], [sflag:$0x7], $0x80, s5, s24, $0x2000b8;
	v63 =	vld [tilespmem:$0x0]  }
0x12e: {  	_ =	swait.ge [sflag:s7], $0x2000  }
0x12f: {  	[sflag:s7] =	ssyncset.done $0x0  }
0x130: {  	s5 =	simm.s32 $0x1980;
	[sflag:s7] =	ssyncadd.s32 $0xFFFFE000  }
0x131: {  	[spmem:s13] =	stream.indirect.scatter.add.f32 [tilespmem:s12], [sflag:$0x8], $0x80, s5, s24, $0x2000b8;
	v63 =	vld [tilespmem:$0x0]  }
0x132: {  	_ =	swait.ge [sflag:s9], $0x2000  }
0x133: {  	[sflag:s9] =	ssyncset.done $0x0  }
0x134: {  	s5 =	simm.s32 $0xA00;
	[sflag:s9] =	ssyncadd.s32 $0xFFFFE000  }
0x135: {  	[tilespmem:s25], [sflag:$0x1] =	stream.indirect.gather [hbm4b:s1+s24], $0x80, s5, s24, $0x2000b8;
	v63 =	vld [tilespmem:$0x0]  }
0x136: {  	_ =	swait.ge [sflag:s11], $0x2000  }
0x137: {  	[sflag:s11] =	ssyncset.done $0x0  }
0x138: {  	s5 =	simm.s32 $0xA80;
	[sflag:s11] =	ssyncadd.s32 $0xFFFFE000  }
0x139: {  	[tilespmem:s28], [sflag:$0x2] =	stream.indirect.gather [hbm4b:s1+s24], $0x80, s5, s24, $0x2000b8;
	v63 =	vld [tilespmem:$0x0]  }
0x13a: {  	_ =	swait.ge [sflag:s15], $0x2000  }
0x13b: {  	[sflag:s15] =	ssyncset.done $0x0  }
0x13c: {  	s5 =	simm.s32 $0xB00;
	[sflag:s15] =	ssyncadd.s32 $0xFFFFE000  }
0x13d: {  	[tilespmem:s30], [sflag:$0x3] =	stream.indirect.gather [hbm4b:s1+s24], $0x80, s5, s24, $0x2000b8;
	v63 =	vld [tilespmem:$0x0]  }
0x13e: {  	_ =	swait.ge [sflag:s17], $0x2000  }
0x13f: {  	[sflag:s17] =	ssyncset.done $0x0  }
0x140: {  	s5 =	simm.s32 $0xB80;
	[sflag:s17] =	ssyncadd.s32 $0xFFFFE000  }
0x141: {  	[tilespmem:s12], [sflag:$0x4] =	stream.indirect.gather [hbm4b:s1+s24], $0x80, s5, s24, $0x2000b8;
	v63 =	vld [tilespmem:$0x0]  }
0x142: {  	_ =	swait.ge [sflag:s0], $0x2000  }
0x143: {  	[sflag:s0] =	ssyncset.done $0x0  }
0x144: {  	s5 =	simm.s32 $0x1A00;
	[sflag:s0] =	ssyncadd.s32 $0xFFFFE000  }
0x145: {  	[spmem:s13] =	stream.indirect.scatter.add.f32 [tilespmem:s25], [sflag:$0x5], $0x80, s5, s24, $0x2000b8;
	v63 =	vld [tilespmem:$0x0]  }
0x146: {  	_ =	swait.ge [sflag:s4], $0x2000  }
0x147: {  	[sflag:s4] =	ssyncset.done $0x0  }
0x148: {  	s5 =	simm.s32 $0x1A80;
	[sflag:s4] =	ssyncadd.s32 $0xFFFFE000  }
0x149: {  	[spmem:s13] =	stream.indirect.scatter.add.f32 [tilespmem:s28], [sflag:$0x6], $0x80, s5, s24, $0x2000b8;
	v63 =	vld [tilespmem:$0x0]  }
0x14a: {  	_ =	swait.ge [sflag:s18], $0x2000  }
0x14b: {  	[sflag:s18] =	ssyncset.done $0x0  }
0x14c: {  	s5 =	simm.s32 $0x1B00;
	[sflag:s18] =	ssyncadd.s32 $0xFFFFE000  }
0x14d: {  	[spmem:s13] =	stream.indirect.scatter.add.f32 [tilespmem:s30], [sflag:$0x7], $0x80, s5, s24, $0x2000b8;
	v63 =	vld [tilespmem:$0x0]  }
0x14e: {  	_ =	swait.ge [sflag:s7], $0x2000  }
0x14f: {  	[sflag:s7] =	ssyncset.done $0x0  }
0x150: {  	s5 =	simm.s32 $0x1B80;
	[sflag:s7] =	ssyncadd.s32 $0xFFFFE000  }
0x151: {  	[spmem:s13] =	stream.indirect.scatter.add.f32 [tilespmem:s12], [sflag:$0x8], $0x80, s5, s24, $0x2000b8;
	v63 =	vld [tilespmem:$0x0]  }
0x152: {  	_ =	swait.ge [sflag:s9], $0x2000  }
0x153: {  	[sflag:s9] =	ssyncset.done $0x0  }
0x154: {  	s5 =	simm.s32 $0xC00;
	[sflag:s9] =	ssyncadd.s32 $0xFFFFE000  }
0x155: {  	[tilespmem:s25], [sflag:$0x1] =	stream.indirect.gather [hbm4b:s1+s24], $0x80, s5, s24, $0x2000b8;
	v63 =	vld [tilespmem:$0x0]  }
0x156: {  	_ =	swait.ge [sflag:s11], $0x2000  }
0x157: {  	[sflag:s11] =	ssyncset.done $0x0  }
0x158: {  	s5 =	simm.s32 $0xC80;
	[sflag:s11] =	ssyncadd.s32 $0xFFFFE000  }
0x159: {  	[tilespmem:s28], [sflag:$0x2] =	stream.indirect.gather [hbm4b:s1+s24], $0x80, s5, s24, $0x2000b8;
	v63 =	vld [tilespmem:$0x0]  }
0x15a: {  	_ =	swait.ge [sflag:s15], $0x2000  }
0x15b: {  	[sflag:s15] =	ssyncset.done $0x0  }
0x15c: {  	s5 =	simm.s32 $0xD00;
	[sflag:s15] =	ssyncadd.s32 $0xFFFFE000  }
0x15d: {  	[tilespmem:s30], [sflag:$0x3] =	stream.indirect.gather [hbm4b:s1+s24], $0x80, s5, s24, $0x2000b8;
	v63 =	vld [tilespmem:$0x0]  }
0x15e: {  	_ =	swait.ge [sflag:s17], $0x2000  }
0x15f: {  	[sflag:s17] =	ssyncset.done $0x0  }
0x160: {  	s5 =	simm.s32 $0xD80;
	[sflag:s17] =	ssyncadd.s32 $0xFFFFE000  }
0x161: {  	[tilespmem:s12], [sflag:$0x4] =	stream.indirect.gather [hbm4b:s1+s24], $0x80, s5, s24, $0x2000b8;
	v63 =	vld [tilespmem:$0x0]  }
0x162: {  	_ =	swait.ge [sflag:s0], $0x2000  }
0x163: {  	[sflag:s0] =	ssyncset.done $0x0  }
0x164: {  	s5 =	simm.s32 $0x1C00;
	[sflag:s0] =	ssyncadd.s32 $0xFFFFE000  }
0x165: {  	[spmem:s13] =	stream.indirect.scatter.add.f32 [tilespmem:s25], [sflag:$0x5], $0x80, s5, s24, $0x2000b8;
	v63 =	vld [tilespmem:$0x0]  }
0x166: {  	_ =	swait.ge [sflag:s4], $0x2000  }
0x167: {  	[sflag:s4] =	ssyncset.done $0x0  }
0x168: {  	s5 =	simm.s32 $0x1C80;
	[sflag:s4] =	ssyncadd.s32 $0xFFFFE000  }
0x169: {  	[spmem:s13] =	stream.indirect.scatter.add.f32 [tilespmem:s28], [sflag:$0x6], $0x80, s5, s24, $0x2000b8;
	v63 =	vld [tilespmem:$0x0]  }
0x16a: {  	_ =	swait.ge [sflag:s18], $0x2000  }
0x16b: {  	[sflag:s18] =	ssyncset.done $0x0  }
0x16c: {  	s5 =	simm.s32 $0x1D00;
	[sflag:s18] =	ssyncadd.s32 $0xFFFFE000  }
0x16d: {  	[spmem:s13] =	stream.indirect.scatter.add.f32 [tilespmem:s30], [sflag:$0x7], $0x80, s5, s24, $0x2000b8;
	v63 =	vld [tilespmem:$0x0]  }
0x16e: {  	_ =	swait.ge [sflag:s7], $0x2000  }
0x16f: {  	[sflag:s7] =	ssyncset.done $0x0  }
0x170: {  	s5 =	simm.s32 $0x1D80;
	[sflag:s7] =	ssyncadd.s32 $0xFFFFE000  }
0x171: {  	[spmem:s13] =	stream.indirect.scatter.add.f32 [tilespmem:s12], [sflag:$0x8], $0x80, s5, s24, $0x2000b8;
	v63 =	vld [tilespmem:$0x0]  }
0x172: {  	_ =	swait.ge [sflag:s9], $0x2000  }
0x173: {  	[sflag:s9] =	ssyncset.done $0x0  }
0x174: {  	s5 =	simm.s32 $0xE00;
	[sflag:s9] =	ssyncadd.s32 $0xFFFFE000  }
0x175: {  	[tilespmem:s25], [sflag:$0x1] =	stream.indirect.gather [hbm4b:s1+s24], $0x80, s5, s24, $0x2000b8;
	v63 =	vld [tilespmem:$0x0]  }
0x176: {  	_ =	swait.ge [sflag:s11], $0x2000  }
0x177: {  	[sflag:s11] =	ssyncset.done $0x0  }
0x178: {  	s5 =	simm.s32 $0xE80;
	[sflag:s11] =	ssyncadd.s32 $0xFFFFE000  }
0x179: {  	[tilespmem:s28], [sflag:$0x2] =	stream.indirect.gather [hbm4b:s1+s24], $0x80, s5, s24, $0x2000b8;
	v63 =	vld [tilespmem:$0x0]  }
0x17a: {  	_ =	swait.ge [sflag:s15], $0x2000  }
0x17b: {  	[sflag:s15] =	ssyncset.done $0x0  }
0x17c: {  	s5 =	simm.s32 $0xF00;
	[sflag:s15] =	ssyncadd.s32 $0xFFFFE000  }
0x17d: {  	[tilespmem:s30], [sflag:$0x3] =	stream.indirect.gather [hbm4b:s1+s24], $0x80, s5, s24, $0x2000b8;
	v63 =	vld [tilespmem:$0x0]  }
0x17e: {  	_ =	swait.ge [sflag:s17], $0x2000  }
0x17f: {  	[sflag:s17] =	ssyncset.done $0x0  }
0x180: {  	s5 =	simm.s32 $0xF80;
	[sflag:s17] =	ssyncadd.s32 $0xFFFFE000  }
0x181: {  	[tilespmem:s12], [sflag:$0x4] =	stream.indirect.gather [hbm4b:s1+s24], $0x80, s5, s24, $0x2000b8;
	v63 =	vld [tilespmem:$0x0]  }
0x182: {  	_ =	swait.ge [sflag:s0], $0x2000  }
0x183: {  	[sflag:s0] =	ssyncset.done $0x0  }
0x184: {  	s5 =	simm.s32 $0x1E00;
	[sflag:s0] =	ssyncadd.s32 $0xFFFFE000  }
0x185: {  	[spmem:s13] =	stream.indirect.scatter.add.f32 [tilespmem:s25], [sflag:$0x5], $0x80, s5, s24, $0x2000b8;
	v63 =	vld [tilespmem:$0x0]  }
0x186: {  	_ =	swait.ge [sflag:s4], $0x2000  }
0x187: {  	[sflag:s4] =	ssyncset.done $0x0  }
0x188: {  	s5 =	simm.s32 $0x1E80;
	[sflag:s4] =	ssyncadd.s32 $0xFFFFE000  }
0x189: {  	[spmem:s13] =	stream.indirect.scatter.add.f32 [tilespmem:s28], [sflag:$0x6], $0x80, s5, s24, $0x2000b8;
	v63 =	vld [tilespmem:$0x0]  }
0x18a: {  	_ =	swait.ge [sflag:s18], $0x2000  }
0x18b: {  	[sflag:s18] =	ssyncset.done $0x0  }
0x18c: {  	s5 =	simm.s32 $0x1F00;
	[sflag:s18] =	ssyncadd.s32 $0xFFFFE000  }
0x18d: {  	[spmem:s13] =	stream.indirect.scatter.add.f32 [tilespmem:s30], [sflag:$0x7], $0x80, s5, s24, $0x2000b8;
	v63 =	vld [tilespmem:$0x0]  }
0x18e: {  	_ =	swait.ge [sflag:s7], $0x2000  }
0x18f: {  	[sflag:s7] =	ssyncset.done $0x0  }
0x190: {  	s5 =	simm.s32 $0x1F80;
	[sflag:s7] =	ssyncadd.s32 $0xFFFFE000  }
0x191: {  	[spmem:s13] =	stream.indirect.scatter.add.f32 [tilespmem:s12], [sflag:$0x8], $0x80, s5, s24, $0x2000b8;
	v63 =	vld [tilespmem:$0x0]  }
0x192: {  	_ =	swait.ge [sflag:s9], $0x2000  }
0x193: {  	[sflag:s9] =	ssyncset.done $0x0  }
0x194: {  	[sflag:s9] =	ssyncadd.s32 $0xFFFFE000  }
0x195: {  	_ =	swait.ge [sflag:s11], $0x2000  }
0x196: {  	[sflag:s11] =	ssyncset.done $0x0  }
0x197: {  	[sflag:s11] =	ssyncadd.s32 $0xFFFFE000  }
0x198: {  	_ =	swait.ge [sflag:s15], $0x2000  }
0x199: {  	[sflag:s15] =	ssyncset.done $0x0  }
0x19a: {  	[sflag:s15] =	ssyncadd.s32 $0xFFFFE000  }
0x19b: {  	_ =	swait.ge [sflag:s17], $0x2000  }
0x19c: {  	[sflag:s17] =	ssyncset.done $0x0  }
0x19d: {  	[sflag:s17] =	ssyncadd.s32 $0xFFFFE000  }
0x19e: {  	_ =	swait.ge [sflag:s22], $0x800  }
0x19f: {  	[sflag:s22] =	ssyncset.done $0x0  }
0x1a0: {  	[sflag:s22] =	ssyncadd.s32 $0xFFFFF800  }
0x1a1: {  	_ =	swait.ge [sflag:s22], $0x800  }
0x1a2: {  	[sflag:s22] =	ssyncset.done $0x0  }
0x1a3: {  	s5 =	rddreg [dreg:$0x13];
	[sflag:s22] =	ssyncadd.s32 $0xFFFFF800  }
0x1a4: {  	[tilespmem:s3], [sflag:$0xA] =	stream.linear.gather [hbm4b:s5+s2], $0x800, $0x200038;
	v63 =	vld [tilespmem:$0x0]  }
0x1a5: {  	s5 =	rddreg [dreg:$0x14]  }
0x1a6: {  	[tilespmem:s8], [sflag:$0xA] =	stream.linear.gather [hbm4b:s5+s2], $0x800, $0x200038;
	v63 =	vld [tilespmem:$0x0]  }
0x1a7: {  	_ = 	snop  }
0x1a8: {  	[tilespmem:s25], [sflag:$0x1] =	stream.indirect.gather [hbm4b:s1+s24], $0x80, s2, s24, $0x2000b8;
	v63 =	vld [tilespmem:$0x0]  }
0x1a9: {  	s5 =	simm.s32 $0x80  }
0x1aa: {  	[tilespmem:s28], [sflag:$0x2] =	stream.indirect.gather [hbm4b:s1+s24], $0x80, s5, s24, $0x2000b8;
	v63 =	vld [tilespmem:$0x0]  }
0x1ab: {  	s5 =	simm.s32 $0x100  }
0x1ac: {  	[tilespmem:s30], [sflag:$0x3] =	stream.indirect.gather [hbm4b:s1+s24], $0x80, s5, s24, $0x2000b8;
	v63 =	vld [tilespmem:$0x0]  }
0x1ad: {  	s14 =	simm.s32 $0x180  }
0x1ae: {  	[tilespmem:s12], [sflag:$0x4] =	stream.indirect.gather [hbm4b:s1+s24], $0x80, s14, s24, $0x2000b8;
	v63 =	vld [tilespmem:$0x0]  }
0x1af: {  	_ =	swait.ge [sflag:s0], $0x2000  }
0x1b0: {  	[sflag:s0] =	ssyncset.done $0x0  }
0x1b1: {  	[sflag:s0] =	ssyncadd.s32 $0xFFFFE000  }
0x1b2: {  	[spmem:s13] =	stream.indirect.scatter.add.f32 [tilespmem:s25], [sflag:$0x5], $0x80, s20, s24, $0x2000b8;
	v63 =	vld [tilespmem:$0x0]  }
0x1b3: {  	_ =	swait.ge [sflag:s4], $0x2000  }
0x1b4: {  	[sflag:s4] =	ssyncset.done $0x0  }
0x1b5: {  	s16 =	simm.s32 $0x1080;
	[sflag:s4] =	ssyncadd.s32 $0xFFFFE000  }
0x1b6: {  	[spmem:s13] =	stream.indirect.scatter.add.f32 [tilespmem:s28], [sflag:$0x6], $0x80, s16, s24, $0x2000b8;
	v63 =	vld [tilespmem:$0x0]  }
0x1b7: {  	_ =	swait.ge [sflag:s18], $0x2000  }
0x1b8: {  	[sflag:s18] =	ssyncset.done $0x0  }
0x1b9: {  	s26 =	simm.s32 $0x1100;
	[sflag:s18] =	ssyncadd.s32 $0xFFFFE000  }
0x1ba: {  	[spmem:s13] =	stream.indirect.scatter.add.f32 [tilespmem:s30], [sflag:$0x7], $0x80, s26, s24, $0x2000b8;
	v63 =	vld [tilespmem:$0x0]  }
0x1bb: {  	_ =	swait.ge [sflag:s7], $0x2000  }
0x1bc: {  	[sflag:s7] =	ssyncset.done $0x0  }
0x1bd: {  	s23 =	simm.s32 $0x1180;
	[sflag:s7] =	ssyncadd.s32 $0xFFFFE000  }
0x1be: {  	[spmem:s13] =	stream.indirect.scatter.add.f32 [tilespmem:s12], [sflag:$0x8], $0x80, s23, s24, $0x2000b8;
	v63 =	vld [tilespmem:$0x0]  }
0x1bf: {  	_ =	swait.ge [sflag:s9], $0x2000  }
0x1c0: {  	[sflag:s9] =	ssyncset.done $0x0  }
0x1c1: {  	s10 =	simm.s32 $0x200;
	[sflag:s9] =	ssyncadd.s32 $0xFFFFE000  }
0x1c2: {  	[tilespmem:s25], [sflag:$0x1] =	stream.indirect.gather [hbm4b:s1+s24], $0x80, s10, s24, $0x2000b8;
	v63 =	vld [tilespmem:$0x0]  }
0x1c3: {  	_ =	swait.ge [sflag:s11], $0x2000  }
0x1c4: {  	[sflag:s11] =	ssyncset.done $0x0  }
0x1c5: {  	s19 =	simm.s32 $0x280;
	[sflag:s11] =	ssyncadd.s32 $0xFFFFE000  }
0x1c6: {  	[tilespmem:s28], [sflag:$0x2] =	stream.indirect.gather [hbm4b:s1+s24], $0x80, s19, s24, $0x2000b8;
	v63 =	vld [tilespmem:$0x0]  }
0x1c7: {  	_ =	swait.ge [sflag:s15], $0x2000  }
0x1c8: {  	[sflag:s15] =	ssyncset.done $0x0  }
0x1c9: {  	s31 =	simm.s32 $0x300;
	[sflag:s15] =	ssyncadd.s32 $0xFFFFE000  }
0x1ca: {  	[tilespmem:s30], [sflag:$0x3] =	stream.indirect.gather [hbm4b:s1+s24], $0x80, s31, s24, $0x2000b8;
	v63 =	vld [tilespmem:$0x0]  }
0x1cb: {  	_ =	swait.ge [sflag:s17], $0x2000  }
0x1cc: {  	[sflag:s17] =	ssyncset.done $0x0  }
0x1cd: {  	s5 =	simm.s32 $0x380;
	[sflag:s17] =	ssyncadd.s32 $0xFFFFE000  }
0x1ce: {  	[tilespmem:s12], [sflag:$0x4] =	stream.indirect.gather [hbm4b:s1+s24], $0x80, s5, s24, $0x2000b8;
	v63 =	vld [tilespmem:$0x0]  }
0x1cf: {  	_ =	swait.ge [sflag:s0], $0x2000  }
0x1d0: {  	[sflag:s0] =	ssyncset.done $0x0  }
0x1d1: {  	s5 =	simm.s32 $0x1200;
	[sflag:s0] =	ssyncadd.s32 $0xFFFFE000  }
0x1d2: {  	[spmem:s13] =	stream.indirect.scatter.add.f32 [tilespmem:s25], [sflag:$0x5], $0x80, s5, s24, $0x2000b8;
	v63 =	vld [tilespmem:$0x0]  }
0x1d3: {  	_ =	swait.ge [sflag:s4], $0x2000  }
0x1d4: {  	[sflag:s4] =	ssyncset.done $0x0  }
0x1d5: {  	s5 =	simm.s32 $0x1280;
	[sflag:s4] =	ssyncadd.s32 $0xFFFFE000  }
0x1d6: {  	[spmem:s13] =	stream.indirect.scatter.add.f32 [tilespmem:s28], [sflag:$0x6], $0x80, s5, s24, $0x2000b8;
	v63 =	vld [tilespmem:$0x0]  }
0x1d7: {  	_ =	swait.ge [sflag:s18], $0x2000  }
0x1d8: {  	[sflag:s18] =	ssyncset.done $0x0  }
0x1d9: {  	s5 =	simm.s32 $0x1300;
	[sflag:s18] =	ssyncadd.s32 $0xFFFFE000  }
0x1da: {  	[spmem:s13] =	stream.indirect.scatter.add.f32 [tilespmem:s30], [sflag:$0x7], $0x80, s5, s24, $0x2000b8;
	v63 =	vld [tilespmem:$0x0]  }
0x1db: {  	_ =	swait.ge [sflag:s7], $0x2000  }
0x1dc: {  	[sflag:s7] =	ssyncset.done $0x0  }
0x1dd: {  	s5 =	simm.s32 $0x1380;
	[sflag:s7] =	ssyncadd.s32 $0xFFFFE000  }
0x1de: {  	[spmem:s13] =	stream.indirect.scatter.add.f32 [tilespmem:s12], [sflag:$0x8], $0x80, s5, s24, $0x2000b8;
	v63 =	vld [tilespmem:$0x0]  }
0x1df: {  	_ =	swait.ge [sflag:s9], $0x2000  }
0x1e0: {  	[sflag:s9] =	ssyncset.done $0x0  }
0x1e1: {  	s5 =	simm.s32 $0x400;
	[sflag:s9] =	ssyncadd.s32 $0xFFFFE000  }
0x1e2: {  	[tilespmem:s25], [sflag:$0x1] =	stream.indirect.gather [hbm4b:s1+s24], $0x80, s5, s24, $0x2000b8;
	v63 =	vld [tilespmem:$0x0]  }
0x1e3: {  	_ =	swait.ge [sflag:s11], $0x2000  }
0x1e4: {  	[sflag:s11] =	ssyncset.done $0x0  }
0x1e5: {  	s5 =	simm.s32 $0x480;
	[sflag:s11] =	ssyncadd.s32 $0xFFFFE000  }
0x1e6: {  	[tilespmem:s28], [sflag:$0x2] =	stream.indirect.gather [hbm4b:s1+s24], $0x80, s5, s24, $0x2000b8;
	v63 =	vld [tilespmem:$0x0]  }
0x1e7: {  	_ =	swait.ge [sflag:s15], $0x2000  }
0x1e8: {  	[sflag:s15] =	ssyncset.done $0x0  }
0x1e9: {  	s5 =	simm.s32 $0x500;
	[sflag:s15] =	ssyncadd.s32 $0xFFFFE000  }
0x1ea: {  	[tilespmem:s30], [sflag:$0x3] =	stream.indirect.gather [hbm4b:s1+s24], $0x80, s5, s24, $0x2000b8;
	v63 =	vld [tilespmem:$0x0]  }
0x1eb: {  	_ =	swait.ge [sflag:s17], $0x2000  }
0x1ec: {  	[sflag:s17] =	ssyncset.done $0x0  }
0x1ed: {  	s5 =	simm.s32 $0x580;
	[sflag:s17] =	ssyncadd.s32 $0xFFFFE000  }
0x1ee: {  	[tilespmem:s12], [sflag:$0x4] =	stream.indirect.gather [hbm4b:s1+s24], $0x80, s5, s24, $0x2000b8;
	v63 =	vld [tilespmem:$0x0]  }
0x1ef: {  	_ =	swait.ge [sflag:s0], $0x2000  }
0x1f0: {  	[sflag:s0] =	ssyncset.done $0x0  }
0x1f1: {  	s5 =	simm.s32 $0x1400;
	[sflag:s0] =	ssyncadd.s32 $0xFFFFE000  }
0x1f2: {  	[spmem:s13] =	stream.indirect.scatter.add.f32 [tilespmem:s25], [sflag:$0x5], $0x80, s5, s24, $0x2000b8;
	v63 =	vld [tilespmem:$0x0]  }
0x1f3: {  	_ =	swait.ge [sflag:s4], $0x2000  }
0x1f4: {  	[sflag:s4] =	ssyncset.done $0x0  }
0x1f5: {  	s5 =	simm.s32 $0x1480;
	[sflag:s4] =	ssyncadd.s32 $0xFFFFE000  }
0x1f6: {  	[spmem:s13] =	stream.indirect.scatter.add.f32 [tilespmem:s28], [sflag:$0x6], $0x80, s5, s24, $0x2000b8;
	v63 =	vld [tilespmem:$0x0]  }
0x1f7: {  	_ =	swait.ge [sflag:s18], $0x2000  }
0x1f8: {  	[sflag:s18] =	ssyncset.done $0x0  }
0x1f9: {  	s5 =	simm.s32 $0x1500;
	[sflag:s18] =	ssyncadd.s32 $0xFFFFE000  }
0x1fa: {  	[spmem:s13] =	stream.indirect.scatter.add.f32 [tilespmem:s30], [sflag:$0x7], $0x80, s5, s24, $0x2000b8;
	v63 =	vld [tilespmem:$0x0]  }
0x1fb: {  	_ =	swait.ge [sflag:s7], $0x2000  }
0x1fc: {  	[sflag:s7] =	ssyncset.done $0x0  }
0x1fd: {  	s5 =	simm.s32 $0x1580;
	[sflag:s7] =	ssyncadd.s32 $0xFFFFE000  }
0x1fe: {  	[spmem:s13] =	stream.indirect.scatter.add.f32 [tilespmem:s12], [sflag:$0x8], $0x80, s5, s24, $0x2000b8;
	v63 =	vld [tilespmem:$0x0]  }
0x1ff: {  	_ =	swait.ge [sflag:s9], $0x2000  }
0x200: {  	[sflag:s9] =	ssyncset.done $0x0  }
0x201: {  	s5 =	simm.s32 $0x600;
	[sflag:s9] =	ssyncadd.s32 $0xFFFFE000  }
0x202: {  	[tilespmem:s25], [sflag:$0x1] =	stream.indirect.gather [hbm4b:s1+s24], $0x80, s5, s24, $0x2000b8;
	v63 =	vld [tilespmem:$0x0]  }
0x203: {  	_ =	swait.ge [sflag:s11], $0x2000  }
0x204: {  	[sflag:s11] =	ssyncset.done $0x0  }
0x205: {  	s5 =	simm.s32 $0x680;
	[sflag:s11] =	ssyncadd.s32 $0xFFFFE000  }
0x206: {  	[tilespmem:s28], [sflag:$0x2] =	stream.indirect.gather [hbm4b:s1+s24], $0x80, s5, s24, $0x2000b8;
	v63 =	vld [tilespmem:$0x0]  }
0x207: {  	_ =	swait.ge [sflag:s15], $0x2000  }
0x208: {  	[sflag:s15] =	ssyncset.done $0x0  }
0x209: {  	s5 =	simm.s32 $0x700;
	[sflag:s15] =	ssyncadd.s32 $0xFFFFE000  }
0x20a: {  	[tilespmem:s30], [sflag:$0x3] =	stream.indirect.gather [hbm4b:s1+s24], $0x80, s5, s24, $0x2000b8;
	v63 =	vld [tilespmem:$0x0]  }
0x20b: {  	_ =	swait.ge [sflag:s17], $0x2000  }
0x20c: {  	[sflag:s17] =	ssyncset.done $0x0  }
0x20d: {  	s5 =	simm.s32 $0x780;
	[sflag:s17] =	ssyncadd.s32 $0xFFFFE000  }
0x20e: {  	[tilespmem:s12], [sflag:$0x4] =	stream.indirect.gather [hbm4b:s1+s24], $0x80, s5, s24, $0x2000b8;
	v63 =	vld [tilespmem:$0x0]  }
0x20f: {  	_ =	swait.ge [sflag:s0], $0x2000  }
0x210: {  	[sflag:s0] =	ssyncset.done $0x0  }
0x211: {  	s5 =	simm.s32 $0x1600;
	[sflag:s0] =	ssyncadd.s32 $0xFFFFE000  }
0x212: {  	[spmem:s13] =	stream.indirect.scatter.add.f32 [tilespmem:s25], [sflag:$0x5], $0x80, s5, s24, $0x2000b8;
	v63 =	vld [tilespmem:$0x0]  }
0x213: {  	_ =	swait.ge [sflag:s4], $0x2000  }
0x214: {  	[sflag:s4] =	ssyncset.done $0x0  }
0x215: {  	s5 =	simm.s32 $0x1680;
	[sflag:s4] =	ssyncadd.s32 $0xFFFFE000  }
0x216: {  	[spmem:s13] =	stream.indirect.scatter.add.f32 [tilespmem:s28], [sflag:$0x6], $0x80, s5, s24, $0x2000b8;
	v63 =	vld [tilespmem:$0x0]  }
0x217: {  	_ =	swait.ge [sflag:s18], $0x2000  }
0x218: {  	[sflag:s18] =	ssyncset.done $0x0  }
0x219: {  	s5 =	simm.s32 $0x1700;
	[sflag:s18] =	ssyncadd.s32 $0xFFFFE000  }
0x21a: {  	[spmem:s13] =	stream.indirect.scatter.add.f32 [tilespmem:s30], [sflag:$0x7], $0x80, s5, s24, $0x2000b8;
	v63 =	vld [tilespmem:$0x0]  }
0x21b: {  	_ =	swait.ge [sflag:s7], $0x2000  }
0x21c: {  	[sflag:s7] =	ssyncset.done $0x0  }
0x21d: {  	s5 =	simm.s32 $0x1780;
	[sflag:s7] =	ssyncadd.s32 $0xFFFFE000  }
0x21e: {  	[spmem:s13] =	stream.indirect.scatter.add.f32 [tilespmem:s12], [sflag:$0x8], $0x80, s5, s24, $0x2000b8;
	v63 =	vld [tilespmem:$0x0]  }
0x21f: {  	_ =	swait.ge [sflag:s9], $0x2000  }
0x220: {  	[sflag:s9] =	ssyncset.done $0x0  }
0x221: {  	[sflag:s9] =	ssyncadd.s32 $0xFFFFE000  }
0x222: {  	_ =	swait.ge [sflag:s11], $0x2000  }
0x223: {  	[sflag:s11] =	ssyncset.done $0x0  }
0x224: {  	[sflag:s11] =	ssyncadd.s32 $0xFFFFE000  }
0x225: {  	_ =	swait.ge [sflag:s15], $0x2000  }
0x226: {  	[sflag:s15] =	ssyncset.done $0x0  }
0x227: {  	[sflag:s15] =	ssyncadd.s32 $0xFFFFE000  }
0x228: {  	_ =	swait.ge [sflag:s17], $0x2000  }
0x229: {  	[sflag:s17] =	ssyncset.done $0x0  }
0x22a: {  	[sflag:s17] =	ssyncadd.s32 $0xFFFFE000  }
0x22b: {  	_ =	swait.ge [sflag:s6], $0x800  }
0x22c: {  	[sflag:s6] =	ssyncset.done $0x0  }
0x22d: {  	[sflag:s6] =	ssyncadd.s32 $0xFFFFF800  }
0x22e: {  	_ =	swait.ge [sflag:s6], $0x800  }
0x22f: {  	[sflag:s6] =	ssyncset.done $0x0  }
0x230: {  	s5 =	rddreg [dreg:$0x15];
	[sflag:s6] =	ssyncadd.s32 $0xFFFFF800  }
0x231: {  	[tilespmem:s2], [sflag:$0x9] =	stream.linear.gather [hbm4b:s5+s2], $0x800, $0x200038;
	v63 =	vld [tilespmem:$0x0]  }
0x232: {  	s5 =	rddreg [dreg:$0x16]  }
0x233: {  	[tilespmem:s20], [sflag:$0x9] =	stream.linear.gather [hbm4b:s5+s2], $0x800, $0x200038;
	v63 =	vld [tilespmem:$0x0]  }
0x234: {  	_ = 	snop  }
0x235: {  	[tilespmem:s25], [sflag:$0x1] =	stream.indirect.gather [hbm4b:s1+s24], $0x80, s3, s24, $0x2000b8;
	v63 =	vld [tilespmem:$0x0]  }
0x236: {  	s5 =	simm.s32 $0x880  }
0x237: {  	[tilespmem:s28], [sflag:$0x2] =	stream.indirect.gather [hbm4b:s1+s24], $0x80, s5, s24, $0x2000b8;
	v63 =	vld [tilespmem:$0x0]  }
0x238: {  	s5 =	simm.s32 $0x900  }
0x239: {  	[tilespmem:s30], [sflag:$0x3] =	stream.indirect.gather [hbm4b:s1+s24], $0x80, s5, s24, $0x2000b8;
	v63 =	vld [tilespmem:$0x0]  }
0x23a: {  	s5 =	simm.s32 $0x980  }
0x23b: {  	[tilespmem:s12], [sflag:$0x4] =	stream.indirect.gather [hbm4b:s1+s24], $0x80, s5, s24, $0x2000b8;
	v63 =	vld [tilespmem:$0x0]  }
0x23c: {  	_ =	swait.ge [sflag:s0], $0x2000  }
0x23d: {  	[sflag:s0] =	ssyncset.done $0x0  }
0x23e: {  	[sflag:s0] =	ssyncadd.s32 $0xFFFFE000  }
0x23f: {  	[spmem:s13] =	stream.indirect.scatter.add.f32 [tilespmem:s25], [sflag:$0x5], $0x80, s8, s24, $0x2000b8;
	v63 =	vld [tilespmem:$0x0]  }
0x240: {  	_ =	swait.ge [sflag:s4], $0x2000  }
0x241: {  	[sflag:s4] =	ssyncset.done $0x0  }
0x242: {  	s5 =	simm.s32 $0x1880;
	[sflag:s4] =	ssyncadd.s32 $0xFFFFE000  }
0x243: {  	[spmem:s13] =	stream.indirect.scatter.add.f32 [tilespmem:s28], [sflag:$0x6], $0x80, s5, s24, $0x2000b8;
	v63 =	vld [tilespmem:$0x0]  }
0x244: {  	_ =	swait.ge [sflag:s18], $0x2000  }
0x245: {  	[sflag:s18] =	ssyncset.done $0x0  }
0x246: {  	s5 =	simm.s32 $0x1900;
	[sflag:s18] =	ssyncadd.s32 $0xFFFFE000  }
0x247: {  	[spmem:s13] =	stream.indirect.scatter.add.f32 [tilespmem:s30], [sflag:$0x7], $0x80, s5, s24, $0x2000b8;
	v63 =	vld [tilespmem:$0x0]  }
0x248: {  	_ =	swait.ge [sflag:s7], $0x2000  }
0x249: {  	[sflag:s7] =	ssyncset.done $0x0  }
0x24a: {  	s5 =	simm.s32 $0x1980;
	[sflag:s7] =	ssyncadd.s32 $0xFFFFE000  }
0x24b: {  	[spmem:s13] =	stream.indirect.scatter.add.f32 [tilespmem:s12], [sflag:$0x8], $0x80, s5, s24, $0x2000b8;
	v63 =	vld [tilespmem:$0x0]  }
0x24c: {  	_ =	swait.ge [sflag:s9], $0x2000  }
0x24d: {  	[sflag:s9] =	ssyncset.done $0x0  }
0x24e: {  	s5 =	simm.s32 $0xA00;
	[sflag:s9] =	ssyncadd.s32 $0xFFFFE000  }
0x24f: {  	[tilespmem:s25], [sflag:$0x1] =	stream.indirect.gather [hbm4b:s1+s24], $0x80, s5, s24, $0x2000b8;
	v63 =	vld [tilespmem:$0x0]  }
0x250: {  	_ =	swait.ge [sflag:s11], $0x2000  }
0x251: {  	[sflag:s11] =	ssyncset.done $0x0  }
0x252: {  	s5 =	simm.s32 $0xA80;
	[sflag:s11] =	ssyncadd.s32 $0xFFFFE000  }
0x253: {  	[tilespmem:s28], [sflag:$0x2] =	stream.indirect.gather [hbm4b:s1+s24], $0x80, s5, s24, $0x2000b8;
	v63 =	vld [tilespmem:$0x0]  }
0x254: {  	_ =	swait.ge [sflag:s15], $0x2000  }
0x255: {  	[sflag:s15] =	ssyncset.done $0x0  }
0x256: {  	s5 =	simm.s32 $0xB00;
	[sflag:s15] =	ssyncadd.s32 $0xFFFFE000  }
0x257: {  	[tilespmem:s30], [sflag:$0x3] =	stream.indirect.gather [hbm4b:s1+s24], $0x80, s5, s24, $0x2000b8;
	v63 =	vld [tilespmem:$0x0]  }
0x258: {  	_ =	swait.ge [sflag:s17], $0x2000  }
0x259: {  	[sflag:s17] =	ssyncset.done $0x0  }
0x25a: {  	s5 =	simm.s32 $0xB80;
	[sflag:s17] =	ssyncadd.s32 $0xFFFFE000  }
0x25b: {  	[tilespmem:s12], [sflag:$0x4] =	stream.indirect.gather [hbm4b:s1+s24], $0x80, s5, s24, $0x2000b8;
	v63 =	vld [tilespmem:$0x0]  }
0x25c: {  	_ =	swait.ge [sflag:s0], $0x2000  }
0x25d: {  	[sflag:s0] =	ssyncset.done $0x0  }
0x25e: {  	s5 =	simm.s32 $0x1A00;
	[sflag:s0] =	ssyncadd.s32 $0xFFFFE000  }
0x25f: {  	[spmem:s13] =	stream.indirect.scatter.add.f32 [tilespmem:s25], [sflag:$0x5], $0x80, s5, s24, $0x2000b8;
	v63 =	vld [tilespmem:$0x0]  }
0x260: {  	_ =	swait.ge [sflag:s4], $0x2000  }
0x261: {  	[sflag:s4] =	ssyncset.done $0x0  }
0x262: {  	s5 =	simm.s32 $0x1A80;
	[sflag:s4] =	ssyncadd.s32 $0xFFFFE000  }
0x263: {  	[spmem:s13] =	stream.indirect.scatter.add.f32 [tilespmem:s28], [sflag:$0x6], $0x80, s5, s24, $0x2000b8;
	v63 =	vld [tilespmem:$0x0]  }
0x264: {  	_ =	swait.ge [sflag:s18], $0x2000  }
0x265: {  	[sflag:s18] =	ssyncset.done $0x0  }
0x266: {  	s5 =	simm.s32 $0x1B00;
	[sflag:s18] =	ssyncadd.s32 $0xFFFFE000  }
0x267: {  	[spmem:s13] =	stream.indirect.scatter.add.f32 [tilespmem:s30], [sflag:$0x7], $0x80, s5, s24, $0x2000b8;
	v63 =	vld [tilespmem:$0x0]  }
0x268: {  	_ =	swait.ge [sflag:s7], $0x2000  }
0x269: {  	[sflag:s7] =	ssyncset.done $0x0  }
0x26a: {  	s5 =	simm.s32 $0x1B80;
	[sflag:s7] =	ssyncadd.s32 $0xFFFFE000  }
0x26b: {  	[spmem:s13] =	stream.indirect.scatter.add.f32 [tilespmem:s12], [sflag:$0x8], $0x80, s5, s24, $0x2000b8;
	v63 =	vld [tilespmem:$0x0]  }
0x26c: {  	_ =	swait.ge [sflag:s9], $0x2000  }
0x26d: {  	[sflag:s9] =	ssyncset.done $0x0  }
0x26e: {  	s5 =	simm.s32 $0xC00;
	[sflag:s9] =	ssyncadd.s32 $0xFFFFE000  }
0x26f: {  	[tilespmem:s25], [sflag:$0x1] =	stream.indirect.gather [hbm4b:s1+s24], $0x80, s5, s24, $0x2000b8;
	v63 =	vld [tilespmem:$0x0]  }
0x270: {  	_ =	swait.ge [sflag:s11], $0x2000  }
0x271: {  	[sflag:s11] =	ssyncset.done $0x0  }
0x272: {  	s5 =	simm.s32 $0xC80;
	[sflag:s11] =	ssyncadd.s32 $0xFFFFE000  }
0x273: {  	[tilespmem:s28], [sflag:$0x2] =	stream.indirect.gather [hbm4b:s1+s24], $0x80, s5, s24, $0x2000b8;
	v63 =	vld [tilespmem:$0x0]  }
0x274: {  	_ =	swait.ge [sflag:s15], $0x2000  }
0x275: {  	[sflag:s15] =	ssyncset.done $0x0  }
0x276: {  	s5 =	simm.s32 $0xD00;
	[sflag:s15] =	ssyncadd.s32 $0xFFFFE000  }
0x277: {  	[tilespmem:s30], [sflag:$0x3] =	stream.indirect.gather [hbm4b:s1+s24], $0x80, s5, s24, $0x2000b8;
	v63 =	vld [tilespmem:$0x0]  }
0x278: {  	_ =	swait.ge [sflag:s17], $0x2000  }
0x279: {  	[sflag:s17] =	ssyncset.done $0x0  }
0x27a: {  	s5 =	simm.s32 $0xD80;
	[sflag:s17] =	ssyncadd.s32 $0xFFFFE000  }
0x27b: {  	[tilespmem:s12], [sflag:$0x4] =	stream.indirect.gather [hbm4b:s1+s24], $0x80, s5, s24, $0x2000b8;
	v63 =	vld [tilespmem:$0x0]  }
0x27c: {  	_ =	swait.ge [sflag:s0], $0x2000  }
0x27d: {  	[sflag:s0] =	ssyncset.done $0x0  }
0x27e: {  	s5 =	simm.s32 $0x1C00;
	[sflag:s0] =	ssyncadd.s32 $0xFFFFE000  }
0x27f: {  	[spmem:s13] =	stream.indirect.scatter.add.f32 [tilespmem:s25], [sflag:$0x5], $0x80, s5, s24, $0x2000b8;
	v63 =	vld [tilespmem:$0x0]  }
0x280: {  	_ =	swait.ge [sflag:s4], $0x2000  }
0x281: {  	[sflag:s4] =	ssyncset.done $0x0  }
0x282: {  	s5 =	simm.s32 $0x1C80;
	[sflag:s4] =	ssyncadd.s32 $0xFFFFE000  }
0x283: {  	[spmem:s13] =	stream.indirect.scatter.add.f32 [tilespmem:s28], [sflag:$0x6], $0x80, s5, s24, $0x2000b8;
	v63 =	vld [tilespmem:$0x0]  }
0x284: {  	_ =	swait.ge [sflag:s18], $0x2000  }
0x285: {  	[sflag:s18] =	ssyncset.done $0x0  }
0x286: {  	s5 =	simm.s32 $0x1D00;
	[sflag:s18] =	ssyncadd.s32 $0xFFFFE000  }
0x287: {  	[spmem:s13] =	stream.indirect.scatter.add.f32 [tilespmem:s30], [sflag:$0x7], $0x80, s5, s24, $0x2000b8;
	v63 =	vld [tilespmem:$0x0]  }
0x288: {  	_ =	swait.ge [sflag:s7], $0x2000  }
0x289: {  	[sflag:s7] =	ssyncset.done $0x0  }
0x28a: {  	s5 =	simm.s32 $0x1D80;
	[sflag:s7] =	ssyncadd.s32 $0xFFFFE000  }
0x28b: {  	[spmem:s13] =	stream.indirect.scatter.add.f32 [tilespmem:s12], [sflag:$0x8], $0x80, s5, s24, $0x2000b8;
	v63 =	vld [tilespmem:$0x0]  }
0x28c: {  	_ =	swait.ge [sflag:s9], $0x2000  }
0x28d: {  	[sflag:s9] =	ssyncset.done $0x0  }
0x28e: {  	s5 =	simm.s32 $0xE00;
	[sflag:s9] =	ssyncadd.s32 $0xFFFFE000  }
0x28f: {  	[tilespmem:s25], [sflag:$0x1] =	stream.indirect.gather [hbm4b:s1+s24], $0x80, s5, s24, $0x2000b8;
	v63 =	vld [tilespmem:$0x0]  }
0x290: {  	_ =	swait.ge [sflag:s11], $0x2000  }
0x291: {  	[sflag:s11] =	ssyncset.done $0x0  }
0x292: {  	s5 =	simm.s32 $0xE80;
	[sflag:s11] =	ssyncadd.s32 $0xFFFFE000  }
0x293: {  	[tilespmem:s28], [sflag:$0x2] =	stream.indirect.gather [hbm4b:s1+s24], $0x80, s5, s24, $0x2000b8;
	v63 =	vld [tilespmem:$0x0]  }
0x294: {  	_ =	swait.ge [sflag:s15], $0x2000  }
0x295: {  	[sflag:s15] =	ssyncset.done $0x0  }
0x296: {  	s5 =	simm.s32 $0xF00;
	[sflag:s15] =	ssyncadd.s32 $0xFFFFE000  }
0x297: {  	[tilespmem:s30], [sflag:$0x3] =	stream.indirect.gather [hbm4b:s1+s24], $0x80, s5, s24, $0x2000b8;
	v63 =	vld [tilespmem:$0x0]  }
0x298: {  	_ =	swait.ge [sflag:s17], $0x2000  }
0x299: {  	[sflag:s17] =	ssyncset.done $0x0  }
0x29a: {  	s5 =	simm.s32 $0xF80;
	[sflag:s17] =	ssyncadd.s32 $0xFFFFE000  }
0x29b: {  	[tilespmem:s12], [sflag:$0x4] =	stream.indirect.gather [hbm4b:s1+s24], $0x80, s5, s24, $0x2000b8;
	v63 =	vld [tilespmem:$0x0]  }
0x29c: {  	_ =	swait.ge [sflag:s0], $0x2000  }
0x29d: {  	[sflag:s0] =	ssyncset.done $0x0  }
0x29e: {  	s5 =	simm.s32 $0x1E00;
	[sflag:s0] =	ssyncadd.s32 $0xFFFFE000  }
0x29f: {  	[spmem:s13] =	stream.indirect.scatter.add.f32 [tilespmem:s25], [sflag:$0x5], $0x80, s5, s24, $0x2000b8;
	v63 =	vld [tilespmem:$0x0]  }
0x2a0: {  	_ =	swait.ge [sflag:s4], $0x2000  }
0x2a1: {  	[sflag:s4] =	ssyncset.done $0x0  }
0x2a2: {  	s5 =	simm.s32 $0x1E80;
	[sflag:s4] =	ssyncadd.s32 $0xFFFFE000  }
0x2a3: {  	[spmem:s13] =	stream.indirect.scatter.add.f32 [tilespmem:s28], [sflag:$0x6], $0x80, s5, s24, $0x2000b8;
	v63 =	vld [tilespmem:$0x0]  }
0x2a4: {  	_ =	swait.ge [sflag:s18], $0x2000  }
0x2a5: {  	[sflag:s18] =	ssyncset.done $0x0  }
0x2a6: {  	s5 =	simm.s32 $0x1F00;
	[sflag:s18] =	ssyncadd.s32 $0xFFFFE000  }
0x2a7: {  	[spmem:s13] =	stream.indirect.scatter.add.f32 [tilespmem:s30], [sflag:$0x7], $0x80, s5, s24, $0x2000b8;
	v63 =	vld [tilespmem:$0x0]  }
0x2a8: {  	_ =	swait.ge [sflag:s7], $0x2000  }
0x2a9: {  	[sflag:s7] =	ssyncset.done $0x0  }
0x2aa: {  	s5 =	simm.s32 $0x1F80;
	[sflag:s7] =	ssyncadd.s32 $0xFFFFE000  }
0x2ab: {  	[spmem:s13] =	stream.indirect.scatter.add.f32 [tilespmem:s12], [sflag:$0x8], $0x80, s5, s24, $0x2000b8;
	v63 =	vld [tilespmem:$0x0]  }
0x2ac: {  	_ =	swait.ge [sflag:s9], $0x2000  }
0x2ad: {  	[sflag:s9] =	ssyncset.done $0x0  }
0x2ae: {  	[sflag:s9] =	ssyncadd.s32 $0xFFFFE000  }
0x2af: {  	_ =	swait.ge [sflag:s11], $0x2000  }
0x2b0: {  	[sflag:s11] =	ssyncset.done $0x0  }
0x2b1: {  	[sflag:s11] =	ssyncadd.s32 $0xFFFFE000  }
0x2b2: {  	_ =	swait.ge [sflag:s15], $0x2000  }
0x2b3: {  	[sflag:s15] =	ssyncset.done $0x0  }
0x2b4: {  	[sflag:s15] =	ssyncadd.s32 $0xFFFFE000  }
0x2b5: {  	_ =	swait.ge [sflag:s17], $0x2000  }
0x2b6: {  	[sflag:s17] =	ssyncset.done $0x0  }
0x2b7: {  	[sflag:s17] =	ssyncadd.s32 $0xFFFFE000  }
0x2b8: {  	_ =	swait.ge [sflag:s22], $0x800  }
0x2b9: {  	[sflag:s22] =	ssyncset.done $0x0  }
0x2ba: {  	[sflag:s22] =	ssyncadd.s32 $0xFFFFF800  }
0x2bb: {  	_ =	swait.ge [sflag:s22], $0x800  }
0x2bc: {  	[sflag:s22] =	ssyncset.done $0x0  }
0x2bd: {  	s5 =	rddreg [dreg:$0x17];
	[sflag:s22] =	ssyncadd.s32 $0xFFFFF800  }
0x2be: {  	[tilespmem:s3], [sflag:$0xA] =	stream.linear.gather [hbm4b:s5+s2], $0x800, $0x200038;
	v63 =	vld [tilespmem:$0x0]  }
0x2bf: {  	s5 =	rddreg [dreg:$0x18]  }
0x2c0: {  	[tilespmem:s8], [sflag:$0xA] =	stream.linear.gather [hbm4b:s5+s2], $0x800, $0x200038;
	v63 =	vld [tilespmem:$0x0]  }
0x2c1: {  	_ = 	snop  }
0x2c2: {  	[tilespmem:s25], [sflag:$0x1] =	stream.indirect.gather [hbm4b:s1+s24], $0x80, s2, s24, $0x2000b8;
	v63 =	vld [tilespmem:$0x0]  }
0x2c3: {  	s5 =	simm.s32 $0x80  }
0x2c4: {  	[tilespmem:s28], [sflag:$0x2] =	stream.indirect.gather [hbm4b:s1+s24], $0x80, s5, s24, $0x2000b8;
	v63 =	vld [tilespmem:$0x0]  }
0x2c5: {  	s5 =	simm.s32 $0x100  }
0x2c6: {  	[tilespmem:s30], [sflag:$0x3] =	stream.indirect.gather [hbm4b:s1+s24], $0x80, s5, s24, $0x2000b8;
	v63 =	vld [tilespmem:$0x0]  }
0x2c7: {  	s14 =	simm.s32 $0x180  }
0x2c8: {  	[tilespmem:s12], [sflag:$0x4] =	stream.indirect.gather [hbm4b:s1+s24], $0x80, s14, s24, $0x2000b8;
	v63 =	vld [tilespmem:$0x0]  }
0x2c9: {  	_ =	swait.ge [sflag:s0], $0x2000  }
0x2ca: {  	[sflag:s0] =	ssyncset.done $0x0  }
0x2cb: {  	[sflag:s0] =	ssyncadd.s32 $0xFFFFE000  }
0x2cc: {  	[spmem:s13] =	stream.indirect.scatter.add.f32 [tilespmem:s25], [sflag:$0x5], $0x80, s20, s24, $0x2000b8;
	v63 =	vld [tilespmem:$0x0]  }
0x2cd: {  	_ =	swait.ge [sflag:s4], $0x2000  }
0x2ce: {  	[sflag:s4] =	ssyncset.done $0x0  }
0x2cf: {  	s16 =	simm.s32 $0x1080;
	[sflag:s4] =	ssyncadd.s32 $0xFFFFE000  }
0x2d0: {  	[spmem:s13] =	stream.indirect.scatter.add.f32 [tilespmem:s28], [sflag:$0x6], $0x80, s16, s24, $0x2000b8;
	v63 =	vld [tilespmem:$0x0]  }
0x2d1: {  	_ =	swait.ge [sflag:s18], $0x2000  }
0x2d2: {  	[sflag:s18] =	ssyncset.done $0x0  }
0x2d3: {  	s26 =	simm.s32 $0x1100;
	[sflag:s18] =	ssyncadd.s32 $0xFFFFE000  }
0x2d4: {  	[spmem:s13] =	stream.indirect.scatter.add.f32 [tilespmem:s30], [sflag:$0x7], $0x80, s26, s24, $0x2000b8;
	v63 =	vld [tilespmem:$0x0]  }
0x2d5: {  	_ =	swait.ge [sflag:s7], $0x2000  }
0x2d6: {  	[sflag:s7] =	ssyncset.done $0x0  }
0x2d7: {  	s23 =	simm.s32 $0x1180;
	[sflag:s7] =	ssyncadd.s32 $0xFFFFE000  }
0x2d8: {  	[spmem:s13] =	stream.indirect.scatter.add.f32 [tilespmem:s12], [sflag:$0x8], $0x80, s23, s24, $0x2000b8;
	v63 =	vld [tilespmem:$0x0]  }
0x2d9: {  	_ =	swait.ge [sflag:s9], $0x2000  }
0x2da: {  	[sflag:s9] =	ssyncset.done $0x0  }
0x2db: {  	s10 =	simm.s32 $0x200;
	[sflag:s9] =	ssyncadd.s32 $0xFFFFE000  }
0x2dc: {  	[tilespmem:s25], [sflag:$0x1] =	stream.indirect.gather [hbm4b:s1+s24], $0x80, s10, s24, $0x2000b8;
	v63 =	vld [tilespmem:$0x0]  }
0x2dd: {  	_ =	swait.ge [sflag:s11], $0x2000  }
0x2de: {  	[sflag:s11] =	ssyncset.done $0x0  }
0x2df: {  	s19 =	simm.s32 $0x280;
	[sflag:s11] =	ssyncadd.s32 $0xFFFFE000  }
0x2e0: {  	[tilespmem:s28], [sflag:$0x2] =	stream.indirect.gather [hbm4b:s1+s24], $0x80, s19, s24, $0x2000b8;
	v63 =	vld [tilespmem:$0x0]  }
0x2e1: {  	_ =	swait.ge [sflag:s15], $0x2000  }
0x2e2: {  	[sflag:s15] =	ssyncset.done $0x0  }
0x2e3: {  	s31 =	simm.s32 $0x300;
	[sflag:s15] =	ssyncadd.s32 $0xFFFFE000  }
0x2e4: {  	[tilespmem:s30], [sflag:$0x3] =	stream.indirect.gather [hbm4b:s1+s24], $0x80, s31, s24, $0x2000b8;
	v63 =	vld [tilespmem:$0x0]  }
0x2e5: {  	_ =	swait.ge [sflag:s17], $0x2000  }
0x2e6: {  	[sflag:s17] =	ssyncset.done $0x0  }
0x2e7: {  	s16 =	simm.s32 $0x380;
	[sflag:s17] =	ssyncadd.s32 $0xFFFFE000  }
0x2e8: {  	[tilespmem:s12], [sflag:$0x4] =	stream.indirect.gather [hbm4b:s1+s24], $0x80, s16, s24, $0x2000b8;
	v63 =	vld [tilespmem:$0x0]  }
0x2e9: {  	_ =	swait.ge [sflag:s0], $0x2000  }
0x2ea: {  	[sflag:s0] =	ssyncset.done $0x0  }
0x2eb: {  	s19 =	simm.s32 $0x1200;
	[sflag:s0] =	ssyncadd.s32 $0xFFFFE000  }
0x2ec: {  	[spmem:s13] =	stream.indirect.scatter.add.f32 [tilespmem:s25], [sflag:$0x5], $0x80, s19, s24, $0x2000b8;
	v63 =	vld [tilespmem:$0x0]  }
0x2ed: {  	_ =	swait.ge [sflag:s4], $0x2000  }
0x2ee: {  	[sflag:s4] =	ssyncset.done $0x0  }
0x2ef: {  	s23 =	simm.s32 $0x1280;
	[sflag:s4] =	ssyncadd.s32 $0xFFFFE000  }
0x2f0: {  	[spmem:s13] =	stream.indirect.scatter.add.f32 [tilespmem:s28], [sflag:$0x6], $0x80, s23, s24, $0x2000b8;
	v63 =	vld [tilespmem:$0x0]  }
0x2f1: {  	_ =	swait.ge [sflag:s18], $0x2000  }
0x2f2: {  	[sflag:s18] =	ssyncset.done $0x0  }
0x2f3: {  	s31 =	simm.s32 $0x1300;
	[sflag:s18] =	ssyncadd.s32 $0xFFFFE000  }
0x2f4: {  	[spmem:s13] =	stream.indirect.scatter.add.f32 [tilespmem:s30], [sflag:$0x7], $0x80, s31, s24, $0x2000b8;
	v63 =	vld [tilespmem:$0x0]  }
0x2f5: {  	_ =	swait.ge [sflag:s7], $0x2000  }
0x2f6: {  	[sflag:s7] =	ssyncset.done $0x0  }
0x2f7: {  	s10 =	simm.s32 $0x1380;
	[sflag:s7] =	ssyncadd.s32 $0xFFFFE000  }
0x2f8: {  	[spmem:s13] =	stream.indirect.scatter.add.f32 [tilespmem:s12], [sflag:$0x8], $0x80, s10, s24, $0x2000b8;
	v63 =	vld [tilespmem:$0x0]  }
0x2f9: {  	_ =	swait.ge [sflag:s9], $0x2000  }
0x2fa: {  	[sflag:s9] =	ssyncset.done $0x0  }
0x2fb: {  	s14 =	simm.s32 $0x400;
	[sflag:s9] =	ssyncadd.s32 $0xFFFFE000  }
0x2fc: {  	[tilespmem:s25], [sflag:$0x1] =	stream.indirect.gather [hbm4b:s1+s24], $0x80, s14, s24, $0x2000b8;
	v63 =	vld [tilespmem:$0x0]  }
0x2fd: {  	_ =	swait.ge [sflag:s11], $0x2000  }
0x2fe: {  	[sflag:s11] =	ssyncset.done $0x0  }
0x2ff: {  	s16 =	simm.s32 $0x480;
	[sflag:s11] =	ssyncadd.s32 $0xFFFFE000  }
0x300: {  	[tilespmem:s28], [sflag:$0x2] =	stream.indirect.gather [hbm4b:s1+s24], $0x80, s16, s24, $0x2000b8;
	v63 =	vld [tilespmem:$0x0]  }
0x301: {  	_ =	swait.ge [sflag:s15], $0x2000  }
0x302: {  	[sflag:s15] =	ssyncset.done $0x0  }
0x303: {  	s19 =	simm.s32 $0x500;
	[sflag:s15] =	ssyncadd.s32 $0xFFFFE000  }
0x304: {  	[tilespmem:s30], [sflag:$0x3] =	stream.indirect.gather [hbm4b:s1+s24], $0x80, s19, s24, $0x2000b8;
	v63 =	vld [tilespmem:$0x0]  }
0x305: {  	_ =	swait.ge [sflag:s17], $0x2000  }
0x306: {  	[sflag:s17] =	ssyncset.done $0x0  }
0x307: {  	s23 =	simm.s32 $0x580;
	[sflag:s17] =	ssyncadd.s32 $0xFFFFE000  }
0x308: {  	[tilespmem:s12], [sflag:$0x4] =	stream.indirect.gather [hbm4b:s1+s24], $0x80, s23, s24, $0x2000b8;
	v63 =	vld [tilespmem:$0x0]  }
0x309: {  	_ =	swait.ge [sflag:s0], $0x2000  }
0x30a: {  	[sflag:s0] =	ssyncset.done $0x0  }
0x30b: {  	s31 =	simm.s32 $0x1400;
	[sflag:s0] =	ssyncadd.s32 $0xFFFFE000  }
0x30c: {  	[spmem:s13] =	stream.indirect.scatter.add.f32 [tilespmem:s25], [sflag:$0x5], $0x80, s31, s24, $0x2000b8;
	v63 =	vld [tilespmem:$0x0]  }
0x30d: {  	_ =	swait.ge [sflag:s4], $0x2000  }
0x30e: {  	[sflag:s4] =	ssyncset.done $0x0  }
0x30f: {  	s10 =	simm.s32 $0x1480;
	[sflag:s4] =	ssyncadd.s32 $0xFFFFE000  }
0x310: {  	[spmem:s13] =	stream.indirect.scatter.add.f32 [tilespmem:s28], [sflag:$0x6], $0x80, s10, s24, $0x2000b8;
	v63 =	vld [tilespmem:$0x0]  }
0x311: {  	_ =	swait.ge [sflag:s18], $0x2000  }
0x312: {  	[sflag:s18] =	ssyncset.done $0x0  }
0x313: {  	s14 =	simm.s32 $0x1500;
	[sflag:s18] =	ssyncadd.s32 $0xFFFFE000  }
0x314: {  	[spmem:s13] =	stream.indirect.scatter.add.f32 [tilespmem:s30], [sflag:$0x7], $0x80, s14, s24, $0x2000b8;
	v63 =	vld [tilespmem:$0x0]  }
0x315: {  	_ =	swait.ge [sflag:s7], $0x2000  }
0x316: {  	[sflag:s7] =	ssyncset.done $0x0  }
0x317: {  	s16 =	simm.s32 $0x1580;
	[sflag:s7] =	ssyncadd.s32 $0xFFFFE000  }
0x318: {  	[spmem:s13] =	stream.indirect.scatter.add.f32 [tilespmem:s12], [sflag:$0x8], $0x80, s16, s24, $0x2000b8;
	v63 =	vld [tilespmem:$0x0]  }
0x319: {  	_ =	swait.ge [sflag:s9], $0x2000  }
0x31a: {  	[sflag:s9] =	ssyncset.done $0x0  }
0x31b: {  	s19 =	simm.s32 $0x600;
	[sflag:s9] =	ssyncadd.s32 $0xFFFFE000  }
0x31c: {  	[tilespmem:s25], [sflag:$0x1] =	stream.indirect.gather [hbm4b:s1+s24], $0x80, s19, s24, $0x2000b8;
	v63 =	vld [tilespmem:$0x0]  }
0x31d: {  	_ =	swait.ge [sflag:s11], $0x2000  }
0x31e: {  	[sflag:s11] =	ssyncset.done $0x0  }
0x31f: {  	s23 =	simm.s32 $0x680;
	[sflag:s11] =	ssyncadd.s32 $0xFFFFE000  }
0x320: {  	[tilespmem:s28], [sflag:$0x2] =	stream.indirect.gather [hbm4b:s1+s24], $0x80, s23, s24, $0x2000b8;
	v63 =	vld [tilespmem:$0x0]  }
0x321: {  	_ =	swait.ge [sflag:s15], $0x2000  }
0x322: {  	[sflag:s15] =	ssyncset.done $0x0  }
0x323: {  	s31 =	simm.s32 $0x700;
	[sflag:s15] =	ssyncadd.s32 $0xFFFFE000  }
0x324: {  	[tilespmem:s30], [sflag:$0x3] =	stream.indirect.gather [hbm4b:s1+s24], $0x80, s31, s24, $0x2000b8;
	v63 =	vld [tilespmem:$0x0]  }
0x325: {  	_ =	swait.ge [sflag:s17], $0x2000  }
0x326: {  	[sflag:s17] =	ssyncset.done $0x0  }
0x327: {  	s10 =	simm.s32 $0x780;
	[sflag:s17] =	ssyncadd.s32 $0xFFFFE000  }
0x328: {  	[tilespmem:s12], [sflag:$0x4] =	stream.indirect.gather [hbm4b:s1+s24], $0x80, s10, s24, $0x2000b8;
	v63 =	vld [tilespmem:$0x0]  }
0x329: {  	_ =	swait.ge [sflag:s0], $0x2000  }
0x32a: {  	[sflag:s0] =	ssyncset.done $0x0  }
0x32b: {  	s14 =	simm.s32 $0x1600;
	[sflag:s0] =	ssyncadd.s32 $0xFFFFE000  }
0x32c: {  	[spmem:s13] =	stream.indirect.scatter.add.f32 [tilespmem:s25], [sflag:$0x5], $0x80, s14, s24, $0x2000b8;
	v63 =	vld [tilespmem:$0x0]  }
0x32d: {  	_ =	swait.ge [sflag:s4], $0x2000  }
0x32e: {  	[sflag:s4] =	ssyncset.done $0x0  }
0x32f: {  	s16 =	simm.s32 $0x1680;
	[sflag:s4] =	ssyncadd.s32 $0xFFFFE000  }
0x330: {  	[spmem:s13] =	stream.indirect.scatter.add.f32 [tilespmem:s28], [sflag:$0x6], $0x80, s16, s24, $0x2000b8;
	v63 =	vld [tilespmem:$0x0]  }
0x331: {  	_ =	swait.ge [sflag:s18], $0x2000  }
0x332: {  	[sflag:s18] =	ssyncset.done $0x0  }
0x333: {  	s19 =	simm.s32 $0x1700;
	[sflag:s18] =	ssyncadd.s32 $0xFFFFE000  }
0x334: {  	[spmem:s13] =	stream.indirect.scatter.add.f32 [tilespmem:s30], [sflag:$0x7], $0x80, s19, s24, $0x2000b8;
	v63 =	vld [tilespmem:$0x0]  }
0x335: {  	_ =	swait.ge [sflag:s7], $0x2000  }
0x336: {  	[sflag:s7] =	ssyncset.done $0x0  }
0x337: {  	s23 =	simm.s32 $0x1780;
	[sflag:s7] =	ssyncadd.s32 $0xFFFFE000  }
0x338: {  	[spmem:s13] =	stream.indirect.scatter.add.f32 [tilespmem:s12], [sflag:$0x8], $0x80, s23, s24, $0x2000b8;
	v63 =	vld [tilespmem:$0x0]  }
0x339: {  	_ =	swait.ge [sflag:s9], $0x2000  }
0x33a: {  	[sflag:s9] =	ssyncset.done $0x0  }
0x33b: {  	[sflag:s9] =	ssyncadd.s32 $0xFFFFE000  }
0x33c: {  	_ =	swait.ge [sflag:s11], $0x2000  }
0x33d: {  	[sflag:s11] =	ssyncset.done $0x0  }
0x33e: {  	[sflag:s11] =	ssyncadd.s32 $0xFFFFE000  }
0x33f: {  	_ =	swait.ge [sflag:s15], $0x2000  }
0x340: {  	[sflag:s15] =	ssyncset.done $0x0  }
0x341: {  	[sflag:s15] =	ssyncadd.s32 $0xFFFFE000  }
0x342: {  	_ =	swait.ge [sflag:s17], $0x2000  }
0x343: {  	[sflag:s17] =	ssyncset.done $0x0  }
0x344: {  	[sflag:s17] =	ssyncadd.s32 $0xFFFFE000  }
0x345: {  	_ =	swait.ge [sflag:s6], $0x800  }
0x346: {  	[sflag:s6] =	ssyncset.done $0x0  }
0x347: {  	[sflag:s6] =	ssyncadd.s32 $0xFFFFF800  }
0x348: {  	_ =	swait.ge [sflag:s6], $0x800  }
0x349: {  	[sflag:s6] =	ssyncset.done $0x0  }
0x34a: {  	s31 =	rddreg [dreg:$0x19];
	[sflag:s6] =	ssyncadd.s32 $0xFFFFF800  }
0x34b: {  	[tilespmem:s2], [sflag:$0x9] =	stream.linear.gather [hbm4b:s31+s2], $0x800, $0x200038;
	v63 =	vld [tilespmem:$0x0]  }
0x34c: {  	s10 =	rddreg [dreg:$0x1a]  }
0x34d: {  	[tilespmem:s20], [sflag:$0x9] =	stream.linear.gather [hbm4b:s10+s2], $0x800, $0x200038;
	v63 =	vld [tilespmem:$0x0]  }
0x34e: {  	_ = 	snop  }
0x34f: {  	[tilespmem:s25], [sflag:$0x1] =	stream.indirect.gather [hbm4b:s1+s24], $0x80, s3, s24, $0x2000b8;
	v63 =	vld [tilespmem:$0x0]  }
0x350: {  	s14 =	simm.s32 $0x880  }
0x351: {  	[tilespmem:s28], [sflag:$0x2] =	stream.indirect.gather [hbm4b:s1+s24], $0x80, s14, s24, $0x2000b8;
	v63 =	vld [tilespmem:$0x0]  }
0x352: {  	s16 =	simm.s32 $0x900  }
0x353: {  	[tilespmem:s30], [sflag:$0x3] =	stream.indirect.gather [hbm4b:s1+s24], $0x80, s16, s24, $0x2000b8;
	v63 =	vld [tilespmem:$0x0]  }
0x354: {  	s19 =	simm.s32 $0x980  }
0x355: {  	[tilespmem:s12], [sflag:$0x4] =	stream.indirect.gather [hbm4b:s1+s24], $0x80, s19, s24, $0x2000b8;
	v63 =	vld [tilespmem:$0x0]  }
0x356: {  	_ =	swait.ge [sflag:s0], $0x2000  }
0x357: {  	[sflag:s0] =	ssyncset.done $0x0  }
0x358: {  	[sflag:s0] =	ssyncadd.s32 $0xFFFFE000  }
0x359: {  	[spmem:s13] =	stream.indirect.scatter.add.f32 [tilespmem:s25], [sflag:$0x5], $0x80, s8, s24, $0x2000b8;
	v63 =	vld [tilespmem:$0x0]  }
0x35a: {  	_ =	swait.ge [sflag:s4], $0x2000  }
0x35b: {  	[sflag:s4] =	ssyncset.done $0x0  }
0x35c: {  	s23 =	simm.s32 $0x1880;
	[sflag:s4] =	ssyncadd.s32 $0xFFFFE000  }
0x35d: {  	[spmem:s13] =	stream.indirect.scatter.add.f32 [tilespmem:s28], [sflag:$0x6], $0x80, s23, s24, $0x2000b8;
	v63 =	vld [tilespmem:$0x0]  }
0x35e: {  	_ =	swait.ge [sflag:s18], $0x2000  }
0x35f: {  	[sflag:s18] =	ssyncset.done $0x0  }
0x360: {  	s31 =	simm.s32 $0x1900;
	[sflag:s18] =	ssyncadd.s32 $0xFFFFE000  }
0x361: {  	[spmem:s13] =	stream.indirect.scatter.add.f32 [tilespmem:s30], [sflag:$0x7], $0x80, s31, s24, $0x2000b8;
	v63 =	vld [tilespmem:$0x0]  }
0x362: {  	_ =	swait.ge [sflag:s7], $0x2000  }
0x363: {  	[sflag:s7] =	ssyncset.done $0x0  }
0x364: {  	s10 =	simm.s32 $0x1980;
	[sflag:s7] =	ssyncadd.s32 $0xFFFFE000  }
0x365: {  	[spmem:s13] =	stream.indirect.scatter.add.f32 [tilespmem:s12], [sflag:$0x8], $0x80, s10, s24, $0x2000b8;
	v63 =	vld [tilespmem:$0x0]  }
0x366: {  	_ =	swait.ge [sflag:s9], $0x2000  }
0x367: {  	[sflag:s9] =	ssyncset.done $0x0  }
0x368: {  	s14 =	simm.s32 $0xA00;
	[sflag:s9] =	ssyncadd.s32 $0xFFFFE000  }
0x369: {  	[tilespmem:s25], [sflag:$0x1] =	stream.indirect.gather [hbm4b:s1+s24], $0x80, s14, s24, $0x2000b8;
	v63 =	vld [tilespmem:$0x0]  }
0x36a: {  	_ =	swait.ge [sflag:s11], $0x2000  }
0x36b: {  	[sflag:s11] =	ssyncset.done $0x0  }
0x36c: {  	s16 =	simm.s32 $0xA80;
	[sflag:s11] =	ssyncadd.s32 $0xFFFFE000  }
0x36d: {  	[tilespmem:s28], [sflag:$0x2] =	stream.indirect.gather [hbm4b:s1+s24], $0x80, s16, s24, $0x2000b8;
	v63 =	vld [tilespmem:$0x0]  }
0x36e: {  	_ =	swait.ge [sflag:s15], $0x2000  }
0x36f: {  	[sflag:s15] =	ssyncset.done $0x0  }
0x370: {  	s19 =	simm.s32 $0xB00;
	[sflag:s15] =	ssyncadd.s32 $0xFFFFE000  }
0x371: {  	[tilespmem:s30], [sflag:$0x3] =	stream.indirect.gather [hbm4b:s1+s24], $0x80, s19, s24, $0x2000b8;
	v63 =	vld [tilespmem:$0x0]  }
0x372: {  	_ =	swait.ge [sflag:s17], $0x2000  }
0x373: {  	[sflag:s17] =	ssyncset.done $0x0  }
0x374: {  	s23 =	simm.s32 $0xB80;
	[sflag:s17] =	ssyncadd.s32 $0xFFFFE000  }
0x375: {  	[tilespmem:s12], [sflag:$0x4] =	stream.indirect.gather [hbm4b:s1+s24], $0x80, s23, s24, $0x2000b8;
	v63 =	vld [tilespmem:$0x0]  }
0x376: {  	_ =	swait.ge [sflag:s0], $0x2000  }
0x377: {  	[sflag:s0] =	ssyncset.done $0x0  }
0x378: {  	s31 =	simm.s32 $0x1A00;
	[sflag:s0] =	ssyncadd.s32 $0xFFFFE000  }
0x379: {  	[spmem:s13] =	stream.indirect.scatter.add.f32 [tilespmem:s25], [sflag:$0x5], $0x80, s31, s24, $0x2000b8;
	v63 =	vld [tilespmem:$0x0]  }
0x37a: {  	_ =	swait.ge [sflag:s4], $0x2000  }
0x37b: {  	[sflag:s4] =	ssyncset.done $0x0  }
0x37c: {  	s10 =	simm.s32 $0x1A80;
	[sflag:s4] =	ssyncadd.s32 $0xFFFFE000  }
0x37d: {  	[spmem:s13] =	stream.indirect.scatter.add.f32 [tilespmem:s28], [sflag:$0x6], $0x80, s10, s24, $0x2000b8;
	v63 =	vld [tilespmem:$0x0]  }
0x37e: {  	_ =	swait.ge [sflag:s18], $0x2000  }
0x37f: {  	[sflag:s18] =	ssyncset.done $0x0  }
0x380: {  	s14 =	simm.s32 $0x1B00;
	[sflag:s18] =	ssyncadd.s32 $0xFFFFE000  }
0x381: {  	[spmem:s13] =	stream.indirect.scatter.add.f32 [tilespmem:s30], [sflag:$0x7], $0x80, s14, s24, $0x2000b8;
	v63 =	vld [tilespmem:$0x0]  }
0x382: {  	_ =	swait.ge [sflag:s7], $0x2000  }
0x383: {  	[sflag:s7] =	ssyncset.done $0x0  }
0x384: {  	s16 =	simm.s32 $0x1B80;
	[sflag:s7] =	ssyncadd.s32 $0xFFFFE000  }
0x385: {  	[spmem:s13] =	stream.indirect.scatter.add.f32 [tilespmem:s12], [sflag:$0x8], $0x80, s16, s24, $0x2000b8;
	v63 =	vld [tilespmem:$0x0]  }
0x386: {  	_ =	swait.ge [sflag:s9], $0x2000  }
0x387: {  	[sflag:s9] =	ssyncset.done $0x0  }
0x388: {  	s19 =	simm.s32 $0xC00;
	[sflag:s9] =	ssyncadd.s32 $0xFFFFE000  }
0x389: {  	[tilespmem:s25], [sflag:$0x1] =	stream.indirect.gather [hbm4b:s1+s24], $0x80, s19, s24, $0x2000b8;
	v63 =	vld [tilespmem:$0x0]  }
0x38a: {  	_ =	swait.ge [sflag:s11], $0x2000  }
0x38b: {  	[sflag:s11] =	ssyncset.done $0x0  }
0x38c: {  	s23 =	simm.s32 $0xC80;
	[sflag:s11] =	ssyncadd.s32 $0xFFFFE000  }
0x38d: {  	[tilespmem:s28], [sflag:$0x2] =	stream.indirect.gather [hbm4b:s1+s24], $0x80, s23, s24, $0x2000b8;
	v63 =	vld [tilespmem:$0x0]  }
0x38e: {  	_ =	swait.ge [sflag:s15], $0x2000  }
0x38f: {  	[sflag:s15] =	ssyncset.done $0x0  }
0x390: {  	s31 =	simm.s32 $0xD00;
	[sflag:s15] =	ssyncadd.s32 $0xFFFFE000  }
0x391: {  	[tilespmem:s30], [sflag:$0x3] =	stream.indirect.gather [hbm4b:s1+s24], $0x80, s31, s24, $0x2000b8;
	v63 =	vld [tilespmem:$0x0]  }
0x392: {  	_ =	swait.ge [sflag:s17], $0x2000  }
0x393: {  	[sflag:s17] =	ssyncset.done $0x0  }
0x394: {  	s10 =	simm.s32 $0xD80;
	[sflag:s17] =	ssyncadd.s32 $0xFFFFE000  }
0x395: {  	[tilespmem:s12], [sflag:$0x4] =	stream.indirect.gather [hbm4b:s1+s24], $0x80, s10, s24, $0x2000b8;
	v63 =	vld [tilespmem:$0x0]  }
0x396: {  	_ =	swait.ge [sflag:s0], $0x2000  }
0x397: {  	[sflag:s0] =	ssyncset.done $0x0  }
0x398: {  	s14 =	simm.s32 $0x1C00;
	[sflag:s0] =	ssyncadd.s32 $0xFFFFE000  }
0x399: {  	[spmem:s13] =	stream.indirect.scatter.add.f32 [tilespmem:s25], [sflag:$0x5], $0x80, s14, s24, $0x2000b8;
	v63 =	vld [tilespmem:$0x0]  }
0x39a: {  	_ =	swait.ge [sflag:s4], $0x2000  }
0x39b: {  	[sflag:s4] =	ssyncset.done $0x0  }
0x39c: {  	s16 =	simm.s32 $0x1C80;
	[sflag:s4] =	ssyncadd.s32 $0xFFFFE000  }
0x39d: {  	[spmem:s13] =	stream.indirect.scatter.add.f32 [tilespmem:s28], [sflag:$0x6], $0x80, s16, s24, $0x2000b8;
	v63 =	vld [tilespmem:$0x0]  }
0x39e: {  	_ =	swait.ge [sflag:s18], $0x2000  }
0x39f: {  	[sflag:s18] =	ssyncset.done $0x0  }
0x3a0: {  	s19 =	simm.s32 $0x1D00;
	[sflag:s18] =	ssyncadd.s32 $0xFFFFE000  }
0x3a1: {  	[spmem:s13] =	stream.indirect.scatter.add.f32 [tilespmem:s30], [sflag:$0x7], $0x80, s19, s24, $0x2000b8;
	v63 =	vld [tilespmem:$0x0]  }
0x3a2: {  	_ =	swait.ge [sflag:s7], $0x2000  }
0x3a3: {  	[sflag:s7] =	ssyncset.done $0x0  }
0x3a4: {  	s23 =	simm.s32 $0x1D80;
	[sflag:s7] =	ssyncadd.s32 $0xFFFFE000  }
0x3a5: {  	[spmem:s13] =	stream.indirect.scatter.add.f32 [tilespmem:s12], [sflag:$0x8], $0x80, s23, s24, $0x2000b8;
	v63 =	vld [tilespmem:$0x0]  }
0x3a6: {  	_ =	swait.ge [sflag:s9], $0x2000  }
0x3a7: {  	[sflag:s9] =	ssyncset.done $0x0  }
0x3a8: {  	s31 =	simm.s32 $0xE00;
	[sflag:s9] =	ssyncadd.s32 $0xFFFFE000  }
0x3a9: {  	[tilespmem:s25], [sflag:$0x1] =	stream.indirect.gather [hbm4b:s1+s24], $0x80, s31, s24, $0x2000b8;
	v63 =	vld [tilespmem:$0x0]  }
0x3aa: {  	_ =	swait.ge [sflag:s11], $0x2000  }
0x3ab: {  	[sflag:s11] =	ssyncset.done $0x0  }
0x3ac: {  	s10 =	simm.s32 $0xE80;
	[sflag:s11] =	ssyncadd.s32 $0xFFFFE000  }
0x3ad: {  	[tilespmem:s28], [sflag:$0x2] =	stream.indirect.gather [hbm4b:s1+s24], $0x80, s10, s24, $0x2000b8;
	v63 =	vld [tilespmem:$0x0]  }
0x3ae: {  	_ =	swait.ge [sflag:s15], $0x2000  }
0x3af: {  	[sflag:s15] =	ssyncset.done $0x0  }
0x3b0: {  	s14 =	simm.s32 $0xF00;
	[sflag:s15] =	ssyncadd.s32 $0xFFFFE000  }
0x3b1: {  	[tilespmem:s30], [sflag:$0x3] =	stream.indirect.gather [hbm4b:s1+s24], $0x80, s14, s24, $0x2000b8;
	v63 =	vld [tilespmem:$0x0]  }
0x3b2: {  	_ =	swait.ge [sflag:s17], $0x2000  }
0x3b3: {  	[sflag:s17] =	ssyncset.done $0x0  }
0x3b4: {  	s16 =	simm.s32 $0xF80;
	[sflag:s17] =	ssyncadd.s32 $0xFFFFE000  }
0x3b5: {  	[tilespmem:s12], [sflag:$0x4] =	stream.indirect.gather [hbm4b:s1+s24], $0x80, s16, s24, $0x2000b8;
	v63 =	vld [tilespmem:$0x0]  }
0x3b6: {  	_ =	swait.ge [sflag:s0], $0x2000  }
0x3b7: {  	[sflag:s0] =	ssyncset.done $0x0  }
0x3b8: {  	s19 =	simm.s32 $0x1E00;
	[sflag:s0] =	ssyncadd.s32 $0xFFFFE000  }
0x3b9: {  	[spmem:s13] =	stream.indirect.scatter.add.f32 [tilespmem:s25], [sflag:$0x5], $0x80, s19, s24, $0x2000b8;
	v63 =	vld [tilespmem:$0x0]  }
0x3ba: {  	_ =	swait.ge [sflag:s4], $0x2000  }
0x3bb: {  	[sflag:s4] =	ssyncset.done $0x0  }
0x3bc: {  	s23 =	simm.s32 $0x1E80;
	[sflag:s4] =	ssyncadd.s32 $0xFFFFE000  }
0x3bd: {  	[spmem:s13] =	stream.indirect.scatter.add.f32 [tilespmem:s28], [sflag:$0x6], $0x80, s23, s24, $0x2000b8;
	v63 =	vld [tilespmem:$0x0]  }
0x3be: {  	_ =	swait.ge [sflag:s18], $0x2000  }
0x3bf: {  	[sflag:s18] =	ssyncset.done $0x0  }
0x3c0: {  	s31 =	simm.s32 $0x1F00;
	[sflag:s18] =	ssyncadd.s32 $0xFFFFE000  }
0x3c1: {  	[spmem:s13] =	stream.indirect.scatter.add.f32 [tilespmem:s30], [sflag:$0x7], $0x80, s31, s24, $0x2000b8;
	v63 =	vld [tilespmem:$0x0]  }
0x3c2: {  	_ =	swait.ge [sflag:s7], $0x2000  }
0x3c3: {  	[sflag:s7] =	ssyncset.done $0x0  }
0x3c4: {  	s10 =	simm.s32 $0x1F80;
	[sflag:s7] =	ssyncadd.s32 $0xFFFFE000  }
0x3c5: {  	[spmem:s13] =	stream.indirect.scatter.add.f32 [tilespmem:s12], [sflag:$0x8], $0x80, s10, s24, $0x2000b8;
	v63 =	vld [tilespmem:$0x0]  }
0x3c6: {  	_ =	swait.ge [sflag:s9], $0x2000  }
0x3c7: {  	[sflag:s9] =	ssyncset.done $0x0  }
0x3c8: {  	[sflag:s9] =	ssyncadd.s32 $0xFFFFE000  }
0x3c9: {  	_ =	swait.ge [sflag:s11], $0x2000  }
0x3ca: {  	[sflag:s11] =	ssyncset.done $0x0  }
0x3cb: {  	[sflag:s11] =	ssyncadd.s32 $0xFFFFE000  }
0x3cc: {  	_ =	swait.ge [sflag:s15], $0x2000  }
0x3cd: {  	[sflag:s15] =	ssyncset.done $0x0  }
0x3ce: {  	[sflag:s15] =	ssyncadd.s32 $0xFFFFE000  }
0x3cf: {  	_ =	swait.ge [sflag:s17], $0x2000  }
0x3d0: {  	[sflag:s17] =	ssyncset.done $0x0  }
0x3d1: {  	[sflag:s17] =	ssyncadd.s32 $0xFFFFE000  }
0x3d2: {  	_ =	swait.ge [sflag:s22], $0x800  }
0x3d3: {  	[sflag:s22] =	ssyncset.done $0x0  }
0x3d4: {  	[sflag:s22] =	ssyncadd.s32 $0xFFFFF800  }
0x3d5: {  	_ =	swait.ge [sflag:s22], $0x800  }
0x3d6: {  	[sflag:s22] =	ssyncset.done $0x0  }
0x3d7: {  	s14 =	rddreg [dreg:$0x1b];
	[sflag:s22] =	ssyncadd.s32 $0xFFFFF800  }
0x3d8: {  	[tilespmem:s3], [sflag:$0xA] =	stream.linear.gather [hbm4b:s14+s2], $0x800, $0x200038;
	v63 =	vld [tilespmem:$0x0]  }
0x3d9: {  	s16 =	rddreg [dreg:$0x1c]  }
0x3da: {  	[tilespmem:s8], [sflag:$0xA] =	stream.linear.gather [hbm4b:s16+s2], $0x800, $0x200038;
	v63 =	vld [tilespmem:$0x0]  }
0x3db: {  	_ = 	snop  }
0x3dc: {  	[tilespmem:s25], [sflag:$0x1] =	stream.indirect.gather [hbm4b:s1+s24], $0x80, s2, s24, $0x2000b8;
	v63 =	vld [tilespmem:$0x0]  }
0x3dd: {  	s19 =	simm.s32 $0x80  }
0x3de: {  	[tilespmem:s28], [sflag:$0x2] =	stream.indirect.gather [hbm4b:s1+s24], $0x80, s19, s24, $0x2000b8;
	v63 =	vld [tilespmem:$0x0]  }
0x3df: {  	s23 =	simm.s32 $0x100  }
0x3e0: {  	[tilespmem:s30], [sflag:$0x3] =	stream.indirect.gather [hbm4b:s1+s24], $0x80, s23, s24, $0x2000b8;
	v63 =	vld [tilespmem:$0x0]  }
0x3e1: {  	s31 =	simm.s32 $0x180  }
0x3e2: {  	[tilespmem:s12], [sflag:$0x4] =	stream.indirect.gather [hbm4b:s1+s24], $0x80, s31, s24, $0x2000b8;
	v63 =	vld [tilespmem:$0x0]  }
0x3e3: {  	_ =	swait.ge [sflag:s0], $0x2000  }
0x3e4: {  	[sflag:s0] =	ssyncset.done $0x0  }
0x3e5: {  	[sflag:s0] =	ssyncadd.s32 $0xFFFFE000  }
0x3e6: {  	[spmem:s13] =	stream.indirect.scatter.add.f32 [tilespmem:s25], [sflag:$0x5], $0x80, s20, s24, $0x2000b8;
	v63 =	vld [tilespmem:$0x0]  }
0x3e7: {  	_ =	swait.ge [sflag:s4], $0x2000  }
0x3e8: {  	[sflag:s4] =	ssyncset.done $0x0  }
0x3e9: {  	s10 =	simm.s32 $0x1080;
	[sflag:s4] =	ssyncadd.s32 $0xFFFFE000  }
0x3ea: {  	[spmem:s13] =	stream.indirect.scatter.add.f32 [tilespmem:s28], [sflag:$0x6], $0x80, s10, s24, $0x2000b8;
	v63 =	vld [tilespmem:$0x0]  }
0x3eb: {  	_ =	swait.ge [sflag:s18], $0x2000  }
0x3ec: {  	[sflag:s18] =	ssyncset.done $0x0  }
0x3ed: {  	s26 =	simm.s32 $0x1100;
	[sflag:s18] =	ssyncadd.s32 $0xFFFFE000  }
0x3ee: {  	[spmem:s13] =	stream.indirect.scatter.add.f32 [tilespmem:s30], [sflag:$0x7], $0x80, s26, s24, $0x2000b8;
	v63 =	vld [tilespmem:$0x0]  }
0x3ef: {  	_ =	swait.ge [sflag:s7], $0x2000  }
0x3f0: {  	[sflag:s7] =	ssyncset.done $0x0  }
0x3f1: {  	s14 =	simm.s32 $0x1180;
	[sflag:s7] =	ssyncadd.s32 $0xFFFFE000  }
0x3f2: {  	[spmem:s13] =	stream.indirect.scatter.add.f32 [tilespmem:s12], [sflag:$0x8], $0x80, s14, s24, $0x2000b8;
	v63 =	vld [tilespmem:$0x0]  }
0x3f3: {  	_ =	swait.ge [sflag:s9], $0x2000  }
0x3f4: {  	[sflag:s9] =	ssyncset.done $0x0  }
0x3f5: {  	s16 =	simm.s32 $0x200;
	[sflag:s9] =	ssyncadd.s32 $0xFFFFE000  }
0x3f6: {  	[tilespmem:s25], [sflag:$0x1] =	stream.indirect.gather [hbm4b:s1+s24], $0x80, s16, s24, $0x2000b8;
	v63 =	vld [tilespmem:$0x0]  }
0x3f7: {  	_ =	swait.ge [sflag:s11], $0x2000  }
0x3f8: {  	[sflag:s11] =	ssyncset.done $0x0  }
0x3f9: {  	s19 =	simm.s32 $0x280;
	[sflag:s11] =	ssyncadd.s32 $0xFFFFE000  }
0x3fa: {  	[tilespmem:s28], [sflag:$0x2] =	stream.indirect.gather [hbm4b:s1+s24], $0x80, s19, s24, $0x2000b8;
	v63 =	vld [tilespmem:$0x0]  }
0x3fb: {  	_ =	swait.ge [sflag:s15], $0x2000  }
0x3fc: {  	[sflag:s15] =	ssyncset.done $0x0  }
0x3fd: {  	s23 =	simm.s32 $0x300;
	[sflag:s15] =	ssyncadd.s32 $0xFFFFE000  }
0x3fe: {  	[tilespmem:s30], [sflag:$0x3] =	stream.indirect.gather [hbm4b:s1+s24], $0x80, s23, s24, $0x2000b8;
	v63 =	vld [tilespmem:$0x0]  }
0x3ff: {  	_ =	swait.ge [sflag:s17], $0x2000  }
0x400: {  	[sflag:s17] =	ssyncset.done $0x0  }
0x401: {  	s26 =	simm.s32 $0x380;
	[sflag:s17] =	ssyncadd.s32 $0xFFFFE000  }
0x402: {  	[tilespmem:s12], [sflag:$0x4] =	stream.indirect.gather [hbm4b:s1+s24], $0x80, s26, s24, $0x2000b8;
	v63 =	vld [tilespmem:$0x0]  }
0x403: {  	_ =	swait.ge [sflag:s0], $0x2000  }
0x404: {  	[sflag:s0] =	ssyncset.done $0x0  }
0x405: {  	s31 =	simm.s32 $0x1200;
	[sflag:s0] =	ssyncadd.s32 $0xFFFFE000  }
0x406: {  	[spmem:s13] =	stream.indirect.scatter.add.f32 [tilespmem:s25], [sflag:$0x5], $0x80, s31, s24, $0x2000b8;
	v63 =	vld [tilespmem:$0x0]  }
0x407: {  	_ =	swait.ge [sflag:s4], $0x2000  }
0x408: {  	[sflag:s4] =	ssyncset.done $0x0  }
0x409: {  	s10 =	simm.s32 $0x1280;
	[sflag:s4] =	ssyncadd.s32 $0xFFFFE000  }
0x40a: {  	[spmem:s13] =	stream.indirect.scatter.add.f32 [tilespmem:s28], [sflag:$0x6], $0x80, s10, s24, $0x2000b8;
	v63 =	vld [tilespmem:$0x0]  }
0x40b: {  	_ =	swait.ge [sflag:s18], $0x2000  }
0x40c: {  	[sflag:s18] =	ssyncset.done $0x0  }
0x40d: {  	s14 =	simm.s32 $0x1300;
	[sflag:s18] =	ssyncadd.s32 $0xFFFFE000  }
0x40e: {  	[spmem:s13] =	stream.indirect.scatter.add.f32 [tilespmem:s30], [sflag:$0x7], $0x80, s14, s24, $0x2000b8;
	v63 =	vld [tilespmem:$0x0]  }
0x40f: {  	_ =	swait.ge [sflag:s7], $0x2000  }
0x410: {  	[sflag:s7] =	ssyncset.done $0x0  }
0x411: {  	s16 =	simm.s32 $0x1380;
	[sflag:s7] =	ssyncadd.s32 $0xFFFFE000  }
0x412: {  	[spmem:s13] =	stream.indirect.scatter.add.f32 [tilespmem:s12], [sflag:$0x8], $0x80, s16, s24, $0x2000b8;
	v63 =	vld [tilespmem:$0x0]  }
0x413: {  	_ =	swait.ge [sflag:s9], $0x2000  }
0x414: {  	[sflag:s9] =	ssyncset.done $0x0  }
0x415: {  	s19 =	simm.s32 $0x400;
	[sflag:s9] =	ssyncadd.s32 $0xFFFFE000  }
0x416: {  	[tilespmem:s25], [sflag:$0x1] =	stream.indirect.gather [hbm4b:s1+s24], $0x80, s19, s24, $0x2000b8;
	v63 =	vld [tilespmem:$0x0]  }
0x417: {  	_ =	swait.ge [sflag:s11], $0x2000  }
0x418: {  	[sflag:s11] =	ssyncset.done $0x0  }
0x419: {  	s23 =	simm.s32 $0x480;
	[sflag:s11] =	ssyncadd.s32 $0xFFFFE000  }
0x41a: {  	[tilespmem:s28], [sflag:$0x2] =	stream.indirect.gather [hbm4b:s1+s24], $0x80, s23, s24, $0x2000b8;
	v63 =	vld [tilespmem:$0x0]  }
0x41b: {  	_ =	swait.ge [sflag:s15], $0x2000  }
0x41c: {  	[sflag:s15] =	ssyncset.done $0x0  }
0x41d: {  	s26 =	simm.s32 $0x500;
	[sflag:s15] =	ssyncadd.s32 $0xFFFFE000  }
0x41e: {  	[tilespmem:s30], [sflag:$0x3] =	stream.indirect.gather [hbm4b:s1+s24], $0x80, s26, s24, $0x2000b8;
	v63 =	vld [tilespmem:$0x0]  }
0x41f: {  	_ =	swait.ge [sflag:s17], $0x2000  }
0x420: {  	[sflag:s17] =	ssyncset.done $0x0  }
0x421: {  	s31 =	simm.s32 $0x580;
	[sflag:s17] =	ssyncadd.s32 $0xFFFFE000  }
0x422: {  	[tilespmem:s12], [sflag:$0x4] =	stream.indirect.gather [hbm4b:s1+s24], $0x80, s31, s24, $0x2000b8;
	v63 =	vld [tilespmem:$0x0]  }
0x423: {  	_ =	swait.ge [sflag:s0], $0x2000  }
0x424: {  	[sflag:s0] =	ssyncset.done $0x0  }
0x425: {  	s10 =	simm.s32 $0x1400;
	[sflag:s0] =	ssyncadd.s32 $0xFFFFE000  }
0x426: {  	[spmem:s13] =	stream.indirect.scatter.add.f32 [tilespmem:s25], [sflag:$0x5], $0x80, s10, s24, $0x2000b8;
	v63 =	vld [tilespmem:$0x0]  }
0x427: {  	_ =	swait.ge [sflag:s4], $0x2000  }
0x428: {  	[sflag:s4] =	ssyncset.done $0x0  }
0x429: {  	s14 =	simm.s32 $0x1480;
	[sflag:s4] =	ssyncadd.s32 $0xFFFFE000  }
0x42a: {  	[spmem:s13] =	stream.indirect.scatter.add.f32 [tilespmem:s28], [sflag:$0x6], $0x80, s14, s24, $0x2000b8;
	v63 =	vld [tilespmem:$0x0]  }
0x42b: {  	_ =	swait.ge [sflag:s18], $0x2000  }
0x42c: {  	[sflag:s18] =	ssyncset.done $0x0  }
0x42d: {  	s16 =	simm.s32 $0x1500;
	[sflag:s18] =	ssyncadd.s32 $0xFFFFE000  }
0x42e: {  	[spmem:s13] =	stream.indirect.scatter.add.f32 [tilespmem:s30], [sflag:$0x7], $0x80, s16, s24, $0x2000b8;
	v63 =	vld [tilespmem:$0x0]  }
0x42f: {  	_ =	swait.ge [sflag:s7], $0x2000  }
0x430: {  	[sflag:s7] =	ssyncset.done $0x0  }
0x431: {  	s19 =	simm.s32 $0x1580;
	[sflag:s7] =	ssyncadd.s32 $0xFFFFE000  }
0x432: {  	[spmem:s13] =	stream.indirect.scatter.add.f32 [tilespmem:s12], [sflag:$0x8], $0x80, s19, s24, $0x2000b8;
	v63 =	vld [tilespmem:$0x0]  }
0x433: {  	_ =	swait.ge [sflag:s9], $0x2000  }
0x434: {  	[sflag:s9] =	ssyncset.done $0x0  }
0x435: {  	s23 =	simm.s32 $0x600;
	[sflag:s9] =	ssyncadd.s32 $0xFFFFE000  }
0x436: {  	[tilespmem:s25], [sflag:$0x1] =	stream.indirect.gather [hbm4b:s1+s24], $0x80, s23, s24, $0x2000b8;
	v63 =	vld [tilespmem:$0x0]  }
0x437: {  	_ =	swait.ge [sflag:s11], $0x2000  }
0x438: {  	[sflag:s11] =	ssyncset.done $0x0  }
0x439: {  	s26 =	simm.s32 $0x680;
	[sflag:s11] =	ssyncadd.s32 $0xFFFFE000  }
0x43a: {  	[tilespmem:s28], [sflag:$0x2] =	stream.indirect.gather [hbm4b:s1+s24], $0x80, s26, s24, $0x2000b8;
	v63 =	vld [tilespmem:$0x0]  }
0x43b: {  	_ =	swait.ge [sflag:s15], $0x2000  }
0x43c: {  	[sflag:s15] =	ssyncset.done $0x0  }
0x43d: {  	s31 =	simm.s32 $0x700;
	[sflag:s15] =	ssyncadd.s32 $0xFFFFE000  }
0x43e: {  	[tilespmem:s30], [sflag:$0x3] =	stream.indirect.gather [hbm4b:s1+s24], $0x80, s31, s24, $0x2000b8;
	v63 =	vld [tilespmem:$0x0]  }
0x43f: {  	_ =	swait.ge [sflag:s17], $0x2000  }
0x440: {  	[sflag:s17] =	ssyncset.done $0x0  }
0x441: {  	s10 =	simm.s32 $0x780;
	[sflag:s17] =	ssyncadd.s32 $0xFFFFE000  }
0x442: {  	[tilespmem:s12], [sflag:$0x4] =	stream.indirect.gather [hbm4b:s1+s24], $0x80, s10, s24, $0x2000b8;
	v63 =	vld [tilespmem:$0x0]  }
0x443: {  	_ =	swait.ge [sflag:s0], $0x2000  }
0x444: {  	[sflag:s0] =	ssyncset.done $0x0  }
0x445: {  	s14 =	simm.s32 $0x1600;
	[sflag:s0] =	ssyncadd.s32 $0xFFFFE000  }
0x446: {  	[spmem:s13] =	stream.indirect.scatter.add.f32 [tilespmem:s25], [sflag:$0x5], $0x80, s14, s24, $0x2000b8;
	v63 =	vld [tilespmem:$0x0]  }
0x447: {  	_ =	swait.ge [sflag:s4], $0x2000  }
0x448: {  	[sflag:s4] =	ssyncset.done $0x0  }
0x449: {  	s16 =	simm.s32 $0x1680;
	[sflag:s4] =	ssyncadd.s32 $0xFFFFE000  }
0x44a: {  	[spmem:s13] =	stream.indirect.scatter.add.f32 [tilespmem:s28], [sflag:$0x6], $0x80, s16, s24, $0x2000b8;
	v63 =	vld [tilespmem:$0x0]  }
0x44b: {  	_ =	swait.ge [sflag:s18], $0x2000  }
0x44c: {  	[sflag:s18] =	ssyncset.done $0x0  }
0x44d: {  	s19 =	simm.s32 $0x1700;
	[sflag:s18] =	ssyncadd.s32 $0xFFFFE000  }
0x44e: {  	[spmem:s13] =	stream.indirect.scatter.add.f32 [tilespmem:s30], [sflag:$0x7], $0x80, s19, s24, $0x2000b8;
	v63 =	vld [tilespmem:$0x0]  }
0x44f: {  	_ =	swait.ge [sflag:s7], $0x2000  }
0x450: {  	[sflag:s7] =	ssyncset.done $0x0  }
0x451: {  	s23 =	simm.s32 $0x1780;
	[sflag:s7] =	ssyncadd.s32 $0xFFFFE000  }
0x452: {  	[spmem:s13] =	stream.indirect.scatter.add.f32 [tilespmem:s12], [sflag:$0x8], $0x80, s23, s24, $0x2000b8;
	v63 =	vld [tilespmem:$0x0]  }
0x453: {  	_ =	swait.ge [sflag:s9], $0x2000  }
0x454: {  	[sflag:s9] =	ssyncset.done $0x0  }
0x455: {  	[sflag:s9] =	ssyncadd.s32 $0xFFFFE000  }
0x456: {  	_ =	swait.ge [sflag:s11], $0x2000  }
0x457: {  	[sflag:s11] =	ssyncset.done $0x0  }
0x458: {  	[sflag:s11] =	ssyncadd.s32 $0xFFFFE000  }
0x459: {  	_ =	swait.ge [sflag:s15], $0x2000  }
0x45a: {  	[sflag:s15] =	ssyncset.done $0x0  }
0x45b: {  	[sflag:s15] =	ssyncadd.s32 $0xFFFFE000  }
0x45c: {  	_ =	swait.ge [sflag:s17], $0x2000  }
0x45d: {  	[sflag:s17] =	ssyncset.done $0x0  }
0x45e: {  	[sflag:s17] =	ssyncadd.s32 $0xFFFFE000  }
0x45f: {  	_ =	swait.ge [sflag:s6], $0x800  }
0x460: {  	[sflag:s6] =	ssyncset.done $0x0  }
0x461: {  	[sflag:s6] =	ssyncadd.s32 $0xFFFFF800  }
0x462: {  	_ =	swait.ge [sflag:s6], $0x800  }
0x463: {  	[sflag:s6] =	ssyncset.done $0x0  }
0x464: {  	s26 =	rddreg [dreg:$0x1d];
	[sflag:s6] =	ssyncadd.s32 $0xFFFFF800  }
0x465: {  	[tilespmem:s2], [sflag:$0x9] =	stream.linear.gather [hbm4b:s26+s2], $0x800, $0x200038;
	v63 =	vld [tilespmem:$0x0]  }
0x466: {  	s31 =	rddreg [dreg:$0x1e]  }
0x467: {  	[tilespmem:s20], [sflag:$0x9] =	stream.linear.gather [hbm4b:s31+s2], $0x800, $0x200038;
	v63 =	vld [tilespmem:$0x0]  }
0x468: {  	_ = 	snop  }
0x469: {  	[tilespmem:s25], [sflag:$0x1] =	stream.indirect.gather [hbm4b:s1+s24], $0x80, s3, s24, $0x2000b8;
	v63 =	vld [tilespmem:$0x0]  }
0x46a: {  	s10 =	simm.s32 $0x880  }
0x46b: {  	[tilespmem:s28], [sflag:$0x2] =	stream.indirect.gather [hbm4b:s1+s24], $0x80, s10, s24, $0x2000b8;
	v63 =	vld [tilespmem:$0x0]  }
0x46c: {  	s14 =	simm.s32 $0x900  }
0x46d: {  	[tilespmem:s30], [sflag:$0x3] =	stream.indirect.gather [hbm4b:s1+s24], $0x80, s14, s24, $0x2000b8;
	v63 =	vld [tilespmem:$0x0]  }
0x46e: {  	s16 =	simm.s32 $0x980  }
0x46f: {  	[tilespmem:s12], [sflag:$0x4] =	stream.indirect.gather [hbm4b:s1+s24], $0x80, s16, s24, $0x2000b8;
	v63 =	vld [tilespmem:$0x0]  }
0x470: {  	_ =	swait.ge [sflag:s0], $0x2000  }
0x471: {  	[sflag:s0] =	ssyncset.done $0x0  }
0x472: {  	[sflag:s0] =	ssyncadd.s32 $0xFFFFE000  }
0x473: {  	[spmem:s13] =	stream.indirect.scatter.add.f32 [tilespmem:s25], [sflag:$0x5], $0x80, s8, s24, $0x2000b8;
	v63 =	vld [tilespmem:$0x0]  }
0x474: {  	_ =	swait.ge [sflag:s4], $0x2000  }
0x475: {  	[sflag:s4] =	ssyncset.done $0x0  }
0x476: {  	s19 =	simm.s32 $0x1880;
	[sflag:s4] =	ssyncadd.s32 $0xFFFFE000  }
0x477: {  	[spmem:s13] =	stream.indirect.scatter.add.f32 [tilespmem:s28], [sflag:$0x6], $0x80, s19, s24, $0x2000b8;
	v63 =	vld [tilespmem:$0x0]  }
0x478: {  	_ =	swait.ge [sflag:s18], $0x2000  }
0x479: {  	[sflag:s18] =	ssyncset.done $0x0  }
0x47a: {  	s23 =	simm.s32 $0x1900;
	[sflag:s18] =	ssyncadd.s32 $0xFFFFE000  }
0x47b: {  	[spmem:s13] =	stream.indirect.scatter.add.f32 [tilespmem:s30], [sflag:$0x7], $0x80, s23, s24, $0x2000b8;
	v63 =	vld [tilespmem:$0x0]  }
0x47c: {  	_ =	swait.ge [sflag:s7], $0x2000  }
0x47d: {  	[sflag:s7] =	ssyncset.done $0x0  }
0x47e: {  	s26 =	simm.s32 $0x1980;
	[sflag:s7] =	ssyncadd.s32 $0xFFFFE000  }
0x47f: {  	[spmem:s13] =	stream.indirect.scatter.add.f32 [tilespmem:s12], [sflag:$0x8], $0x80, s26, s24, $0x2000b8;
	v63 =	vld [tilespmem:$0x0]  }
0x480: {  	_ =	swait.ge [sflag:s9], $0x2000  }
0x481: {  	[sflag:s9] =	ssyncset.done $0x0  }
0x482: {  	s31 =	simm.s32 $0xA00;
	[sflag:s9] =	ssyncadd.s32 $0xFFFFE000  }
0x483: {  	[tilespmem:s25], [sflag:$0x1] =	stream.indirect.gather [hbm4b:s1+s24], $0x80, s31, s24, $0x2000b8;
	v63 =	vld [tilespmem:$0x0]  }
0x484: {  	_ =	swait.ge [sflag:s11], $0x2000  }
0x485: {  	[sflag:s11] =	ssyncset.done $0x0  }
0x486: {  	s5 =	simm.s32 $0xA80;
	[sflag:s11] =	ssyncadd.s32 $0xFFFFE000  }
0x487: {  	[tilespmem:s28], [sflag:$0x2] =	stream.indirect.gather [hbm4b:s1+s24], $0x80, s5, s24, $0x2000b8;
	v63 =	vld [tilespmem:$0x0]  }
0x488: {  	_ =	swait.ge [sflag:s15], $0x2000  }
0x489: {  	[sflag:s15] =	ssyncset.done $0x0  }
0x48a: {  	s5 =	simm.s32 $0xB00;
	[sflag:s15] =	ssyncadd.s32 $0xFFFFE000  }
0x48b: {  	[tilespmem:s30], [sflag:$0x3] =	stream.indirect.gather [hbm4b:s1+s24], $0x80, s5, s24, $0x2000b8;
	v63 =	vld [tilespmem:$0x0]  }
0x48c: {  	_ =	swait.ge [sflag:s17], $0x2000  }
0x48d: {  	[sflag:s17] =	ssyncset.done $0x0  }
0x48e: {  	s5 =	simm.s32 $0xB80;
	[sflag:s17] =	ssyncadd.s32 $0xFFFFE000  }
0x48f: {  	[tilespmem:s12], [sflag:$0x4] =	stream.indirect.gather [hbm4b:s1+s24], $0x80, s5, s24, $0x2000b8;
	v63 =	vld [tilespmem:$0x0]  }
0x490: {  	_ =	swait.ge [sflag:s0], $0x2000  }
0x491: {  	[sflag:s0] =	ssyncset.done $0x0  }
0x492: {  	s5 =	simm.s32 $0x1A00;
	[sflag:s0] =	ssyncadd.s32 $0xFFFFE000  }
0x493: {  	[spmem:s13] =	stream.indirect.scatter.add.f32 [tilespmem:s25], [sflag:$0x5], $0x80, s5, s24, $0x2000b8;
	v63 =	vld [tilespmem:$0x0]  }
0x494: {  	_ =	swait.ge [sflag:s4], $0x2000  }
0x495: {  	[sflag:s4] =	ssyncset.done $0x0  }
0x496: {  	s5 =	simm.s32 $0x1A80;
	[sflag:s4] =	ssyncadd.s32 $0xFFFFE000  }
0x497: {  	[spmem:s13] =	stream.indirect.scatter.add.f32 [tilespmem:s28], [sflag:$0x6], $0x80, s5, s24, $0x2000b8;
	v63 =	vld [tilespmem:$0x0]  }
0x498: {  	_ =	swait.ge [sflag:s18], $0x2000  }
0x499: {  	[sflag:s18] =	ssyncset.done $0x0  }
0x49a: {  	s5 =	simm.s32 $0x1B00;
	[sflag:s18] =	ssyncadd.s32 $0xFFFFE000  }
0x49b: {  	[spmem:s13] =	stream.indirect.scatter.add.f32 [tilespmem:s30], [sflag:$0x7], $0x80, s5, s24, $0x2000b8;
	v63 =	vld [tilespmem:$0x0]  }
0x49c: {  	_ =	swait.ge [sflag:s7], $0x2000  }
0x49d: {  	[sflag:s7] =	ssyncset.done $0x0  }
0x49e: {  	s5 =	simm.s32 $0x1B80;
	[sflag:s7] =	ssyncadd.s32 $0xFFFFE000  }
0x49f: {  	[spmem:s13] =	stream.indirect.scatter.add.f32 [tilespmem:s12], [sflag:$0x8], $0x80, s5, s24, $0x2000b8;
	v63 =	vld [tilespmem:$0x0]  }
0x4a0: {  	_ =	swait.ge [sflag:s9], $0x2000  }
0x4a1: {  	[sflag:s9] =	ssyncset.done $0x0  }
0x4a2: {  	s5 =	simm.s32 $0xC00;
	[sflag:s9] =	ssyncadd.s32 $0xFFFFE000  }
0x4a3: {  	[tilespmem:s25], [sflag:$0x1] =	stream.indirect.gather [hbm4b:s1+s24], $0x80, s5, s24, $0x2000b8;
	v63 =	vld [tilespmem:$0x0]  }
0x4a4: {  	_ =	swait.ge [sflag:s11], $0x2000  }
0x4a5: {  	[sflag:s11] =	ssyncset.done $0x0  }
0x4a6: {  	s5 =	simm.s32 $0xC80;
	[sflag:s11] =	ssyncadd.s32 $0xFFFFE000  }
0x4a7: {  	[tilespmem:s28], [sflag:$0x2] =	stream.indirect.gather [hbm4b:s1+s24], $0x80, s5, s24, $0x2000b8;
	v63 =	vld [tilespmem:$0x0]  }
0x4a8: {  	_ =	swait.ge [sflag:s15], $0x2000  }
0x4a9: {  	[sflag:s15] =	ssyncset.done $0x0  }
0x4aa: {  	s5 =	simm.s32 $0xD00;
	[sflag:s15] =	ssyncadd.s32 $0xFFFFE000  }
0x4ab: {  	[tilespmem:s30], [sflag:$0x3] =	stream.indirect.gather [hbm4b:s1+s24], $0x80, s5, s24, $0x2000b8;
	v63 =	vld [tilespmem:$0x0]  }
0x4ac: {  	_ =	swait.ge [sflag:s17], $0x2000  }
0x4ad: {  	[sflag:s17] =	ssyncset.done $0x0  }
0x4ae: {  	s5 =	simm.s32 $0xD80;
	[sflag:s17] =	ssyncadd.s32 $0xFFFFE000  }
0x4af: {  	[tilespmem:s12], [sflag:$0x4] =	stream.indirect.gather [hbm4b:s1+s24], $0x80, s5, s24, $0x2000b8;
	v63 =	vld [tilespmem:$0x0]  }
0x4b0: {  	_ =	swait.ge [sflag:s0], $0x2000  }
0x4b1: {  	[sflag:s0] =	ssyncset.done $0x0  }
0x4b2: {  	s5 =	simm.s32 $0x1C00;
	[sflag:s0] =	ssyncadd.s32 $0xFFFFE000  }
0x4b3: {  	[spmem:s13] =	stream.indirect.scatter.add.f32 [tilespmem:s25], [sflag:$0x5], $0x80, s5, s24, $0x2000b8;
	v63 =	vld [tilespmem:$0x0]  }
0x4b4: {  	_ =	swait.ge [sflag:s4], $0x2000  }
0x4b5: {  	[sflag:s4] =	ssyncset.done $0x0  }
0x4b6: {  	s5 =	simm.s32 $0x1C80;
	[sflag:s4] =	ssyncadd.s32 $0xFFFFE000  }
0x4b7: {  	[spmem:s13] =	stream.indirect.scatter.add.f32 [tilespmem:s28], [sflag:$0x6], $0x80, s5, s24, $0x2000b8;
	v63 =	vld [tilespmem:$0x0]  }
0x4b8: {  	_ =	swait.ge [sflag:s18], $0x2000  }
0x4b9: {  	[sflag:s18] =	ssyncset.done $0x0  }
0x4ba: {  	s5 =	simm.s32 $0x1D00;
	[sflag:s18] =	ssyncadd.s32 $0xFFFFE000  }
0x4bb: {  	[spmem:s13] =	stream.indirect.scatter.add.f32 [tilespmem:s30], [sflag:$0x7], $0x80, s5, s24, $0x2000b8;
	v63 =	vld [tilespmem:$0x0]  }
0x4bc: {  	_ =	swait.ge [sflag:s7], $0x2000  }
0x4bd: {  	[sflag:s7] =	ssyncset.done $0x0  }
0x4be: {  	s5 =	simm.s32 $0x1D80;
	[sflag:s7] =	ssyncadd.s32 $0xFFFFE000  }
0x4bf: {  	[spmem:s13] =	stream.indirect.scatter.add.f32 [tilespmem:s12], [sflag:$0x8], $0x80, s5, s24, $0x2000b8;
	v63 =	vld [tilespmem:$0x0]  }
0x4c0: {  	_ =	swait.ge [sflag:s9], $0x2000  }
0x4c1: {  	[sflag:s9] =	ssyncset.done $0x0  }
0x4c2: {  	s5 =	simm.s32 $0xE00;
	[sflag:s9] =	ssyncadd.s32 $0xFFFFE000  }
0x4c3: {  	[tilespmem:s25], [sflag:$0x1] =	stream.indirect.gather [hbm4b:s1+s24], $0x80, s5, s24, $0x2000b8;
	v63 =	vld [tilespmem:$0x0]  }
0x4c4: {  	_ =	swait.ge [sflag:s11], $0x2000  }
0x4c5: {  	[sflag:s11] =	ssyncset.done $0x0  }
0x4c6: {  	s5 =	simm.s32 $0xE80;
	[sflag:s11] =	ssyncadd.s32 $0xFFFFE000  }
0x4c7: {  	[tilespmem:s28], [sflag:$0x2] =	stream.indirect.gather [hbm4b:s1+s24], $0x80, s5, s24, $0x2000b8;
	v63 =	vld [tilespmem:$0x0]  }
0x4c8: {  	_ =	swait.ge [sflag:s15], $0x2000  }
0x4c9: {  	[sflag:s15] =	ssyncset.done $0x0  }
0x4ca: {  	s5 =	simm.s32 $0xF00;
	[sflag:s15] =	ssyncadd.s32 $0xFFFFE000  }
0x4cb: {  	[tilespmem:s30], [sflag:$0x3] =	stream.indirect.gather [hbm4b:s1+s24], $0x80, s5, s24, $0x2000b8;
	v63 =	vld [tilespmem:$0x0]  }
0x4cc: {  	_ =	swait.ge [sflag:s17], $0x2000  }
0x4cd: {  	[sflag:s17] =	ssyncset.done $0x0  }
0x4ce: {  	s5 =	simm.s32 $0xF80;
	[sflag:s17] =	ssyncadd.s32 $0xFFFFE000  }
0x4cf: {  	[tilespmem:s12], [sflag:$0x4] =	stream.indirect.gather [hbm4b:s1+s24], $0x80, s5, s24, $0x2000b8;
	v63 =	vld [tilespmem:$0x0]  }
0x4d0: {  	_ =	swait.ge [sflag:s0], $0x2000  }
0x4d1: {  	[sflag:s0] =	ssyncset.done $0x0  }
0x4d2: {  	s5 =	simm.s32 $0x1E00;
	[sflag:s0] =	ssyncadd.s32 $0xFFFFE000  }
0x4d3: {  	[spmem:s13] =	stream.indirect.scatter.add.f32 [tilespmem:s25], [sflag:$0x5], $0x80, s5, s24, $0x2000b8;
	v63 =	vld [tilespmem:$0x0]  }
0x4d4: {  	_ =	swait.ge [sflag:s4], $0x2000  }
0x4d5: {  	[sflag:s4] =	ssyncset.done $0x0  }
0x4d6: {  	s5 =	simm.s32 $0x1E80;
	[sflag:s4] =	ssyncadd.s32 $0xFFFFE000  }
0x4d7: {  	[spmem:s13] =	stream.indirect.scatter.add.f32 [tilespmem:s28], [sflag:$0x6], $0x80, s5, s24, $0x2000b8;
	v63 =	vld [tilespmem:$0x0]  }
0x4d8: {  	_ =	swait.ge [sflag:s18], $0x2000  }
0x4d9: {  	[sflag:s18] =	ssyncset.done $0x0  }
0x4da: {  	s5 =	simm.s32 $0x1F00;
	[sflag:s18] =	ssyncadd.s32 $0xFFFFE000  }
0x4db: {  	[spmem:s13] =	stream.indirect.scatter.add.f32 [tilespmem:s30], [sflag:$0x7], $0x80, s5, s24, $0x2000b8;
	v63 =	vld [tilespmem:$0x0]  }
0x4dc: {  	_ =	swait.ge [sflag:s7], $0x2000  }
0x4dd: {  	[sflag:s7] =	ssyncset.done $0x0  }
0x4de: {  	s5 =	simm.s32 $0x1F80;
	[sflag:s7] =	ssyncadd.s32 $0xFFFFE000  }
0x4df: {  	[spmem:s13] =	stream.indirect.scatter.add.f32 [tilespmem:s12], [sflag:$0x8], $0x80, s5, s24, $0x2000b8;
	v63 =	vld [tilespmem:$0x0]  }
0x4e0: {  	_ =	swait.ge [sflag:s9], $0x2000  }
0x4e1: {  	[sflag:s9] =	ssyncset.done $0x0  }
0x4e2: {  	[sflag:s9] =	ssyncadd.s32 $0xFFFFE000  }
0x4e3: {  	_ =	swait.ge [sflag:s11], $0x2000  }
0x4e4: {  	[sflag:s11] =	ssyncset.done $0x0  }
0x4e5: {  	[sflag:s11] =	ssyncadd.s32 $0xFFFFE000  }
0x4e6: {  	_ =	swait.ge [sflag:s15], $0x2000  }
0x4e7: {  	[sflag:s15] =	ssyncset.done $0x0  }
0x4e8: {  	[sflag:s15] =	ssyncadd.s32 $0xFFFFE000  }
0x4e9: {  	_ =	swait.ge [sflag:s17], $0x2000  }
0x4ea: {  	[sflag:s17] =	ssyncset.done $0x0  }
0x4eb: {  	[sflag:s17] =	ssyncadd.s32 $0xFFFFE000  }
0x4ec: {  	_ =	swait.ge [sflag:s22], $0x800  }
0x4ed: {  	[sflag:s22] =	ssyncset.done $0x0  }
0x4ee: {  	[sflag:s22] =	ssyncadd.s32 $0xFFFFF800  }
0x4ef: {  	_ =	swait.ge [sflag:s22], $0x800  }
0x4f0: {  	[sflag:s22] =	ssyncset.done $0x0  }
0x4f1: {  	s5 =	rddreg [dreg:$0x1f];
	[sflag:s22] =	ssyncadd.s32 $0xFFFFF800  }
0x4f2: {  	[tilespmem:s3], [sflag:$0xA] =	stream.linear.gather [hbm4b:s5+s2], $0x800, $0x200038;
	v63 =	vld [tilespmem:$0x0]  }
0x4f3: {  	s5 =	sld [smem:$0x7F1];
	_ =	sdelay $0x2  }
0x4f4: {  	[tilespmem:s8], [sflag:$0xA] =	stream.linear.gather [hbm4b:s5+s2], $0x800, $0x200038;
	v63 =	vld [tilespmem:$0x0]  }
0x4f5: {  	_ = 	snop  }
0x4f6: {  	[tilespmem:s25], [sflag:$0x1] =	stream.indirect.gather [hbm4b:s1+s24], $0x80, s2, s24, $0x2000b8;
	v63 =	vld [tilespmem:$0x0]  }
0x4f7: {  	s5 =	simm.s32 $0x80  }
0x4f8: {  	[tilespmem:s28], [sflag:$0x2] =	stream.indirect.gather [hbm4b:s1+s24], $0x80, s5, s24, $0x2000b8;
	v63 =	vld [tilespmem:$0x0]  }
0x4f9: {  	s5 =	simm.s32 $0x100  }
0x4fa: {  	[tilespmem:s30], [sflag:$0x3] =	stream.indirect.gather [hbm4b:s1+s24], $0x80, s5, s24, $0x2000b8;
	v63 =	vld [tilespmem:$0x0]  }
0x4fb: {  	s5 =	simm.s32 $0x180  }
0x4fc: {  	[tilespmem:s12], [sflag:$0x4] =	stream.indirect.gather [hbm4b:s1+s24], $0x80, s5, s24, $0x2000b8;
	v63 =	vld [tilespmem:$0x0]  }
0x4fd: {  	_ =	swait.ge [sflag:s0], $0x2000  }
0x4fe: {  	[sflag:s0] =	ssyncset.done $0x0  }
0x4ff: {  	[sflag:s0] =	ssyncadd.s32 $0xFFFFE000  }
0x500: {  	[spmem:s13] =	stream.indirect.scatter.add.f32 [tilespmem:s25], [sflag:$0x5], $0x80, s20, s24, $0x2000b8;
	v63 =	vld [tilespmem:$0x0]  }
0x501: {  	_ =	swait.ge [sflag:s4], $0x2000  }
0x502: {  	[sflag:s4] =	ssyncset.done $0x0  }
0x503: {  	s5 =	simm.s32 $0x1080;
	[sflag:s4] =	ssyncadd.s32 $0xFFFFE000  }
0x504: {  	[spmem:s13] =	stream.indirect.scatter.add.f32 [tilespmem:s28], [sflag:$0x6], $0x80, s5, s24, $0x2000b8;
	v63 =	vld [tilespmem:$0x0]  }
0x505: {  	_ =	swait.ge [sflag:s18], $0x2000  }
0x506: {  	[sflag:s18] =	ssyncset.done $0x0  }
0x507: {  	s5 =	simm.s32 $0x1100;
	[sflag:s18] =	ssyncadd.s32 $0xFFFFE000  }
0x508: {  	[spmem:s13] =	stream.indirect.scatter.add.f32 [tilespmem:s30], [sflag:$0x7], $0x80, s5, s24, $0x2000b8;
	v63 =	vld [tilespmem:$0x0]  }
0x509: {  	_ =	swait.ge [sflag:s7], $0x2000  }
0x50a: {  	[sflag:s7] =	ssyncset.done $0x0  }
0x50b: {  	s5 =	simm.s32 $0x1180;
	[sflag:s7] =	ssyncadd.s32 $0xFFFFE000  }
0x50c: {  	[spmem:s13] =	stream.indirect.scatter.add.f32 [tilespmem:s12], [sflag:$0x8], $0x80, s5, s24, $0x2000b8;
	v63 =	vld [tilespmem:$0x0]  }
0x50d: {  	_ =	swait.ge [sflag:s9], $0x2000  }
0x50e: {  	[sflag:s9] =	ssyncset.done $0x0  }
0x50f: {  	s5 =	simm.s32 $0x200;
	[sflag:s9] =	ssyncadd.s32 $0xFFFFE000  }
0x510: {  	[tilespmem:s25], [sflag:$0x1] =	stream.indirect.gather [hbm4b:s1+s24], $0x80, s5, s24, $0x2000b8;
	v63 =	vld [tilespmem:$0x0]  }
0x511: {  	_ =	swait.ge [sflag:s11], $0x2000  }
0x512: {  	[sflag:s11] =	ssyncset.done $0x0  }
0x513: {  	s5 =	simm.s32 $0x280;
	[sflag:s11] =	ssyncadd.s32 $0xFFFFE000  }
0x514: {  	[tilespmem:s28], [sflag:$0x2] =	stream.indirect.gather [hbm4b:s1+s24], $0x80, s5, s24, $0x2000b8;
	v63 =	vld [tilespmem:$0x0]  }
0x515: {  	_ =	swait.ge [sflag:s15], $0x2000  }
0x516: {  	[sflag:s15] =	ssyncset.done $0x0  }
0x517: {  	s5 =	simm.s32 $0x300;
	[sflag:s15] =	ssyncadd.s32 $0xFFFFE000  }
0x518: {  	[tilespmem:s30], [sflag:$0x3] =	stream.indirect.gather [hbm4b:s1+s24], $0x80, s5, s24, $0x2000b8;
	v63 =	vld [tilespmem:$0x0]  }
0x519: {  	_ =	swait.ge [sflag:s17], $0x2000  }
0x51a: {  	[sflag:s17] =	ssyncset.done $0x0  }
0x51b: {  	s5 =	simm.s32 $0x380;
	[sflag:s17] =	ssyncadd.s32 $0xFFFFE000  }
0x51c: {  	[tilespmem:s12], [sflag:$0x4] =	stream.indirect.gather [hbm4b:s1+s24], $0x80, s5, s24, $0x2000b8;
	v63 =	vld [tilespmem:$0x0]  }
0x51d: {  	_ =	swait.ge [sflag:s0], $0x2000  }
0x51e: {  	[sflag:s0] =	ssyncset.done $0x0  }
0x51f: {  	s5 =	simm.s32 $0x1200;
	[sflag:s0] =	ssyncadd.s32 $0xFFFFE000  }
0x520: {  	[spmem:s13] =	stream.indirect.scatter.add.f32 [tilespmem:s25], [sflag:$0x5], $0x80, s5, s24, $0x2000b8;
	v63 =	vld [tilespmem:$0x0]  }
0x521: {  	_ =	swait.ge [sflag:s4], $0x2000  }
0x522: {  	[sflag:s4] =	ssyncset.done $0x0  }
0x523: {  	s5 =	simm.s32 $0x1280;
	[sflag:s4] =	ssyncadd.s32 $0xFFFFE000  }
0x524: {  	[spmem:s13] =	stream.indirect.scatter.add.f32 [tilespmem:s28], [sflag:$0x6], $0x80, s5, s24, $0x2000b8;
	v63 =	vld [tilespmem:$0x0]  }
0x525: {  	_ =	swait.ge [sflag:s18], $0x2000  }
0x526: {  	[sflag:s18] =	ssyncset.done $0x0  }
0x527: {  	s5 =	simm.s32 $0x1300;
	[sflag:s18] =	ssyncadd.s32 $0xFFFFE000  }
0x528: {  	[spmem:s13] =	stream.indirect.scatter.add.f32 [tilespmem:s30], [sflag:$0x7], $0x80, s5, s24, $0x2000b8;
	v63 =	vld [tilespmem:$0x0]  }
0x529: {  	_ =	swait.ge [sflag:s7], $0x2000  }
0x52a: {  	[sflag:s7] =	ssyncset.done $0x0  }
0x52b: {  	s5 =	simm.s32 $0x1380;
	[sflag:s7] =	ssyncadd.s32 $0xFFFFE000  }
0x52c: {  	[spmem:s13] =	stream.indirect.scatter.add.f32 [tilespmem:s12], [sflag:$0x8], $0x80, s5, s24, $0x2000b8;
	v63 =	vld [tilespmem:$0x0]  }
0x52d: {  	_ =	swait.ge [sflag:s9], $0x2000  }
0x52e: {  	[sflag:s9] =	ssyncset.done $0x0  }
0x52f: {  	s5 =	simm.s32 $0x400;
	[sflag:s9] =	ssyncadd.s32 $0xFFFFE000  }
0x530: {  	[tilespmem:s25], [sflag:$0x1] =	stream.indirect.gather [hbm4b:s1+s24], $0x80, s5, s24, $0x2000b8;
	v63 =	vld [tilespmem:$0x0]  }
0x531: {  	_ =	swait.ge [sflag:s11], $0x2000  }
0x532: {  	[sflag:s11] =	ssyncset.done $0x0  }
0x533: {  	s5 =	simm.s32 $0x480;
	[sflag:s11] =	ssyncadd.s32 $0xFFFFE000  }
0x534: {  	[tilespmem:s28], [sflag:$0x2] =	stream.indirect.gather [hbm4b:s1+s24], $0x80, s5, s24, $0x2000b8;
	v63 =	vld [tilespmem:$0x0]  }
0x535: {  	_ =	swait.ge [sflag:s15], $0x2000  }
0x536: {  	[sflag:s15] =	ssyncset.done $0x0  }
0x537: {  	s5 =	simm.s32 $0x500;
	[sflag:s15] =	ssyncadd.s32 $0xFFFFE000  }
0x538: {  	[tilespmem:s30], [sflag:$0x3] =	stream.indirect.gather [hbm4b:s1+s24], $0x80, s5, s24, $0x2000b8;
	v63 =	vld [tilespmem:$0x0]  }
0x539: {  	_ =	swait.ge [sflag:s17], $0x2000  }
0x53a: {  	[sflag:s17] =	ssyncset.done $0x0  }
0x53b: {  	s5 =	simm.s32 $0x580;
	[sflag:s17] =	ssyncadd.s32 $0xFFFFE000  }
0x53c: {  	[tilespmem:s12], [sflag:$0x4] =	stream.indirect.gather [hbm4b:s1+s24], $0x80, s5, s24, $0x2000b8;
	v63 =	vld [tilespmem:$0x0]  }
0x53d: {  	_ =	swait.ge [sflag:s0], $0x2000  }
0x53e: {  	[sflag:s0] =	ssyncset.done $0x0  }
0x53f: {  	s5 =	simm.s32 $0x1400;
	[sflag:s0] =	ssyncadd.s32 $0xFFFFE000  }
0x540: {  	[spmem:s13] =	stream.indirect.scatter.add.f32 [tilespmem:s25], [sflag:$0x5], $0x80, s5, s24, $0x2000b8;
	v63 =	vld [tilespmem:$0x0]  }
0x541: {  	_ =	swait.ge [sflag:s4], $0x2000  }
0x542: {  	[sflag:s4] =	ssyncset.done $0x0  }
0x543: {  	s5 =	simm.s32 $0x1480;
	[sflag:s4] =	ssyncadd.s32 $0xFFFFE000  }
0x544: {  	[spmem:s13] =	stream.indirect.scatter.add.f32 [tilespmem:s28], [sflag:$0x6], $0x80, s5, s24, $0x2000b8;
	v63 =	vld [tilespmem:$0x0]  }
0x545: {  	_ =	swait.ge [sflag:s18], $0x2000  }
0x546: {  	[sflag:s18] =	ssyncset.done $0x0  }
0x547: {  	s5 =	simm.s32 $0x1500;
	[sflag:s18] =	ssyncadd.s32 $0xFFFFE000  }
0x548: {  	[spmem:s13] =	stream.indirect.scatter.add.f32 [tilespmem:s30], [sflag:$0x7], $0x80, s5, s24, $0x2000b8;
	v63 =	vld [tilespmem:$0x0]  }
0x549: {  	_ =	swait.ge [sflag:s7], $0x2000  }
0x54a: {  	[sflag:s7] =	ssyncset.done $0x0  }
0x54b: {  	s5 =	simm.s32 $0x1580;
	[sflag:s7] =	ssyncadd.s32 $0xFFFFE000  }
0x54c: {  	[spmem:s13] =	stream.indirect.scatter.add.f32 [tilespmem:s12], [sflag:$0x8], $0x80, s5, s24, $0x2000b8;
	v63 =	vld [tilespmem:$0x0]  }
0x54d: {  	_ =	swait.ge [sflag:s9], $0x2000  }
0x54e: {  	[sflag:s9] =	ssyncset.done $0x0  }
0x54f: {  	s5 =	simm.s32 $0x600;
	[sflag:s9] =	ssyncadd.s32 $0xFFFFE000  }
0x550: {  	[tilespmem:s25], [sflag:$0x1] =	stream.indirect.gather [hbm4b:s1+s24], $0x80, s5, s24, $0x2000b8;
	v63 =	vld [tilespmem:$0x0]  }
0x551: {  	_ =	swait.ge [sflag:s11], $0x2000  }
0x552: {  	[sflag:s11] =	ssyncset.done $0x0  }
0x553: {  	s5 =	simm.s32 $0x680;
	[sflag:s11] =	ssyncadd.s32 $0xFFFFE000  }
0x554: {  	[tilespmem:s28], [sflag:$0x2] =	stream.indirect.gather [hbm4b:s1+s24], $0x80, s5, s24, $0x2000b8;
	v63 =	vld [tilespmem:$0x0]  }
0x555: {  	_ =	swait.ge [sflag:s15], $0x2000  }
0x556: {  	[sflag:s15] =	ssyncset.done $0x0  }
0x557: {  	s5 =	simm.s32 $0x700;
	[sflag:s15] =	ssyncadd.s32 $0xFFFFE000  }
0x558: {  	[tilespmem:s30], [sflag:$0x3] =	stream.indirect.gather [hbm4b:s1+s24], $0x80, s5, s24, $0x2000b8;
	v63 =	vld [tilespmem:$0x0]  }
0x559: {  	_ =	swait.ge [sflag:s17], $0x2000  }
0x55a: {  	[sflag:s17] =	ssyncset.done $0x0  }
0x55b: {  	s5 =	simm.s32 $0x780;
	[sflag:s17] =	ssyncadd.s32 $0xFFFFE000  }
0x55c: {  	[tilespmem:s12], [sflag:$0x4] =	stream.indirect.gather [hbm4b:s1+s24], $0x80, s5, s24, $0x2000b8;
	v63 =	vld [tilespmem:$0x0]  }
0x55d: {  	_ =	swait.ge [sflag:s0], $0x2000  }
0x55e: {  	[sflag:s0] =	ssyncset.done $0x0  }
0x55f: {  	s5 =	simm.s32 $0x1600;
	[sflag:s0] =	ssyncadd.s32 $0xFFFFE000  }
0x560: {  	[spmem:s13] =	stream.indirect.scatter.add.f32 [tilespmem:s25], [sflag:$0x5], $0x80, s5, s24, $0x2000b8;
	v63 =	vld [tilespmem:$0x0]  }
0x561: {  	_ =	swait.ge [sflag:s4], $0x2000  }
0x562: {  	[sflag:s4] =	ssyncset.done $0x0  }
0x563: {  	s5 =	simm.s32 $0x1680;
	[sflag:s4] =	ssyncadd.s32 $0xFFFFE000  }
0x564: {  	[spmem:s13] =	stream.indirect.scatter.add.f32 [tilespmem:s28], [sflag:$0x6], $0x80, s5, s24, $0x2000b8;
	v63 =	vld [tilespmem:$0x0]  }
0x565: {  	_ =	swait.ge [sflag:s18], $0x2000  }
0x566: {  	[sflag:s18] =	ssyncset.done $0x0  }
0x567: {  	s5 =	simm.s32 $0x1700;
	[sflag:s18] =	ssyncadd.s32 $0xFFFFE000  }
0x568: {  	[spmem:s13] =	stream.indirect.scatter.add.f32 [tilespmem:s30], [sflag:$0x7], $0x80, s5, s24, $0x2000b8;
	v63 =	vld [tilespmem:$0x0]  }
0x569: {  	_ =	swait.ge [sflag:s7], $0x2000  }
0x56a: {  	[sflag:s7] =	ssyncset.done $0x0  }
0x56b: {  	s5 =	simm.s32 $0x1780;
	[sflag:s7] =	ssyncadd.s32 $0xFFFFE000  }
0x56c: {  	[spmem:s13] =	stream.indirect.scatter.add.f32 [tilespmem:s12], [sflag:$0x8], $0x80, s5, s24, $0x2000b8;
	v63 =	vld [tilespmem:$0x0]  }
0x56d: {  	_ =	swait.ge [sflag:s9], $0x2000  }
0x56e: {  	[sflag:s9] =	ssyncset.done $0x0  }
0x56f: {  	[sflag:s9] =	ssyncadd.s32 $0xFFFFE000  }
0x570: {  	_ =	swait.ge [sflag:s11], $0x2000  }
0x571: {  	[sflag:s11] =	ssyncset.done $0x0  }
0x572: {  	[sflag:s11] =	ssyncadd.s32 $0xFFFFE000  }
0x573: {  	_ =	swait.ge [sflag:s15], $0x2000  }
0x574: {  	[sflag:s15] =	ssyncset.done $0x0  }
0x575: {  	[sflag:s15] =	ssyncadd.s32 $0xFFFFE000  }
0x576: {  	_ =	swait.ge [sflag:s17], $0x2000  }
0x577: {  	[sflag:s17] =	ssyncset.done $0x0  }
0x578: {  	[sflag:s17] =	ssyncadd.s32 $0xFFFFE000  }
0x579: {  	_ =	swait.ge [sflag:s6], $0x800  }
0x57a: {  	[sflag:s6] =	ssyncset.done $0x0  }
0x57b: {  	[sflag:s6] =	ssyncadd.s32 $0xFFFFF800  }
0x57c: {  	_ =	swait.ge [sflag:s6], $0x800  }
0x57d: {  	[sflag:s6] =	ssyncset.done $0x0  }
0x57e: {  	[sflag:s6] =	ssyncadd.s32 $0xFFFFF800  }
0x57f: {  	[tilespmem:s25], [sflag:$0x1] =	stream.indirect.gather [hbm4b:s1+s24], $0x80, s3, s24, $0x2000b8;
	v63 =	vld [tilespmem:$0x0]  }
0x580: {  	s10 =	simm.s32 $0x880  }
0x581: {  	[tilespmem:s28], [sflag:$0x2] =	stream.indirect.gather [hbm4b:s1+s24], $0x80, s10, s24, $0x2000b8;
	v63 =	vld [tilespmem:$0x0]  }
0x582: {  	s14 =	simm.s32 $0x900  }
0x583: {  	[tilespmem:s30], [sflag:$0x3] =	stream.indirect.gather [hbm4b:s1+s24], $0x80, s14, s24, $0x2000b8;
	v63 =	vld [tilespmem:$0x0]  }
0x584: {  	s16 =	simm.s32 $0x980  }
0x585: {  	[tilespmem:s12], [sflag:$0x4] =	stream.indirect.gather [hbm4b:s1+s24], $0x80, s16, s24, $0x2000b8;
	v63 =	vld [tilespmem:$0x0]  }
0x586: {  	_ =	swait.ge [sflag:s0], $0x2000  }
0x587: {  	[sflag:s0] =	ssyncset.done $0x0  }
0x588: {  	[sflag:s0] =	ssyncadd.s32 $0xFFFFE000  }
0x589: {  	[spmem:s13] =	stream.indirect.scatter.add.f32 [tilespmem:s25], [sflag:$0x5], $0x80, s8, s24, $0x2000b8;
	v63 =	vld [tilespmem:$0x0]  }
0x58a: {  	_ =	swait.ge [sflag:s4], $0x2000  }
0x58b: {  	[sflag:s4] =	ssyncset.done $0x0  }
0x58c: {  	s19 =	simm.s32 $0x1880;
	[sflag:s4] =	ssyncadd.s32 $0xFFFFE000  }
0x58d: {  	[spmem:s13] =	stream.indirect.scatter.add.f32 [tilespmem:s28], [sflag:$0x6], $0x80, s19, s24, $0x2000b8;
	v63 =	vld [tilespmem:$0x0]  }
0x58e: {  	_ =	swait.ge [sflag:s18], $0x2000  }
0x58f: {  	[sflag:s18] =	ssyncset.done $0x0  }
0x590: {  	s23 =	simm.s32 $0x1900;
	[sflag:s18] =	ssyncadd.s32 $0xFFFFE000  }
0x591: {  	[spmem:s13] =	stream.indirect.scatter.add.f32 [tilespmem:s30], [sflag:$0x7], $0x80, s23, s24, $0x2000b8;
	v63 =	vld [tilespmem:$0x0]  }
0x592: {  	_ =	swait.ge [sflag:s7], $0x2000  }
0x593: {  	[sflag:s7] =	ssyncset.done $0x0  }
0x594: {  	s26 =	simm.s32 $0x1980;
	[sflag:s7] =	ssyncadd.s32 $0xFFFFE000  }
0x595: {  	[spmem:s13] =	stream.indirect.scatter.add.f32 [tilespmem:s12], [sflag:$0x8], $0x80, s26, s24, $0x2000b8;
	v63 =	vld [tilespmem:$0x0]  }
0x596: {  	_ =	swait.ge [sflag:s9], $0x2000  }
0x597: {  	[sflag:s9] =	ssyncset.done $0x0  }
0x598: {  	s31 =	simm.s32 $0xA00;
	[sflag:s9] =	ssyncadd.s32 $0xFFFFE000  }
0x599: {  	[tilespmem:s25], [sflag:$0x1] =	stream.indirect.gather [hbm4b:s1+s24], $0x80, s31, s24, $0x2000b8;
	v63 =	vld [tilespmem:$0x0]  }
0x59a: {  	_ =	swait.ge [sflag:s11], $0x2000  }
0x59b: {  	[sflag:s11] =	ssyncset.done $0x0  }
0x59c: {  	s14 =	simm.s32 $0xA80;
	[sflag:s11] =	ssyncadd.s32 $0xFFFFE000  }
0x59d: {  	[tilespmem:s28], [sflag:$0x2] =	stream.indirect.gather [hbm4b:s1+s24], $0x80, s14, s24, $0x2000b8;
	v63 =	vld [tilespmem:$0x0]  }
0x59e: {  	_ =	swait.ge [sflag:s15], $0x2000  }
0x59f: {  	[sflag:s15] =	ssyncset.done $0x0  }
0x5a0: {  	s16 =	simm.s32 $0xB00;
	[sflag:s15] =	ssyncadd.s32 $0xFFFFE000  }
0x5a1: {  	[tilespmem:s30], [sflag:$0x3] =	stream.indirect.gather [hbm4b:s1+s24], $0x80, s16, s24, $0x2000b8;
	v63 =	vld [tilespmem:$0x0]  }
0x5a2: {  	_ =	swait.ge [sflag:s17], $0x2000  }
0x5a3: {  	[sflag:s17] =	ssyncset.done $0x0  }
0x5a4: {  	s19 =	simm.s32 $0xB80;
	[sflag:s17] =	ssyncadd.s32 $0xFFFFE000  }
0x5a5: {  	[tilespmem:s12], [sflag:$0x4] =	stream.indirect.gather [hbm4b:s1+s24], $0x80, s19, s24, $0x2000b8;
	v63 =	vld [tilespmem:$0x0]  }
0x5a6: {  	_ =	swait.ge [sflag:s0], $0x2000  }
0x5a7: {  	[sflag:s0] =	ssyncset.done $0x0  }
0x5a8: {  	s23 =	simm.s32 $0x1A00;
	[sflag:s0] =	ssyncadd.s32 $0xFFFFE000  }
0x5a9: {  	[spmem:s13] =	stream.indirect.scatter.add.f32 [tilespmem:s25], [sflag:$0x5], $0x80, s23, s24, $0x2000b8;
	v63 =	vld [tilespmem:$0x0]  }
0x5aa: {  	_ =	swait.ge [sflag:s4], $0x2000  }
0x5ab: {  	[sflag:s4] =	ssyncset.done $0x0  }
0x5ac: {  	s26 =	simm.s32 $0x1A80;
	[sflag:s4] =	ssyncadd.s32 $0xFFFFE000  }
0x5ad: {  	[spmem:s13] =	stream.indirect.scatter.add.f32 [tilespmem:s28], [sflag:$0x6], $0x80, s26, s24, $0x2000b8;
	v63 =	vld [tilespmem:$0x0]  }
0x5ae: {  	_ =	swait.ge [sflag:s18], $0x2000  }
0x5af: {  	[sflag:s18] =	ssyncset.done $0x0  }
0x5b0: {  	s31 =	simm.s32 $0x1B00;
	[sflag:s18] =	ssyncadd.s32 $0xFFFFE000  }
0x5b1: {  	[spmem:s13] =	stream.indirect.scatter.add.f32 [tilespmem:s30], [sflag:$0x7], $0x80, s31, s24, $0x2000b8;
	v63 =	vld [tilespmem:$0x0]  }
0x5b2: {  	_ =	swait.ge [sflag:s7], $0x2000  }
0x5b3: {  	[sflag:s7] =	ssyncset.done $0x0  }
0x5b4: {  	s5 =	simm.s32 $0x1B80;
	[sflag:s7] =	ssyncadd.s32 $0xFFFFE000  }
0x5b5: {  	[spmem:s13] =	stream.indirect.scatter.add.f32 [tilespmem:s12], [sflag:$0x8], $0x80, s5, s24, $0x2000b8;
	v63 =	vld [tilespmem:$0x0]  }
0x5b6: {  	_ =	swait.ge [sflag:s9], $0x2000  }
0x5b7: {  	[sflag:s9] =	ssyncset.done $0x0  }
0x5b8: {  	s8 =	simm.s32 $0xC00;
	[sflag:s9] =	ssyncadd.s32 $0xFFFFE000  }
0x5b9: {  	[tilespmem:s25], [sflag:$0x1] =	stream.indirect.gather [hbm4b:s1+s24], $0x80, s8, s24, $0x2000b8;
	v63 =	vld [tilespmem:$0x0]  }
0x5ba: {  	_ =	swait.ge [sflag:s11], $0x2000  }
0x5bb: {  	[sflag:s11] =	ssyncset.done $0x0  }
0x5bc: {  	s10 =	simm.s32 $0xC80;
	[sflag:s11] =	ssyncadd.s32 $0xFFFFE000  }
0x5bd: {  	[tilespmem:s28], [sflag:$0x2] =	stream.indirect.gather [hbm4b:s1+s24], $0x80, s10, s24, $0x2000b8;
	v63 =	vld [tilespmem:$0x0]  }
0x5be: {  	_ =	swait.ge [sflag:s15], $0x2000  }
0x5bf: {  	[sflag:s15] =	ssyncset.done $0x0  }
0x5c0: {  	s14 =	simm.s32 $0xD00;
	[sflag:s15] =	ssyncadd.s32 $0xFFFFE000  }
0x5c1: {  	[tilespmem:s30], [sflag:$0x3] =	stream.indirect.gather [hbm4b:s1+s24], $0x80, s14, s24, $0x2000b8;
	v63 =	vld [tilespmem:$0x0]  }
0x5c2: {  	_ =	swait.ge [sflag:s17], $0x2000  }
0x5c3: {  	[sflag:s17] =	ssyncset.done $0x0  }
0x5c4: {  	s16 =	simm.s32 $0xD80;
	[sflag:s17] =	ssyncadd.s32 $0xFFFFE000  }
0x5c5: {  	[tilespmem:s12], [sflag:$0x4] =	stream.indirect.gather [hbm4b:s1+s24], $0x80, s16, s24, $0x2000b8;
	v63 =	vld [tilespmem:$0x0]  }
0x5c6: {  	_ =	swait.ge [sflag:s0], $0x2000  }
0x5c7: {  	[sflag:s0] =	ssyncset.done $0x0  }
0x5c8: {  	s19 =	simm.s32 $0x1C00;
	[sflag:s0] =	ssyncadd.s32 $0xFFFFE000  }
0x5c9: {  	[spmem:s13] =	stream.indirect.scatter.add.f32 [tilespmem:s25], [sflag:$0x5], $0x80, s19, s24, $0x2000b8;
	v63 =	vld [tilespmem:$0x0]  }
0x5ca: {  	_ =	swait.ge [sflag:s4], $0x2000  }
0x5cb: {  	[sflag:s4] =	ssyncset.done $0x0  }
0x5cc: {  	s23 =	simm.s32 $0x1C80;
	[sflag:s4] =	ssyncadd.s32 $0xFFFFE000  }
0x5cd: {  	[spmem:s13] =	stream.indirect.scatter.add.f32 [tilespmem:s28], [sflag:$0x6], $0x80, s23, s24, $0x2000b8;
	v63 =	vld [tilespmem:$0x0]  }
0x5ce: {  	_ =	swait.ge [sflag:s18], $0x2000  }
0x5cf: {  	[sflag:s18] =	ssyncset.done $0x0  }
0x5d0: {  	s26 =	simm.s32 $0x1D00;
	[sflag:s18] =	ssyncadd.s32 $0xFFFFE000  }
0x5d1: {  	[spmem:s13] =	stream.indirect.scatter.add.f32 [tilespmem:s30], [sflag:$0x7], $0x80, s26, s24, $0x2000b8;
	v63 =	vld [tilespmem:$0x0]  }
0x5d2: {  	_ =	swait.ge [sflag:s7], $0x2000  }
0x5d3: {  	[sflag:s7] =	ssyncset.done $0x0  }
0x5d4: {  	s31 =	simm.s32 $0x1D80;
	[sflag:s7] =	ssyncadd.s32 $0xFFFFE000  }
0x5d5: {  	[spmem:s13] =	stream.indirect.scatter.add.f32 [tilespmem:s12], [sflag:$0x8], $0x80, s31, s24, $0x2000b8;
	v63 =	vld [tilespmem:$0x0]  }
0x5d6: {  	_ =	swait.ge [sflag:s9], $0x2000  }
0x5d7: {  	[sflag:s9] =	ssyncset.done $0x0  }
0x5d8: {  	s5 =	simm.s32 $0xE00;
	[sflag:s9] =	ssyncadd.s32 $0xFFFFE000  }
0x5d9: {  	[tilespmem:s25], [sflag:$0x1] =	stream.indirect.gather [hbm4b:s1+s24], $0x80, s5, s24, $0x2000b8;
	v63 =	vld [tilespmem:$0x0]  }
0x5da: {  	_ =	swait.ge [sflag:s11], $0x2000  }
0x5db: {  	[sflag:s11] =	ssyncset.done $0x0  }
0x5dc: {  	s8 =	simm.s32 $0xE80;
	[sflag:s11] =	ssyncadd.s32 $0xFFFFE000  }
0x5dd: {  	[tilespmem:s28], [sflag:$0x2] =	stream.indirect.gather [hbm4b:s1+s24], $0x80, s8, s24, $0x2000b8;
	v63 =	vld [tilespmem:$0x0]  }
0x5de: {  	_ =	swait.ge [sflag:s15], $0x2000  }
0x5df: {  	[sflag:s15] =	ssyncset.done $0x0  }
0x5e0: {  	s10 =	simm.s32 $0xF00;
	[sflag:s15] =	ssyncadd.s32 $0xFFFFE000  }
0x5e1: {  	[tilespmem:s30], [sflag:$0x3] =	stream.indirect.gather [hbm4b:s1+s24], $0x80, s10, s24, $0x2000b8;
	v63 =	vld [tilespmem:$0x0]  }
0x5e2: {  	_ =	swait.ge [sflag:s17], $0x2000  }
0x5e3: {  	[sflag:s17] =	ssyncset.done $0x0  }
0x5e4: {  	s14 =	simm.s32 $0xF80;
	[sflag:s17] =	ssyncadd.s32 $0xFFFFE000  }
0x5e5: {  	[tilespmem:s12], [sflag:$0x4] =	stream.indirect.gather [hbm4b:s1+s24], $0x80, s14, s24, $0x2000b8;
	v63 =	vld [tilespmem:$0x0]  }
0x5e6: {  	_ =	swait.ge [sflag:s0], $0x2000  }
0x5e7: {  	[sflag:s0] =	ssyncset.done $0x0  }
0x5e8: {  	s16 =	simm.s32 $0x1E00;
	[sflag:s0] =	ssyncadd.s32 $0xFFFFE000  }
0x5e9: {  	[spmem:s13] =	stream.indirect.scatter.add.f32 [tilespmem:s25], [sflag:$0x5], $0x80, s16, s24, $0x2000b8;
	v63 =	vld [tilespmem:$0x0]  }
0x5ea: {  	_ =	swait.ge [sflag:s4], $0x2000  }
0x5eb: {  	[sflag:s4] =	ssyncset.done $0x0  }
0x5ec: {  	s19 =	simm.s32 $0x1E80;
	[sflag:s4] =	ssyncadd.s32 $0xFFFFE000  }
0x5ed: {  	[spmem:s13] =	stream.indirect.scatter.add.f32 [tilespmem:s28], [sflag:$0x6], $0x80, s19, s24, $0x2000b8;
	v63 =	vld [tilespmem:$0x0]  }
0x5ee: {  	_ =	swait.ge [sflag:s18], $0x2000  }
0x5ef: {  	[sflag:s18] =	ssyncset.done $0x0  }
0x5f0: {  	s23 =	simm.s32 $0x1F00;
	[sflag:s18] =	ssyncadd.s32 $0xFFFFE000  }
0x5f1: {  	[spmem:s13] =	stream.indirect.scatter.add.f32 [tilespmem:s30], [sflag:$0x7], $0x80, s23, s24, $0x2000b8;
	v63 =	vld [tilespmem:$0x0]  }
0x5f2: {  	_ =	swait.ge [sflag:s7], $0x2000  }
0x5f3: {  	[sflag:s7] =	ssyncset.done $0x0  }
0x5f4: {  	s26 =	simm.s32 $0x1F80;
	[sflag:s7] =	ssyncadd.s32 $0xFFFFE000  }
0x5f5: {  	[spmem:s13] =	stream.indirect.scatter.add.f32 [tilespmem:s12], [sflag:$0x8], $0x80, s26, s24, $0x2000b8;
	v63 =	vld [tilespmem:$0x0]  }
0x5f6: {  	_ =	swait.ge [sflag:s9], $0x2000  }
0x5f7: {  	[sflag:s9] =	ssyncset.done $0x0  }
0x5f8: {  	[sflag:s9] =	ssyncadd.s32 $0xFFFFE000  }
0x5f9: {  	_ =	swait.ge [sflag:s11], $0x2000  }
0x5fa: {  	[sflag:s11] =	ssyncset.done $0x0  }
0x5fb: {  	[sflag:s11] =	ssyncadd.s32 $0xFFFFE000  }
0x5fc: {  	_ =	swait.ge [sflag:s15], $0x2000  }
0x5fd: {  	[sflag:s15] =	ssyncset.done $0x0  }
0x5fe: {  	[sflag:s15] =	ssyncadd.s32 $0xFFFFE000  }
0x5ff: {  	_ =	swait.ge [sflag:s17], $0x2000  }
0x600: {  	[sflag:s17] =	ssyncset.done $0x0  }
0x601: {  	[sflag:s17] =	ssyncadd.s32 $0xFFFFE000  }
0x602: {  	[bflag:$0x0] =	sbarrier.arrive $0xFFFF  }
0x603: {  	_ =	strace $0x90000049  }
0x604: {  	_ =	strace $0x8000004A  }
0x605: {  	s3 =	sld [smem:$0x7F2]  }
0x606: {  	s31 =	stileid.u32  }
0x607: {  	s5 =	sshll.u32 s31, $0x6  }
0x608: {  	s5 =	sor.u32 $0x1C0B, s5;
	s10 =	rddreg [dreg:$0x5];
	s8 =	sshrl.u32 s3, $0x3  }
0x609: {  	[hbm:s10], [sflag:s5] =	dma.local [spmem:s8], $0x400  }
0x60a: {  	_ =	swait.ge [sflag:s21], $0x400  }
0x60b: {  	s14 =	sld [smem:$0x7F4];
	_ =	sdelay $0x1  }
0x60c: {  	[sflag:s21] =	ssyncset.done $0x0  }
0x60d: {  	s19 =	rddreg [dreg:$0x6];
	[sflag:s21] =	ssyncadd.s32 $0xFFFFFC00;
	s16 =	sshrl.u32 s14, $0x3  }
0x60e: {  	[hbm:s19], [sflag:s5] =	dma.local [spmem:s16], $0x400  }
0x60f: {  	_ =	swait.ge [sflag:s21], $0x400  }
0x610: {  	s23 =	sld [smem:$0x7F5];
	_ =	sdelay $0x1  }
0x611: {  	[sflag:s21] =	ssyncset.done $0x0  }
0x612: {  	s3 =	rddreg [dreg:$0x7];
	[sflag:s21] =	ssyncadd.s32 $0xFFFFFC00;
	s26 =	sshrl.u32 s23, $0x3  }
0x613: {  	[hbm:s3], [sflag:s5] =	dma.local [spmem:s26], $0x400  }
0x614: {  	_ =	swait.ge [sflag:s21], $0x400  }
0x615: {  	s10 =	sld [smem:$0x7F6];
	_ =	sdelay $0x1  }
0x616: {  	[sflag:s21] =	ssyncset.done $0x0  }
0x617: {  	s16 =	rddreg [dreg:$0x8];
	[sflag:s21] =	ssyncadd.s32 $0xFFFFFC00;
	s14 =	sshrl.u32 s10, $0x3  }
0x618: {  	[hbm:s16], [sflag:s5] =	dma.local [spmem:s14], $0x400  }
0x619: {  	_ =	swait.ge [sflag:s21], $0x400  }
0x61a: {  	s19 =	sld [smem:$0x7F7];
	_ =	sdelay $0x1  }
0x61b: {  	[sflag:s21] =	ssyncset.done $0x0  }
0x61c: {  	s26 =	rddreg [dreg:$0x9];
	[sflag:s21] =	ssyncadd.s32 $0xFFFFFC00;
	s23 =	sshrl.u32 s19, $0x3  }
0x61d: {  	[hbm:s26], [sflag:s5] =	dma.local [spmem:s23], $0x400  }
0x61e: {  	_ =	swait.ge [sflag:s21], $0x400  }
0x61f: {  	s3 =	sld [smem:$0x7F8];
	_ =	sdelay $0x1  }
0x620: {  	[sflag:s21] =	ssyncset.done $0x0  }
0x621: {  	s10 =	rddreg [dreg:$0xa];
	[sflag:s21] =	ssyncadd.s32 $0xFFFFFC00;
	s8 =	sshrl.u32 s3, $0x3  }
0x622: {  	[hbm:s10], [sflag:s5] =	dma.local [spmem:s8], $0x400  }
0x623: {  	_ =	swait.ge [sflag:s21], $0x400  }
0x624: {  	s14 =	sld [smem:$0x7F9];
	_ =	sdelay $0x1  }
0x625: {  	[sflag:s21] =	ssyncset.done $0x0  }
0x626: {  	s19 =	rddreg [dreg:$0xb];
	[sflag:s21] =	ssyncadd.s32 $0xFFFFFC00;
	s16 =	sshrl.u32 s14, $0x3  }
0x627: {  	[hbm:s19], [sflag:s5] =	dma.local [spmem:s16], $0x400  }
0x628: {  	_ =	swait.ge [sflag:s21], $0x400  }
0x629: {  	s23 =	sld [smem:$0x7FA];
	_ =	sdelay $0x1  }
0x62a: {  	[sflag:s21] =	ssyncset.done $0x0  }
0x62b: {  	s3 =	rddreg [dreg:$0xc];
	[sflag:s21] =	ssyncadd.s32 $0xFFFFFC00;
	s26 =	sshrl.u32 s23, $0x3  }
0x62c: {  	[hbm:s3], [sflag:s5] =	dma.local [spmem:s26], $0x400  }
0x62d: {  	_ =	swait.ge [sflag:s21], $0x400  }
0x62e: {  	s10 =	sld [smem:$0x7FB];
	_ =	sdelay $0x1  }
0x62f: {  	[sflag:s21] =	ssyncset.done $0x0  }
0x630: {  	s16 =	rddreg [dreg:$0xd];
	[sflag:s21] =	ssyncadd.s32 $0xFFFFFC00;
	s14 =	sshrl.u32 s10, $0x3  }
0x631: {  	[hbm:s16], [sflag:s5] =	dma.local [spmem:s14], $0x400  }
0x632: {  	_ =	swait.ge [sflag:s21], $0x400  }
0x633: {  	s19 =	sld [smem:$0x7FC];
	_ =	sdelay $0x1  }
0x634: {  	[sflag:s21] =	ssyncset.done $0x0  }
0x635: {  	s26 =	rddreg [dreg:$0xe];
	[sflag:s21] =	ssyncadd.s32 $0xFFFFFC00;
	s23 =	sshrl.u32 s19, $0x3  }
0x636: {  	[hbm:s26], [sflag:s5] =	dma.local [spmem:s23], $0x400  }
0x637: {  	_ =	swait.ge [sflag:s21], $0x400  }
0x638: {  	s31 =	sld [smem:$0x7F3];
	_ =	sdelay $0x1  }
0x639: {  	s29 =	sadd.s32 $0x1, s29  }
0x63a: {  	p0 =	sne.s32 s29, s31  }
.Ltmp1:
0x63b: {  	_ = 	snop;
	(pc) =	sbr.rel @p0 .LBB2_1-.Ltmp1, $4  }
0x63c: {  	_ = 	snop  }
0x63d: {  	[sflag:s21] =	ssyncset.done $0x0  }
0x63e: {  	[sflag:s21] =	ssyncadd.s32 $0xFFFFFC00  }
0x63f: {  	_ =	strace $0x9000004A  }
0x640: {  	_ =	sfence.sel $0x180000  }
0x641: {  	[bflag:$0x0] =	sbarrier.arrive $0xFFFF  }
0x642: {  	_ =	strace $0x90000047  }
0x643: {  	s0 =	stileid.u32;
	[bflag:$0x2] =	sbarrier.arrive $0xFFFF  }
0x644: {  	p0 =	sne.s32 s0, $0x0;
	s0 =	rddreg [dreg:$0x3]  }
0x645: {  	s0 =	sadd.s32 @!p0 $0x100000, s0  }
0x646: {  	[sflag:s0] =	ssyncadd.tile.s32 @!p0 $0x1;
	_ =	shalt  }
.Lfunc_end2:
_tile_overlayer_lowered:
.L_overlay_start_2:
0x647: {  	(tag) =	ssettag $0x2  }
0x648: {  	s0 =	rddreg [dreg:$0x0];
	s2 =	stileid.u32  }
0x649: {  	s1 =	rddreg [dreg:$0x1];
	p0 =	sne.s32 s2, $0x0  }
0x64a: {  	s3 =	rddreg [dreg:$0x2];
	[bflag:$0x3] =	sbarrier.arrive $0xFFFF;
	s2 =	simm.s32 @!p0 $0x1C0B  }
0x64b: {  	[timem:s3], [sflag:s2] =	dma.local @!p0 [hbm:s0], s1  }
0x64c: {  	s0 =	simm.s32 @!p0 $0xB  }
0x64d: {  	_ =	swait.ge @!p0 [sflag:s0], s1  }
0x64e: {  	s1 =	ssub.s32 @!p0 $0x0, s1;
	[sflag:s0] =	ssyncset.done @!p0 $0x0  }
0x64f: {  	[sflag:s0] =	ssyncadd.s32 @!p0 s1  }
0x650: {  	[bflag:$0x3] =	sbarrier.arrive $0xFFFF  }
0x651: {  	_ =	shalt  }

</sc_bundles>
